<compile_context>
chip_gen: v7x
topology: tpu7x:2x2x1
jax: 0.10.2.dev20260603
libtpu: 0.0.44.dev20260713+nightly
codegen_flags: <defaults>
</compile_context>

<pallas_src>
import jax
import jax.numpy as jnp
from jax import lax
from jax.experimental import pallas as pl
from jax.experimental.pallas import tpu as pltpu
from jax.experimental.pallas import tpu_sc as plsc

NN = 10000
D = 128
E = 320000
NC = 2
NS = 16
NW = NC * NS
EPT = E // NW
CH = 16
NCHUNK = EPT // CH
NNP = 10240
ROWS_PER_TILE = NNP // NS
ZROWS = 32
SCB = 2000
NSUP = EPT // SCB
CPS = SCB // CH

_MESH = plsc.VectorSubcoreMesh(core_axis_name="c", subcore_axis_name="s")


def _zero_1d(ref, n):
    z = jnp.zeros((16,), ref.dtype)

    def body(i, carry):
        ref[pl.ds(i * 16, 16)] = z
        return carry

    lax.fori_loop(0, n // 16, body, 0)


def _sc_degrees_body(src_hbm, dst_hbm, hs_out, hd_out, srcv, dstv, hs, hd):
    cid = lax.axis_index("c")
    sid = lax.axis_index("s")
    wid = cid * NS + sid
    base = wid * EPT

    pltpu.sync_copy(src_hbm.at[pl.ds(base, EPT)], srcv)
    pltpu.sync_copy(dst_hbm.at[pl.ds(base, EPT)], dstv)
    _zero_1d(hs, NN)
    _zero_1d(hd, NN)

    ones = jnp.ones((CH,), jnp.float32)

    def body(i, carry):
        s16 = srcv[pl.ds(i * CH, CH)]
        d16 = dstv[pl.ds(i * CH, CH)]
        plsc.addupdate_scatter(hs, [s16], ones)
        plsc.addupdate_scatter(hd, [d16], ones)
        return carry

    lax.fori_loop(0, NCHUNK, body, 0)

    pltpu.sync_copy(hs, hs_out.at[pl.ds(wid * NN, NN)])
    pltpu.sync_copy(hd, hd_out.at[pl.ds(wid * NN, NN)])


_sc_degrees = pl.kernel(
    _sc_degrees_body,
    out_type=(jax.ShapeDtypeStruct((NW * NN,), jnp.float32),
              jax.ShapeDtypeStruct((NW * NN,), jnp.float32)),
    mesh=_MESH,
    compiler_params=pltpu.CompilerParams(needs_layout_passes=False),
    scratch_types=[
        pltpu.VMEM((EPT,), jnp.int32),
        pltpu.VMEM((EPT,), jnp.int32),
        pltpu.VMEM((NN,), jnp.float32),
        pltpu.VMEM((NN,), jnp.float32),
    ],
)


def _sc_sweep_body(x_hbm, src_hbm, dst_hbm, ew_hbm, out_hbm,
                   srcv, ewv, dstv, dst16, rows, zbuf, acc):
    cid = lax.axis_index("c")
    sid = lax.axis_index("s")
    wid = cid * NS + sid
    base = wid * EPT

    z = jnp.zeros((16,), jnp.float32)

    def zb(i, carry):
        for c in range(8):
            zbuf[i, pl.ds(c * 16, 16)] = z
        return carry

    lax.fori_loop(0, ZROWS, zb, 0)

    def zcp(r, carry):
        pltpu.sync_copy(
            zbuf, acc.at[pl.ds(sid * ROWS_PER_TILE + r * ZROWS, ZROWS)])
        return carry

    lax.fori_loop(0, ROWS_PER_TILE // ZROWS, zcp, 0)
    plsc.subcore_barrier()

    def sup(s, carry):
        off = base + s * SCB
        pltpu.sync_copy(src_hbm.at[pl.ds(off, SCB)], srcv)
        pltpu.sync_copy(ew_hbm.at[pl.ds(off, SCB)], ewv)
        pltpu.sync_copy(dst_hbm.at[pl.ds(off, SCB)], dstv)

        def body(i, c2):
            s16 = srcv[pl.ds(i * CH, CH)]
            w16 = ewv[pl.ds(i * CH, CH)]
            dst16[...] = dstv[pl.ds(i * CH, CH)]
            pltpu.sync_copy(x_hbm.at[s16], rows)
            for r in range(CH):
                sc = w16[r]
                for c in range(8):
                    rows[r, pl.ds(c * 16, 16)] = (
                        rows[r, pl.ds(c * 16, 16)] * sc)
            pltpu.sync_copy(rows, acc.at[dst16], add=True)
            return c2

        lax.fori_loop(0, CPS, body, 0)
        return carry

    lax.fori_loop(0, NSUP, sup, 0)
    plsc.subcore_barrier()

    pltpu.sync_copy(acc.at[pl.ds(sid * ROWS_PER_TILE, ROWS_PER_TILE)],
                    out_hbm.at[cid, pl.ds(sid * ROWS_PER_TILE, ROWS_PER_TILE)])


_sc_sweep = pl.kernel(
    _sc_sweep_body,
    out_type=jax.ShapeDtypeStruct((NC, NNP, D), jnp.float32),
    mesh=_MESH,
    compiler_params=pltpu.CompilerParams(needs_layout_passes=False),
    scratch_types=[
        pltpu.VMEM((SCB,), jnp.int32),
        pltpu.VMEM((SCB,), jnp.float32),
        pltpu.VMEM((SCB,), jnp.int32),
        pltpu.VMEM((CH,), jnp.int32),
        pltpu.VMEM((CH, D), jnp.float32),
        pltpu.VMEM((ZROWS, D), jnp.float32),
        pltpu.VMEM_SHARED((NNP, D), jnp.float32),
    ],
)


def _tc_degrees_body(hs_ref, hd_ref, x_ref, do_ref, di_ref, xs_ref):
    do = lax.rsqrt(jnp.maximum(jnp.sum(hs_ref[...], axis=0), 1.0))
    di = lax.rsqrt(jnp.maximum(jnp.sum(hd_ref[...], axis=0), 1.0))
    do_ref[...] = do
    di_ref[...] = di
    xs_ref[...] = x_ref[...] * do[:, None]


def _tc_degrees(hs, hd, x):
    return pl.pallas_call(
        _tc_degrees_body,
        out_shape=(jax.ShapeDtypeStruct((NN,), jnp.float32),
                   jax.ShapeDtypeStruct((NN,), jnp.float32),
                   jax.ShapeDtypeStruct((NN, D), jnp.float32)),
    )(hs, hd, x)


def _tc_layer_body(p_ref, w_ref, b_ref, do_ref, di_ref, f_ref, fs_ref):
    u = (p_ref[0, :NN] + p_ref[1, :NN]) * di_ref[...][:, None]
    f = (jnp.dot(u, w_ref[...], preferred_element_type=jnp.float32)
         + b_ref[...][None, :])
    f_ref[...] = f
    fs_ref[...] = f * do_ref[...][:, None]


def _tc_layer(p, W, b, do, di):
    return pl.pallas_call(
        _tc_layer_body,
        out_shape=(jax.ShapeDtypeStruct((NN, D), jnp.float32),
                   jax.ShapeDtypeStruct((NN, D), jnp.float32)),
    )(p, W, b, do, di)


def _tc_epilogue_body(p_ref, x_ref, f1_ref, w_ref, b_ref, di_ref, cw_ref,
                      cb_ref, out_ref):
    u = (p_ref[0, :NN] + p_ref[1, :NN]) * di_ref[...][:, None]
    f2 = (jnp.dot(u, w_ref[...], preferred_element_type=jnp.float32)
          + b_ref[...][None, :])
    xa = x_ref[...]
    f1 = f1_ref[...]
    Nn = NN // 4
    blocks = ([xa[i * Nn:(i + 1) * Nn] for i in range(4)]
              + [f1[i * Nn:(i + 1) * Nn] for i in range(4)]
              + [f2[i * Nn:(i + 1) * Nn] for i in range(4)])
    for bb in range(2):
        for o in range(2):
            acc = jnp.full((Nn, D), cb_ref[o], jnp.float32)
            for c in range(6):
                acc = acc + cw_ref[o, c] * blocks[bb * 6 + c]
            out_ref[bb, o] = acc


def _tc_epilogue(p2, x, f1, W, b, di, cw, cb):
    return pl.pallas_call(
        _tc_epilogue_body,
        out_shape=jax.ShapeDtypeStruct((2, 2, NN // 4, D), jnp.float32),
        in_specs=[
            pl.BlockSpec(memory_space=pltpu.VMEM),
            pl.BlockSpec(memory_space=pltpu.VMEM),
            pl.BlockSpec(memory_space=pltpu.VMEM),
            pl.BlockSpec(memory_space=pltpu.VMEM),
            pl.BlockSpec(memory_space=pltpu.VMEM),
            pl.BlockSpec(memory_space=pltpu.VMEM),
            pl.BlockSpec(memory_space=pltpu.SMEM),
            pl.BlockSpec(memory_space=pltpu.SMEM),
        ],
    )(p2, x, f1, W, b, di, cw, cb)


@jax.jit
def kernel(features, edge_index, edge_weight, W, b, conv_W, conv_b):
    x = features.reshape(NN, D)
    src = edge_index[0]
    dst = edge_index[1]

    hs, hd = _sc_degrees(src, dst)
    do, di, xs = _tc_degrees(hs.reshape(NW, NN), hd.reshape(NW, NN), x)

    p1 = _sc_sweep(xs, src, dst, edge_weight)
    f1, f1s = _tc_layer(p1, W, b, do, di)
    p2 = _sc_sweep(f1s, src, dst, edge_weight)
    out = _tc_epilogue(p2, x, f1, W, b, di, conv_W[:, :, 0, 0], conv_b)
    return out

# --- scband reference (transcript-rebuilt; emitter-appended) ---
"""Pipeline reference for scband-gcn-16612933501111 (READ-ONLY COPY).

The authoritative reference and input builder live on the scoring server;
editing this copy changes nothing except your own understanding.
"""

import jax, jax.numpy as jnp
import numpy as np

B, P, N, D = 2, 2, 2500, 128
E = 320000
NN = B * P * N  # 10000 graph nodes
LAYERS = 2
SUPPORT_LEN = 1
CIN = (LAYERS * SUPPORT_LEN + 1) * P  # 6


def setup_inputs(seed: int = 0):
    key = jax.random.key(seed)
    k1, k2, k3, k4, k5 = jax.random.split(key, 5)
    features = jax.random.normal(k1, (B, P, N, D), dtype=jnp.float32)
    edge_index = jax.random.randint(k2, (2, E), 0, NN, dtype=jnp.int32)
    edge_weight = jax.random.uniform(k3, (E,), dtype=jnp.float32)
    # GCNLayer params (xavier-uniform-like weight, zero bias per reset_parameters)
    limit = float(np.sqrt(6.0 / (D + D)))
    W = jax.random.uniform(k4, (D, D), dtype=jnp.float32, minval=-limit, maxval=limit)
    b = jnp.zeros((D,), dtype=jnp.float32)
    # out_conv: Conv2d(CIN -> P, kernel 1x1)
    climit = float(np.sqrt(1.0 / CIN))
    conv_W = jax.random.uniform(k5, (P, CIN, 1, 1), dtype=jnp.float32, minval=-climit, maxval=climit)
    conv_b = jnp.zeros((P,), dtype=jnp.float32)
    return {"features": features, "edge_index": edge_index, "edge_weight": edge_weight,
            "W": W, "b": b, "conv_W": conv_W, "conv_b": conv_b}


def gcn_layer(feat, W, b, src, dst, ew):
    # norm='both': scale by out_degree^-0.5 on src side
    ones = jnp.ones((src.shape[0],), dtype=feat.dtype)
    out_deg = jnp.maximum(jax.ops.segment_sum(ones, src, num_segments=NN), 1.0)
    feat = feat * (out_deg ** -0.5)[:, None]
    # u_mul_e message + sum aggregation (in_feats == out_feats -> aggregate then matmul)
    msg = feat[src] * ew[:, None]
    rst = jax.ops.segment_sum(msg, dst, num_segments=NN)
    rst = jnp.matmul(rst, W)
    in_deg = jnp.maximum(jax.ops.segment_sum(ones, dst, num_segments=NN), 1.0)
    rst = rst * (in_deg ** -0.5)[:, None]
    rst = rst + b
    return rst


def reference(features, edge_index, edge_weight, W, b, conv_W, conv_b):
    src = edge_index[0]
    dst = edge_index[1]
    x = features.reshape(B * P * N, D)
    out = [x]
    # supports = [one graph]
    f1 = gcn_layer(x, W, b, src, dst, edge_weight)
    out.append(f1)
    for _ in range(2, LAYERS + 1):
        f2 = gcn_layer(f1, W, b, src, dst, edge_weight)
        out.append(f2)
        f1 = f2
    h = jnp.concatenate(out, axis=0)
    h = h.reshape(B, -1, N, D)  # (B, CIN, N, D)
    # 1x1 Conv2d == channel-mixing einsum
    h = jnp.einsum('bcnd,oc->bond', h, conv_W[:, :, 0, 0]) + conv_b[None, :, None, None]
    # dropout is identity in eval/reference
    return h

if __name__ == "__main__":
    import jax
    _d = setup_inputs()
    print(jax.jit(kernel)(*tuple(_d.values())))

</pallas_src>

<mosaic_0001>
#map = affine_map<(d0, d1) -> (0)>
module attributes {stable_mosaic.version = 14 : i64} {
  func.func @_sc_degrees_body(%arg0: i32, %arg1: i32, %arg2: memref<320000xi32, #tpu.memory_space<hbm>>, %arg3: memref<320000xi32, #tpu.memory_space<hbm>>, %arg4: memref<320000xf32, #tpu.memory_space<hbm>>, %arg5: memref<320000xf32, #tpu.memory_space<hbm>>, %arg6: memref<10000xi32, #tpu.memory_space<vmem>>, %arg7: memref<10000xi32, #tpu.memory_space<vmem>>, %arg8: memref<10000xf32, #tpu.memory_space<vmem>>, %arg9: memref<10000xf32, #tpu.memory_space<vmem>>) attributes {dimension_semantics = [#tpu.dimension_semantics<core_parallel>, #tpu.dimension_semantics<subcore_parallel>], iteration_bounds = array<i64: 2, 16>, scalar_prefetch = 0 : i64, scratch_operands = 4 : i64, tpu.core_type = #tpu.core_type<sc_vector_subcore>, window_params = [{transform_indices = #map}, {transform_indices = #map}, {transform_indices = #map}, {transform_indices = #map}]} {
    %mul3A = arith.constant 16 : i32
    %mul3A_0 = arith.muli %arg0, %mul3A : i32
    %add3A = arith.addi %mul3A_0, %arg1 : i32
    %mul3A_1 = arith.constant 10000 : i32
    %mul3A_2 = arith.muli %add3A, %mul3A_1 : i32
    "tpu.region"() ({
      %run_scoped3A = tpu.sem_alloc : memref<!tpu.dma_semaphore, #tpu.memory_space<semaphore_mem>>
      %dma_start3A = tpu.memref_slice %arg2[%mul3A_2] : memref<320000xi32, #tpu.memory_space<hbm>> -> memref<10000xi32, #tpu.memory_space<hbm>>
      %dma_start3A_29 = tpu.memref_slice %arg2[%mul3A_2] : memref<320000xi32, #tpu.memory_space<hbm>> -> memref<10000xi32, #tpu.memory_space<hbm>>
      tpu.enqueue_dma source(%dma_start3A_29 : memref<10000xi32, #tpu.memory_space<hbm>>) target(%arg6 : memref<10000xi32, #tpu.memory_space<vmem>>) target_semaphore(%run_scoped3A : memref<!tpu.dma_semaphore, #tpu.memory_space<semaphore_mem>>)
      %dma_wait3A = tpu.memref_slice %arg2[%mul3A_2] : memref<320000xi32, #tpu.memory_space<hbm>> -> memref<10000xi32, #tpu.memory_space<hbm>>
      %dma_wait3A_30 = tpu.memref_slice %arg2[%mul3A_2] : memref<320000xi32, #tpu.memory_space<hbm>> -> memref<10000xi32, #tpu.memory_space<hbm>>
      tpu.wait_dma2 semaphore(%run_scoped3A : memref<!tpu.dma_semaphore, #tpu.memory_space<semaphore_mem>>) src(%dma_wait3A_30 : memref<10000xi32, #tpu.memory_space<hbm>>) dst(%arg6 : memref<10000xi32, #tpu.memory_space<vmem>>)
      tpu.yield
    }) : () -> ()
    "tpu.region"() ({
      %run_scoped3A = tpu.sem_alloc : memref<!tpu.dma_semaphore, #tpu.memory_space<semaphore_mem>>
      %dma_start3A = tpu.memref_slice %arg3[%mul3A_2] : memref<320000xi32, #tpu.memory_space<hbm>> -> memref<10000xi32, #tpu.memory_space<hbm>>
      %dma_start3A_29 = tpu.memref_slice %arg3[%mul3A_2] : memref<320000xi32, #tpu.memory_space<hbm>> -> memref<10000xi32, #tpu.memory_space<hbm>>
      tpu.enqueue_dma source(%dma_start3A_29 : memref<10000xi32, #tpu.memory_space<hbm>>) target(%arg7 : memref<10000xi32, #tpu.memory_space<vmem>>) target_semaphore(%run_scoped3A : memref<!tpu.dma_semaphore, #tpu.memory_space<semaphore_mem>>)
      %dma_wait3A = tpu.memref_slice %arg3[%mul3A_2] : memref<320000xi32, #tpu.memory_space<hbm>> -> memref<10000xi32, #tpu.memory_space<hbm>>
      %dma_wait3A_30 = tpu.memref_slice %arg3[%mul3A_2] : memref<320000xi32, #tpu.memory_space<hbm>> -> memref<10000xi32, #tpu.memory_space<hbm>>
      tpu.wait_dma2 semaphore(%run_scoped3A : memref<!tpu.dma_semaphore, #tpu.memory_space<semaphore_mem>>) src(%dma_wait3A_30 : memref<10000xi32, #tpu.memory_space<hbm>>) dst(%arg7 : memref<10000xi32, #tpu.memory_space<vmem>>)
      tpu.yield
    }) : () -> ()
    %broadcast_in_dim3A = arith.constant 0.000000e+00 : f32
    %broadcast_in_dim3A_3 = vector.broadcast %broadcast_in_dim3A : f32 to vector<16xf32>
    %scan3A = arith.constant 0 : i32
    %scan3A_4 = arith.constant 0 : i32
    %scan3A_5 = arith.constant 625 : i32
    %scan3A_6 = arith.addi %scan3A_4, %scan3A_5 : i32
    %scan3A_7 = arith.constant 1 : i32
    scf.for %scan3A_29 = %scan3A_4 to %scan3A_6 step %scan3A_7  : i32 {
      %mul3A_30 = arith.constant 16 : i32
      %mul3A_31 = arith.muli %scan3A_29, %mul3A_30 : i32
      %swap3A = arith.index_cast %mul3A_31 : i32 to index
      %swap3A_32 = tpu.vector_load %arg8[%swap3A] {strides = array<i32>} : memref<10000xf32, #tpu.memory_space<vmem>>, vector<16xf32>,
      tpu.vector_store %arg8[%swap3A], %broadcast_in_dim3A_3 {strides = array<i32>} : memref<10000xf32, #tpu.memory_space<vmem>>, vector<16xf32>,
    }
    %scan3A_8 = arith.constant 625 : i32
    %broadcast_in_dim3A_9 = arith.constant 0.000000e+00 : f32
    %broadcast_in_dim3A_10 = vector.broadcast %broadcast_in_dim3A_9 : f32 to vector<16xf32>
    %scan3A_11 = arith.constant 0 : i32
    %scan3A_12 = arith.constant 0 : i32
    %scan3A_13 = arith.constant 625 : i32
    %scan3A_14 = arith.addi %scan3A_12, %scan3A_13 : i32
    %scan3A_15 = arith.constant 1 : i32
    scf.for %scan3A_29 = %scan3A_12 to %scan3A_14 step %scan3A_15  : i32 {
      %mul3A_30 = arith.constant 16 : i32
      %mul3A_31 = arith.muli %scan3A_29, %mul3A_30 : i32
      %swap3A = arith.index_cast %mul3A_31 : i32 to index
      %swap3A_32 = tpu.vector_load %arg9[%swap3A] {strides = array<i32>} : memref<10000xf32, #tpu.memory_space<vmem>>, vector<16xf32>,
      tpu.vector_store %arg9[%swap3A], %broadcast_in_dim3A_10 {strides = array<i32>} : memref<10000xf32, #tpu.memory_space<vmem>>, vector<16xf32>,
    }
    %scan3A_16 = arith.constant 625 : i32
    %broadcast_in_dim3A_17 = arith.constant 1.000000e+00 : f32
    %broadcast_in_dim3A_18 = vector.broadcast %broadcast_in_dim3A_17 : f32 to vector<16xf32>
    %scan3A_19 = arith.constant 0 : i32
    %scan3A_20 = arith.constant 0 : i32
    %scan3A_21 = arith.constant 625 : i32
    %scan3A_22 = arith.addi %scan3A_20, %scan3A_21 : i32
    %scan3A_23 = arith.constant 1 : i32
    scf.for %scan3A_29 = %scan3A_20 to %scan3A_22 step %scan3A_23  : i32 {
      %mul3A_30 = arith.constant 16 : i32
      %mul3A_31 = arith.muli %scan3A_29, %mul3A_30 : i32
      %get3A = arith.index_cast %mul3A_31 : i32 to index
      %get3A_32 = tpu.vector_load %arg6[%get3A] {strides = array<i32>} : memref<10000xi32, #tpu.memory_space<vmem>>, vector<16xi32>,
      %mul3A_33 = arith.constant 16 : i32
      %mul3A_34 = arith.muli %scan3A_29, %mul3A_33 : i32
      %get3A_35 = arith.index_cast %mul3A_34 : i32 to index
      %get3A_36 = tpu.vector_load %arg7[%get3A_35] {strides = array<i32>} : memref<10000xi32, #tpu.memory_space<vmem>>, vector<16xi32>,
      tpu.vector_store_idx %arg8[%get3A_32], %broadcast_in_dim3A_18 {add = true} : memref<10000xf32, #tpu.memory_space<vmem>>[vector<16xi32>], vector<16xf32>,
      tpu.vector_store_idx %arg9[%get3A_36], %broadcast_in_dim3A_18 {add = true} : memref<10000xf32, #tpu.memory_space<vmem>>[vector<16xi32>], vector<16xf32>,
    }
    %scan3A_24 = arith.constant 625 : i32
    %mul3A_25 = arith.constant 10000 : i32
    %mul3A_26 = arith.muli %add3A, %mul3A_25 : i32
    "tpu.region"() ({
      %run_scoped3A = tpu.sem_alloc : memref<!tpu.dma_semaphore, #tpu.memory_space<semaphore_mem>>
      %dma_start3A = tpu.memref_slice %arg4[%mul3A_26] : memref<320000xf32, #tpu.memory_space<hbm>> -> memref<10000xf32, #tpu.memory_space<hbm>>
      %dma_start3A_29 = tpu.memref_slice %arg4[%mul3A_26] : memref<320000xf32, #tpu.memory_space<hbm>> -> memref<10000xf32, #tpu.memory_space<hbm>>
      tpu.enqueue_dma source(%arg8 : memref<10000xf32, #tpu.memory_space<vmem>>) target(%dma_start3A_29 : memref<10000xf32, #tpu.memory_space<hbm>>) target_semaphore(%run_scoped3A : memref<!tpu.dma_semaphore, #tpu.memory_space<semaphore_mem>>)
      %dma_wait3A = tpu.memref_slice %arg4[%mul3A_26] : memref<320000xf32, #tpu.memory_space<hbm>> -> memref<10000xf32, #tpu.memory_space<hbm>>
      %dma_wait3A_30 = tpu.memref_slice %arg4[%mul3A_26] : memref<320000xf32, #tpu.memory_space<hbm>> -> memref<10000xf32, #tpu.memory_space<hbm>>
      tpu.wait_dma2 semaphore(%run_scoped3A : memref<!tpu.dma_semaphore, #tpu.memory_space<semaphore_mem>>) src(%arg8 : memref<10000xf32, #tpu.memory_space<vmem>>) dst(%dma_wait3A_30 : memref<10000xf32, #tpu.memory_space<hbm>>)
      tpu.yield
    }) : () -> ()
    %mul3A_27 = arith.constant 10000 : i32
    %mul3A_28 = arith.muli %add3A, %mul3A_27 : i32
    "tpu.region"() ({
      %run_scoped3A = tpu.sem_alloc : memref<!tpu.dma_semaphore, #tpu.memory_space<semaphore_mem>>
      %dma_start3A = tpu.memref_slice %arg5[%mul3A_28] : memref<320000xf32, #tpu.memory_space<hbm>> -> memref<10000xf32, #tpu.memory_space<hbm>>
      %dma_start3A_29 = tpu.memref_slice %arg5[%mul3A_28] : memref<320000xf32, #tpu.memory_space<hbm>> -> memref<10000xf32, #tpu.memory_space<hbm>>
      tpu.enqueue_dma source(%arg9 : memref<10000xf32, #tpu.memory_space<vmem>>) target(%dma_start3A_29 : memref<10000xf32, #tpu.memory_space<hbm>>) target_semaphore(%run_scoped3A : memref<!tpu.dma_semaphore, #tpu.memory_space<semaphore_mem>>)
      %dma_wait3A = tpu.memref_slice %arg5[%mul3A_28] : memref<320000xf32, #tpu.memory_space<hbm>> -> memref<10000xf32, #tpu.memory_space<hbm>>
      %dma_wait3A_30 = tpu.memref_slice %arg5[%mul3A_28] : memref<320000xf32, #tpu.memory_space<hbm>> -> memref<10000xf32, #tpu.memory_space<hbm>>
      tpu.wait_dma2 semaphore(%run_scoped3A : memref<!tpu.dma_semaphore, #tpu.memory_space<semaphore_mem>>) src(%arg9 : memref<10000xf32, #tpu.memory_space<vmem>>) dst(%dma_wait3A_30 : memref<10000xf32, #tpu.memory_space<hbm>>)
      tpu.yield
    }) : () -> ()
    return
  }
}

#map = affine_map<(d0, d1) -> (0, 0)>
#map1 = affine_map<(d0, d1) -> (0)>
#map2 = affine_map<(d0, d1) -> (0, 0, 0)>
module attributes {stable_mosaic.version = 14 : i64} {
  func.func @_sc_sweep_body(%arg0: i32, %arg1: i32, %arg2: memref<10000x128xf32, #tpu.memory_space<hbm>>, %arg3: memref<320000xi32, #tpu.memory_space<hbm>>, %arg4: memref<320000xi32, #tpu.memory_space<hbm>>, %arg5: memref<320000xf32, #tpu.memory_space<hbm>>, %arg6: memref<2x10240x128xf32, #tpu.memory_space<hbm>>, %arg7: memref<2000xi32, #tpu.memory_space<vmem>>, %arg8: memref<2000xf32, #tpu.memory_space<vmem>>, %arg9: memref<2000xi32, #tpu.memory_space<vmem>>, %arg10: memref<16xi32, #tpu.memory_space<vmem>>, %arg11: memref<16x128xf32, #tpu.memory_space<vmem>>, %arg12: memref<32x128xf32, #tpu.memory_space<vmem>>, %arg13: memref<10240x128xf32, #tpu.memory_space<vmem_shared>>) attributes {dimension_semantics = [#tpu.dimension_semantics<core_parallel>, #tpu.dimension_semantics<subcore_parallel>], iteration_bounds = array<i64: 2, 16>, scalar_prefetch = 0 : i64, scratch_operands = 7 : i64, tpu.core_type = #tpu.core_type<sc_vector_subcore>, window_params = [{transform_indices = #map}, {transform_indices = #map1}, {transform_indices = #map1}, {transform_indices = #map1}, {transform_indices = #map2}]} {
    %mul3A = arith.constant 16 : i32
    %mul3A_0 = arith.muli %arg0, %mul3A : i32
    %add3A = arith.addi %mul3A_0, %arg1 : i32
    %mul3A_1 = arith.constant 10000 : i32
    %mul3A_2 = arith.muli %add3A, %mul3A_1 : i32
    %broadcast_in_dim3A = arith.constant 0.000000e+00 : f32
    %broadcast_in_dim3A_3 = vector.broadcast %broadcast_in_dim3A : f32 to vector<16xf32>
    %scan3A = arith.constant 0 : i32
    %scan3A_4 = arith.constant 0 : i32
    %scan3A_5 = arith.constant 32 : i32
    %scan3A_6 = arith.addi %scan3A_4, %scan3A_5 : i32
    %scan3A_7 = arith.constant 1 : i32
    scf.for %scan3A_26 = %scan3A_4 to %scan3A_6 step %scan3A_7  : i32 {
      %swap3A = arith.index_cast %scan3A_26 : i32 to index
      %swap3A_27 = arith.constant 0 : index
      %swap3A_28 = tpu.vector_load %arg12[%swap3A, %swap3A_27] {strides = array<i32>} : memref<32x128xf32, #tpu.memory_space<vmem>>, vector<16xf32>,
      tpu.vector_store %arg12[%swap3A, %swap3A_27], %broadcast_in_dim3A_3 {strides = array<i32>} : memref<32x128xf32, #tpu.memory_space<vmem>>, vector<16xf32>,
      %swap3A_29 = arith.index_cast %scan3A_26 : i32 to index
      %swap3A_30 = arith.constant 16 : index
      %swap3A_31 = tpu.vector_load %arg12[%swap3A_29, %swap3A_30] {strides = array<i32>} : memref<32x128xf32, #tpu.memory_space<vmem>>, vector<16xf32>,
      tpu.vector_store %arg12[%swap3A_29, %swap3A_30], %broadcast_in_dim3A_3 {strides = array<i32>} : memref<32x128xf32, #tpu.memory_space<vmem>>, vector<16xf32>,
      %swap3A_32 = arith.index_cast %scan3A_26 : i32 to index
      %swap3A_33 = arith.constant 32 : index
      %swap3A_34 = tpu.vector_load %arg12[%swap3A_32, %swap3A_33] {strides = array<i32>} : memref<32x128xf32, #tpu.memory_space<vmem>>, vector<16xf32>,
      tpu.vector_store %arg12[%swap3A_32, %swap3A_33], %broadcast_in_dim3A_3 {strides = array<i32>} : memref<32x128xf32, #tpu.memory_space<vmem>>, vector<16xf32>,
      %swap3A_35 = arith.index_cast %scan3A_26 : i32 to index
      %swap3A_36 = arith.constant 48 : index
      %swap3A_37 = tpu.vector_load %arg12[%swap3A_35, %swap3A_36] {strides = array<i32>} : memref<32x128xf32, #tpu.memory_space<vmem>>, vector<16xf32>,
      tpu.vector_store %arg12[%swap3A_35, %swap3A_36], %broadcast_in_dim3A_3 {strides = array<i32>} : memref<32x128xf32, #tpu.memory_space<vmem>>, vector<16xf32>,
      %swap3A_38 = arith.index_cast %scan3A_26 : i32 to index
      %swap3A_39 = arith.constant 64 : index
      %swap3A_40 = tpu.vector_load %arg12[%swap3A_38, %swap3A_39] {strides = array<i32>} : memref<32x128xf32, #tpu.memory_space<vmem>>, vector<16xf32>,
      tpu.vector_store %arg12[%swap3A_38, %swap3A_39], %broadcast_in_dim3A_3 {strides = array<i32>} : memref<32x128xf32, #tpu.memory_space<vmem>>, vector<16xf32>,
      %swap3A_41 = arith.index_cast %scan3A_26 : i32 to index
      %swap3A_42 = arith.constant 80 : index
      %swap3A_43 = tpu.vector_load %arg12[%swap3A_41, %swap3A_42] {strides = array<i32>} : memref<32x128xf32, #tpu.memory_space<vmem>>, vector<16xf32>,
      tpu.vector_store %arg12[%swap3A_41, %swap3A_42], %broadcast_in_dim3A_3 {strides = array<i32>} : memref<32x128xf32, #tpu.memory_space<vmem>>, vector<16xf32>,
      %swap3A_44 = arith.index_cast %scan3A_26 : i32 to index
      %swap3A_45 = arith.constant 96 : index
      %swap3A_46 = tpu.vector_load %arg12[%swap3A_44, %swap3A_45] {strides = array<i32>} : memref<32x128xf32, #tpu.memory_space<vmem>>, vector<16xf32>,
      tpu.vector_store %arg12[%swap3A_44, %swap3A_45], %broadcast_in_dim3A_3 {strides = array<i32>} : memref<32x128xf32, #tpu.memory_space<vmem>>, vector<16xf32>,
      %swap3A_47 = arith.index_cast %scan3A_26 : i32 to index
      %swap3A_48 = arith.constant 112 : index
      %swap3A_49 = tpu.vector_load %arg12[%swap3A_47, %swap3A_48] {strides = array<i32>} : memref<32x128xf32, #tpu.memory_space<vmem>>, vector<16xf32>,
      tpu.vector_store %arg12[%swap3A_47, %swap3A_48], %broadcast_in_dim3A_3 {strides = array<i32>} : memref<32x128xf32, #tpu.memory_space<vmem>>, vector<16xf32>,
    }
    %scan3A_8 = arith.constant 32 : i32
    %scan3A_9 = arith.constant 0 : i32
    %scan3A_10 = arith.constant 0 : i32
    %scan3A_11 = arith.constant 20 : i32
    %scan3A_12 = arith.addi %scan3A_10, %scan3A_11 : i32
    %scan3A_13 = arith.constant 1 : i32
    scf.for %scan3A_26 = %scan3A_10 to %scan3A_12 step %scan3A_13  : i32 {
      %mul3A_27 = arith.constant 640 : i32
      %mul3A_28 = arith.muli %arg1, %mul3A_27 : i32
      %mul3A_29 = arith.constant 32 : i32
      %mul3A_30 = arith.muli %scan3A_26, %mul3A_29 : i32
      %add3A_31 = arith.addi %mul3A_28, %mul3A_30 : i32
      "tpu.region"() ({
        %run_scoped3A = tpu.sem_alloc : memref<!tpu.dma_semaphore, #tpu.memory_space<semaphore_mem>>
        %dma_start3A = arith.constant 0 : i32
        %dma_start3A_32 = tpu.memref_slice %arg13[%add3A_31, %dma_start3A] : memref<10240x128xf32, #tpu.memory_space<vmem_shared>> -> memref<32x128xf32, #tpu.memory_space<vmem_shared>>
        %dma_start3A_33 = arith.constant 0 : i32
        %dma_start3A_34 = tpu.memref_slice %arg13[%add3A_31, %dma_start3A_33] : memref<10240x128xf32, #tpu.memory_space<vmem_shared>> -> memref<32x128xf32, #tpu.memory_space<vmem_shared>>
        tpu.enqueue_dma source(%arg12 : memref<32x128xf32, #tpu.memory_space<vmem>>) target(%dma_start3A_34 : memref<32x128xf32, #tpu.memory_space<vmem_shared>>) target_semaphore(%run_scoped3A : memref<!tpu.dma_semaphore, #tpu.memory_space<semaphore_mem>>)
        %dma_wait3A = arith.constant 0 : i32
        %dma_wait3A_35 = tpu.memref_slice %arg13[%add3A_31, %dma_wait3A] : memref<10240x128xf32, #tpu.memory_space<vmem_shared>> -> memref<32x128xf32, #tpu.memory_space<vmem_shared>>
        %dma_wait3A_36 = arith.constant 0 : i32
        %dma_wait3A_37 = tpu.memref_slice %arg13[%add3A_31, %dma_wait3A_36] : memref<10240x128xf32, #tpu.memory_space<vmem_shared>> -> memref<32x128xf32, #tpu.memory_space<vmem_shared>>
        tpu.wait_dma2 semaphore(%run_scoped3A : memref<!tpu.dma_semaphore, #tpu.memory_space<semaphore_mem>>) src(%arg12 : memref<32x128xf32, #tpu.memory_space<vmem>>) dst(%dma_wait3A_37 : memref<32x128xf32, #tpu.memory_space<vmem_shared>>)
        tpu.yield
      }) : () -> ()
    }
    %scan3A_14 = arith.constant 20 : i32
    %barrier3A = arith.constant 0 : index
    tpu.barrier barrier_id(%barrier3A)
    %scan3A_15 = arith.constant 0 : i32
    %scan3A_16 = arith.constant 0 : i32
    %scan3A_17 = arith.constant 5 : i32
    %scan3A_18 = arith.addi %scan3A_16, %scan3A_17 : i32
    %scan3A_19 = arith.constant 1 : i32
    scf.for %scan3A_26 = %scan3A_16 to %scan3A_18 step %scan3A_19  : i32 {
      %mul3A_27 = arith.constant 2000 : i32
      %mul3A_28 = arith.muli %scan3A_26, %mul3A_27 : i32
      %add3A_29 = arith.addi %mul3A_2, %mul3A_28 : i32
      "tpu.region"() ({
        %run_scoped3A = tpu.sem_alloc : memref<!tpu.dma_semaphore, #tpu.memory_space<semaphore_mem>>
        %dma_start3A = tpu.memref_slice %arg3[%add3A_29] : memref<320000xi32, #tpu.memory_space<hbm>> -> memref<2000xi32, #tpu.memory_space<hbm>>
        %dma_start3A_36 = tpu.memref_slice %arg3[%add3A_29] : memref<320000xi32, #tpu.memory_space<hbm>> -> memref<2000xi32, #tpu.memory_space<hbm>>
        tpu.enqueue_dma source(%dma_start3A_36 : memref<2000xi32, #tpu.memory_space<hbm>>) target(%arg7 : memref<2000xi32, #tpu.memory_space<vmem>>) target_semaphore(%run_scoped3A : memref<!tpu.dma_semaphore, #tpu.memory_space<semaphore_mem>>)
        %dma_wait3A = tpu.memref_slice %arg3[%add3A_29] : memref<320000xi32, #tpu.memory_space<hbm>> -> memref<2000xi32, #tpu.memory_space<hbm>>
        %dma_wait3A_37 = tpu.memref_slice %arg3[%add3A_29] : memref<320000xi32, #tpu.memory_space<hbm>> -> memref<2000xi32, #tpu.memory_space<hbm>>
        tpu.wait_dma2 semaphore(%run_scoped3A : memref<!tpu.dma_semaphore, #tpu.memory_space<semaphore_mem>>) src(%dma_wait3A_37 : memref<2000xi32, #tpu.memory_space<hbm>>) dst(%arg7 : memref<2000xi32, #tpu.memory_space<vmem>>)
        tpu.yield
      }) : () -> ()
      "tpu.region"() ({
        %run_scoped3A = tpu.sem_alloc : memref<!tpu.dma_semaphore, #tpu.memory_space<semaphore_mem>>
        %dma_start3A = tpu.memref_slice %arg5[%add3A_29] : memref<320000xf32, #tpu.memory_space<hbm>> -> memref<2000xf32, #tpu.memory_space<hbm>>
        %dma_start3A_36 = tpu.memref_slice %arg5[%add3A_29] : memref<320000xf32, #tpu.memory_space<hbm>> -> memref<2000xf32, #tpu.memory_space<hbm>>
        tpu.enqueue_dma source(%dma_start3A_36 : memref<2000xf32, #tpu.memory_space<hbm>>) target(%arg8 : memref<2000xf32, #tpu.memory_space<vmem>>) target_semaphore(%run_scoped3A : memref<!tpu.dma_semaphore, #tpu.memory_space<semaphore_mem>>)
        %dma_wait3A = tpu.memref_slice %arg5[%add3A_29] : memref<320000xf32, #tpu.memory_space<hbm>> -> memref<2000xf32, #tpu.memory_space<hbm>>
        %dma_wait3A_37 = tpu.memref_slice %arg5[%add3A_29] : memref<320000xf32, #tpu.memory_space<hbm>> -> memref<2000xf32, #tpu.memory_space<hbm>>
        tpu.wait_dma2 semaphore(%run_scoped3A : memref<!tpu.dma_semaphore, #tpu.memory_space<semaphore_mem>>) src(%dma_wait3A_37 : memref<2000xf32, #tpu.memory_space<hbm>>) dst(%arg8 : memref<2000xf32, #tpu.memory_space<vmem>>)
        tpu.yield
      }) : () -> ()
      "tpu.region"() ({
        %run_scoped3A = tpu.sem_alloc : memref<!tpu.dma_semaphore, #tpu.memory_space<semaphore_mem>>
        %dma_start3A = tpu.memref_slice %arg4[%add3A_29] : memref<320000xi32, #tpu.memory_space<hbm>> -> memref<2000xi32, #tpu.memory_space<hbm>>
        %dma_start3A_36 = tpu.memref_slice %arg4[%add3A_29] : memref<320000xi32, #tpu.memory_space<hbm>> -> memref<2000xi32, #tpu.memory_space<hbm>>
        tpu.enqueue_dma source(%dma_start3A_36 : memref<2000xi32, #tpu.memory_space<hbm>>) target(%arg9 : memref<2000xi32, #tpu.memory_space<vmem>>) target_semaphore(%run_scoped3A : memref<!tpu.dma_semaphore, #tpu.memory_space<semaphore_mem>>)
        %dma_wait3A = tpu.memref_slice %arg4[%add3A_29] : memref<320000xi32, #tpu.memory_space<hbm>> -> memref<2000xi32, #tpu.memory_space<hbm>>
        %dma_wait3A_37 = tpu.memref_slice %arg4[%add3A_29] : memref<320000xi32, #tpu.memory_space<hbm>> -> memref<2000xi32, #tpu.memory_space<hbm>>
        tpu.wait_dma2 semaphore(%run_scoped3A : memref<!tpu.dma_semaphore, #tpu.memory_space<semaphore_mem>>) src(%dma_wait3A_37 : memref<2000xi32, #tpu.memory_space<hbm>>) dst(%arg9 : memref<2000xi32, #tpu.memory_space<vmem>>)
        tpu.yield
      }) : () -> ()
      %scan3A_30 = arith.constant 0 : i32
      %scan3A_31 = arith.constant 0 : i32
      %scan3A_32 = arith.constant 125 : i32
      %scan3A_33 = arith.addi %scan3A_31, %scan3A_32 : i32
      %scan3A_34 = arith.constant 1 : i32
      scf.for %scan3A_36 = %scan3A_31 to %scan3A_33 step %scan3A_34  : i32 {
        %mul3A_37 = arith.constant 16 : i32
        %mul3A_38 = arith.muli %scan3A_36, %mul3A_37 : i32
        %get3A = arith.index_cast %mul3A_38 : i32 to index
        %get3A_39 = tpu.vector_load %arg7[%get3A] {strides = array<i32>} : memref<2000xi32, #tpu.memory_space<vmem>>, vector<16xi32>,
        %mul3A_40 = arith.constant 16 : i32
        %mul3A_41 = arith.muli %scan3A_36, %mul3A_40 : i32
        %get3A_42 = arith.index_cast %mul3A_41 : i32 to index
        %get3A_43 = tpu.vector_load %arg8[%get3A_42] {strides = array<i32>} : memref<2000xf32, #tpu.memory_space<vmem>>, vector<16xf32>,
        %mul3A_44 = arith.constant 16 : i32
        %mul3A_45 = arith.muli %scan3A_36, %mul3A_44 : i32
        %get3A_46 = arith.index_cast %mul3A_45 : i32 to index
        %get3A_47 = tpu.vector_load %arg9[%get3A_46] {strides = array<i32>} : memref<2000xi32, #tpu.memory_space<vmem>>, vector<16xi32>,
        %swap3A = arith.constant 0 : index
        %swap3A_48 = tpu.vector_load %arg10[%swap3A] {strides = array<i32>} : memref<16xi32, #tpu.memory_space<vmem>>, vector<16xi32>,
        tpu.vector_store %arg10[%swap3A], %get3A_47 {strides = array<i32>} : memref<16xi32, #tpu.memory_space<vmem>>, vector<16xi32>,
        "tpu.region"() ({
          %run_scoped3A = tpu.sem_alloc : memref<!tpu.dma_semaphore, #tpu.memory_space<semaphore_mem>>
          %dma_start3A = arith.constant 0 : i32
          %dma_start3A_1359 = arith.constant 0 : i32
          %dma_start3A_1360 = tpu.memref_slice %arg2[%dma_start3A, %dma_start3A_1359] : memref<10000x128xf32, #tpu.memory_space<hbm>> -> memref<10000x128xf32, #tpu.memory_space<hbm>>
          tpu.enqueue_indirect_dma source(%dma_start3A_1360 : memref<10000x128xf32, #tpu.memory_space<hbm>>) target(%arg11 : memref<16x128xf32, #tpu.memory_space<vmem>>) offsets(%get3A_39 : vector<16xi32>) semaphore(%run_scoped3A : memref<!tpu.dma_semaphore, #tpu.memory_space<semaphore_mem>>)
          %dma_wait3A = arith.constant 0 : i32
          %dma_wait3A_1361 = arith.constant 0 : i32
          %dma_wait3A_1362 = tpu.memref_slice %arg2[%dma_wait3A, %dma_wait3A_1361] : memref<10000x128xf32, #tpu.memory_space<hbm>> -> memref<10000x128xf32, #tpu.memory_space<hbm>>
          tpu.wait_indirect_dma semaphore(%run_scoped3A : memref<!tpu.dma_semaphore, #tpu.memory_space<semaphore_mem>>) src(%dma_wait3A_1362 : memref<10000x128xf32, #tpu.memory_space<hbm>>) dst(%arg11 : memref<16x128xf32, #tpu.memory_space<vmem>>)
          tpu.yield
        }) : () -> ()
        %slice3A = vector.extract_strided_slice %get3A_43 {offsets = [0], sizes = [1], strides = [1]} : vector<16xf32> to vector<1xf32>
        %squeeze3A = vector.extract %slice3A[0] : f32 from vector<1xf32>
        %get3A_49 = arith.constant 0 : i32
        %get3A_50 = arith.index_cast %get3A_49 : i32 to index
        %get3A_51 = arith.constant 0 : index
        %get3A_52 = tpu.vector_load %arg11[%get3A_50, %get3A_51] {strides = array<i32>} : memref<16x128xf32, #tpu.memory_space<vmem>>, vector<16xf32>,
        %mul3A_53 = vector.broadcast %squeeze3A : f32 to vector<16xf32>
        %mul3A_54 = arith.mulf %get3A_52, %mul3A_53 : vector<16xf32>
        %swap3A_55 = arith.constant 0 : i32
        %swap3A_56 = arith.index_cast %swap3A_55 : i32 to index
        %swap3A_57 = arith.constant 0 : index
        %swap3A_58 = tpu.vector_load %arg11[%swap3A_56, %swap3A_57] {strides = array<i32>} : memref<16x128xf32, #tpu.memory_space<vmem>>, vector<16xf32>,
        tpu.vector_store %arg11[%swap3A_56, %swap3A_57], %mul3A_54 {strides = array<i32>} : memref<16x128xf32, #tpu.memory_space<vmem>>, vector<16xf32>,
        %get3A_59 = arith.constant 0 : i32
        %get3A_60 = arith.index_cast %get3A_59 : i32 to index
        %get3A_61 = arith.constant 16 : index
        %get3A_62 = tpu.vector_load %arg11[%get3A_60, %get3A_61] {strides = array<i32>} : memref<16x128xf32, #tpu.memory_space<vmem>>, vector<16xf32>,
        %mul3A_63 = vector.broadcast %squeeze3A : f32 to vector<16xf32>
        %mul3A_64 = arith.mulf %get3A_62, %mul3A_63 : vector<16xf32>
        %swap3A_65 = arith.constant 0 : i32
        %swap3A_66 = arith.index_cast %swap3A_65 : i32 to index
        %swap3A_67 = arith.constant 16 : index
        %swap3A_68 = tpu.vector_load %arg11[%swap3A_66, %swap3A_67] {strides = array<i32>} : memref<16x128xf32, #tpu.memory_space<vmem>>, vector<16xf32>,
        tpu.vector_store %arg11[%swap3A_66, %swap3A_67], %mul3A_64 {strides = array<i32>} : memref<16x128xf32, #tpu.memory_space<vmem>>, vector<16xf32>,
        %get3A_69 = arith.constant 0 : i32
        %get3A_70 = arith.index_cast %get3A_69 : i32 to index
        %get3A_71 = arith.constant 32 : index
        %get3A_72 = tpu.vector_load %arg11[%get3A_70, %get3A_71] {strides = array<i32>} : memref<16x128xf32, #tpu.memory_space<vmem>>, vector<16xf32>,
        %mul3A_73 = vector.broadcast %squeeze3A : f32 to vector<16xf32>
        %mul3A_74 = arith.mulf %get3A_72, %mul3A_73 : vector<16xf32>
        %swap3A_75 = arith.constant 0 : i32
        %swap3A_76 = arith.index_cast %swap3A_75 : i32 to index
        %swap3A_77 = arith.constant 32 : index
        %swap3A_78 = tpu.vector_load %arg11[%swap3A_76, %swap3A_77] {strides = array<i32>} : memref<16x128xf32, #tpu.memory_space<vmem>>, vector<16xf32>,
        tpu.vector_store %arg11[%swap3A_76, %swap3A_77], %mul3A_74 {strides = array<i32>} : memref<16x128xf32, #tpu.memory_space<vmem>>, vector<16xf32>,
        %get3A_79 = arith.constant 0 : i32
        %get3A_80 = arith.index_cast %get3A_79 : i32 to index
        %get3A_81 = arith.constant 48 : index
        %get3A_82 = tpu.vector_load %arg11[%get3A_80, %get3A_81] {strides = array<i32>} : memref<16x128xf32, #tpu.memory_space<vmem>>, vector<16xf32>,
        %mul3A_83 = vector.broadcast %squeeze3A : f32 to vector<16xf32>
        %mul3A_84 = arith.mulf %get3A_82, %mul3A_83 : vector<16xf32>
        %swap3A_85 = arith.constant 0 : i32
        %swap3A_86 = arith.index_cast %swap3A_85 : i32 to index
        %swap3A_87 = arith.constant 48 : index
        %swap3A_88 = tpu.vector_load %arg11[%swap3A_86, %swap3A_87] {strides = array<i32>} : memref<16x128xf32, #tpu.memory_space<vmem>>, vector<16xf32>,
        tpu.vector_store %arg11[%swap3A_86, %swap3A_87], %mul3A_84 {strides = array<i32>} : memref<16x128xf32, #tpu.memory_space<vmem>>, vector<16xf32>,
        %get3A_89 = arith.constant 0 : i32
        %get3A_90 = arith.index_cast %get3A_89 : i32 to index
        %get3A_91 = arith.constant 64 : index
        %get3A_92 = tpu.vector_load %arg11[%get3A_90, %get3A_91] {strides = array<i32>} : memref<16x128xf32, #tpu.memory_space<vmem>>, vector<16xf32>,
        %mul3A_93 = vector.broadcast %squeeze3A : f32 to vector<16xf32>
        %mul3A_94 = arith.mulf %get3A_92, %mul3A_93 : vector<16xf32>
        %swap3A_95 = arith.constant 0 : i32
        %swap3A_96 = arith.index_cast %swap3A_95 : i32 to index
        %swap3A_97 = arith.constant 64 : index
        %swap3A_98 = tpu.vector_load %arg11[%swap3A_96, %swap3A_97] {strides = array<i32>} : memref<16x128xf32, #tpu.memory_space<vmem>>, vector<16xf32>,
        tpu.vector_store %arg11[%swap3A_96, %swap3A_97], %mul3A_94 {strides = array<i32>} : memref<16x128xf32, #tpu.memory_space<vmem>>, vector<16xf32>,
        %get3A_99 = arith.constant 0 : i32
        %get3A_100 = arith.index_cast %get3A_99 : i32 to index
        %get3A_101 = arith.constant 80 : index
        %get3A_102 = tpu.vector_load %arg11[%get3A_100, %get3A_101] {strides = array<i32>} : memref<16x128xf32, #tpu.memory_space<vmem>>, vector<16xf32>,
        %mul3A_103 = vector.broadcast %squeeze3A : f32 to vector<16xf32>
        %mul3A_104 = arith.mulf %get3A_102, %mul3A_103 : vector<16xf32>
        %swap3A_105 = arith.constant 0 : i32
        %swap3A_106 = arith.index_cast %swap3A_105 : i32 to index
        %swap3A_107 = arith.constant 80 : index
        %swap3A_108 = tpu.vector_load %arg11[%swap3A_106, %swap3A_107] {strides = array<i32>} : memref<16x128xf32, #tpu.memory_space<vmem>>, vector<16xf32>,
        tpu.vector_store %arg11[%swap3A_106, %swap3A_107], %mul3A_104 {strides = array<i32>} : memref<16x128xf32, #tpu.memory_space<vmem>>, vector<16xf32>,
        %get3A_109 = arith.constant 0 : i32
        %get3A_110 = arith.index_cast %get3A_109 : i32 to index
        %get3A_111 = arith.constant 96 : index
        %get3A_112 = tpu.vector_load %arg11[%get3A_110, %get3A_111] {strides = array<i32>} : memref<16x128xf32, #tpu.memory_space<vmem>>, vector<16xf32>,
        %mul3A_113 = vector.broadcast %squeeze3A : f32 to vector<16xf32>
        %mul3A_114 = arith.mulf %get3A_112, %mul3A_113 : vector<16xf32>
        %swap3A_115 = arith.constant 0 : i32
        %swap3A_116 = arith.index_cast %swap3A_115 : i32 to index
        %swap3A_117 = arith.constant 96 : index
        %swap3A_118 = tpu.vector_load %arg11[%swap3A_116, %swap3A_117] {strides = array<i32>} : memref<16x128xf32, #tpu.memory_space<vmem>>, vector<16xf32>,
        tpu.vector_store %arg11[%swap3A_116, %swap3A_117], %mul3A_114 {strides = array<i32>} : memref<16x128xf32, #tpu.memory_space<vmem>>, vector<16xf32>,
        %get3A_119 = arith.constant 0 : i32
        %get3A_120 = arith.index_cast %get3A_119 : i32 to index
        %get3A_121 = arith.constant 112 : index
        %get3A_122 = tpu.vector_load %arg11[%get3A_120, %get3A_121] {strides = array<i32>} : memref<16x128xf32, #tpu.memory_space<vmem>>, vector<16xf32>,
        %mul3A_123 = vector.broadcast %squeeze3A : f32 to vector<16xf32>
        %mul3A_124 = arith.mulf %get3A_122, %mul3A_123 : vector<16xf32>
        %swap3A_125 = arith.constant 0 : i32
        %swap3A_126 = arith.index_cast %swap3A_125 : i32 to index
        %swap3A_127 = arith.constant 112 : index
        %swap3A_128 = tpu.vector_load %arg11[%swap3A_126, %swap3A_127] {strides = array<i32>} : memref<16x128xf32, #tpu.memory_space<vmem>>, vector<16xf32>,
        tpu.vector_store %arg11[%swap3A_126, %swap3A_127], %mul3A_124 {strides = array<i32>} : memref<16x128xf32, #tpu.memory_space<vmem>>, vector<16xf32>,
        %slice3A_129 = vector.extract_strided_slice %get3A_43 {offsets = [1], sizes = [1], strides = [1]} : vector<16xf32> to vector<1xf32>
        %squeeze3A_130 = vector.extract %slice3A_129[0] : f32 from vector<1xf32>
        %get3A_131 = arith.constant 1 : i32
        %get3A_132 = arith.index_cast %get3A_131 : i32 to index
        %get3A_133 = arith.constant 0 : index
        %get3A_134 = tpu.vector_load %arg11[%get3A_132, %get3A_133] {strides = array<i32>} : memref<16x128xf32, #tpu.memory_space<vmem>>, vector<16xf32>,
        %mul3A_135 = vector.broadcast %squeeze3A_130 : f32 to vector<16xf32>
        %mul3A_136 = arith.mulf %get3A_134, %mul3A_135 : vector<16xf32>
        %swap3A_137 = arith.constant 1 : i32
        %swap3A_138 = arith.index_cast %swap3A_137 : i32 to index
        %swap3A_139 = arith.constant 0 : index
        %swap3A_140 = tpu.vector_load %arg11[%swap3A_138, %swap3A_139] {strides = array<i32>} : memref<16x128xf32, #tpu.memory_space<vmem>>, vector<16xf32>,
        tpu.vector_store %arg11[%swap3A_138, %swap3A_139], %mul3A_136 {strides = array<i32>} : memref<16x128xf32, #tpu.memory_space<vmem>>, vector<16xf32>,
        %get3A_141 = arith.constant 1 : i32
        %get3A_142 = arith.index_cast %get3A_141 : i32 to index
        %get3A_143 = arith.constant 16 : index
        %get3A_144 = tpu.vector_load %arg11[%get3A_142, %get3A_143] {strides = array<i32>} : memref<16x128xf32, #tpu.memory_space<vmem>>, vector<16xf32>,
        %mul3A_145 = vector.broadcast %squeeze3A_130 : f32 to vector<16xf32>
        %mul3A_146 = arith.mulf %get3A_144, %mul3A_145 : vector<16xf32>
        %swap3A_147 = arith.constant 1 : i32
        %swap3A_148 = arith.index_cast %swap3A_147 : i32 to index
        %swap3A_149 = arith.constant 16 : index
        %swap3A_150 = tpu.vector_load %arg11[%swap3A_148, %swap3A_149] {strides = array<i32>} : memref<16x128xf32, #tpu.memory_space<vmem>>, vector<16xf32>,
        tpu.vector_store %arg11[%swap3A_148, %swap3A_149], %mul3A_146 {strides = array<i32>} : memref<16x128xf32, #tpu.memory_space<vmem>>, vector<16xf32>,
        %get3A_151 = arith.constant 1 : i32
        %get3A_152 = arith.index_cast %get3A_151 : i32 to index
        %get3A_153 = arith.constant 32 : index
        %get3A_154 = tpu.vector_load %arg11[%get3A_152, %get3A_153] {strides = array<i32>} : memref<16x128xf32, #tpu.memory_space<vmem>>, vector<16xf32>,
        %mul3A_155 = vector.broadcast %squeeze3A_130 : f32 to vector<16xf32>
        %mul3A_156 = arith.mulf %get3A_154, %mul3A_155 : vector<16xf32>
        %swap3A_157 = arith.constant 1 : i32
        %swap3A_158 = arith.index_cast %swap3A_157 : i32 to index
        %swap3A_159 = arith.constant 32 : index
        %swap3A_160 = tpu.vector_load %arg11[%swap3A_158, %swap3A_159] {strides = array<i32>} : memref<16x128xf32, #tpu.memory_space<vmem>>, vector<16xf32>,
        tpu.vector_store %arg11[%swap3A_158, %swap3A_159], %mul3A_156 {strides = array<i32>} : memref<16x128xf32, #tpu.memory_space<vmem>>, vector<16xf32>,
        %get3A_161 = arith.constant 1 : i32
        %get3A_162 = arith.index_cast %get3A_161 : i32 to index
        %get3A_163 = arith.constant 48 : index
        %get3A_164 = tpu.vector_load %arg11[%get3A_162, %get3A_163] {strides = array<i32>} : memref<16x128xf32, #tpu.memory_space<vmem>>, vector<16xf32>,
        %mul3A_165 = vector.broadcast %squeeze3A_130 : f32 to vector<16xf32>
        %mul3A_166 = arith.mulf %get3A_164, %mul3A_165 : vector<16xf32>
        %swap3A_167 = arith.constant 1 : i32
        %swap3A_168 = arith.index_cast %swap3A_167 : i32 to index
        %swap3A_169 = arith.constant 48 : index
        %swap3A_170 = tpu.vector_load %arg11[%swap3A_168, %swap3A_169] {strides = array<i32>} : memref<16x128xf32, #tpu.memory_space<vmem>>, vector<16xf32>,
        tpu.vector_store %arg11[%swap3A_168, %swap3A_169], %mul3A_166 {strides = array<i32>} : memref<16x128xf32, #tpu.memory_space<vmem>>, vector<16xf32>,
        %get3A_171 = arith.constant 1 : i32
        %get3A_172 = arith.index_cast %get3A_171 : i32 to index
        %get3A_173 = arith.constant 64 : index
        %get3A_174 = tpu.vector_load %arg11[%get3A_172, %get3A_173] {strides = array<i32>} : memref<16x128xf32, #tpu.memory_space<vmem>>, vector<16xf32>,
        %mul3A_175 = vector.broadcast %squeeze3A_130 : f32 to vector<16xf32>
        %mul3A_176 = arith.mulf %get3A_174, %mul3A_175 : vector<16xf32>
        %swap3A_177 = arith.constant 1 : i32
        %swap3A_178 = arith.index_cast %swap3A_177 : i32 to index
        %swap3A_179 = arith.constant 64 : index
        %swap3A_180 = tpu.vector_load %arg11[%swap3A_178, %swap3A_179] {strides = array<i32>} : memref<16x128xf32, #tpu.memory_space<vmem>>, vector<16xf32>,
        tpu.vector_store %arg11[%swap3A_178, %swap3A_179], %mul3A_176 {strides = array<i32>} : memref<16x128xf32, #tpu.memory_space<vmem>>, vector<16xf32>,
        %get3A_181 = arith.constant 1 : i32
        %get3A_182 = arith.index_cast %get3A_181 : i32 to index
        %get3A_183 = arith.constant 80 : index
        %get3A_184 = tpu.vector_load %arg11[%get3A_182, %get3A_183] {strides = array<i32>} : memref<16x128xf32, #tpu.memory_space<vmem>>, vector<16xf32>,
        %mul3A_185 = vector.broadcast %squeeze3A_130 : f32 to vector<16xf32>
        %mul3A_186 = arith.mulf %get3A_184, %mul3A_185 : vector<16xf32>
        %swap3A_187 = arith.constant 1 : i32
        %swap3A_188 = arith.index_cast %swap3A_187 : i32 to index
        %swap3A_189 = arith.constant 80 : index
        %swap3A_190 = tpu.vector_load %arg11[%swap3A_188, %swap3A_189] {strides = array<i32>} : memref<16x128xf32, #tpu.memory_space<vmem>>, vector<16xf32>,
        tpu.vector_store %arg11[%swap3A_188, %swap3A_189], %mul3A_186 {strides = array<i32>} : memref<16x128xf32, #tpu.memory_space<vmem>>, vector<16xf32>,
        %get3A_191 = arith.constant 1 : i32
        %get3A_192 = arith.index_cast %get3A_191 : i32 to index
        %get3A_193 = arith.constant 96 : index
        %get3A_194 = tpu.vector_load %arg11[%get3A_192, %get3A_193] {strides = array<i32>} : memref<16x128xf32, #tpu.memory_space<vmem>>, vector<16xf32>,
        %mul3A_195 = vector.broadcast %squeeze3A_130 : f32 to vector<16xf32>
        %mul3A_196 = arith.mulf %get3A_194, %mul3A_195 : vector<16xf32>
        %swap3A_197 = arith.constant 1 : i32
        %swap3A_198 = arith.index_cast %swap3A_197 : i32 to index
        %swap3A_199 = arith.constant 96 : index
        %swap3A_200 = tpu.vector_load %arg11[%swap3A_198, %swap3A_199] {strides = array<i32>} : memref<16x128xf32, #tpu.memory_space<vmem>>, vector<16xf32>,
        tpu.vector_store %arg11[%swap3A_198, %swap3A_199], %mul3A_196 {strides = array<i32>} : memref<16x128xf32, #tpu.memory_space<vmem>>, vector<16xf32>,
        %get3A_201 = arith.constant 1 : i32
        %get3A_202 = arith.index_cast %get3A_201 : i32 to index
        %get3A_203 = arith.constant 112 : index
        %get3A_204 = tpu.vector_load %arg11[%get3A_202, %get3A_203] {strides = array<i32>} : memref<16x128xf32, #tpu.memory_space<vmem>>, vector<16xf32>,
        %mul3A_205 = vector.broadcast %squeeze3A_130 : f32 to vector<16xf32>
        %mul3A_206 = arith.mulf %get3A_204, %mul3A_205 : vector<16xf32>
        %swap3A_207 = arith.constant 1 : i32
        %swap3A_208 = arith.index_cast %swap3A_207 : i32 to index
        %swap3A_209 = arith.constant 112 : index
        %swap3A_210 = tpu.vector_load %arg11[%swap3A_208, %swap3A_209] {strides = array<i32>} : memref<16x128xf32, #tpu.memory_space<vmem>>, vector<16xf32>,
        tpu.vector_store %arg11[%swap3A_208, %swap3A_209], %mul3A_206 {strides = array<i32>} : memref<16x128xf32, #tpu.memory_space<vmem>>, vector<16xf32>,
        %slice3A_211 = vector.extract_strided_slice %get3A_43 {offsets = [2], sizes = [1], strides = [1]} : vector<16xf32> to vector<1xf32>
        %squeeze3A_212 = vector.extract %slice3A_211[0] : f32 from vector<1xf32>
        %get3A_213 = arith.constant 2 : i32
        %get3A_214 = arith.index_cast %get3A_213 : i32 to index
        %get3A_215 = arith.constant 0 : index
        %get3A_216 = tpu.vector_load %arg11[%get3A_214, %get3A_215] {strides = array<i32>} : memref<16x128xf32, #tpu.memory_space<vmem>>, vector<16xf32>,
        %mul3A_217 = vector.broadcast %squeeze3A_212 : f32 to vector<16xf32>
        %mul3A_218 = arith.mulf %get3A_216, %mul3A_217 : vector<16xf32>
        %swap3A_219 = arith.constant 2 : i32
        %swap3A_220 = arith.index_cast %swap3A_219 : i32 to index
        %swap3A_221 = arith.constant 0 : index
        %swap3A_222 = tpu.vector_load %arg11[%swap3A_220, %swap3A_221] {strides = array<i32>} : memref<16x128xf32, #tpu.memory_space<vmem>>, vector<16xf32>,
        tpu.vector_store %arg11[%swap3A_220, %swap3A_221], %mul3A_218 {strides = array<i32>} : memref<16x128xf32, #tpu.memory_space<vmem>>, vector<16xf32>,
        %get3A_223 = arith.constant 2 : i32
        %get3A_224 = arith.index_cast %get3A_223 : i32 to index
        %get3A_225 = arith.constant 16 : index
        %get3A_226 = tpu.vector_load %arg11[%get3A_224, %get3A_225] {strides = array<i32>} : memref<16x128xf32, #tpu.memory_space<vmem>>, vector<16xf32>,
        %mul3A_227 = vector.broadcast %squeeze3A_212 : f32 to vector<16xf32>
        %mul3A_228 = arith.mulf %get3A_226, %mul3A_227 : vector<16xf32>
        %swap3A_229 = arith.constant 2 : i32
        %swap3A_230 = arith.index_cast %swap3A_229 : i32 to index
        %swap3A_231 = arith.constant 16 : index
        %swap3A_232 = tpu.vector_load %arg11[%swap3A_230, %swap3A_231] {strides = array<i32>} : memref<16x128xf32, #tpu.memory_space<vmem>>, vector<16xf32>,
        tpu.vector_store %arg11[%swap3A_230, %swap3A_231], %mul3A_228 {strides = array<i32>} : memref<16x128xf32, #tpu.memory_space<vmem>>, vector<16xf32>,
        %get3A_233 = arith.constant 2 : i32
        %get3A_234 = arith.index_cast %get3A_233 : i32 to index
        %get3A_235 = arith.constant 32 : index
        %get3A_236 = tpu.vector_load %arg11[%get3A_234, %get3A_235] {strides = array<i32>} : memref<16x128xf32, #tpu.memory_space<vmem>>, vector<16xf32>,
        %mul3A_237 = vector.broadcast %squeeze3A_212 : f32 to vector<16xf32>
        %mul3A_238 = arith.mulf %get3A_236, %mul3A_237 : vector<16xf32>
        %swap3A_239 = arith.constant 2 : i32
        %swap3A_240 = arith.index_cast %swap3A_239 : i32 to index
        %swap3A_241 = arith.constant 32 : index
        %swap3A_242 = tpu.vector_load %arg11[%swap3A_240, %swap3A_241] {strides = array<i32>} : memref<16x128xf32, #tpu.memory_space<vmem>>, vector<16xf32>,
        tpu.vector_store %arg11[%swap3A_240, %swap3A_241], %mul3A_238 {strides = array<i32>} : memref<16x128xf32, #tpu.memory_space<vmem>>, vector<16xf32>,
        %get3A_243 = arith.constant 2 : i32
        %get3A_244 = arith.index_cast %get3A_243 : i32 to index
        %get3A_245 = arith.constant 48 : index
        %get3A_246 = tpu.vector_load %arg11[%get3A_244, %get3A_245] {strides = array<i32>} : memref<16x128xf32, #tpu.memory_space<vmem>>, vector<16xf32>,
        %mul3A_247 = vector.broadcast %squeeze3A_212 : f32 to vector<16xf32>
        %mul3A_248 = arith.mulf %get3A_246, %mul3A_247 : vector<16xf32>
        %swap3A_249 = arith.constant 2 : i32
        %swap3A_250 = arith.index_cast %swap3A_249 : i32 to index
        %swap3A_251 = arith.constant 48 : index
        %swap3A_252 = tpu.vector_load %arg11[%swap3A_250, %swap3A_251] {strides = array<i32>} : memref<16x128xf32, #tpu.memory_space<vmem>>, vector<16xf32>,
        tpu.vector_store %arg11[%swap3A_250, %swap3A_251], %mul3A_248 {strides = array<i32>} : memref<16x128xf32, #tpu.memory_space<vmem>>, vector<16xf32>,
        %get3A_253 = arith.constant 2 : i32
        %get3A_254 = arith.index_cast %get3A_253 : i32 to index
        %get3A_255 = arith.constant 64 : index
        %get3A_256 = tpu.vector_load %arg11[%get3A_254, %get3A_255] {strides = array<i32>} : memref<16x128xf32, #tpu.memory_space<vmem>>, vector<16xf32>,
        %mul3A_257 = vector.broadcast %squeeze3A_212 : f32 to vector<16xf32>
        %mul3A_258 = arith.mulf %get3A_256, %mul3A_257 : vector<16xf32>
        %swap3A_259 = arith.constant 2 : i32
        %swap3A_260 = arith.index_cast %swap3A_259 : i32 to index
        %swap3A_261 = arith.constant 64 : index
        %swap3A_262 = tpu.vector_load %arg11[%swap3A_260, %swap3A_261] {strides = array<i32>} : memref<16x128xf32, #tpu.memory_space<vmem>>, vector<16xf32>,
        tpu.vector_store %arg11[%swap3A_260, %swap3A_261], %mul3A_258 {strides = array<i32>} : memref<16x128xf32, #tpu.memory_space<vmem>>, vector<16xf32>,
        %get3A_263 = arith.constant 2 : i32
        %get3A_264 = arith.index_cast %get3A_263 : i32 to index
        %get3A_265 = arith.constant 80 : index
        %get3A_266 = tpu.vector_load %arg11[%get3A_264, %get3A_265] {strides = array<i32>} : memref<16x128xf32, #tpu.memory_space<vmem>>, vector<16xf32>,
        %mul3A_267 = vector.broadcast %squeeze3A_212 : f32 to vector<16xf32>
        %mul3A_268 = arith.mulf %get3A_266, %mul3A_267 : vector<16xf32>
        %swap3A_269 = arith.constant 2 : i32
        %swap3A_270 = arith.index_cast %swap3A_269 : i32 to index
        %swap3A_271 = arith.constant 80 : index
        %swap3A_272 = tpu.vector_load %arg11[%swap3A_270, %swap3A_271] {strides = array<i32>} : memref<16x128xf32, #tpu.memory_space<vmem>>, vector<16xf32>,
        tpu.vector_store %arg11[%swap3A_270, %swap3A_271], %mul3A_268 {strides = array<i32>} : memref<16x128xf32, #tpu.memory_space<vmem>>, vector<16xf32>,
        %get3A_273 = arith.constant 2 : i32
        %get3A_274 = arith.index_cast %get3A_273 : i32 to index
        %get3A_275 = arith.constant 96 : index
        %get3A_276 = tpu.vector_load %arg11[%get3A_274, %get3A_275] {strides = array<i32>} : memref<16x128xf32, #tpu.memory_space<vmem>>, vector<16xf32>,
        %mul3A_277 = vector.broadcast %squeeze3A_212 : f32 to vector<16xf32>
        %mul3A_278 = arith.mulf %get3A_276, %mul3A_277 : vector<16xf32>
        %swap3A_279 = arith.constant 2 : i32
        %swap3A_280 = arith.index_cast %swap3A_279 : i32 to index
        %swap3A_281 = arith.constant 96 : index
        %swap3A_282 = tpu.vector_load %arg11[%swap3A_280, %swap3A_281] {strides = array<i32>} : memref<16x128xf32, #tpu.memory_space<vmem>>, vector<16xf32>,
        tpu.vector_store %arg11[%swap3A_280, %swap3A_281], %mul3A_278 {strides = array<i32>} : memref<16x128xf32, #tpu.memory_space<vmem>>, vector<16xf32>,
        %get3A_283 = arith.constant 2 : i32
        %get3A_284 = arith.index_cast %get3A_283 : i32 to index
        %get3A_285 = arith.constant 112 : index
        %get3A_286 = tpu.vector_load %arg11[%get3A_284, %get3A_285] {strides = array<i32>} : memref<16x128xf32, #tpu.memory_space<vmem>>, vector<16xf32>,
        %mul3A_287 = vector.broadcast %squeeze3A_212 : f32 to vector<16xf32>
        %mul3A_288 = arith.mulf %get3A_286, %mul3A_287 : vector<16xf32>
        %swap3A_289 = arith.constant 2 : i32
        %swap3A_290 = arith.index_cast %swap3A_289 : i32 to index
        %swap3A_291 = arith.constant 112 : index
        %swap3A_292 = tpu.vector_load %arg11[%swap3A_290, %swap3A_291] {strides = array<i32>} : memref<16x128xf32, #tpu.memory_space<vmem>>, vector<16xf32>,
        tpu.vector_store %arg11[%swap3A_290, %swap3A_291], %mul3A_288 {strides = array<i32>} : memref<16x128xf32, #tpu.memory_space<vmem>>, vector<16xf32>,
        %slice3A_293 = vector.extract_strided_slice %get3A_43 {offsets = [3], sizes = [1], strides = [1]} : vector<16xf32> to vector<1xf32>
        %squeeze3A_294 = vector.extract %slice3A_293[0] : f32 from vector<1xf32>
        %get3A_295 = arith.constant 3 : i32
        %get3A_296 = arith.index_cast %get3A_295 : i32 to index
        %get3A_297 = arith.constant 0 : index
        %get3A_298 = tpu.vector_load %arg11[%get3A_296, %get3A_297] {strides = array<i32>} : memref<16x128xf32, #tpu.memory_space<vmem>>, vector<16xf32>,
        %mul3A_299 = vector.broadcast %squeeze3A_294 : f32 to vector<16xf32>
        %mul3A_300 = arith.mulf %get3A_298, %mul3A_299 : vector<16xf32>
        %swap3A_301 = arith.constant 3 : i32
        %swap3A_302 = arith.index_cast %swap3A_301 : i32 to index
        %swap3A_303 = arith.constant 0 : index
        %swap3A_304 = tpu.vector_load %arg11[%swap3A_302, %swap3A_303] {strides = array<i32>} : memref<16x128xf32, #tpu.memory_space<vmem>>, vector<16xf32>,
        tpu.vector_store %arg11[%swap3A_302, %swap3A_303], %mul3A_300 {strides = array<i32>} : memref<16x128xf32, #tpu.memory_space<vmem>>, vector<16xf32>,
        %get3A_305 = arith.constant 3 : i32
        %get3A_306 = arith.index_cast %get3A_305 : i32 to index
        %get3A_307 = arith.constant 16 : index
        %get3A_308 = tpu.vector_load %arg11[%get3A_306, %get3A_307] {strides = array<i32>} : memref<16x128xf32, #tpu.memory_space<vmem>>, vector<16xf32>,
        %mul3A_309 = vector.broadcast %squeeze3A_294 : f32 to vector<16xf32>
        %mul3A_310 = arith.mulf %get3A_308, %mul3A_309 : vector<16xf32>
        %swap3A_311 = arith.constant 3 : i32
        %swap3A_312 = arith.index_cast %swap3A_311 : i32 to index
        %swap3A_313 = arith.constant 16 : index
        %swap3A_314 = tpu.vector_load %arg11[%swap3A_312, %swap3A_313] {strides = array<i32>} : memref<16x128xf32, #tpu.memory_space<vmem>>, vector<16xf32>,
        tpu.vector_store %arg11[%swap3A_312, %swap3A_313], %mul3A_310 {strides = array<i32>} : memref<16x128xf32, #tpu.memory_space<vmem>>, vector<16xf32>,
        %get3A_315 = arith.constant 3 : i32
        %get3A_316 = arith.index_cast %get3A_315 : i32 to index
        %get3A_317 = arith.constant 32 : index
        %get3A_318 = tpu.vector_load %arg11[%get3A_316, %get3A_317] {strides = array<i32>} : memref<16x128xf32, #tpu.memory_space<vmem>>, vector<16xf32>,
        %mul3A_319 = vector.broadcast %squeeze3A_294 : f32 to vector<16xf32>
        %mul3A_320 = arith.mulf %get3A_318, %mul3A_319 : vector<16xf32>
        %swap3A_321 = arith.constant 3 : i32
        %swap3A_322 = arith.index_cast %swap3A_321 : i32 to index
        %swap3A_323 = arith.constant 32 : index
        %swap3A_324 = tpu.vector_load %arg11[%swap3A_322, %swap3A_323] {strides = array<i32>} : memref<16x128xf32, #tpu.memory_space<vmem>>, vector<16xf32>,
        tpu.vector_store %arg11[%swap3A_322, %swap3A_323], %mul3A_320 {strides = array<i32>} : memref<16x128xf32, #tpu.memory_space<vmem>>, vector<16xf32>,
        %get3A_325 = arith.constant 3 : i32
        %get3A_326 = arith.index_cast %get3A_325 : i32 to index
        %get3A_327 = arith.constant 48 : index
        %get3A_328 = tpu.vector_load %arg11[%get3A_326, %get3A_327] {strides = array<i32>} : memref<16x128xf32, #tpu.memory_space<vmem>>, vector<16xf32>,
        %mul3A_329 = vector.broadcast %squeeze3A_294 : f32 to vector<16xf32>
        %mul3A_330 = arith.mulf %get3A_328, %mul3A_329 : vector<16xf32>
        %swap3A_331 = arith.constant 3 : i32
        %swap3A_332 = arith.index_cast %swap3A_331 : i32 to index
        %swap3A_333 = arith.constant 48 : index
        %swap3A_334 = tpu.vector_load %arg11[%swap3A_332, %swap3A_333] {strides = array<i32>} : memref<16x128xf32, #tpu.memory_space<vmem>>, vector<16xf32>,
        tpu.vector_store %arg11[%swap3A_332, %swap3A_333], %mul3A_330 {strides = array<i32>} : memref<16x128xf32, #tpu.memory_space<vmem>>, vector<16xf32>,
        %get3A_335 = arith.constant 3 : i32
        %get3A_336 = arith.index_cast %get3A_335 : i32 to index
        %get3A_337 = arith.constant 64 : index
        %get3A_338 = tpu.vector_load %arg11[%get3A_336, %get3A_337] {strides = array<i32>} : memref<16x128xf32, #tpu.memory_space<vmem>>, vector<16xf32>,
        %mul3A_339 = vector.broadcast %squeeze3A_294 : f32 to vector<16xf32>
        %mul3A_340 = arith.mulf %get3A_338, %mul3A_339 : vector<16xf32>
        %swap3A_341 = arith.constant 3 : i32
        %swap3A_342 = arith.index_cast %swap3A_341 : i32 to index
        %swap3A_343 = arith.constant 64 : index
        %swap3A_344 = tpu.vector_load %arg11[%swap3A_342, %swap3A_343] {strides = array<i32>} : memref<16x128xf32, #tpu.memory_space<vmem>>, vector<16xf32>,
        tpu.vector_store %arg11[%swap3A_342, %swap3A_343], %mul3A_340 {strides = array<i32>} : memref<16x128xf32, #tpu.memory_space<vmem>>, vector<16xf32>,
        %get3A_345 = arith.constant 3 : i32
        %get3A_346 = arith.index_cast %get3A_345 : i32 to index
        %get3A_347 = arith.constant 80 : index
        %get3A_348 = tpu.vector_load %arg11[%get3A_346, %get3A_347] {strides = array<i32>} : memref<16x128xf32, #tpu.memory_space<vmem>>, vector<16xf32>,
        %mul3A_349 = vector.broadcast %squeeze3A_294 : f32 to vector<16xf32>
        %mul3A_350 = arith.mulf %get3A_348, %mul3A_349 : vector<16xf32>
        %swap3A_351 = arith.constant 3 : i32
        %swap3A_352 = arith.index_cast %swap3A_351 : i32 to index
        %swap3A_353 = arith.constant 80 : index
        %swap3A_354 = tpu.vector_load %arg11[%swap3A_352, %swap3A_353] {strides = array<i32>} : memref<16x128xf32, #tpu.memory_space<vmem>>, vector<16xf32>,
        tpu.vector_store %arg11[%swap3A_352, %swap3A_353], %mul3A_350 {strides = array<i32>} : memref<16x128xf32, #tpu.memory_space<vmem>>, vector<16xf32>,
        %get3A_355 = arith.constant 3 : i32
        %get3A_356 = arith.index_cast %get3A_355 : i32 to index
        %get3A_357 = arith.constant 96 : index
        %get3A_358 = tpu.vector_load %arg11[%get3A_356, %get3A_357] {strides = array<i32>} : memref<16x128xf32, #tpu.memory_space<vmem>>, vector<16xf32>,
        %mul3A_359 = vector.broadcast %squeeze3A_294 : f32 to vector<16xf32>
        %mul3A_360 = arith.mulf %get3A_358, %mul3A_359 : vector<16xf32>
        %swap3A_361 = arith.constant 3 : i32
        %swap3A_362 = arith.index_cast %swap3A_361 : i32 to index
        %swap3A_363 = arith.constant 96 : index
        %swap3A_364 = tpu.vector_load %arg11[%swap3A_362, %swap3A_363] {strides = array<i32>} : memref<16x128xf32, #tpu.memory_space<vmem>>, vector<16xf32>,
        tpu.vector_store %arg11[%swap3A_362, %swap3A_363], %mul3A_360 {strides = array<i32>} : memref<16x128xf32, #tpu.memory_space<vmem>>, vector<16xf32>,
        %get3A_365 = arith.constant 3 : i32
        %get3A_366 = arith.index_cast %get3A_365 : i32 to index
        %get3A_367 = arith.constant 112 : index
        %get3A_368 = tpu.vector_load %arg11[%get3A_366, %get3A_367] {strides = array<i32>} : memref<16x128xf32, #tpu.memory_space<vmem>>, vector<16xf32>,
        %mul3A_369 = vector.broadcast %squeeze3A_294 : f32 to vector<16xf32>
        %mul3A_370 = arith.mulf %get3A_368, %mul3A_369 : vector<16xf32>
        %swap3A_371 = arith.constant 3 : i32
        %swap3A_372 = arith.index_cast %swap3A_371 : i32 to index
        %swap3A_373 = arith.constant 112 : index
        %swap3A_374 = tpu.vector_load %arg11[%swap3A_372, %swap3A_373] {strides = array<i32>} : memref<16x128xf32, #tpu.memory_space<vmem>>, vector<16xf32>,
        tpu.vector_store %arg11[%swap3A_372, %swap3A_373], %mul3A_370 {strides = array<i32>} : memref<16x128xf32, #tpu.memory_space<vmem>>, vector<16xf32>,
        %slice3A_375 = vector.extract_strided_slice %get3A_43 {offsets = [4], sizes = [1], strides = [1]} : vector<16xf32> to vector<1xf32>
        %squeeze3A_376 = vector.extract %slice3A_375[0] : f32 from vector<1xf32>
        %get3A_377 = arith.constant 4 : i32
        %get3A_378 = arith.index_cast %get3A_377 : i32 to index
        %get3A_379 = arith.constant 0 : index
        %get3A_380 = tpu.vector_load %arg11[%get3A_378, %get3A_379] {strides = array<i32>} : memref<16x128xf32, #tpu.memory_space<vmem>>, vector<16xf32>,
        %mul3A_381 = vector.broadcast %squeeze3A_376 : f32 to vector<16xf32>
        %mul3A_382 = arith.mulf %get3A_380, %mul3A_381 : vector<16xf32>
        %swap3A_383 = arith.constant 4 : i32
        %swap3A_384 = arith.index_cast %swap3A_383 : i32 to index
        %swap3A_385 = arith.constant 0 : index
        %swap3A_386 = tpu.vector_load %arg11[%swap3A_384, %swap3A_385] {strides = array<i32>} : memref<16x128xf32, #tpu.memory_space<vmem>>, vector<16xf32>,
        tpu.vector_store %arg11[%swap3A_384, %swap3A_385], %mul3A_382 {strides = array<i32>} : memref<16x128xf32, #tpu.memory_space<vmem>>, vector<16xf32>,
        %get3A_387 = arith.constant 4 : i32
        %get3A_388 = arith.index_cast %get3A_387 : i32 to index
        %get3A_389 = arith.constant 16 : index
        %get3A_390 = tpu.vector_load %arg11[%get3A_388, %get3A_389] {strides = array<i32>} : memref<16x128xf32, #tpu.memory_space<vmem>>, vector<16xf32>,
        %mul3A_391 = vector.broadcast %squeeze3A_376 : f32 to vector<16xf32>
        %mul3A_392 = arith.mulf %get3A_390, %mul3A_391 : vector<16xf32>
        %swap3A_393 = arith.constant 4 : i32
        %swap3A_394 = arith.index_cast %swap3A_393 : i32 to index
        %swap3A_395 = arith.constant 16 : index
        %swap3A_396 = tpu.vector_load %arg11[%swap3A_394, %swap3A_395] {strides = array<i32>} : memref<16x128xf32, #tpu.memory_space<vmem>>, vector<16xf32>,
        tpu.vector_store %arg11[%swap3A_394, %swap3A_395], %mul3A_392 {strides = array<i32>} : memref<16x128xf32, #tpu.memory_space<vmem>>, vector<16xf32>,
        %get3A_397 = arith.constant 4 : i32
        %get3A_398 = arith.index_cast %get3A_397 : i32 to index
        %get3A_399 = arith.constant 32 : index
        %get3A_400 = tpu.vector_load %arg11[%get3A_398, %get3A_399] {strides = array<i32>} : memref<16x128xf32, #tpu.memory_space<vmem>>, vector<16xf32>,
        %mul3A_401 = vector.broadcast %squeeze3A_376 : f32 to vector<16xf32>
        %mul3A_402 = arith.mulf %get3A_400, %mul3A_401 : vector<16xf32>
        %swap3A_403 = arith.constant 4 : i32
        %swap3A_404 = arith.index_cast %swap3A_403 : i32 to index
        %swap3A_405 = arith.constant 32 : index
        %swap3A_406 = tpu.vector_load %arg11[%swap3A_404, %swap3A_405] {strides = array<i32>} : memref<16x128xf32, #tpu.memory_space<vmem>>, vector<16xf32>,
        tpu.vector_store %arg11[%swap3A_404, %swap3A_405], %mul3A_402 {strides = array<i32>} : memref<16x128xf32, #tpu.memory_space<vmem>>, vector<16xf32>,
        %get3A_407 = arith.constant 4 : i32
        %get3A_408 = arith.index_cast %get3A_407 : i32 to index
        %get3A_409 = arith.constant 48 : index
        %get3A_410 = tpu.vector_load %arg11[%get3A_408, %get3A_409] {strides = array<i32>} : memref<16x128xf32, #tpu.memory_space<vmem>>, vector<16xf32>,
        %mul3A_411 = vector.broadcast %squeeze3A_376 : f32 to vector<16xf32>
        %mul3A_412 = arith.mulf %get3A_410, %mul3A_411 : vector<16xf32>
        %swap3A_413 = arith.constant 4 : i32
        %swap3A_414 = arith.index_cast %swap3A_413 : i32 to index
        %swap3A_415 = arith.constant 48 : index
        %swap3A_416 = tpu.vector_load %arg11[%swap3A_414, %swap3A_415] {strides = array<i32>} : memref<16x128xf32, #tpu.memory_space<vmem>>, vector<16xf32>,
        tpu.vector_store %arg11[%swap3A_414, %swap3A_415], %mul3A_412 {strides = array<i32>} : memref<16x128xf32, #tpu.memory_space<vmem>>, vector<16xf32>,
        %get3A_417 = arith.constant 4 : i32
        %get3A_418 = arith.index_cast %get3A_417 : i32 to index
        %get3A_419 = arith.constant 64 : index
        %get3A_420 = tpu.vector_load %arg11[%get3A_418, %get3A_419] {strides = array<i32>} : memref<16x128xf32, #tpu.memory_space<vmem>>, vector<16xf32>,
        %mul3A_421 = vector.broadcast %squeeze3A_376 : f32 to vector<16xf32>
        %mul3A_422 = arith.mulf %get3A_420, %mul3A_421 : vector<16xf32>
        %swap3A_423 = arith.constant 4 : i32
        %swap3A_424 = arith.index_cast %swap3A_423 : i32 to index
        %swap3A_425 = arith.constant 64 : index
        %swap3A_426 = tpu.vector_load %arg11[%swap3A_424, %swap3A_425] {strides = array<i32>} : memref<16x128xf32, #tpu.memory_space<vmem>>, vector<16xf32>,
        tpu.vector_store %arg11[%swap3A_424, %swap3A_425], %mul3A_422 {strides = array<i32>} : memref<16x128xf32, #tpu.memory_space<vmem>>, vector<16xf32>,
        %get3A_427 = arith.constant 4 : i32
        %get3A_428 = arith.index_cast %get3A_427 : i32 to index
        %get3A_429 = arith.constant 80 : index
        %get3A_430 = tpu.vector_load %arg11[%get3A_428, %get3A_429] {strides = array<i32>} : memref<16x128xf32, #tpu.memory_space<vmem>>, vector<16xf32>,
        %mul3A_431 = vector.broadcast %squeeze3A_376 : f32 to vector<16xf32>
        %mul3A_432 = arith.mulf %get3A_430, %mul3A_431 : vector<16xf32>
        %swap3A_433 = arith.constant 4 : i32
        %swap3A_434 = arith.index_cast %swap3A_433 : i32 to index
        %swap3A_435 = arith.constant 80 : index
        %swap3A_436 = tpu.vector_load %arg11[%swap3A_434, %swap3A_435] {strides = array<i32>} : memref<16x128xf32, #tpu.memory_space<vmem>>, vector<16xf32>,
        tpu.vector_store %arg11[%swap3A_434, %swap3A_435], %mul3A_432 {strides = array<i32>} : memref<16x128xf32, #tpu.memory_space<vmem>>, vector<16xf32>,
        %get3A_437 = arith.constant 4 : i32
        %get3A_438 = arith.index_cast %get3A_437 : i32 to index
        %get3A_439 = arith.constant 96 : index
        %get3A_440 = tpu.vector_load %arg11[%get3A_438, %get3A_439] {strides = array<i32>} : memref<16x128xf32, #tpu.memory_space<vmem>>, vector<16xf32>,
        %mul3A_441 = vector.broadcast %squeeze3A_376 : f32 to vector<16xf32>
        %mul3A_442 = arith.mulf %get3A_440, %mul3A_441 : vector<16xf32>
        %swap3A_443 = arith.constant 4 : i32
        %swap3A_444 = arith.index_cast %swap3A_443 : i32 to index
        %swap3A_445 = arith.constant 96 : index
        %swap3A_446 = tpu.vector_load %arg11[%swap3A_444, %swap3A_445] {strides = array<i32>} : memref<16x128xf32, #tpu.memory_space<vmem>>, vector<16xf32>,
        tpu.vector_store %arg11[%swap3A_444, %swap3A_445], %mul3A_442 {strides = array<i32>} : memref<16x128xf32, #tpu.memory_space<vmem>>, vector<16xf32>,
        %get3A_447 = arith.constant 4 : i32
        %get3A_448 = arith.index_cast %get3A_447 : i32 to index
        %get3A_449 = arith.constant 112 : index
        %get3A_450 = tpu.vector_load %arg11[%get3A_448, %get3A_449] {strides = array<i32>} : memref<16x128xf32, #tpu.memory_space<vmem>>, vector<16xf32>,
        %mul3A_451 = vector.broadcast %squeeze3A_376 : f32 to vector<16xf32>
        %mul3A_452 = arith.mulf %get3A_450, %mul3A_451 : vector<16xf32>
        %swap3A_453 = arith.constant 4 : i32
        %swap3A_454 = arith.index_cast %swap3A_453 : i32 to index
        %swap3A_455 = arith.constant 112 : index
        %swap3A_456 = tpu.vector_load %arg11[%swap3A_454, %swap3A_455] {strides = array<i32>} : memref<16x128xf32, #tpu.memory_space<vmem>>, vector<16xf32>,
        tpu.vector_store %arg11[%swap3A_454, %swap3A_455], %mul3A_452 {strides = array<i32>} : memref<16x128xf32, #tpu.memory_space<vmem>>, vector<16xf32>,
        %slice3A_457 = vector.extract_strided_slice %get3A_43 {offsets = [5], sizes = [1], strides = [1]} : vector<16xf32> to vector<1xf32>
        %squeeze3A_458 = vector.extract %slice3A_457[0] : f32 from vector<1xf32>
        %get3A_459 = arith.constant 5 : i32
        %get3A_460 = arith.index_cast %get3A_459 : i32 to index
        %get3A_461 = arith.constant 0 : index
        %get3A_462 = tpu.vector_load %arg11[%get3A_460, %get3A_461] {strides = array<i32>} : memref<16x128xf32, #tpu.memory_space<vmem>>, vector<16xf32>,
        %mul3A_463 = vector.broadcast %squeeze3A_458 : f32 to vector<16xf32>
        %mul3A_464 = arith.mulf %get3A_462, %mul3A_463 : vector<16xf32>
        %swap3A_465 = arith.constant 5 : i32
        %swap3A_466 = arith.index_cast %swap3A_465 : i32 to index
        %swap3A_467 = arith.constant 0 : index
        %swap3A_468 = tpu.vector_load %arg11[%swap3A_466, %swap3A_467] {strides = array<i32>} : memref<16x128xf32, #tpu.memory_space<vmem>>, vector<16xf32>,
        tpu.vector_store %arg11[%swap3A_466, %swap3A_467], %mul3A_464 {strides = array<i32>} : memref<16x128xf32, #tpu.memory_space<vmem>>, vector<16xf32>,
        %get3A_469 = arith.constant 5 : i32
        %get3A_470 = arith.index_cast %get3A_469 : i32 to index
        %get3A_471 = arith.constant 16 : index
        %get3A_472 = tpu.vector_load %arg11[%get3A_470, %get3A_471] {strides = array<i32>} : memref<16x128xf32, #tpu.memory_space<vmem>>, vector<16xf32>,
        %mul3A_473 = vector.broadcast %squeeze3A_458 : f32 to vector<16xf32>
        %mul3A_474 = arith.mulf %get3A_472, %mul3A_473 : vector<16xf32>
        %swap3A_475 = arith.constant 5 : i32
        %swap3A_476 = arith.index_cast %swap3A_475 : i32 to index
        %swap3A_477 = arith.constant 16 : index
        %swap3A_478 = tpu.vector_load %arg11[%swap3A_476, %swap3A_477] {strides = array<i32>} : memref<16x128xf32, #tpu.memory_space<vmem>>, vector<16xf32>,
        tpu.vector_store %arg11[%swap3A_476, %swap3A_477], %mul3A_474 {strides = array<i32>} : memref<16x128xf32, #tpu.memory_space<vmem>>, vector<16xf32>,
        %get3A_479 = arith.constant 5 : i32
        %get3A_480 = arith.index_cast %get3A_479 : i32 to index
        %get3A_481 = arith.constant 32 : index
        %get3A_482 = tpu.vector_load %arg11[%get3A_480, %get3A_481] {strides = array<i32>} : memref<16x128xf32, #tpu.memory_space<vmem>>, vector<16xf32>,
        %mul3A_483 = vector.broadcast %squeeze3A_458 : f32 to vector<16xf32>
        %mul3A_484 = arith.mulf %get3A_482, %mul3A_483 : vector<16xf32>
        %swap3A_485 = arith.constant 5 : i32
        %swap3A_486 = arith.index_cast %swap3A_485 : i32 to index
        %swap3A_487 = arith.constant 32 : index
        %swap3A_488 = tpu.vector_load %arg11[%swap3A_486, %swap3A_487] {strides = array<i32>} : memref<16x128xf32, #tpu.memory_space<vmem>>, vector<16xf32>,
        tpu.vector_store %arg11[%swap3A_486, %swap3A_487], %mul3A_484 {strides = array<i32>} : memref<16x128xf32, #tpu.memory_space<vmem>>, vector<16xf32>,
        %get3A_489 = arith.constant 5 : i32
        %get3A_490 = arith.index_cast %get3A_489 : i32 to index
        %get3A_491 = arith.constant 48 : index
        %get3A_492 = tpu.vector_load %arg11[%get3A_490, %get3A_491] {strides = array<i32>} : memref<16x128xf32, #tpu.memory_space<vmem>>, vector<16xf32>,
        %mul3A_493 = vector.broadcast %squeeze3A_458 : f32 to vector<16xf32>
        %mul3A_494 = arith.mulf %get3A_492, %mul3A_493 : vector<16xf32>
        %swap3A_495 = arith.constant 5 : i32
        %swap3A_496 = arith.index_cast %swap3A_495 : i32 to index
        %swap3A_497 = arith.constant 48 : index
        %swap3A_498 = tpu.vector_load %arg11[%swap3A_496, %swap3A_497] {strides = array<i32>} : memref<16x128xf32, #tpu.memory_space<vmem>>, vector<16xf32>,
        tpu.vector_store %arg11[%swap3A_496, %swap3A_497], %mul3A_494 {strides = array<i32>} : memref<16x128xf32, #tpu.memory_space<vmem>>, vector<16xf32>,
        %get3A_499 = arith.constant 5 : i32
        %get3A_500 = arith.index_cast %get3A_499 : i32 to index
        %get3A_501 = arith.constant 64 : index
        %get3A_502 = tpu.vector_load %arg11[%get3A_500, %get3A_501] {strides = array<i32>} : memref<16x128xf32, #tpu.memory_space<vmem>>, vector<16xf32>,
        %mul3A_503 = vector.broadcast %squeeze3A_458 : f32 to vector<16xf32>
        %mul3A_504 = arith.mulf %get3A_502, %mul3A_503 : vector<16xf32>
        %swap3A_505 = arith.constant 5 : i32
        %swap3A_506 = arith.index_cast %swap3A_505 : i32 to index
        %swap3A_507 = arith.constant 64 : index
        %swap3A_508 = tpu.vector_load %arg11[%swap3A_506, %swap3A_507] {strides = array<i32>} : memref<16x128xf32, #tpu.memory_space<vmem>>, vector<16xf32>,
        tpu.vector_store %arg11[%swap3A_506, %swap3A_507], %mul3A_504 {strides = array<i32>} : memref<16x128xf32, #tpu.memory_space<vmem>>, vector<16xf32>,
        %get3A_509 = arith.constant 5 : i32
        %get3A_510 = arith.index_cast %get3A_509 : i32 to index
        %get3A_511 = arith.constant 80 : index
        %get3A_512 = tpu.vector_load %arg11[%get3A_510, %get3A_511] {strides = array<i32>} : memref<16x128xf32, #tpu.memory_space<vmem>>, vector<16xf32>,
        %mul3A_513 = vector.broadcast %squeeze3A_458 : f32 to vector<16xf32>
        %mul3A_514 = arith.mulf %get3A_512, %mul3A_513 : vector<16xf32>
        %swap3A_515 = arith.constant 5 : i32
        %swap3A_516 = arith.index_cast %swap3A_515 : i32 to index
        %swap3A_517 = arith.constant 80 : index
        %swap3A_518 = tpu.vector_load %arg11[%swap3A_516, %swap3A_517] {strides = array<i32>} : memref<16x128xf32, #tpu.memory_space<vmem>>, vector<16xf32>,
        tpu.vector_store %arg11[%swap3A_516, %swap3A_517], %mul3A_514 {strides = array<i32>} : memref<16x128xf32, #tpu.memory_space<vmem>>, vector<16xf32>,
        %get3A_519 = arith.constant 5 : i32
        %get3A_520 = arith.index_cast %get3A_519 : i32 to index
        %get3A_521 = arith.constant 96 : index
        %get3A_522 = tpu.vector_load %arg11[%get3A_520, %get3A_521] {strides = array<i32>} : memref<16x128xf32, #tpu.memory_space<vmem>>, vector<16xf32>,
        %mul3A_523 = vector.broadcast %squeeze3A_458 : f32 to vector<16xf32>
        %mul3A_524 = arith.mulf %get3A_522, %mul3A_523 : vector<16xf32>
        %swap3A_525 = arith.constant 5 : i32
        %swap3A_526 = arith.index_cast %swap3A_525 : i32 to index
        %swap3A_527 = arith.constant 96 : index
        %swap3A_528 = tpu.vector_load %arg11[%swap3A_526, %swap3A_527] {strides = array<i32>} : memref<16x128xf32, #tpu.memory_space<vmem>>, vector<16xf32>,
        tpu.vector_store %arg11[%swap3A_526, %swap3A_527], %mul3A_524 {strides = array<i32>} : memref<16x128xf32, #tpu.memory_space<vmem>>, vector<16xf32>,
        %get3A_529 = arith.constant 5 : i32
        %get3A_530 = arith.index_cast %get3A_529 : i32 to index
        %get3A_531 = arith.constant 112 : index
        %get3A_532 = tpu.vector_load %arg11[%get3A_530, %get3A_531] {strides = array<i32>} : memref<16x128xf32, #tpu.memory_space<vmem>>, vector<16xf32>,
        %mul3A_533 = vector.broadcast %squeeze3A_458 : f32 to vector<16xf32>
        %mul3A_534 = arith.mulf %get3A_532, %mul3A_533 : vector<16xf32>
        %swap3A_535 = arith.constant 5 : i32
        %swap3A_536 = arith.index_cast %swap3A_535 : i32 to index
        %swap3A_537 = arith.constant 112 : index
        %swap3A_538 = tpu.vector_load %arg11[%swap3A_536, %swap3A_537] {strides = array<i32>} : memref<16x128xf32, #tpu.memory_space<vmem>>, vector<16xf32>,
        tpu.vector_store %arg11[%swap3A_536, %swap3A_537], %mul3A_534 {strides = array<i32>} : memref<16x128xf32, #tpu.memory_space<vmem>>, vector<16xf32>,
        %slice3A_539 = vector.extract_strided_slice %get3A_43 {offsets = [6], sizes = [1], strides = [1]} : vector<16xf32> to vector<1xf32>
        %squeeze3A_540 = vector.extract %slice3A_539[0] : f32 from vector<1xf32>
        %get3A_541 = arith.constant 6 : i32
        %get3A_542 = arith.index_cast %get3A_541 : i32 to index
        %get3A_543 = arith.constant 0 : index
        %get3A_544 = tpu.vector_load %arg11[%get3A_542, %get3A_543] {strides = array<i32>} : memref<16x128xf32, #tpu.memory_space<vmem>>, vector<16xf32>,
        %mul3A_545 = vector.broadcast %squeeze3A_540 : f32 to vector<16xf32>
        %mul3A_546 = arith.mulf %get3A_544, %mul3A_545 : vector<16xf32>
        %swap3A_547 = arith.constant 6 : i32
        %swap3A_548 = arith.index_cast %swap3A_547 : i32 to index
        %swap3A_549 = arith.constant 0 : index
        %swap3A_550 = tpu.vector_load %arg11[%swap3A_548, %swap3A_549] {strides = array<i32>} : memref<16x128xf32, #tpu.memory_space<vmem>>, vector<16xf32>,
        tpu.vector_store %arg11[%swap3A_548, %swap3A_549], %mul3A_546 {strides = array<i32>} : memref<16x128xf32, #tpu.memory_space<vmem>>, vector<16xf32>,
        %get3A_551 = arith.constant 6 : i32
        %get3A_552 = arith.index_cast %get3A_551 : i32 to index
        %get3A_553 = arith.constant 16 : index
        %get3A_554 = tpu.vector_load %arg11[%get3A_552, %get3A_553] {strides = array<i32>} : memref<16x128xf32, #tpu.memory_space<vmem>>, vector<16xf32>,
        %mul3A_555 = vector.broadcast %squeeze3A_540 : f32 to vector<16xf32>
        %mul3A_556 = arith.mulf %get3A_554, %mul3A_555 : vector<16xf32>
        %swap3A_557 = arith.constant 6 : i32
        %swap3A_558 = arith.index_cast %swap3A_557 : i32 to index
        %swap3A_559 = arith.constant 16 : index
        %swap3A_560 = tpu.vector_load %arg11[%swap3A_558, %swap3A_559] {strides = array<i32>} : memref<16x128xf32, #tpu.memory_space<vmem>>, vector<16xf32>,
        tpu.vector_store %arg11[%swap3A_558, %swap3A_559], %mul3A_556 {strides = array<i32>} : memref<16x128xf32, #tpu.memory_space<vmem>>, vector<16xf32>,
        %get3A_561 = arith.constant 6 : i32
        %get3A_562 = arith.index_cast %get3A_561 : i32 to index
        %get3A_563 = arith.constant 32 : index
        %get3A_564 = tpu.vector_load %arg11[%get3A_562, %get3A_563] {strides = array<i32>} : memref<16x128xf32, #tpu.memory_space<vmem>>, vector<16xf32>,
        %mul3A_565 = vector.broadcast %squeeze3A_540 : f32 to vector<16xf32>
        %mul3A_566 = arith.mulf %get3A_564, %mul3A_565 : vector<16xf32>
        %swap3A_567 = arith.constant 6 : i32
        %swap3A_568 = arith.index_cast %swap3A_567 : i32 to index
        %swap3A_569 = arith.constant 32 : index
        %swap3A_570 = tpu.vector_load %arg11[%swap3A_568, %swap3A_569] {strides = array<i32>} : memref<16x128xf32, #tpu.memory_space<vmem>>, vector<16xf32>,
        tpu.vector_store %arg11[%swap3A_568, %swap3A_569], %mul3A_566 {strides = array<i32>} : memref<16x128xf32, #tpu.memory_space<vmem>>, vector<16xf32>,
        %get3A_571 = arith.constant 6 : i32
        %get3A_572 = arith.index_cast %get3A_571 : i32 to index
        %get3A_573 = arith.constant 48 : index
        %get3A_574 = tpu.vector_load %arg11[%get3A_572, %get3A_573] {strides = array<i32>} : memref<16x128xf32, #tpu.memory_space<vmem>>, vector<16xf32>,
        %mul3A_575 = vector.broadcast %squeeze3A_540 : f32 to vector<16xf32>
        %mul3A_576 = arith.mulf %get3A_574, %mul3A_575 : vector<16xf32>
        %swap3A_577 = arith.constant 6 : i32
        %swap3A_578 = arith.index_cast %swap3A_577 : i32 to index
        %swap3A_579 = arith.constant 48 : index
        %swap3A_580 = tpu.vector_load %arg11[%swap3A_578, %swap3A_579] {strides = array<i32>} : memref<16x128xf32, #tpu.memory_space<vmem>>, vector<16xf32>,
        tpu.vector_store %arg11[%swap3A_578, %swap3A_579], %mul3A_576 {strides = array<i32>} : memref<16x128xf32, #tpu.memory_space<vmem>>, vector<16xf32>,
        %get3A_581 = arith.constant 6 : i32
        %get3A_582 = arith.index_cast %get3A_581 : i32 to index
        %get3A_583 = arith.constant 64 : index
        %get3A_584 = tpu.vector_load %arg11[%get3A_582, %get3A_583] {strides = array<i32>} : memref<16x128xf32, #tpu.memory_space<vmem>>, vector<16xf32>,
        %mul3A_585 = vector.broadcast %squeeze3A_540 : f32 to vector<16xf32>
        %mul3A_586 = arith.mulf %get3A_584, %mul3A_585 : vector<16xf32>
        %swap3A_587 = arith.constant 6 : i32
        %swap3A_588 = arith.index_cast %swap3A_587 : i32 to index
        %swap3A_589 = arith.constant 64 : index
        %swap3A_590 = tpu.vector_load %arg11[%swap3A_588, %swap3A_589] {strides = array<i32>} : memref<16x128xf32, #tpu.memory_space<vmem>>, vector<16xf32>,
        tpu.vector_store %arg11[%swap3A_588, %swap3A_589], %mul3A_586 {strides = array<i32>} : memref<16x128xf32, #tpu.memory_space<vmem>>, vector<16xf32>,
        %get3A_591 = arith.constant 6 : i32
        %get3A_592 = arith.index_cast %get3A_591 : i32 to index
        %get3A_593 = arith.constant 80 : index
        %get3A_594 = tpu.vector_load %arg11[%get3A_592, %get3A_593] {strides = array<i32>} : memref<16x128xf32, #tpu.memory_space<vmem>>, vector<16xf32>,
        %mul3A_595 = vector.broadcast %squeeze3A_540 : f32 to vector<16xf32>
        %mul3A_596 = arith.mulf %get3A_594, %mul3A_595 : vector<16xf32>
        %swap3A_597 = arith.constant 6 : i32
        %swap3A_598 = arith.index_cast %swap3A_597 : i32 to index
        %swap3A_599 = arith.constant 80 : index
        %swap3A_600 = tpu.vector_load %arg11[%swap3A_598, %swap3A_599] {strides = array<i32>} : memref<16x128xf32, #tpu.memory_space<vmem>>, vector<16xf32>,
        tpu.vector_store %arg11[%swap3A_598, %swap3A_599], %mul3A_596 {strides = array<i32>} : memref<16x128xf32, #tpu.memory_space<vmem>>, vector<16xf32>,
        %get3A_601 = arith.constant 6 : i32
        %get3A_602 = arith.index_cast %get3A_601 : i32 to index
        %get3A_603 = arith.constant 96 : index
        %get3A_604 = tpu.vector_load %arg11[%get3A_602, %get3A_603] {strides = array<i32>} : memref<16x128xf32, #tpu.memory_space<vmem>>, vector<16xf32>,
        %mul3A_605 = vector.broadcast %squeeze3A_540 : f32 to vector<16xf32>
        %mul3A_606 = arith.mulf %get3A_604, %mul3A_605 : vector<16xf32>
        %swap3A_607 = arith.constant 6 : i32
        %swap3A_608 = arith.index_cast %swap3A_607 : i32 to index
        %swap3A_609 = arith.constant 96 : index
        %swap3A_610 = tpu.vector_load %arg11[%swap3A_608, %swap3A_609] {strides = array<i32>} : memref<16x128xf32, #tpu.memory_space<vmem>>, vector<16xf32>,
        tpu.vector_store %arg11[%swap3A_608, %swap3A_609], %mul3A_606 {strides = array<i32>} : memref<16x128xf32, #tpu.memory_space<vmem>>, vector<16xf32>,
        %get3A_611 = arith.constant 6 : i32
        %get3A_612 = arith.index_cast %get3A_611 : i32 to index
        %get3A_613 = arith.constant 112 : index
        %get3A_614 = tpu.vector_load %arg11[%get3A_612, %get3A_613] {strides = array<i32>} : memref<16x128xf32, #tpu.memory_space<vmem>>, vector<16xf32>,
        %mul3A_615 = vector.broadcast %squeeze3A_540 : f32 to vector<16xf32>
        %mul3A_616 = arith.mulf %get3A_614, %mul3A_615 : vector<16xf32>
        %swap3A_617 = arith.constant 6 : i32
        %swap3A_618 = arith.index_cast %swap3A_617 : i32 to index
        %swap3A_619 = arith.constant 112 : index
        %swap3A_620 = tpu.vector_load %arg11[%swap3A_618, %swap3A_619] {strides = array<i32>} : memref<16x128xf32, #tpu.memory_space<vmem>>, vector<16xf32>,
        tpu.vector_store %arg11[%swap3A_618, %swap3A_619], %mul3A_616 {strides = array<i32>} : memref<16x128xf32, #tpu.memory_space<vmem>>, vector<16xf32>,
        %slice3A_621 = vector.extract_strided_slice %get3A_43 {offsets = [7], sizes = [1], strides = [1]} : vector<16xf32> to vector<1xf32>
        %squeeze3A_622 = vector.extract %slice3A_621[0] : f32 from vector<1xf32>
        %get3A_623 = arith.constant 7 : i32
        %get3A_624 = arith.index_cast %get3A_623 : i32 to index
        %get3A_625 = arith.constant 0 : index
        %get3A_626 = tpu.vector_load %arg11[%get3A_624, %get3A_625] {strides = array<i32>} : memref<16x128xf32, #tpu.memory_space<vmem>>, vector<16xf32>,
        %mul3A_627 = vector.broadcast %squeeze3A_622 : f32 to vector<16xf32>
        %mul3A_628 = arith.mulf %get3A_626, %mul3A_627 : vector<16xf32>
        %swap3A_629 = arith.constant 7 : i32
        %swap3A_630 = arith.index_cast %swap3A_629 : i32 to index
        %swap3A_631 = arith.constant 0 : index
        %swap3A_632 = tpu.vector_load %arg11[%swap3A_630, %swap3A_631] {strides = array<i32>} : memref<16x128xf32, #tpu.memory_space<vmem>>, vector<16xf32>,
        tpu.vector_store %arg11[%swap3A_630, %swap3A_631], %mul3A_628 {strides = array<i32>} : memref<16x128xf32, #tpu.memory_space<vmem>>, vector<16xf32>,
        %get3A_633 = arith.constant 7 : i32
        %get3A_634 = arith.index_cast %get3A_633 : i32 to index
        %get3A_635 = arith.constant 16 : index
        %get3A_636 = tpu.vector_load %arg11[%get3A_634, %get3A_635] {strides = array<i32>} : memref<16x128xf32, #tpu.memory_space<vmem>>, vector<16xf32>,
        %mul3A_637 = vector.broadcast %squeeze3A_622 : f32 to vector<16xf32>
        %mul3A_638 = arith.mulf %get3A_636, %mul3A_637 : vector<16xf32>
        %swap3A_639 = arith.constant 7 : i32
        %swap3A_640 = arith.index_cast %swap3A_639 : i32 to index
        %swap3A_641 = arith.constant 16 : index
        %swap3A_642 = tpu.vector_load %arg11[%swap3A_640, %swap3A_641] {strides = array<i32>} : memref<16x128xf32, #tpu.memory_space<vmem>>, vector<16xf32>,
        tpu.vector_store %arg11[%swap3A_640, %swap3A_641], %mul3A_638 {strides = array<i32>} : memref<16x128xf32, #tpu.memory_space<vmem>>, vector<16xf32>,
        %get3A_643 = arith.constant 7 : i32
        %get3A_644 = arith.index_cast %get3A_643 : i32 to index
        %get3A_645 = arith.constant 32 : index
        %get3A_646 = tpu.vector_load %arg11[%get3A_644, %get3A_645] {strides = array<i32>} : memref<16x128xf32, #tpu.memory_space<vmem>>, vector<16xf32>,
        %mul3A_647 = vector.broadcast %squeeze3A_622 : f32 to vector<16xf32>
        %mul3A_648 = arith.mulf %get3A_646, %mul3A_647 : vector<16xf32>
        %swap3A_649 = arith.constant 7 : i32
        %swap3A_650 = arith.index_cast %swap3A_649 : i32 to index
        %swap3A_651 = arith.constant 32 : index
        %swap3A_652 = tpu.vector_load %arg11[%swap3A_650, %swap3A_651] {strides = array<i32>} : memref<16x128xf32, #tpu.memory_space<vmem>>, vector<16xf32>,
        tpu.vector_store %arg11[%swap3A_650, %swap3A_651], %mul3A_648 {strides = array<i32>} : memref<16x128xf32, #tpu.memory_space<vmem>>, vector<16xf32>,
        %get3A_653 = arith.constant 7 : i32
        %get3A_654 = arith.index_cast %get3A_653 : i32 to index
        %get3A_655 = arith.constant 48 : index
        %get3A_656 = tpu.vector_load %arg11[%get3A_654, %get3A_655] {strides = array<i32>} : memref<16x128xf32, #tpu.memory_space<vmem>>, vector<16xf32>,
        %mul3A_657 = vector.broadcast %squeeze3A_622 : f32 to vector<16xf32>
        %mul3A_658 = arith.mulf %get3A_656, %mul3A_657 : vector<16xf32>
        %swap3A_659 = arith.constant 7 : i32
        %swap3A_660 = arith.index_cast %swap3A_659 : i32 to index
        %swap3A_661 = arith.constant 48 : index
        %swap3A_662 = tpu.vector_load %arg11[%swap3A_660, %swap3A_661] {strides = array<i32>} : memref<16x128xf32, #tpu.memory_space<vmem>>, vector<16xf32>,
        tpu.vector_store %arg11[%swap3A_660, %swap3A_661], %mul3A_658 {strides = array<i32>} : memref<16x128xf32, #tpu.memory_space<vmem>>, vector<16xf32>,
        %get3A_663 = arith.constant 7 : i32
        %get3A_664 = arith.index_cast %get3A_663 : i32 to index
        %get3A_665 = arith.constant 64 : index
        %get3A_666 = tpu.vector_load %arg11[%get3A_664, %get3A_665] {strides = array<i32>} : memref<16x128xf32, #tpu.memory_space<vmem>>, vector<16xf32>,
        %mul3A_667 = vector.broadcast %squeeze3A_622 : f32 to vector<16xf32>
        %mul3A_668 = arith.mulf %get3A_666, %mul3A_667 : vector<16xf32>
        %swap3A_669 = arith.constant 7 : i32
        %swap3A_670 = arith.index_cast %swap3A_669 : i32 to index
        %swap3A_671 = arith.constant 64 : index
        %swap3A_672 = tpu.vector_load %arg11[%swap3A_670, %swap3A_671] {strides = array<i32>} : memref<16x128xf32, #tpu.memory_space<vmem>>, vector<16xf32>,
        tpu.vector_store %arg11[%swap3A_670, %swap3A_671], %mul3A_668 {strides = array<i32>} : memref<16x128xf32, #tpu.memory_space<vmem>>, vector<16xf32>,
        %get3A_673 = arith.constant 7 : i32
        %get3A_674 = arith.index_cast %get3A_673 : i32 to index
        %get3A_675 = arith.constant 80 : index
        %get3A_676 = tpu.vector_load %arg11[%get3A_674, %get3A_675] {strides = array<i32>} : memref<16x128xf32, #tpu.memory_space<vmem>>, vector<16xf32>,
        %mul3A_677 = vector.broadcast %squeeze3A_622 : f32 to vector<16xf32>
        %mul3A_678 = arith.mulf %get3A_676, %mul3A_677 : vector<16xf32>
        %swap3A_679 = arith.constant 7 : i32
        %swap3A_680 = arith.index_cast %swap3A_679 : i32 to index
        %swap3A_681 = arith.constant 80 : index
        %swap3A_682 = tpu.vector_load %arg11[%swap3A_680, %swap3A_681] {strides = array<i32>} : memref<16x128xf32, #tpu.memory_space<vmem>>, vector<16xf32>,
        tpu.vector_store %arg11[%swap3A_680, %swap3A_681], %mul3A_678 {strides = array<i32>} : memref<16x128xf32, #tpu.memory_space<vmem>>, vector<16xf32>,
        %get3A_683 = arith.constant 7 : i32
        %get3A_684 = arith.index_cast %get3A_683 : i32 to index
        %get3A_685 = arith.constant 96 : index
        %get3A_686 = tpu.vector_load %arg11[%get3A_684, %get3A_685] {strides = array<i32>} : memref<16x128xf32, #tpu.memory_space<vmem>>, vector<16xf32>,
        %mul3A_687 = vector.broadcast %squeeze3A_622 : f32 to vector<16xf32>
        %mul3A_688 = arith.mulf %get3A_686, %mul3A_687 : vector<16xf32>
        %swap3A_689 = arith.constant 7 : i32
        %swap3A_690 = arith.index_cast %swap3A_689 : i32 to index
        %swap3A_691 = arith.constant 96 : index
        %swap3A_692 = tpu.vector_load %arg11[%swap3A_690, %swap3A_691] {strides = array<i32>} : memref<16x128xf32, #tpu.memory_space<vmem>>, vector<16xf32>,
        tpu.vector_store %arg11[%swap3A_690, %swap3A_691], %mul3A_688 {strides = array<i32>} : memref<16x128xf32, #tpu.memory_space<vmem>>, vector<16xf32>,
        %get3A_693 = arith.constant 7 : i32
        %get3A_694 = arith.index_cast %get3A_693 : i32 to index
        %get3A_695 = arith.constant 112 : index
        %get3A_696 = tpu.vector_load %arg11[%get3A_694, %get3A_695] {strides = array<i32>} : memref<16x128xf32, #tpu.memory_space<vmem>>, vector<16xf32>,
        %mul3A_697 = vector.broadcast %squeeze3A_622 : f32 to vector<16xf32>
        %mul3A_698 = arith.mulf %get3A_696, %mul3A_697 : vector<16xf32>
        %swap3A_699 = arith.constant 7 : i32
        %swap3A_700 = arith.index_cast %swap3A_699 : i32 to index
        %swap3A_701 = arith.constant 112 : index
        %swap3A_702 = tpu.vector_load %arg11[%swap3A_700, %swap3A_701] {strides = array<i32>} : memref<16x128xf32, #tpu.memory_space<vmem>>, vector<16xf32>,
        tpu.vector_store %arg11[%swap3A_700, %swap3A_701], %mul3A_698 {strides = array<i32>} : memref<16x128xf32, #tpu.memory_space<vmem>>, vector<16xf32>,
        %slice3A_703 = vector.extract_strided_slice %get3A_43 {offsets = [8], sizes = [1], strides = [1]} : vector<16xf32> to vector<1xf32>
        %squeeze3A_704 = vector.extract %slice3A_703[0] : f32 from vector<1xf32>
        %get3A_705 = arith.constant 8 : i32
        %get3A_706 = arith.index_cast %get3A_705 : i32 to index
        %get3A_707 = arith.constant 0 : index
        %get3A_708 = tpu.vector_load %arg11[%get3A_706, %get3A_707] {strides = array<i32>} : memref<16x128xf32, #tpu.memory_space<vmem>>, vector<16xf32>,
        %mul3A_709 = vector.broadcast %squeeze3A_704 : f32 to vector<16xf32>
        %mul3A_710 = arith.mulf %get3A_708, %mul3A_709 : vector<16xf32>
        %swap3A_711 = arith.constant 8 : i32
        %swap3A_712 = arith.index_cast %swap3A_711 : i32 to index
        %swap3A_713 = arith.constant 0 : index
        %swap3A_714 = tpu.vector_load %arg11[%swap3A_712, %swap3A_713] {strides = array<i32>} : memref<16x128xf32, #tpu.memory_space<vmem>>, vector<16xf32>,
        tpu.vector_store %arg11[%swap3A_712, %swap3A_713], %mul3A_710 {strides = array<i32>} : memref<16x128xf32, #tpu.memory_space<vmem>>, vector<16xf32>,
        %get3A_715 = arith.constant 8 : i32
        %get3A_716 = arith.index_cast %get3A_715 : i32 to index
        %get3A_717 = arith.constant 16 : index
        %get3A_718 = tpu.vector_load %arg11[%get3A_716, %get3A_717] {strides = array<i32>} : memref<16x128xf32, #tpu.memory_space<vmem>>, vector<16xf32>,
        %mul3A_719 = vector.broadcast %squeeze3A_704 : f32 to vector<16xf32>
        %mul3A_720 = arith.mulf %get3A_718, %mul3A_719 : vector<16xf32>
        %swap3A_721 = arith.constant 8 : i32
        %swap3A_722 = arith.index_cast %swap3A_721 : i32 to index
        %swap3A_723 = arith.constant 16 : index
        %swap3A_724 = tpu.vector_load %arg11[%swap3A_722, %swap3A_723] {strides = array<i32>} : memref<16x128xf32, #tpu.memory_space<vmem>>, vector<16xf32>,
        tpu.vector_store %arg11[%swap3A_722, %swap3A_723], %mul3A_720 {strides = array<i32>} : memref<16x128xf32, #tpu.memory_space<vmem>>, vector<16xf32>,
        %get3A_725 = arith.constant 8 : i32
        %get3A_726 = arith.index_cast %get3A_725 : i32 to index
        %get3A_727 = arith.constant 32 : index
        %get3A_728 = tpu.vector_load %arg11[%get3A_726, %get3A_727] {strides = array<i32>} : memref<16x128xf32, #tpu.memory_space<vmem>>, vector<16xf32>,
        %mul3A_729 = vector.broadcast %squeeze3A_704 : f32 to vector<16xf32>
        %mul3A_730 = arith.mulf %get3A_728, %mul3A_729 : vector<16xf32>
        %swap3A_731 = arith.constant 8 : i32
        %swap3A_732 = arith.index_cast %swap3A_731 : i32 to index
        %swap3A_733 = arith.constant 32 : index
        %swap3A_734 = tpu.vector_load %arg11[%swap3A_732, %swap3A_733] {strides = array<i32>} : memref<16x128xf32, #tpu.memory_space<vmem>>, vector<16xf32>,
        tpu.vector_store %arg11[%swap3A_732, %swap3A_733], %mul3A_730 {strides = array<i32>} : memref<16x128xf32, #tpu.memory_space<vmem>>, vector<16xf32>,
        %get3A_735 = arith.constant 8 : i32
        %get3A_736 = arith.index_cast %get3A_735 : i32 to index
        %get3A_737 = arith.constant 48 : index
        %get3A_738 = tpu.vector_load %arg11[%get3A_736, %get3A_737] {strides = array<i32>} : memref<16x128xf32, #tpu.memory_space<vmem>>, vector<16xf32>,
        %mul3A_739 = vector.broadcast %squeeze3A_704 : f32 to vector<16xf32>
        %mul3A_740 = arith.mulf %get3A_738, %mul3A_739 : vector<16xf32>
        %swap3A_741 = arith.constant 8 : i32
        %swap3A_742 = arith.index_cast %swap3A_741 : i32 to index
        %swap3A_743 = arith.constant 48 : index
        %swap3A_744 = tpu.vector_load %arg11[%swap3A_742, %swap3A_743] {strides = array<i32>} : memref<16x128xf32, #tpu.memory_space<vmem>>, vector<16xf32>,
        tpu.vector_store %arg11[%swap3A_742, %swap3A_743], %mul3A_740 {strides = array<i32>} : memref<16x128xf32, #tpu.memory_space<vmem>>, vector<16xf32>,
        %get3A_745 = arith.constant 8 : i32
        %get3A_746 = arith.index_cast %get3A_745 : i32 to index
        %get3A_747 = arith.constant 64 : index
        %get3A_748 = tpu.vector_load %arg11[%get3A_746, %get3A_747] {strides = array<i32>} : memref<16x128xf32, #tpu.memory_space<vmem>>, vector<16xf32>,
        %mul3A_749 = vector.broadcast %squeeze3A_704 : f32 to vector<16xf32>
        %mul3A_750 = arith.mulf %get3A_748, %mul3A_749 : vector<16xf32>
        %swap3A_751 = arith.constant 8 : i32
        %swap3A_752 = arith.index_cast %swap3A_751 : i32 to index
        %swap3A_753 = arith.constant 64 : index
        %swap3A_754 = tpu.vector_load %arg11[%swap3A_752, %swap3A_753] {strides = array<i32>} : memref<16x128xf32, #tpu.memory_space<vmem>>, vector<16xf32>,
        tpu.vector_store %arg11[%swap3A_752, %swap3A_753], %mul3A_750 {strides = array<i32>} : memref<16x128xf32, #tpu.memory_space<vmem>>, vector<16xf32>,
        %get3A_755 = arith.constant 8 : i32
        %get3A_756 = arith.index_cast %get3A_755 : i32 to index
        %get3A_757 = arith.constant 80 : index
        %get3A_758 = tpu.vector_load %arg11[%get3A_756, %get3A_757] {strides = array<i32>} : memref<16x128xf32, #tpu.memory_space<vmem>>, vector<16xf32>,
        %mul3A_759 = vector.broadcast %squeeze3A_704 : f32 to vector<16xf32>
        %mul3A_760 = arith.mulf %get3A_758, %mul3A_759 : vector<16xf32>
        %swap3A_761 = arith.constant 8 : i32
        %swap3A_762 = arith.index_cast %swap3A_761 : i32 to index
        %swap3A_763 = arith.constant 80 : index
        %swap3A_764 = tpu.vector_load %arg11[%swap3A_762, %swap3A_763] {strides = array<i32>} : memref<16x128xf32, #tpu.memory_space<vmem>>, vector<16xf32>,
        tpu.vector_store %arg11[%swap3A_762, %swap3A_763], %mul3A_760 {strides = array<i32>} : memref<16x128xf32, #tpu.memory_space<vmem>>, vector<16xf32>,
        %get3A_765 = arith.constant 8 : i32
        %get3A_766 = arith.index_cast %get3A_765 : i32 to index
        %get3A_767 = arith.constant 96 : index
        %get3A_768 = tpu.vector_load %arg11[%get3A_766, %get3A_767] {strides = array<i32>} : memref<16x128xf32, #tpu.memory_space<vmem>>, vector<16xf32>,
        %mul3A_769 = vector.broadcast %squeeze3A_704 : f32 to vector<16xf32>
        %mul3A_770 = arith.mulf %get3A_768, %mul3A_769 : vector<16xf32>
        %swap3A_771 = arith.constant 8 : i32
        %swap3A_772 = arith.index_cast %swap3A_771 : i32 to index
        %swap3A_773 = arith.constant 96 : index
        %swap3A_774 = tpu.vector_load %arg11[%swap3A_772, %swap3A_773] {strides = array<i32>} : memref<16x128xf32, #tpu.memory_space<vmem>>, vector<16xf32>,
        tpu.vector_store %arg11[%swap3A_772, %swap3A_773], %mul3A_770 {strides = array<i32>} : memref<16x128xf32, #tpu.memory_space<vmem>>, vector<16xf32>,
        %get3A_775 = arith.constant 8 : i32
        %get3A_776 = arith.index_cast %get3A_775 : i32 to index
        %get3A_777 = arith.constant 112 : index
        %get3A_778 = tpu.vector_load %arg11[%get3A_776, %get3A_777] {strides = array<i32>} : memref<16x128xf32, #tpu.memory_space<vmem>>, vector<16xf32>,
        %mul3A_779 = vector.broadcast %squeeze3A_704 : f32 to vector<16xf32>
        %mul3A_780 = arith.mulf %get3A_778, %mul3A_779 : vector<16xf32>
        %swap3A_781 = arith.constant 8 : i32
        %swap3A_782 = arith.index_cast %swap3A_781 : i32 to index
        %swap3A_783 = arith.constant 112 : index
        %swap3A_784 = tpu.vector_load %arg11[%swap3A_782, %swap3A_783] {strides = array<i32>} : memref<16x128xf32, #tpu.memory_space<vmem>>, vector<16xf32>,
        tpu.vector_store %arg11[%swap3A_782, %swap3A_783], %mul3A_780 {strides = array<i32>} : memref<16x128xf32, #tpu.memory_space<vmem>>, vector<16xf32>,
        %slice3A_785 = vector.extract_strided_slice %get3A_43 {offsets = [9], sizes = [1], strides = [1]} : vector<16xf32> to vector<1xf32>
        %squeeze3A_786 = vector.extract %slice3A_785[0] : f32 from vector<1xf32>
        %get3A_787 = arith.constant 9 : i32
        %get3A_788 = arith.index_cast %get3A_787 : i32 to index
        %get3A_789 = arith.constant 0 : index
        %get3A_790 = tpu.vector_load %arg11[%get3A_788, %get3A_789] {strides = array<i32>} : memref<16x128xf32, #tpu.memory_space<vmem>>, vector<16xf32>,
        %mul3A_791 = vector.broadcast %squeeze3A_786 : f32 to vector<16xf32>
        %mul3A_792 = arith.mulf %get3A_790, %mul3A_791 : vector<16xf32>
        %swap3A_793 = arith.constant 9 : i32
        %swap3A_794 = arith.index_cast %swap3A_793 : i32 to index
        %swap3A_795 = arith.constant 0 : index
        %swap3A_796 = tpu.vector_load %arg11[%swap3A_794, %swap3A_795] {strides = array<i32>} : memref<16x128xf32, #tpu.memory_space<vmem>>, vector<16xf32>,
        tpu.vector_store %arg11[%swap3A_794, %swap3A_795], %mul3A_792 {strides = array<i32>} : memref<16x128xf32, #tpu.memory_space<vmem>>, vector<16xf32>,
        %get3A_797 = arith.constant 9 : i32
        %get3A_798 = arith.index_cast %get3A_797 : i32 to index
        %get3A_799 = arith.constant 16 : index
        %get3A_800 = tpu.vector_load %arg11[%get3A_798, %get3A_799] {strides = array<i32>} : memref<16x128xf32, #tpu.memory_space<vmem>>, vector<16xf32>,
        %mul3A_801 = vector.broadcast %squeeze3A_786 : f32 to vector<16xf32>
        %mul3A_802 = arith.mulf %get3A_800, %mul3A_801 : vector<16xf32>
        %swap3A_803 = arith.constant 9 : i32
        %swap3A_804 = arith.index_cast %swap3A_803 : i32 to index
        %swap3A_805 = arith.constant 16 : index
        %swap3A_806 = tpu.vector_load %arg11[%swap3A_804, %swap3A_805] {strides = array<i32>} : memref<16x128xf32, #tpu.memory_space<vmem>>, vector<16xf32>,
        tpu.vector_store %arg11[%swap3A_804, %swap3A_805], %mul3A_802 {strides = array<i32>} : memref<16x128xf32, #tpu.memory_space<vmem>>, vector<16xf32>,
        %get3A_807 = arith.constant 9 : i32
        %get3A_808 = arith.index_cast %get3A_807 : i32 to index
        %get3A_809 = arith.constant 32 : index
        %get3A_810 = tpu.vector_load %arg11[%get3A_808, %get3A_809] {strides = array<i32>} : memref<16x128xf32, #tpu.memory_space<vmem>>, vector<16xf32>,
        %mul3A_811 = vector.broadcast %squeeze3A_786 : f32 to vector<16xf32>
        %mul3A_812 = arith.mulf %get3A_810, %mul3A_811 : vector<16xf32>
        %swap3A_813 = arith.constant 9 : i32
        %swap3A_814 = arith.index_cast %swap3A_813 : i32 to index
        %swap3A_815 = arith.constant 32 : index
        %swap3A_816 = tpu.vector_load %arg11[%swap3A_814, %swap3A_815] {strides = array<i32>} : memref<16x128xf32, #tpu.memory_space<vmem>>, vector<16xf32>,
        tpu.vector_store %arg11[%swap3A_814, %swap3A_815], %mul3A_812 {strides = array<i32>} : memref<16x128xf32, #tpu.memory_space<vmem>>, vector<16xf32>,
        %get3A_817 = arith.constant 9 : i32
        %get3A_818 = arith.index_cast %get3A_817 : i32 to index
        %get3A_819 = arith.constant 48 : index
        %get3A_820 = tpu.vector_load %arg11[%get3A_818, %get3A_819] {strides = array<i32>} : memref<16x128xf32, #tpu.memory_space<vmem>>, vector<16xf32>,
        %mul3A_821 = vector.broadcast %squeeze3A_786 : f32 to vector<16xf32>
        %mul3A_822 = arith.mulf %get3A_820, %mul3A_821 : vector<16xf32>
        %swap3A_823 = arith.constant 9 : i32
        %swap3A_824 = arith.index_cast %swap3A_823 : i32 to index
        %swap3A_825 = arith.constant 48 : index
        %swap3A_826 = tpu.vector_load %arg11[%swap3A_824, %swap3A_825] {strides = array<i32>} : memref<16x128xf32, #tpu.memory_space<vmem>>, vector<16xf32>,
        tpu.vector_store %arg11[%swap3A_824, %swap3A_825], %mul3A_822 {strides = array<i32>} : memref<16x128xf32, #tpu.memory_space<vmem>>, vector<16xf32>,
        %get3A_827 = arith.constant 9 : i32
        %get3A_828 = arith.index_cast %get3A_827 : i32 to index
        %get3A_829 = arith.constant 64 : index
        %get3A_830 = tpu.vector_load %arg11[%get3A_828, %get3A_829] {strides = array<i32>} : memref<16x128xf32, #tpu.memory_space<vmem>>, vector<16xf32>,
        %mul3A_831 = vector.broadcast %squeeze3A_786 : f32 to vector<16xf32>
        %mul3A_832 = arith.mulf %get3A_830, %mul3A_831 : vector<16xf32>
        %swap3A_833 = arith.constant 9 : i32
        %swap3A_834 = arith.index_cast %swap3A_833 : i32 to index
        %swap3A_835 = arith.constant 64 : index
        %swap3A_836 = tpu.vector_load %arg11[%swap3A_834, %swap3A_835] {strides = array<i32>} : memref<16x128xf32, #tpu.memory_space<vmem>>, vector<16xf32>,
        tpu.vector_store %arg11[%swap3A_834, %swap3A_835], %mul3A_832 {strides = array<i32>} : memref<16x128xf32, #tpu.memory_space<vmem>>, vector<16xf32>,
        %get3A_837 = arith.constant 9 : i32
        %get3A_838 = arith.index_cast %get3A_837 : i32 to index
        %get3A_839 = arith.constant 80 : index
        %get3A_840 = tpu.vector_load %arg11[%get3A_838, %get3A_839] {strides = array<i32>} : memref<16x128xf32, #tpu.memory_space<vmem>>, vector<16xf32>,
        %mul3A_841 = vector.broadcast %squeeze3A_786 : f32 to vector<16xf32>
        %mul3A_842 = arith.mulf %get3A_840, %mul3A_841 : vector<16xf32>
        %swap3A_843 = arith.constant 9 : i32
        %swap3A_844 = arith.index_cast %swap3A_843 : i32 to index
        %swap3A_845 = arith.constant 80 : index
        %swap3A_846 = tpu.vector_load %arg11[%swap3A_844, %swap3A_845] {strides = array<i32>} : memref<16x128xf32, #tpu.memory_space<vmem>>, vector<16xf32>,
        tpu.vector_store %arg11[%swap3A_844, %swap3A_845], %mul3A_842 {strides = array<i32>} : memref<16x128xf32, #tpu.memory_space<vmem>>, vector<16xf32>,
        %get3A_847 = arith.constant 9 : i32
        %get3A_848 = arith.index_cast %get3A_847 : i32 to index
        %get3A_849 = arith.constant 96 : index
        %get3A_850 = tpu.vector_load %arg11[%get3A_848, %get3A_849] {strides = array<i32>} : memref<16x128xf32, #tpu.memory_space<vmem>>, vector<16xf32>,
        %mul3A_851 = vector.broadcast %squeeze3A_786 : f32 to vector<16xf32>
        %mul3A_852 = arith.mulf %get3A_850, %mul3A_851 : vector<16xf32>
        %swap3A_853 = arith.constant 9 : i32
        %swap3A_854 = arith.index_cast %swap3A_853 : i32 to index
        %swap3A_855 = arith.constant 96 : index
        %swap3A_856 = tpu.vector_load %arg11[%swap3A_854, %swap3A_855] {strides = array<i32>} : memref<16x128xf32, #tpu.memory_space<vmem>>, vector<16xf32>,
        tpu.vector_store %arg11[%swap3A_854, %swap3A_855], %mul3A_852 {strides = array<i32>} : memref<16x128xf32, #tpu.memory_space<vmem>>, vector<16xf32>,
        %get3A_857 = arith.constant 9 : i32
        %get3A_858 = arith.index_cast %get3A_857 : i32 to index
        %get3A_859 = arith.constant 112 : index
        %get3A_860 = tpu.vector_load %arg11[%get3A_858, %get3A_859] {strides = array<i32>} : memref<16x128xf32, #tpu.memory_space<vmem>>, vector<16xf32>,
        %mul3A_861 = vector.broadcast %squeeze3A_786 : f32 to vector<16xf32>
        %mul3A_862 = arith.mulf %get3A_860, %mul3A_861 : vector<16xf32>
        %swap3A_863 = arith.constant 9 : i32
        %swap3A_864 = arith.index_cast %swap3A_863 : i32 to index
        %swap3A_865 = arith.constant 112 : index
        %swap3A_866 = tpu.vector_load %arg11[%swap3A_864, %swap3A_865] {strides = array<i32>} : memref<16x128xf32, #tpu.memory_space<vmem>>, vector<16xf32>,
        tpu.vector_store %arg11[%swap3A_864, %swap3A_865], %mul3A_862 {strides = array<i32>} : memref<16x128xf32, #tpu.memory_space<vmem>>, vector<16xf32>,
        %slice3A_867 = vector.extract_strided_slice %get3A_43 {offsets = [10], sizes = [1], strides = [1]} : vector<16xf32> to vector<1xf32>
        %squeeze3A_868 = vector.extract %slice3A_867[0] : f32 from vector<1xf32>
        %get3A_869 = arith.constant 10 : i32
        %get3A_870 = arith.index_cast %get3A_869 : i32 to index
        %get3A_871 = arith.constant 0 : index
        %get3A_872 = tpu.vector_load %arg11[%get3A_870, %get3A_871] {strides = array<i32>} : memref<16x128xf32, #tpu.memory_space<vmem>>, vector<16xf32>,
        %mul3A_873 = vector.broadcast %squeeze3A_868 : f32 to vector<16xf32>
        %mul3A_874 = arith.mulf %get3A_872, %mul3A_873 : vector<16xf32>
        %swap3A_875 = arith.constant 10 : i32
        %swap3A_876 = arith.index_cast %swap3A_875 : i32 to index
        %swap3A_877 = arith.constant 0 : index
        %swap3A_878 = tpu.vector_load %arg11[%swap3A_876, %swap3A_877] {strides = array<i32>} : memref<16x128xf32, #tpu.memory_space<vmem>>, vector<16xf32>,
        tpu.vector_store %arg11[%swap3A_876, %swap3A_877], %mul3A_874 {strides = array<i32>} : memref<16x128xf32, #tpu.memory_space<vmem>>, vector<16xf32>,
        %get3A_879 = arith.constant 10 : i32
        %get3A_880 = arith.index_cast %get3A_879 : i32 to index
        %get3A_881 = arith.constant 16 : index
        %get3A_882 = tpu.vector_load %arg11[%get3A_880, %get3A_881] {strides = array<i32>} : memref<16x128xf32, #tpu.memory_space<vmem>>, vector<16xf32>,
        %mul3A_883 = vector.broadcast %squeeze3A_868 : f32 to vector<16xf32>
        %mul3A_884 = arith.mulf %get3A_882, %mul3A_883 : vector<16xf32>
        %swap3A_885 = arith.constant 10 : i32
        %swap3A_886 = arith.index_cast %swap3A_885 : i32 to index
        %swap3A_887 = arith.constant 16 : index
        %swap3A_888 = tpu.vector_load %arg11[%swap3A_886, %swap3A_887] {strides = array<i32>} : memref<16x128xf32, #tpu.memory_space<vmem>>, vector<16xf32>,
        tpu.vector_store %arg11[%swap3A_886, %swap3A_887], %mul3A_884 {strides = array<i32>} : memref<16x128xf32, #tpu.memory_space<vmem>>, vector<16xf32>,
        %get3A_889 = arith.constant 10 : i32
        %get3A_890 = arith.index_cast %get3A_889 : i32 to index
        %get3A_891 = arith.constant 32 : index
        %get3A_892 = tpu.vector_load %arg11[%get3A_890, %get3A_891] {strides = array<i32>} : memref<16x128xf32, #tpu.memory_space<vmem>>, vector<16xf32>,
        %mul3A_893 = vector.broadcast %squeeze3A_868 : f32 to vector<16xf32>
        %mul3A_894 = arith.mulf %get3A_892, %mul3A_893 : vector<16xf32>
        %swap3A_895 = arith.constant 10 : i32
        %swap3A_896 = arith.index_cast %swap3A_895 : i32 to index
        %swap3A_897 = arith.constant 32 : index
        %swap3A_898 = tpu.vector_load %arg11[%swap3A_896, %swap3A_897] {strides = array<i32>} : memref<16x128xf32, #tpu.memory_space<vmem>>, vector<16xf32>,
        tpu.vector_store %arg11[%swap3A_896, %swap3A_897], %mul3A_894 {strides = array<i32>} : memref<16x128xf32, #tpu.memory_space<vmem>>, vector<16xf32>,
        %get3A_899 = arith.constant 10 : i32
        %get3A_900 = arith.index_cast %get3A_899 : i32 to index
        %get3A_901 = arith.constant 48 : index
        %get3A_902 = tpu.vector_load %arg11[%get3A_900, %get3A_901] {strides = array<i32>} : memref<16x128xf32, #tpu.memory_space<vmem>>, vector<16xf32>,
        %mul3A_903 = vector.broadcast %squeeze3A_868 : f32 to vector<16xf32>
        %mul3A_904 = arith.mulf %get3A_902, %mul3A_903 : vector<16xf32>
        %swap3A_905 = arith.constant 10 : i32
        %swap3A_906 = arith.index_cast %swap3A_905 : i32 to index
        %swap3A_907 = arith.constant 48 : index
        %swap3A_908 = tpu.vector_load %arg11[%swap3A_906, %swap3A_907] {strides = array<i32>} : memref<16x128xf32, #tpu.memory_space<vmem>>, vector<16xf32>,
        tpu.vector_store %arg11[%swap3A_906, %swap3A_907], %mul3A_904 {strides = array<i32>} : memref<16x128xf32, #tpu.memory_space<vmem>>, vector<16xf32>,
        %get3A_909 = arith.constant 10 : i32
        %get3A_910 = arith.index_cast %get3A_909 : i32 to index
        %get3A_911 = arith.constant 64 : index
        %get3A_912 = tpu.vector_load %arg11[%get3A_910, %get3A_911] {strides = array<i32>} : memref<16x128xf32, #tpu.memory_space<vmem>>, vector<16xf32>,
        %mul3A_913 = vector.broadcast %squeeze3A_868 : f32 to vector<16xf32>
        %mul3A_914 = arith.mulf %get3A_912, %mul3A_913 : vector<16xf32>
        %swap3A_915 = arith.constant 10 : i32
        %swap3A_916 = arith.index_cast %swap3A_915 : i32 to index
        %swap3A_917 = arith.constant 64 : index
        %swap3A_918 = tpu.vector_load %arg11[%swap3A_916, %swap3A_917] {strides = array<i32>} : memref<16x128xf32, #tpu.memory_space<vmem>>, vector<16xf32>,
        tpu.vector_store %arg11[%swap3A_916, %swap3A_917], %mul3A_914 {strides = array<i32>} : memref<16x128xf32, #tpu.memory_space<vmem>>, vector<16xf32>,
        %get3A_919 = arith.constant 10 : i32
        %get3A_920 = arith.index_cast %get3A_919 : i32 to index
        %get3A_921 = arith.constant 80 : index
        %get3A_922 = tpu.vector_load %arg11[%get3A_920, %get3A_921] {strides = array<i32>} : memref<16x128xf32, #tpu.memory_space<vmem>>, vector<16xf32>,
        %mul3A_923 = vector.broadcast %squeeze3A_868 : f32 to vector<16xf32>
        %mul3A_924 = arith.mulf %get3A_922, %mul3A_923 : vector<16xf32>
        %swap3A_925 = arith.constant 10 : i32
        %swap3A_926 = arith.index_cast %swap3A_925 : i32 to index
        %swap3A_927 = arith.constant 80 : index
        %swap3A_928 = tpu.vector_load %arg11[%swap3A_926, %swap3A_927] {strides = array<i32>} : memref<16x128xf32, #tpu.memory_space<vmem>>, vector<16xf32>,
        tpu.vector_store %arg11[%swap3A_926, %swap3A_927], %mul3A_924 {strides = array<i32>} : memref<16x128xf32, #tpu.memory_space<vmem>>, vector<16xf32>,
        %get3A_929 = arith.constant 10 : i32
        %get3A_930 = arith.index_cast %get3A_929 : i32 to index
        %get3A_931 = arith.constant 96 : index
        %get3A_932 = tpu.vector_load %arg11[%get3A_930, %get3A_931] {strides = array<i32>} : memref<16x128xf32, #tpu.memory_space<vmem>>, vector<16xf32>,
        %mul3A_933 = vector.broadcast %squeeze3A_868 : f32 to vector<16xf32>
        %mul3A_934 = arith.mulf %get3A_932, %mul3A_933 : vector<16xf32>
        %swap3A_935 = arith.constant 10 : i32
        %swap3A_936 = arith.index_cast %swap3A_935 : i32 to index
        %swap3A_937 = arith.constant 96 : index
        %swap3A_938 = tpu.vector_load %arg11[%swap3A_936, %swap3A_937] {strides = array<i32>} : memref<16x128xf32, #tpu.memory_space<vmem>>, vector<16xf32>,
        tpu.vector_store %arg11[%swap3A_936, %swap3A_937], %mul3A_934 {strides = array<i32>} : memref<16x128xf32, #tpu.memory_space<vmem>>, vector<16xf32>,
        %get3A_939 = arith.constant 10 : i32
        %get3A_940 = arith.index_cast %get3A_939 : i32 to index
        %get3A_941 = arith.constant 112 : index
        %get3A_942 = tpu.vector_load %arg11[%get3A_940, %get3A_941] {strides = array<i32>} : memref<16x128xf32, #tpu.memory_space<vmem>>, vector<16xf32>,
        %mul3A_943 = vector.broadcast %squeeze3A_868 : f32 to vector<16xf32>
        %mul3A_944 = arith.mulf %get3A_942, %mul3A_943 : vector<16xf32>
        %swap3A_945 = arith.constant 10 : i32
        %swap3A_946 = arith.index_cast %swap3A_945 : i32 to index
        %swap3A_947 = arith.constant 112 : index
        %swap3A_948 = tpu.vector_load %arg11[%swap3A_946, %swap3A_947] {strides = array<i32>} : memref<16x128xf32, #tpu.memory_space<vmem>>, vector<16xf32>,
        tpu.vector_store %arg11[%swap3A_946, %swap3A_947], %mul3A_944 {strides = array<i32>} : memref<16x128xf32, #tpu.memory_space<vmem>>, vector<16xf32>,
        %slice3A_949 = vector.extract_strided_slice %get3A_43 {offsets = [11], sizes = [1], strides = [1]} : vector<16xf32> to vector<1xf32>
        %squeeze3A_950 = vector.extract %slice3A_949[0] : f32 from vector<1xf32>
        %get3A_951 = arith.constant 11 : i32
        %get3A_952 = arith.index_cast %get3A_951 : i32 to index
        %get3A_953 = arith.constant 0 : index
        %get3A_954 = tpu.vector_load %arg11[%get3A_952, %get3A_953] {strides = array<i32>} : memref<16x128xf32, #tpu.memory_space<vmem>>, vector<16xf32>,
        %mul3A_955 = vector.broadcast %squeeze3A_950 : f32 to vector<16xf32>
        %mul3A_956 = arith.mulf %get3A_954, %mul3A_955 : vector<16xf32>
        %swap3A_957 = arith.constant 11 : i32
        %swap3A_958 = arith.index_cast %swap3A_957 : i32 to index
        %swap3A_959 = arith.constant 0 : index
        %swap3A_960 = tpu.vector_load %arg11[%swap3A_958, %swap3A_959] {strides = array<i32>} : memref<16x128xf32, #tpu.memory_space<vmem>>, vector<16xf32>,
        tpu.vector_store %arg11[%swap3A_958, %swap3A_959], %mul3A_956 {strides = array<i32>} : memref<16x128xf32, #tpu.memory_space<vmem>>, vector<16xf32>,
        %get3A_961 = arith.constant 11 : i32
        %get3A_962 = arith.index_cast %get3A_961 : i32 to index
        %get3A_963 = arith.constant 16 : index
        %get3A_964 = tpu.vector_load %arg11[%get3A_962, %get3A_963] {strides = array<i32>} : memref<16x128xf32, #tpu.memory_space<vmem>>, vector<16xf32>,
        %mul3A_965 = vector.broadcast %squeeze3A_950 : f32 to vector<16xf32>
        %mul3A_966 = arith.mulf %get3A_964, %mul3A_965 : vector<16xf32>
        %swap3A_967 = arith.constant 11 : i32
        %swap3A_968 = arith.index_cast %swap3A_967 : i32 to index
        %swap3A_969 = arith.constant 16 : index
        %swap3A_970 = tpu.vector_load %arg11[%swap3A_968, %swap3A_969] {strides = array<i32>} : memref<16x128xf32, #tpu.memory_space<vmem>>, vector<16xf32>,
        tpu.vector_store %arg11[%swap3A_968, %swap3A_969], %mul3A_966 {strides = array<i32>} : memref<16x128xf32, #tpu.memory_space<vmem>>, vector<16xf32>,
        %get3A_971 = arith.constant 11 : i32
        %get3A_972 = arith.index_cast %get3A_971 : i32 to index
        %get3A_973 = arith.constant 32 : index
        %get3A_974 = tpu.vector_load %arg11[%get3A_972, %get3A_973] {strides = array<i32>} : memref<16x128xf32, #tpu.memory_space<vmem>>, vector<16xf32>,
        %mul3A_975 = vector.broadcast %squeeze3A_950 : f32 to vector<16xf32>
        %mul3A_976 = arith.mulf %get3A_974, %mul3A_975 : vector<16xf32>
        %swap3A_977 = arith.constant 11 : i32
        %swap3A_978 = arith.index_cast %swap3A_977 : i32 to index
        %swap3A_979 = arith.constant 32 : index
        %swap3A_980 = tpu.vector_load %arg11[%swap3A_978, %swap3A_979] {strides = array<i32>} : memref<16x128xf32, #tpu.memory_space<vmem>>, vector<16xf32>,
        tpu.vector_store %arg11[%swap3A_978, %swap3A_979], %mul3A_976 {strides = array<i32>} : memref<16x128xf32, #tpu.memory_space<vmem>>, vector<16xf32>,
        %get3A_981 = arith.constant 11 : i32
        %get3A_982 = arith.index_cast %get3A_981 : i32 to index
        %get3A_983 = arith.constant 48 : index
        %get3A_984 = tpu.vector_load %arg11[%get3A_982, %get3A_983] {strides = array<i32>} : memref<16x128xf32, #tpu.memory_space<vmem>>, vector<16xf32>,
        %mul3A_985 = vector.broadcast %squeeze3A_950 : f32 to vector<16xf32>
        %mul3A_986 = arith.mulf %get3A_984, %mul3A_985 : vector<16xf32>
        %swap3A_987 = arith.constant 11 : i32
        %swap3A_988 = arith.index_cast %swap3A_987 : i32 to index
        %swap3A_989 = arith.constant 48 : index
        %swap3A_990 = tpu.vector_load %arg11[%swap3A_988, %swap3A_989] {strides = array<i32>} : memref<16x128xf32, #tpu.memory_space<vmem>>, vector<16xf32>,
        tpu.vector_store %arg11[%swap3A_988, %swap3A_989], %mul3A_986 {strides = array<i32>} : memref<16x128xf32, #tpu.memory_space<vmem>>, vector<16xf32>,
        %get3A_991 = arith.constant 11 : i32
        %get3A_992 = arith.index_cast %get3A_991 : i32 to index
        %get3A_993 = arith.constant 64 : index
        %get3A_994 = tpu.vector_load %arg11[%get3A_992, %get3A_993] {strides = array<i32>} : memref<16x128xf32, #tpu.memory_space<vmem>>, vector<16xf32>,
        %mul3A_995 = vector.broadcast %squeeze3A_950 : f32 to vector<16xf32>
        %mul3A_996 = arith.mulf %get3A_994, %mul3A_995 : vector<16xf32>
        %swap3A_997 = arith.constant 11 : i32
        %swap3A_998 = arith.index_cast %swap3A_997 : i32 to index
        %swap3A_999 = arith.constant 64 : index
        %swap3A_1000 = tpu.vector_load %arg11[%swap3A_998, %swap3A_999] {strides = array<i32>} : memref<16x128xf32, #tpu.memory_space<vmem>>, vector<16xf32>,
        tpu.vector_store %arg11[%swap3A_998, %swap3A_999], %mul3A_996 {strides = array<i32>} : memref<16x128xf32, #tpu.memory_space<vmem>>, vector<16xf32>,
        %get3A_1001 = arith.constant 11 : i32
        %get3A_1002 = arith.index_cast %get3A_1001 : i32 to index
        %get3A_1003 = arith.constant 80 : index
        %get3A_1004 = tpu.vector_load %arg11[%get3A_1002, %get3A_1003] {strides = array<i32>} : memref<16x128xf32, #tpu.memory_space<vmem>>, vector<16xf32>,
        %mul3A_1005 = vector.broadcast %squeeze3A_950 : f32 to vector<16xf32>
        %mul3A_1006 = arith.mulf %get3A_1004, %mul3A_1005 : vector<16xf32>
        %swap3A_1007 = arith.constant 11 : i32
        %swap3A_1008 = arith.index_cast %swap3A_1007 : i32 to index
        %swap3A_1009 = arith.constant 80 : index
        %swap3A_1010 = tpu.vector_load %arg11[%swap3A_1008, %swap3A_1009] {strides = array<i32>} : memref<16x128xf32, #tpu.memory_space<vmem>>, vector<16xf32>,
        tpu.vector_store %arg11[%swap3A_1008, %swap3A_1009], %mul3A_1006 {strides = array<i32>} : memref<16x128xf32, #tpu.memory_space<vmem>>, vector<16xf32>,
        %get3A_1011 = arith.constant 11 : i32
        %get3A_1012 = arith.index_cast %get3A_1011 : i32 to index
        %get3A_1013 = arith.constant 96 : index
        %get3A_1014 = tpu.vector_load %arg11[%get3A_1012, %get3A_1013] {strides = array<i32>} : memref<16x128xf32, #tpu.memory_space<vmem>>, vector<16xf32>,
        %mul3A_1015 = vector.broadcast %squeeze3A_950 : f32 to vector<16xf32>
        %mul3A_1016 = arith.mulf %get3A_1014, %mul3A_1015 : vector<16xf32>
        %swap3A_1017 = arith.constant 11 : i32
        %swap3A_1018 = arith.index_cast %swap3A_1017 : i32 to index
        %swap3A_1019 = arith.constant 96 : index
        %swap3A_1020 = tpu.vector_load %arg11[%swap3A_1018, %swap3A_1019] {strides = array<i32>} : memref<16x128xf32, #tpu.memory_space<vmem>>, vector<16xf32>,
        tpu.vector_store %arg11[%swap3A_1018, %swap3A_1019], %mul3A_1016 {strides = array<i32>} : memref<16x128xf32, #tpu.memory_space<vmem>>, vector<16xf32>,
        %get3A_1021 = arith.constant 11 : i32
        %get3A_1022 = arith.index_cast %get3A_1021 : i32 to index
        %get3A_1023 = arith.constant 112 : index
        %get3A_1024 = tpu.vector_load %arg11[%get3A_1022, %get3A_1023] {strides = array<i32>} : memref<16x128xf32, #tpu.memory_space<vmem>>, vector<16xf32>,
        %mul3A_1025 = vector.broadcast %squeeze3A_950 : f32 to vector<16xf32>
        %mul3A_1026 = arith.mulf %get3A_1024, %mul3A_1025 : vector<16xf32>
        %swap3A_1027 = arith.constant 11 : i32
        %swap3A_1028 = arith.index_cast %swap3A_1027 : i32 to index
        %swap3A_1029 = arith.constant 112 : index
        %swap3A_1030 = tpu.vector_load %arg11[%swap3A_1028, %swap3A_1029] {strides = array<i32>} : memref<16x128xf32, #tpu.memory_space<vmem>>, vector<16xf32>,
        tpu.vector_store %arg11[%swap3A_1028, %swap3A_1029], %mul3A_1026 {strides = array<i32>} : memref<16x128xf32, #tpu.memory_space<vmem>>, vector<16xf32>,
        %slice3A_1031 = vector.extract_strided_slice %get3A_43 {offsets = [12], sizes = [1], strides = [1]} : vector<16xf32> to vector<1xf32>
        %squeeze3A_1032 = vector.extract %slice3A_1031[0] : f32 from vector<1xf32>
        %get3A_1033 = arith.constant 12 : i32
        %get3A_1034 = arith.index_cast %get3A_1033 : i32 to index
        %get3A_1035 = arith.constant 0 : index
        %get3A_1036 = tpu.vector_load %arg11[%get3A_1034, %get3A_1035] {strides = array<i32>} : memref<16x128xf32, #tpu.memory_space<vmem>>, vector<16xf32>,
        %mul3A_1037 = vector.broadcast %squeeze3A_1032 : f32 to vector<16xf32>
        %mul3A_1038 = arith.mulf %get3A_1036, %mul3A_1037 : vector<16xf32>
        %swap3A_1039 = arith.constant 12 : i32
        %swap3A_1040 = arith.index_cast %swap3A_1039 : i32 to index
        %swap3A_1041 = arith.constant 0 : index
        %swap3A_1042 = tpu.vector_load %arg11[%swap3A_1040, %swap3A_1041] {strides = array<i32>} : memref<16x128xf32, #tpu.memory_space<vmem>>, vector<16xf32>,
        tpu.vector_store %arg11[%swap3A_1040, %swap3A_1041], %mul3A_1038 {strides = array<i32>} : memref<16x128xf32, #tpu.memory_space<vmem>>, vector<16xf32>,
        %get3A_1043 = arith.constant 12 : i32
        %get3A_1044 = arith.index_cast %get3A_1043 : i32 to index
        %get3A_1045 = arith.constant 16 : index
        %get3A_1046 = tpu.vector_load %arg11[%get3A_1044, %get3A_1045] {strides = array<i32>} : memref<16x128xf32, #tpu.memory_space<vmem>>, vector<16xf32>,
        %mul3A_1047 = vector.broadcast %squeeze3A_1032 : f32 to vector<16xf32>
        %mul3A_1048 = arith.mulf %get3A_1046, %mul3A_1047 : vector<16xf32>
        %swap3A_1049 = arith.constant 12 : i32
        %swap3A_1050 = arith.index_cast %swap3A_1049 : i32 to index
        %swap3A_1051 = arith.constant 16 : index
        %swap3A_1052 = tpu.vector_load %arg11[%swap3A_1050, %swap3A_1051] {strides = array<i32>} : memref<16x128xf32, #tpu.memory_space<vmem>>, vector<16xf32>,
        tpu.vector_store %arg11[%swap3A_1050, %swap3A_1051], %mul3A_1048 {strides = array<i32>} : memref<16x128xf32, #tpu.memory_space<vmem>>, vector<16xf32>,
        %get3A_1053 = arith.constant 12 : i32
        %get3A_1054 = arith.index_cast %get3A_1053 : i32 to index
        %get3A_1055 = arith.constant 32 : index
        %get3A_1056 = tpu.vector_load %arg11[%get3A_1054, %get3A_1055] {strides = array<i32>} : memref<16x128xf32, #tpu.memory_space<vmem>>, vector<16xf32>,
        %mul3A_1057 = vector.broadcast %squeeze3A_1032 : f32 to vector<16xf32>
        %mul3A_1058 = arith.mulf %get3A_1056, %mul3A_1057 : vector<16xf32>
        %swap3A_1059 = arith.constant 12 : i32
        %swap3A_1060 = arith.index_cast %swap3A_1059 : i32 to index
        %swap3A_1061 = arith.constant 32 : index
        %swap3A_1062 = tpu.vector_load %arg11[%swap3A_1060, %swap3A_1061] {strides = array<i32>} : memref<16x128xf32, #tpu.memory_space<vmem>>, vector<16xf32>,
        tpu.vector_store %arg11[%swap3A_1060, %swap3A_1061], %mul3A_1058 {strides = array<i32>} : memref<16x128xf32, #tpu.memory_space<vmem>>, vector<16xf32>,
        %get3A_1063 = arith.constant 12 : i32
        %get3A_1064 = arith.index_cast %get3A_1063 : i32 to index
        %get3A_1065 = arith.constant 48 : index
        %get3A_1066 = tpu.vector_load %arg11[%get3A_1064, %get3A_1065] {strides = array<i32>} : memref<16x128xf32, #tpu.memory_space<vmem>>, vector<16xf32>,
        %mul3A_1067 = vector.broadcast %squeeze3A_1032 : f32 to vector<16xf32>
        %mul3A_1068 = arith.mulf %get3A_1066, %mul3A_1067 : vector<16xf32>
        %swap3A_1069 = arith.constant 12 : i32
        %swap3A_1070 = arith.index_cast %swap3A_1069 : i32 to index
        %swap3A_1071 = arith.constant 48 : index
        %swap3A_1072 = tpu.vector_load %arg11[%swap3A_1070, %swap3A_1071] {strides = array<i32>} : memref<16x128xf32, #tpu.memory_space<vmem>>, vector<16xf32>,
        tpu.vector_store %arg11[%swap3A_1070, %swap3A_1071], %mul3A_1068 {strides = array<i32>} : memref<16x128xf32, #tpu.memory_space<vmem>>, vector<16xf32>,
        %get3A_1073 = arith.constant 12 : i32
        %get3A_1074 = arith.index_cast %get3A_1073 : i32 to index
        %get3A_1075 = arith.constant 64 : index
        %get3A_1076 = tpu.vector_load %arg11[%get3A_1074, %get3A_1075] {strides = array<i32>} : memref<16x128xf32, #tpu.memory_space<vmem>>, vector<16xf32>,
        %mul3A_1077 = vector.broadcast %squeeze3A_1032 : f32 to vector<16xf32>
        %mul3A_1078 = arith.mulf %get3A_1076, %mul3A_1077 : vector<16xf32>
        %swap3A_1079 = arith.constant 12 : i32
        %swap3A_1080 = arith.index_cast %swap3A_1079 : i32 to index
        %swap3A_1081 = arith.constant 64 : index
        %swap3A_1082 = tpu.vector_load %arg11[%swap3A_1080, %swap3A_1081] {strides = array<i32>} : memref<16x128xf32, #tpu.memory_space<vmem>>, vector<16xf32>,
        tpu.vector_store %arg11[%swap3A_1080, %swap3A_1081], %mul3A_1078 {strides = array<i32>} : memref<16x128xf32, #tpu.memory_space<vmem>>, vector<16xf32>,
        %get3A_1083 = arith.constant 12 : i32
        %get3A_1084 = arith.index_cast %get3A_1083 : i32 to index
        %get3A_1085 = arith.constant 80 : index
        %get3A_1086 = tpu.vector_load %arg11[%get3A_1084, %get3A_1085] {strides = array<i32>} : memref<16x128xf32, #tpu.memory_space<vmem>>, vector<16xf32>,
        %mul3A_1087 = vector.broadcast %squeeze3A_1032 : f32 to vector<16xf32>
        %mul3A_1088 = arith.mulf %get3A_1086, %mul3A_1087 : vector<16xf32>
        %swap3A_1089 = arith.constant 12 : i32
        %swap3A_1090 = arith.index_cast %swap3A_1089 : i32 to index
        %swap3A_1091 = arith.constant 80 : index
        %swap3A_1092 = tpu.vector_load %arg11[%swap3A_1090, %swap3A_1091] {strides = array<i32>} : memref<16x128xf32, #tpu.memory_space<vmem>>, vector<16xf32>,
        tpu.vector_store %arg11[%swap3A_1090, %swap3A_1091], %mul3A_1088 {strides = array<i32>} : memref<16x128xf32, #tpu.memory_space<vmem>>, vector<16xf32>,
        %get3A_1093 = arith.constant 12 : i32
        %get3A_1094 = arith.index_cast %get3A_1093 : i32 to index
        %get3A_1095 = arith.constant 96 : index
        %get3A_1096 = tpu.vector_load %arg11[%get3A_1094, %get3A_1095] {strides = array<i32>} : memref<16x128xf32, #tpu.memory_space<vmem>>, vector<16xf32>,
        %mul3A_1097 = vector.broadcast %squeeze3A_1032 : f32 to vector<16xf32>
        %mul3A_1098 = arith.mulf %get3A_1096, %mul3A_1097 : vector<16xf32>
        %swap3A_1099 = arith.constant 12 : i32
        %swap3A_1100 = arith.index_cast %swap3A_1099 : i32 to index
        %swap3A_1101 = arith.constant 96 : index
        %swap3A_1102 = tpu.vector_load %arg11[%swap3A_1100, %swap3A_1101] {strides = array<i32>} : memref<16x128xf32, #tpu.memory_space<vmem>>, vector<16xf32>,
        tpu.vector_store %arg11[%swap3A_1100, %swap3A_1101], %mul3A_1098 {strides = array<i32>} : memref<16x128xf32, #tpu.memory_space<vmem>>, vector<16xf32>,
        %get3A_1103 = arith.constant 12 : i32
        %get3A_1104 = arith.index_cast %get3A_1103 : i32 to index
        %get3A_1105 = arith.constant 112 : index
        %get3A_1106 = tpu.vector_load %arg11[%get3A_1104, %get3A_1105] {strides = array<i32>} : memref<16x128xf32, #tpu.memory_space<vmem>>, vector<16xf32>,
        %mul3A_1107 = vector.broadcast %squeeze3A_1032 : f32 to vector<16xf32>
        %mul3A_1108 = arith.mulf %get3A_1106, %mul3A_1107 : vector<16xf32>
        %swap3A_1109 = arith.constant 12 : i32
        %swap3A_1110 = arith.index_cast %swap3A_1109 : i32 to index
        %swap3A_1111 = arith.constant 112 : index
        %swap3A_1112 = tpu.vector_load %arg11[%swap3A_1110, %swap3A_1111] {strides = array<i32>} : memref<16x128xf32, #tpu.memory_space<vmem>>, vector<16xf32>,
        tpu.vector_store %arg11[%swap3A_1110, %swap3A_1111], %mul3A_1108 {strides = array<i32>} : memref<16x128xf32, #tpu.memory_space<vmem>>, vector<16xf32>,
        %slice3A_1113 = vector.extract_strided_slice %get3A_43 {offsets = [13], sizes = [1], strides = [1]} : vector<16xf32> to vector<1xf32>
        %squeeze3A_1114 = vector.extract %slice3A_1113[0] : f32 from vector<1xf32>
        %get3A_1115 = arith.constant 13 : i32
        %get3A_1116 = arith.index_cast %get3A_1115 : i32 to index
        %get3A_1117 = arith.constant 0 : index
        %get3A_1118 = tpu.vector_load %arg11[%get3A_1116, %get3A_1117] {strides = array<i32>} : memref<16x128xf32, #tpu.memory_space<vmem>>, vector<16xf32>,
        %mul3A_1119 = vector.broadcast %squeeze3A_1114 : f32 to vector<16xf32>
        %mul3A_1120 = arith.mulf %get3A_1118, %mul3A_1119 : vector<16xf32>
        %swap3A_1121 = arith.constant 13 : i32
        %swap3A_1122 = arith.index_cast %swap3A_1121 : i32 to index
        %swap3A_1123 = arith.constant 0 : index
        %swap3A_1124 = tpu.vector_load %arg11[%swap3A_1122, %swap3A_1123] {strides = array<i32>} : memref<16x128xf32, #tpu.memory_space<vmem>>, vector<16xf32>,
        tpu.vector_store %arg11[%swap3A_1122, %swap3A_1123], %mul3A_1120 {strides = array<i32>} : memref<16x128xf32, #tpu.memory_space<vmem>>, vector<16xf32>,
        %get3A_1125 = arith.constant 13 : i32
        %get3A_1126 = arith.index_cast %get3A_1125 : i32 to index
        %get3A_1127 = arith.constant 16 : index
        %get3A_1128 = tpu.vector_load %arg11[%get3A_1126, %get3A_1127] {strides = array<i32>} : memref<16x128xf32, #tpu.memory_space<vmem>>, vector<16xf32>,
        %mul3A_1129 = vector.broadcast %squeeze3A_1114 : f32 to vector<16xf32>
        %mul3A_1130 = arith.mulf %get3A_1128, %mul3A_1129 : vector<16xf32>
        %swap3A_1131 = arith.constant 13 : i32
        %swap3A_1132 = arith.index_cast %swap3A_1131 : i32 to index
        %swap3A_1133 = arith.constant 16 : index
        %swap3A_1134 = tpu.vector_load %arg11[%swap3A_1132, %swap3A_1133] {strides = array<i32>} : memref<16x128xf32, #tpu.memory_space<vmem>>, vector<16xf32>,
        tpu.vector_store %arg11[%swap3A_1132, %swap3A_1133], %mul3A_1130 {strides = array<i32>} : memref<16x128xf32, #tpu.memory_space<vmem>>, vector<16xf32>,
        %get3A_1135 = arith.constant 13 : i32
        %get3A_1136 = arith.index_cast %get3A_1135 : i32 to index
        %get3A_1137 = arith.constant 32 : index
        %get3A_1138 = tpu.vector_load %arg11[%get3A_1136, %get3A_1137] {strides = array<i32>} : memref<16x128xf32, #tpu.memory_space<vmem>>, vector<16xf32>,
        %mul3A_1139 = vector.broadcast %squeeze3A_1114 : f32 to vector<16xf32>
        %mul3A_1140 = arith.mulf %get3A_1138, %mul3A_1139 : vector<16xf32>
        %swap3A_1141 = arith.constant 13 : i32
        %swap3A_1142 = arith.index_cast %swap3A_1141 : i32 to index
        %swap3A_1143 = arith.constant 32 : index
        %swap3A_1144 = tpu.vector_load %arg11[%swap3A_1142, %swap3A_1143] {strides = array<i32>} : memref<16x128xf32, #tpu.memory_space<vmem>>, vector<16xf32>,
        tpu.vector_store %arg11[%swap3A_1142, %swap3A_1143], %mul3A_1140 {strides = array<i32>} : memref<16x128xf32, #tpu.memory_space<vmem>>, vector<16xf32>,
        %get3A_1145 = arith.constant 13 : i32
        %get3A_1146 = arith.index_cast %get3A_1145 : i32 to index
        %get3A_1147 = arith.constant 48 : index
        %get3A_1148 = tpu.vector_load %arg11[%get3A_1146, %get3A_1147] {strides = array<i32>} : memref<16x128xf32, #tpu.memory_space<vmem>>, vector<16xf32>,
        %mul3A_1149 = vector.broadcast %squeeze3A_1114 : f32 to vector<16xf32>
        %mul3A_1150 = arith.mulf %get3A_1148, %mul3A_1149 : vector<16xf32>
        %swap3A_1151 = arith.constant 13 : i32
        %swap3A_1152 = arith.index_cast %swap3A_1151 : i32 to index
        %swap3A_1153 = arith.constant 48 : index
        %swap3A_1154 = tpu.vector_load %arg11[%swap3A_1152, %swap3A_1153] {strides = array<i32>} : memref<16x128xf32, #tpu.memory_space<vmem>>, vector<16xf32>,
        tpu.vector_store %arg11[%swap3A_1152, %swap3A_1153], %mul3A_1150 {strides = array<i32>} : memref<16x128xf32, #tpu.memory_space<vmem>>, vector<16xf32>,
        %get3A_1155 = arith.constant 13 : i32
        %get3A_1156 = arith.index_cast %get3A_1155 : i32 to index
        %get3A_1157 = arith.constant 64 : index
        %get3A_1158 = tpu.vector_load %arg11[%get3A_1156, %get3A_1157] {strides = array<i32>} : memref<16x128xf32, #tpu.memory_space<vmem>>, vector<16xf32>,
        %mul3A_1159 = vector.broadcast %squeeze3A_1114 : f32 to vector<16xf32>
        %mul3A_1160 = arith.mulf %get3A_1158, %mul3A_1159 : vector<16xf32>
        %swap3A_1161 = arith.constant 13 : i32
        %swap3A_1162 = arith.index_cast %swap3A_1161 : i32 to index
        %swap3A_1163 = arith.constant 64 : index
        %swap3A_1164 = tpu.vector_load %arg11[%swap3A_1162, %swap3A_1163] {strides = array<i32>} : memref<16x128xf32, #tpu.memory_space<vmem>>, vector<16xf32>,
        tpu.vector_store %arg11[%swap3A_1162, %swap3A_1163], %mul3A_1160 {strides = array<i32>} : memref<16x128xf32, #tpu.memory_space<vmem>>, vector<16xf32>,
        %get3A_1165 = arith.constant 13 : i32
        %get3A_1166 = arith.index_cast %get3A_1165 : i32 to index
        %get3A_1167 = arith.constant 80 : index
        %get3A_1168 = tpu.vector_load %arg11[%get3A_1166, %get3A_1167] {strides = array<i32>} : memref<16x128xf32, #tpu.memory_space<vmem>>, vector<16xf32>,
        %mul3A_1169 = vector.broadcast %squeeze3A_1114 : f32 to vector<16xf32>
        %mul3A_1170 = arith.mulf %get3A_1168, %mul3A_1169 : vector<16xf32>
        %swap3A_1171 = arith.constant 13 : i32
        %swap3A_1172 = arith.index_cast %swap3A_1171 : i32 to index
        %swap3A_1173 = arith.constant 80 : index
        %swap3A_1174 = tpu.vector_load %arg11[%swap3A_1172, %swap3A_1173] {strides = array<i32>} : memref<16x128xf32, #tpu.memory_space<vmem>>, vector<16xf32>,
        tpu.vector_store %arg11[%swap3A_1172, %swap3A_1173], %mul3A_1170 {strides = array<i32>} : memref<16x128xf32, #tpu.memory_space<vmem>>, vector<16xf32>,
        %get3A_1175 = arith.constant 13 : i32
        %get3A_1176 = arith.index_cast %get3A_1175 : i32 to index
        %get3A_1177 = arith.constant 96 : index
        %get3A_1178 = tpu.vector_load %arg11[%get3A_1176, %get3A_1177] {strides = array<i32>} : memref<16x128xf32, #tpu.memory_space<vmem>>, vector<16xf32>,
        %mul3A_1179 = vector.broadcast %squeeze3A_1114 : f32 to vector<16xf32>
        %mul3A_1180 = arith.mulf %get3A_1178, %mul3A_1179 : vector<16xf32>
        %swap3A_1181 = arith.constant 13 : i32
        %swap3A_1182 = arith.index_cast %swap3A_1181 : i32 to index
        %swap3A_1183 = arith.constant 96 : index
        %swap3A_1184 = tpu.vector_load %arg11[%swap3A_1182, %swap3A_1183] {strides = array<i32>} : memref<16x128xf32, #tpu.memory_space<vmem>>, vector<16xf32>,
        tpu.vector_store %arg11[%swap3A_1182, %swap3A_1183], %mul3A_1180 {strides = array<i32>} : memref<16x128xf32, #tpu.memory_space<vmem>>, vector<16xf32>,
        %get3A_1185 = arith.constant 13 : i32
        %get3A_1186 = arith.index_cast %get3A_1185 : i32 to index
        %get3A_1187 = arith.constant 112 : index
        %get3A_1188 = tpu.vector_load %arg11[%get3A_1186, %get3A_1187] {strides = array<i32>} : memref<16x128xf32, #tpu.memory_space<vmem>>, vector<16xf32>,
        %mul3A_1189 = vector.broadcast %squeeze3A_1114 : f32 to vector<16xf32>
        %mul3A_1190 = arith.mulf %get3A_1188, %mul3A_1189 : vector<16xf32>
        %swap3A_1191 = arith.constant 13 : i32
        %swap3A_1192 = arith.index_cast %swap3A_1191 : i32 to index
        %swap3A_1193 = arith.constant 112 : index
        %swap3A_1194 = tpu.vector_load %arg11[%swap3A_1192, %swap3A_1193] {strides = array<i32>} : memref<16x128xf32, #tpu.memory_space<vmem>>, vector<16xf32>,
        tpu.vector_store %arg11[%swap3A_1192, %swap3A_1193], %mul3A_1190 {strides = array<i32>} : memref<16x128xf32, #tpu.memory_space<vmem>>, vector<16xf32>,
        %slice3A_1195 = vector.extract_strided_slice %get3A_43 {offsets = [14], sizes = [1], strides = [1]} : vector<16xf32> to vector<1xf32>
        %squeeze3A_1196 = vector.extract %slice3A_1195[0] : f32 from vector<1xf32>
        %get3A_1197 = arith.constant 14 : i32
        %get3A_1198 = arith.index_cast %get3A_1197 : i32 to index
        %get3A_1199 = arith.constant 0 : index
        %get3A_1200 = tpu.vector_load %arg11[%get3A_1198, %get3A_1199] {strides = array<i32>} : memref<16x128xf32, #tpu.memory_space<vmem>>, vector<16xf32>,
        %mul3A_1201 = vector.broadcast %squeeze3A_1196 : f32 to vector<16xf32>
        %mul3A_1202 = arith.mulf %get3A_1200, %mul3A_1201 : vector<16xf32>
        %swap3A_1203 = arith.constant 14 : i32
        %swap3A_1204 = arith.index_cast %swap3A_1203 : i32 to index
        %swap3A_1205 = arith.constant 0 : index
        %swap3A_1206 = tpu.vector_load %arg11[%swap3A_1204, %swap3A_1205] {strides = array<i32>} : memref<16x128xf32, #tpu.memory_space<vmem>>, vector<16xf32>,
        tpu.vector_store %arg11[%swap3A_1204, %swap3A_1205], %mul3A_1202 {strides = array<i32>} : memref<16x128xf32, #tpu.memory_space<vmem>>, vector<16xf32>,
        %get3A_1207 = arith.constant 14 : i32
        %get3A_1208 = arith.index_cast %get3A_1207 : i32 to index
        %get3A_1209 = arith.constant 16 : index
        %get3A_1210 = tpu.vector_load %arg11[%get3A_1208, %get3A_1209] {strides = array<i32>} : memref<16x128xf32, #tpu.memory_space<vmem>>, vector<16xf32>,
        %mul3A_1211 = vector.broadcast %squeeze3A_1196 : f32 to vector<16xf32>
        %mul3A_1212 = arith.mulf %get3A_1210, %mul3A_1211 : vector<16xf32>
        %swap3A_1213 = arith.constant 14 : i32
        %swap3A_1214 = arith.index_cast %swap3A_1213 : i32 to index
        %swap3A_1215 = arith.constant 16 : index
        %swap3A_1216 = tpu.vector_load %arg11[%swap3A_1214, %swap3A_1215] {strides = array<i32>} : memref<16x128xf32, #tpu.memory_space<vmem>>, vector<16xf32>,
        tpu.vector_store %arg11[%swap3A_1214, %swap3A_1215], %mul3A_1212 {strides = array<i32>} : memref<16x128xf32, #tpu.memory_space<vmem>>, vector<16xf32>,
        %get3A_1217 = arith.constant 14 : i32
        %get3A_1218 = arith.index_cast %get3A_1217 : i32 to index
        %get3A_1219 = arith.constant 32 : index
        %get3A_1220 = tpu.vector_load %arg11[%get3A_1218, %get3A_1219] {strides = array<i32>} : memref<16x128xf32, #tpu.memory_space<vmem>>, vector<16xf32>,
        %mul3A_1221 = vector.broadcast %squeeze3A_1196 : f32 to vector<16xf32>
        %mul3A_1222 = arith.mulf %get3A_1220, %mul3A_1221 : vector<16xf32>
        %swap3A_1223 = arith.constant 14 : i32
        %swap3A_1224 = arith.index_cast %swap3A_1223 : i32 to index
        %swap3A_1225 = arith.constant 32 : index
        %swap3A_1226 = tpu.vector_load %arg11[%swap3A_1224, %swap3A_1225] {strides = array<i32>} : memref<16x128xf32, #tpu.memory_space<vmem>>, vector<16xf32>,
        tpu.vector_store %arg11[%swap3A_1224, %swap3A_1225], %mul3A_1222 {strides = array<i32>} : memref<16x128xf32, #tpu.memory_space<vmem>>, vector<16xf32>,
        %get3A_1227 = arith.constant 14 : i32
        %get3A_1228 = arith.index_cast %get3A_1227 : i32 to index
        %get3A_1229 = arith.constant 48 : index
        %get3A_1230 = tpu.vector_load %arg11[%get3A_1228, %get3A_1229] {strides = array<i32>} : memref<16x128xf32, #tpu.memory_space<vmem>>, vector<16xf32>,
        %mul3A_1231 = vector.broadcast %squeeze3A_1196 : f32 to vector<16xf32>
        %mul3A_1232 = arith.mulf %get3A_1230, %mul3A_1231 : vector<16xf32>
        %swap3A_1233 = arith.constant 14 : i32
        %swap3A_1234 = arith.index_cast %swap3A_1233 : i32 to index
        %swap3A_1235 = arith.constant 48 : index
        %swap3A_1236 = tpu.vector_load %arg11[%swap3A_1234, %swap3A_1235] {strides = array<i32>} : memref<16x128xf32, #tpu.memory_space<vmem>>, vector<16xf32>,
        tpu.vector_store %arg11[%swap3A_1234, %swap3A_1235], %mul3A_1232 {strides = array<i32>} : memref<16x128xf32, #tpu.memory_space<vmem>>, vector<16xf32>,
        %get3A_1237 = arith.constant 14 : i32
        %get3A_1238 = arith.index_cast %get3A_1237 : i32 to index
        %get3A_1239 = arith.constant 64 : index
        %get3A_1240 = tpu.vector_load %arg11[%get3A_1238, %get3A_1239] {strides = array<i32>} : memref<16x128xf32, #tpu.memory_space<vmem>>, vector<16xf32>,
        %mul3A_1241 = vector.broadcast %squeeze3A_1196 : f32 to vector<16xf32>
        %mul3A_1242 = arith.mulf %get3A_1240, %mul3A_1241 : vector<16xf32>
        %swap3A_1243 = arith.constant 14 : i32
        %swap3A_1244 = arith.index_cast %swap3A_1243 : i32 to index
        %swap3A_1245 = arith.constant 64 : index
        %swap3A_1246 = tpu.vector_load %arg11[%swap3A_1244, %swap3A_1245] {strides = array<i32>} : memref<16x128xf32, #tpu.memory_space<vmem>>, vector<16xf32>,
        tpu.vector_store %arg11[%swap3A_1244, %swap3A_1245], %mul3A_1242 {strides = array<i32>} : memref<16x128xf32, #tpu.memory_space<vmem>>, vector<16xf32>,
        %get3A_1247 = arith.constant 14 : i32
        %get3A_1248 = arith.index_cast %get3A_1247 : i32 to index
        %get3A_1249 = arith.constant 80 : index
        %get3A_1250 = tpu.vector_load %arg11[%get3A_1248, %get3A_1249] {strides = array<i32>} : memref<16x128xf32, #tpu.memory_space<vmem>>, vector<16xf32>,
        %mul3A_1251 = vector.broadcast %squeeze3A_1196 : f32 to vector<16xf32>
        %mul3A_1252 = arith.mulf %get3A_1250, %mul3A_1251 : vector<16xf32>
        %swap3A_1253 = arith.constant 14 : i32
        %swap3A_1254 = arith.index_cast %swap3A_1253 : i32 to index
        %swap3A_1255 = arith.constant 80 : index
        %swap3A_1256 = tpu.vector_load %arg11[%swap3A_1254, %swap3A_1255] {strides = array<i32>} : memref<16x128xf32, #tpu.memory_space<vmem>>, vector<16xf32>,
        tpu.vector_store %arg11[%swap3A_1254, %swap3A_1255], %mul3A_1252 {strides = array<i32>} : memref<16x128xf32, #tpu.memory_space<vmem>>, vector<16xf32>,
        %get3A_1257 = arith.constant 14 : i32
        %get3A_1258 = arith.index_cast %get3A_1257 : i32 to index
        %get3A_1259 = arith.constant 96 : index
        %get3A_1260 = tpu.vector_load %arg11[%get3A_1258, %get3A_1259] {strides = array<i32>} : memref<16x128xf32, #tpu.memory_space<vmem>>, vector<16xf32>,
        %mul3A_1261 = vector.broadcast %squeeze3A_1196 : f32 to vector<16xf32>
        %mul3A_1262 = arith.mulf %get3A_1260, %mul3A_1261 : vector<16xf32>
        %swap3A_1263 = arith.constant 14 : i32
        %swap3A_1264 = arith.index_cast %swap3A_1263 : i32 to index
        %swap3A_1265 = arith.constant 96 : index
        %swap3A_1266 = tpu.vector_load %arg11[%swap3A_1264, %swap3A_1265] {strides = array<i32>} : memref<16x128xf32, #tpu.memory_space<vmem>>, vector<16xf32>,
        tpu.vector_store %arg11[%swap3A_1264, %swap3A_1265], %mul3A_1262 {strides = array<i32>} : memref<16x128xf32, #tpu.memory_space<vmem>>, vector<16xf32>,
        %get3A_1267 = arith.constant 14 : i32
        %get3A_1268 = arith.index_cast %get3A_1267 : i32 to index
        %get3A_1269 = arith.constant 112 : index
        %get3A_1270 = tpu.vector_load %arg11[%get3A_1268, %get3A_1269] {strides = array<i32>} : memref<16x128xf32, #tpu.memory_space<vmem>>, vector<16xf32>,
        %mul3A_1271 = vector.broadcast %squeeze3A_1196 : f32 to vector<16xf32>
        %mul3A_1272 = arith.mulf %get3A_1270, %mul3A_1271 : vector<16xf32>
        %swap3A_1273 = arith.constant 14 : i32
        %swap3A_1274 = arith.index_cast %swap3A_1273 : i32 to index
        %swap3A_1275 = arith.constant 112 : index
        %swap3A_1276 = tpu.vector_load %arg11[%swap3A_1274, %swap3A_1275] {strides = array<i32>} : memref<16x128xf32, #tpu.memory_space<vmem>>, vector<16xf32>,
        tpu.vector_store %arg11[%swap3A_1274, %swap3A_1275], %mul3A_1272 {strides = array<i32>} : memref<16x128xf32, #tpu.memory_space<vmem>>, vector<16xf32>,
        %slice3A_1277 = vector.extract_strided_slice %get3A_43 {offsets = [15], sizes = [1], strides = [1]} : vector<16xf32> to vector<1xf32>
        %squeeze3A_1278 = vector.extract %slice3A_1277[0] : f32 from vector<1xf32>
        %get3A_1279 = arith.constant 15 : i32
        %get3A_1280 = arith.index_cast %get3A_1279 : i32 to index
        %get3A_1281 = arith.constant 0 : index
        %get3A_1282 = tpu.vector_load %arg11[%get3A_1280, %get3A_1281] {strides = array<i32>} : memref<16x128xf32, #tpu.memory_space<vmem>>, vector<16xf32>,
        %mul3A_1283 = vector.broadcast %squeeze3A_1278 : f32 to vector<16xf32>
        %mul3A_1284 = arith.mulf %get3A_1282, %mul3A_1283 : vector<16xf32>
        %swap3A_1285 = arith.constant 15 : i32
        %swap3A_1286 = arith.index_cast %swap3A_1285 : i32 to index
        %swap3A_1287 = arith.constant 0 : index
        %swap3A_1288 = tpu.vector_load %arg11[%swap3A_1286, %swap3A_1287] {strides = array<i32>} : memref<16x128xf32, #tpu.memory_space<vmem>>, vector<16xf32>,
        tpu.vector_store %arg11[%swap3A_1286, %swap3A_1287], %mul3A_1284 {strides = array<i32>} : memref<16x128xf32, #tpu.memory_space<vmem>>, vector<16xf32>,
        %get3A_1289 = arith.constant 15 : i32
        %get3A_1290 = arith.index_cast %get3A_1289 : i32 to index
        %get3A_1291 = arith.constant 16 : index
        %get3A_1292 = tpu.vector_load %arg11[%get3A_1290, %get3A_1291] {strides = array<i32>} : memref<16x128xf32, #tpu.memory_space<vmem>>, vector<16xf32>,
        %mul3A_1293 = vector.broadcast %squeeze3A_1278 : f32 to vector<16xf32>
        %mul3A_1294 = arith.mulf %get3A_1292, %mul3A_1293 : vector<16xf32>
        %swap3A_1295 = arith.constant 15 : i32
        %swap3A_1296 = arith.index_cast %swap3A_1295 : i32 to index
        %swap3A_1297 = arith.constant 16 : index
        %swap3A_1298 = tpu.vector_load %arg11[%swap3A_1296, %swap3A_1297] {strides = array<i32>} : memref<16x128xf32, #tpu.memory_space<vmem>>, vector<16xf32>,
        tpu.vector_store %arg11[%swap3A_1296, %swap3A_1297], %mul3A_1294 {strides = array<i32>} : memref<16x128xf32, #tpu.memory_space<vmem>>, vector<16xf32>,
        %get3A_1299 = arith.constant 15 : i32
        %get3A_1300 = arith.index_cast %get3A_1299 : i32 to index
        %get3A_1301 = arith.constant 32 : index
        %get3A_1302 = tpu.vector_load %arg11[%get3A_1300, %get3A_1301] {strides = array<i32>} : memref<16x128xf32, #tpu.memory_space<vmem>>, vector<16xf32>,
        %mul3A_1303 = vector.broadcast %squeeze3A_1278 : f32 to vector<16xf32>
        %mul3A_1304 = arith.mulf %get3A_1302, %mul3A_1303 : vector<16xf32>
        %swap3A_1305 = arith.constant 15 : i32
        %swap3A_1306 = arith.index_cast %swap3A_1305 : i32 to index
        %swap3A_1307 = arith.constant 32 : index
        %swap3A_1308 = tpu.vector_load %arg11[%swap3A_1306, %swap3A_1307] {strides = array<i32>} : memref<16x128xf32, #tpu.memory_space<vmem>>, vector<16xf32>,
        tpu.vector_store %arg11[%swap3A_1306, %swap3A_1307], %mul3A_1304 {strides = array<i32>} : memref<16x128xf32, #tpu.memory_space<vmem>>, vector<16xf32>,
        %get3A_1309 = arith.constant 15 : i32
        %get3A_1310 = arith.index_cast %get3A_1309 : i32 to index
        %get3A_1311 = arith.constant 48 : index
        %get3A_1312 = tpu.vector_load %arg11[%get3A_1310, %get3A_1311] {strides = array<i32>} : memref<16x128xf32, #tpu.memory_space<vmem>>, vector<16xf32>,
        %mul3A_1313 = vector.broadcast %squeeze3A_1278 : f32 to vector<16xf32>
        %mul3A_1314 = arith.mulf %get3A_1312, %mul3A_1313 : vector<16xf32>
        %swap3A_1315 = arith.constant 15 : i32
        %swap3A_1316 = arith.index_cast %swap3A_1315 : i32 to index
        %swap3A_1317 = arith.constant 48 : index
        %swap3A_1318 = tpu.vector_load %arg11[%swap3A_1316, %swap3A_1317] {strides = array<i32>} : memref<16x128xf32, #tpu.memory_space<vmem>>, vector<16xf32>,
        tpu.vector_store %arg11[%swap3A_1316, %swap3A_1317], %mul3A_1314 {strides = array<i32>} : memref<16x128xf32, #tpu.memory_space<vmem>>, vector<16xf32>,
        %get3A_1319 = arith.constant 15 : i32
        %get3A_1320 = arith.index_cast %get3A_1319 : i32 to index
        %get3A_1321 = arith.constant 64 : index
        %get3A_1322 = tpu.vector_load %arg11[%get3A_1320, %get3A_1321] {strides = array<i32>} : memref<16x128xf32, #tpu.memory_space<vmem>>, vector<16xf32>,
        %mul3A_1323 = vector.broadcast %squeeze3A_1278 : f32 to vector<16xf32>
        %mul3A_1324 = arith.mulf %get3A_1322, %mul3A_1323 : vector<16xf32>
        %swap3A_1325 = arith.constant 15 : i32
        %swap3A_1326 = arith.index_cast %swap3A_1325 : i32 to index
        %swap3A_1327 = arith.constant 64 : index
        %swap3A_1328 = tpu.vector_load %arg11[%swap3A_1326, %swap3A_1327] {strides = array<i32>} : memref<16x128xf32, #tpu.memory_space<vmem>>, vector<16xf32>,
        tpu.vector_store %arg11[%swap3A_1326, %swap3A_1327], %mul3A_1324 {strides = array<i32>} : memref<16x128xf32, #tpu.memory_space<vmem>>, vector<16xf32>,
        %get3A_1329 = arith.constant 15 : i32
        %get3A_1330 = arith.index_cast %get3A_1329 : i32 to index
        %get3A_1331 = arith.constant 80 : index
        %get3A_1332 = tpu.vector_load %arg11[%get3A_1330, %get3A_1331] {strides = array<i32>} : memref<16x128xf32, #tpu.memory_space<vmem>>, vector<16xf32>,
        %mul3A_1333 = vector.broadcast %squeeze3A_1278 : f32 to vector<16xf32>
        %mul3A_1334 = arith.mulf %get3A_1332, %mul3A_1333 : vector<16xf32>
        %swap3A_1335 = arith.constant 15 : i32
        %swap3A_1336 = arith.index_cast %swap3A_1335 : i32 to index
        %swap3A_1337 = arith.constant 80 : index
        %swap3A_1338 = tpu.vector_load %arg11[%swap3A_1336, %swap3A_1337] {strides = array<i32>} : memref<16x128xf32, #tpu.memory_space<vmem>>, vector<16xf32>,
        tpu.vector_store %arg11[%swap3A_1336, %swap3A_1337], %mul3A_1334 {strides = array<i32>} : memref<16x128xf32, #tpu.memory_space<vmem>>, vector<16xf32>,
        %get3A_1339 = arith.constant 15 : i32
        %get3A_1340 = arith.index_cast %get3A_1339 : i32 to index
        %get3A_1341 = arith.constant 96 : index
        %get3A_1342 = tpu.vector_load %arg11[%get3A_1340, %get3A_1341] {strides = array<i32>} : memref<16x128xf32, #tpu.memory_space<vmem>>, vector<16xf32>,
        %mul3A_1343 = vector.broadcast %squeeze3A_1278 : f32 to vector<16xf32>
        %mul3A_1344 = arith.mulf %get3A_1342, %mul3A_1343 : vector<16xf32>
        %swap3A_1345 = arith.constant 15 : i32
        %swap3A_1346 = arith.index_cast %swap3A_1345 : i32 to index
        %swap3A_1347 = arith.constant 96 : index
        %swap3A_1348 = tpu.vector_load %arg11[%swap3A_1346, %swap3A_1347] {strides = array<i32>} : memref<16x128xf32, #tpu.memory_space<vmem>>, vector<16xf32>,
        tpu.vector_store %arg11[%swap3A_1346, %swap3A_1347], %mul3A_1344 {strides = array<i32>} : memref<16x128xf32, #tpu.memory_space<vmem>>, vector<16xf32>,
        %get3A_1349 = arith.constant 15 : i32
        %get3A_1350 = arith.index_cast %get3A_1349 : i32 to index
        %get3A_1351 = arith.constant 112 : index
        %get3A_1352 = tpu.vector_load %arg11[%get3A_1350, %get3A_1351] {strides = array<i32>} : memref<16x128xf32, #tpu.memory_space<vmem>>, vector<16xf32>,
        %mul3A_1353 = vector.broadcast %squeeze3A_1278 : f32 to vector<16xf32>
        %mul3A_1354 = arith.mulf %get3A_1352, %mul3A_1353 : vector<16xf32>
        %swap3A_1355 = arith.constant 15 : i32
        %swap3A_1356 = arith.index_cast %swap3A_1355 : i32 to index
        %swap3A_1357 = arith.constant 112 : index
        %swap3A_1358 = tpu.vector_load %arg11[%swap3A_1356, %swap3A_1357] {strides = array<i32>} : memref<16x128xf32, #tpu.memory_space<vmem>>, vector<16xf32>,
        tpu.vector_store %arg11[%swap3A_1356, %swap3A_1357], %mul3A_1354 {strides = array<i32>} : memref<16x128xf32, #tpu.memory_space<vmem>>, vector<16xf32>,
        "tpu.region"() ({
          %run_scoped3A = tpu.sem_alloc : memref<!tpu.dma_semaphore, #tpu.memory_space<semaphore_mem>>
          %dma_start3A = arith.constant 0 : i32
          %dma_start3A_1359 = arith.constant 0 : i32
          %dma_start3A_1360 = tpu.memref_slice %arg13[%dma_start3A, %dma_start3A_1359] : memref<10240x128xf32, #tpu.memory_space<vmem_shared>> -> memref<10240x128xf32, #tpu.memory_space<vmem_shared>>
          tpu.enqueue_indirect_dma source(%arg11 : memref<16x128xf32, #tpu.memory_space<vmem>>) target(%dma_start3A_1360 : memref<10240x128xf32, #tpu.memory_space<vmem_shared>>) offsets(%arg10 : memref<16xi32, #tpu.memory_space<vmem>>) semaphore(%run_scoped3A : memref<!tpu.dma_semaphore, #tpu.memory_space<semaphore_mem>>) {add = true}
          %dma_wait3A = arith.constant 0 : i32
          %dma_wait3A_1361 = arith.constant 0 : i32
          %dma_wait3A_1362 = tpu.memref_slice %arg13[%dma_wait3A, %dma_wait3A_1361] : memref<10240x128xf32, #tpu.memory_space<vmem_shared>> -> memref<10240x128xf32, #tpu.memory_space<vmem_shared>>
          tpu.wait_indirect_dma semaphore(%run_scoped3A : memref<!tpu.dma_semaphore, #tpu.memory_space<semaphore_mem>>) src(%arg11 : memref<16x128xf32, #tpu.memory_space<vmem>>) dst(%dma_wait3A_1362 : memref<10240x128xf32, #tpu.memory_space<vmem_shared>>)
          tpu.yield
        }) : () -> ()
      }
      %scan3A_35 = arith.constant 125 : i32
    }
    %scan3A_20 = arith.constant 5 : i32
    %barrier3A_21 = arith.constant 0 : index
    tpu.barrier barrier_id(%barrier3A_21)
    %mul3A_22 = arith.constant 640 : i32
    %mul3A_23 = arith.muli %arg1, %mul3A_22 : i32
    %mul3A_24 = arith.constant 640 : i32
    %mul3A_25 = arith.muli %arg1, %mul3A_24 : i32
    "tpu.region"() ({
      %run_scoped3A = tpu.sem_alloc : memref<!tpu.dma_semaphore, #tpu.memory_space<semaphore_mem>>
      %dma_start3A = arith.constant 0 : i32
      %dma_start3A_26 = tpu.memref_slice %arg6[%arg0, %mul3A_25, %dma_start3A] : memref<2x10240x128xf32, #tpu.memory_space<hbm>> -> memref<1x640x128xf32, #tpu.memory_space<hbm>>
      %dma_start3A_27 = tpu.memref_squeeze %dma_start3A_26 : memref<1x640x128xf32, #tpu.memory_space<hbm>> -> memref<640x128xf32, #tpu.memory_space<hbm>>
      %dma_start3A_28 = arith.constant 0 : i32
      %dma_start3A_29 = tpu.memref_slice %arg13[%mul3A_23, %dma_start3A_28] : memref<10240x128xf32, #tpu.memory_space<vmem_shared>> -> memref<640x128xf32, #tpu.memory_space<vmem_shared>>
      tpu.enqueue_dma source(%dma_start3A_29 : memref<640x128xf32, #tpu.memory_space<vmem_shared>>) target(%dma_start3A_27 : memref<640x128xf32, #tpu.memory_space<hbm>>) target_semaphore(%run_scoped3A : memref<!tpu.dma_semaphore, #tpu.memory_space<semaphore_mem>>)
      %dma_wait3A = arith.constant 0 : i32
      %dma_wait3A_30 = tpu.memref_slice %arg6[%arg0, %mul3A_25, %dma_wait3A] : memref<2x10240x128xf32, #tpu.memory_space<hbm>> -> memref<1x640x128xf32, #tpu.memory_space<hbm>>
      %dma_wait3A_31 = tpu.memref_squeeze %dma_wait3A_30 : memref<1x640x128xf32, #tpu.memory_space<hbm>> -> memref<640x128xf32, #tpu.memory_space<hbm>>
      %dma_wait3A_32 = arith.constant 0 : i32
      %dma_wait3A_33 = tpu.memref_slice %arg13[%mul3A_23, %dma_wait3A_32] : memref<10240x128xf32, #tpu.memory_space<vmem_shared>> -> memref<640x128xf32, #tpu.memory_space<vmem_shared>>
      tpu.wait_dma2 semaphore(%run_scoped3A : memref<!tpu.dma_semaphore, #tpu.memory_space<semaphore_mem>>) src(%dma_wait3A_33 : memref<640x128xf32, #tpu.memory_space<vmem_shared>>) dst(%dma_wait3A_31 : memref<640x128xf32, #tpu.memory_space<hbm>>)
      tpu.yield
    }) : () -> ()
    return
  }
}

#map = affine_map<(d0, d1) -> (0, 0)>
#map1 = affine_map<(d0, d1) -> (0)>
#map2 = affine_map<(d0, d1) -> (0, 0, 0)>
module attributes {stable_mosaic.version = 14 : i64} {
  func.func @_sc_sweep_body(%arg0: i32, %arg1: i32, %arg2: memref<10000x128xf32, #tpu.memory_space<hbm>>, %arg3: memref<320000xi32, #tpu.memory_space<hbm>>, %arg4: memref<320000xi32, #tpu.memory_space<hbm>>, %arg5: memref<320000xf32, #tpu.memory_space<hbm>>, %arg6: memref<2x10240x128xf32, #tpu.memory_space<hbm>>, %arg7: memref<2000xi32, #tpu.memory_space<vmem>>, %arg8: memref<2000xf32, #tpu.memory_space<vmem>>, %arg9: memref<2000xi32, #tpu.memory_space<vmem>>, %arg10: memref<16xi32, #tpu.memory_space<vmem>>, %arg11: memref<16x128xf32, #tpu.memory_space<vmem>>, %arg12: memref<32x128xf32, #tpu.memory_space<vmem>>, %arg13: memref<10240x128xf32, #tpu.memory_space<vmem_shared>>) attributes {dimension_semantics = [#tpu.dimension_semantics<core_parallel>, #tpu.dimension_semantics<subcore_parallel>], iteration_bounds = array<i64: 2, 16>, scalar_prefetch = 0 : i64, scratch_operands = 7 : i64, tpu.core_type = #tpu.core_type<sc_vector_subcore>, window_params = [{transform_indices = #map}, {transform_indices = #map1}, {transform_indices = #map1}, {transform_indices = #map1}, {transform_indices = #map2}]} {
    %mul3A = arith.constant 16 : i32
    %mul3A_0 = arith.muli %arg0, %mul3A : i32
    %add3A = arith.addi %mul3A_0, %arg1 : i32
    %mul3A_1 = arith.constant 10000 : i32
    %mul3A_2 = arith.muli %add3A, %mul3A_1 : i32
    %broadcast_in_dim3A = arith.constant 0.000000e+00 : f32
    %broadcast_in_dim3A_3 = vector.broadcast %broadcast_in_dim3A : f32 to vector<16xf32>
    %scan3A = arith.constant 0 : i32
    %scan3A_4 = arith.constant 0 : i32
    %scan3A_5 = arith.constant 32 : i32
    %scan3A_6 = arith.addi %scan3A_4, %scan3A_5 : i32
    %scan3A_7 = arith.constant 1 : i32
    scf.for %scan3A_26 = %scan3A_4 to %scan3A_6 step %scan3A_7  : i32 {
      %swap3A = arith.index_cast %scan3A_26 : i32 to index
      %swap3A_27 = arith.constant 0 : index
      %swap3A_28 = tpu.vector_load %arg12[%swap3A, %swap3A_27] {strides = array<i32>} : memref<32x128xf32, #tpu.memory_space<vmem>>, vector<16xf32>,
      tpu.vector_store %arg12[%swap3A, %swap3A_27], %broadcast_in_dim3A_3 {strides = array<i32>} : memref<32x128xf32, #tpu.memory_space<vmem>>, vector<16xf32>,
      %swap3A_29 = arith.index_cast %scan3A_26 : i32 to index
      %swap3A_30 = arith.constant 16 : index
      %swap3A_31 = tpu.vector_load %arg12[%swap3A_29, %swap3A_30] {strides = array<i32>} : memref<32x128xf32, #tpu.memory_space<vmem>>, vector<16xf32>,
      tpu.vector_store %arg12[%swap3A_29, %swap3A_30], %broadcast_in_dim3A_3 {strides = array<i32>} : memref<32x128xf32, #tpu.memory_space<vmem>>, vector<16xf32>,
      %swap3A_32 = arith.index_cast %scan3A_26 : i32 to index
      %swap3A_33 = arith.constant 32 : index
      %swap3A_34 = tpu.vector_load %arg12[%swap3A_32, %swap3A_33] {strides = array<i32>} : memref<32x128xf32, #tpu.memory_space<vmem>>, vector<16xf32>,
      tpu.vector_store %arg12[%swap3A_32, %swap3A_33], %broadcast_in_dim3A_3 {strides = array<i32>} : memref<32x128xf32, #tpu.memory_space<vmem>>, vector<16xf32>,
      %swap3A_35 = arith.index_cast %scan3A_26 : i32 to index
      %swap3A_36 = arith.constant 48 : index
      %swap3A_37 = tpu.vector_load %arg12[%swap3A_35, %swap3A_36] {strides = array<i32>} : memref<32x128xf32, #tpu.memory_space<vmem>>, vector<16xf32>,
      tpu.vector_store %arg12[%swap3A_35, %swap3A_36], %broadcast_in_dim3A_3 {strides = array<i32>} : memref<32x128xf32, #tpu.memory_space<vmem>>, vector<16xf32>,
      %swap3A_38 = arith.index_cast %scan3A_26 : i32 to index
      %swap3A_39 = arith.constant 64 : index
      %swap3A_40 = tpu.vector_load %arg12[%swap3A_38, %swap3A_39] {strides = array<i32>} : memref<32x128xf32, #tpu.memory_space<vmem>>, vector<16xf32>,
      tpu.vector_store %arg12[%swap3A_38, %swap3A_39], %broadcast_in_dim3A_3 {strides = array<i32>} : memref<32x128xf32, #tpu.memory_space<vmem>>, vector<16xf32>,
      %swap3A_41 = arith.index_cast %scan3A_26 : i32 to index
      %swap3A_42 = arith.constant 80 : index
      %swap3A_43 = tpu.vector_load %arg12[%swap3A_41, %swap3A_42] {strides = array<i32>} : memref<32x128xf32, #tpu.memory_space<vmem>>, vector<16xf32>,
      tpu.vector_store %arg12[%swap3A_41, %swap3A_42], %broadcast_in_dim3A_3 {strides = array<i32>} : memref<32x128xf32, #tpu.memory_space<vmem>>, vector<16xf32>,
      %swap3A_44 = arith.index_cast %scan3A_26 : i32 to index
      %swap3A_45 = arith.constant 96 : index
      %swap3A_46 = tpu.vector_load %arg12[%swap3A_44, %swap3A_45] {strides = array<i32>} : memref<32x128xf32, #tpu.memory_space<vmem>>, vector<16xf32>,
      tpu.vector_store %arg12[%swap3A_44, %swap3A_45], %broadcast_in_dim3A_3 {strides = array<i32>} : memref<32x128xf32, #tpu.memory_space<vmem>>, vector<16xf32>,
      %swap3A_47 = arith.index_cast %scan3A_26 : i32 to index
      %swap3A_48 = arith.constant 112 : index
      %swap3A_49 = tpu.vector_load %arg12[%swap3A_47, %swap3A_48] {strides = array<i32>} : memref<32x128xf32, #tpu.memory_space<vmem>>, vector<16xf32>,
      tpu.vector_store %arg12[%swap3A_47, %swap3A_48], %broadcast_in_dim3A_3 {strides = array<i32>} : memref<32x128xf32, #tpu.memory_space<vmem>>, vector<16xf32>,
    }
    %scan3A_8 = arith.constant 32 : i32
    %scan3A_9 = arith.constant 0 : i32
    %scan3A_10 = arith.constant 0 : i32
    %scan3A_11 = arith.constant 20 : i32
    %scan3A_12 = arith.addi %scan3A_10, %scan3A_11 : i32
    %scan3A_13 = arith.constant 1 : i32
    scf.for %scan3A_26 = %scan3A_10 to %scan3A_12 step %scan3A_13  : i32 {
      %mul3A_27 = arith.constant 640 : i32
      %mul3A_28 = arith.muli %arg1, %mul3A_27 : i32
      %mul3A_29 = arith.constant 32 : i32
      %mul3A_30 = arith.muli %scan3A_26, %mul3A_29 : i32
      %add3A_31 = arith.addi %mul3A_28, %mul3A_30 : i32
      "tpu.region"() ({
        %run_scoped3A = tpu.sem_alloc : memref<!tpu.dma_semaphore, #tpu.memory_space<semaphore_mem>>
        %dma_start3A = arith.constant 0 : i32
        %dma_start3A_32 = tpu.memref_slice %arg13[%add3A_31, %dma_start3A] : memref<10240x128xf32, #tpu.memory_space<vmem_shared>> -> memref<32x128xf32, #tpu.memory_space<vmem_shared>>
        %dma_start3A_33 = arith.constant 0 : i32
        %dma_start3A_34 = tpu.memref_slice %arg13[%add3A_31, %dma_start3A_33] : memref<10240x128xf32, #tpu.memory_space<vmem_shared>> -> memref<32x128xf32, #tpu.memory_space<vmem_shared>>
        tpu.enqueue_dma source(%arg12 : memref<32x128xf32, #tpu.memory_space<vmem>>) target(%dma_start3A_34 : memref<32x128xf32, #tpu.memory_space<vmem_shared>>) target_semaphore(%run_scoped3A : memref<!tpu.dma_semaphore, #tpu.memory_space<semaphore_mem>>)
        %dma_wait3A = arith.constant 0 : i32
        %dma_wait3A_35 = tpu.memref_slice %arg13[%add3A_31, %dma_wait3A] : memref<10240x128xf32, #tpu.memory_space<vmem_shared>> -> memref<32x128xf32, #tpu.memory_space<vmem_shared>>
        %dma_wait3A_36 = arith.constant 0 : i32
        %dma_wait3A_37 = tpu.memref_slice %arg13[%add3A_31, %dma_wait3A_36] : memref<10240x128xf32, #tpu.memory_space<vmem_shared>> -> memref<32x128xf32, #tpu.memory_space<vmem_shared>>
        tpu.wait_dma2 semaphore(%run_scoped3A : memref<!tpu.dma_semaphore, #tpu.memory_space<semaphore_mem>>) src(%arg12 : memref<32x128xf32, #tpu.memory_space<vmem>>) dst(%dma_wait3A_37 : memref<32x128xf32, #tpu.memory_space<vmem_shared>>)
        tpu.yield
      }) : () -> ()
    }
    %scan3A_14 = arith.constant 20 : i32
    %barrier3A = arith.constant 0 : index
    tpu.barrier barrier_id(%barrier3A)
    %scan3A_15 = arith.constant 0 : i32
    %scan3A_16 = arith.constant 0 : i32
    %scan3A_17 = arith.constant 5 : i32
    %scan3A_18 = arith.addi %scan3A_16, %scan3A_17 : i32
    %scan3A_19 = arith.constant 1 : i32
    scf.for %scan3A_26 = %scan3A_16 to %scan3A_18 step %scan3A_19  : i32 {
      %mul3A_27 = arith.constant 2000 : i32
      %mul3A_28 = arith.muli %scan3A_26, %mul3A_27 : i32
      %add3A_29 = arith.addi %mul3A_2, %mul3A_28 : i32
      "tpu.region"() ({
        %run_scoped3A = tpu.sem_alloc : memref<!tpu.dma_semaphore, #tpu.memory_space<semaphore_mem>>
        %dma_start3A = tpu.memref_slice %arg3[%add3A_29] : memref<320000xi32, #tpu.memory_space<hbm>> -> memref<2000xi32, #tpu.memory_space<hbm>>
        %dma_start3A_36 = tpu.memref_slice %arg3[%add3A_29] : memref<320000xi32, #tpu.memory_space<hbm>> -> memref<2000xi32, #tpu.memory_space<hbm>>
        tpu.enqueue_dma source(%dma_start3A_36 : memref<2000xi32, #tpu.memory_space<hbm>>) target(%arg7 : memref<2000xi32, #tpu.memory_space<vmem>>) target_semaphore(%run_scoped3A : memref<!tpu.dma_semaphore, #tpu.memory_space<semaphore_mem>>)
        %dma_wait3A = tpu.memref_slice %arg3[%add3A_29] : memref<320000xi32, #tpu.memory_space<hbm>> -> memref<2000xi32, #tpu.memory_space<hbm>>
        %dma_wait3A_37 = tpu.memref_slice %arg3[%add3A_29] : memref<320000xi32, #tpu.memory_space<hbm>> -> memref<2000xi32, #tpu.memory_space<hbm>>
        tpu.wait_dma2 semaphore(%run_scoped3A : memref<!tpu.dma_semaphore, #tpu.memory_space<semaphore_mem>>) src(%dma_wait3A_37 : memref<2000xi32, #tpu.memory_space<hbm>>) dst(%arg7 : memref<2000xi32, #tpu.memory_space<vmem>>)
        tpu.yield
      }) : () -> ()
      "tpu.region"() ({
        %run_scoped3A = tpu.sem_alloc : memref<!tpu.dma_semaphore, #tpu.memory_space<semaphore_mem>>
        %dma_start3A = tpu.memref_slice %arg5[%add3A_29] : memref<320000xf32, #tpu.memory_space<hbm>> -> memref<2000xf32, #tpu.memory_space<hbm>>
        %dma_start3A_36 = tpu.memref_slice %arg5[%add3A_29] : memref<320000xf32, #tpu.memory_space<hbm>> -> memref<2000xf32, #tpu.memory_space<hbm>>
        tpu.enqueue_dma source(%dma_start3A_36 : memref<2000xf32, #tpu.memory_space<hbm>>) target(%arg8 : memref<2000xf32, #tpu.memory_space<vmem>>) target_semaphore(%run_scoped3A : memref<!tpu.dma_semaphore, #tpu.memory_space<semaphore_mem>>)
        %dma_wait3A = tpu.memref_slice %arg5[%add3A_29] : memref<320000xf32, #tpu.memory_space<hbm>> -> memref<2000xf32, #tpu.memory_space<hbm>>
        %dma_wait3A_37 = tpu.memref_slice %arg5[%add3A_29] : memref<320000xf32, #tpu.memory_space<hbm>> -> memref<2000xf32, #tpu.memory_space<hbm>>
        tpu.wait_dma2 semaphore(%run_scoped3A : memref<!tpu.dma_semaphore, #tpu.memory_space<semaphore_mem>>) src(%dma_wait3A_37 : memref<2000xf32, #tpu.memory_space<hbm>>) dst(%arg8 : memref<2000xf32, #tpu.memory_space<vmem>>)
        tpu.yield
      }) : () -> ()
      "tpu.region"() ({
        %run_scoped3A = tpu.sem_alloc : memref<!tpu.dma_semaphore, #tpu.memory_space<semaphore_mem>>
        %dma_start3A = tpu.memref_slice %arg4[%add3A_29] : memref<320000xi32, #tpu.memory_space<hbm>> -> memref<2000xi32, #tpu.memory_space<hbm>>
        %dma_start3A_36 = tpu.memref_slice %arg4[%add3A_29] : memref<320000xi32, #tpu.memory_space<hbm>> -> memref<2000xi32, #tpu.memory_space<hbm>>
        tpu.enqueue_dma source(%dma_start3A_36 : memref<2000xi32, #tpu.memory_space<hbm>>) target(%arg9 : memref<2000xi32, #tpu.memory_space<vmem>>) target_semaphore(%run_scoped3A : memref<!tpu.dma_semaphore, #tpu.memory_space<semaphore_mem>>)
        %dma_wait3A = tpu.memref_slice %arg4[%add3A_29] : memref<320000xi32, #tpu.memory_space<hbm>> -> memref<2000xi32, #tpu.memory_space<hbm>>
        %dma_wait3A_37 = tpu.memref_slice %arg4[%add3A_29] : memref<320000xi32, #tpu.memory_space<hbm>> -> memref<2000xi32, #tpu.memory_space<hbm>>
        tpu.wait_dma2 semaphore(%run_scoped3A : memref<!tpu.dma_semaphore, #tpu.memory_space<semaphore_mem>>) src(%dma_wait3A_37 : memref<2000xi32, #tpu.memory_space<hbm>>) dst(%arg9 : memref<2000xi32, #tpu.memory_space<vmem>>)
        tpu.yield
      }) : () -> ()
      %scan3A_30 = arith.constant 0 : i32
      %scan3A_31 = arith.constant 0 : i32
      %scan3A_32 = arith.constant 125 : i32
      %scan3A_33 = arith.addi %scan3A_31, %scan3A_32 : i32
      %scan3A_34 = arith.constant 1 : i32
      scf.for %scan3A_36 = %scan3A_31 to %scan3A_33 step %scan3A_34  : i32 {
        %mul3A_37 = arith.constant 16 : i32
        %mul3A_38 = arith.muli %scan3A_36, %mul3A_37 : i32
        %get3A = arith.index_cast %mul3A_38 : i32 to index
        %get3A_39 = tpu.vector_load %arg7[%get3A] {strides = array<i32>} : memref<2000xi32, #tpu.memory_space<vmem>>, vector<16xi32>,
        %mul3A_40 = arith.constant 16 : i32
        %mul3A_41 = arith.muli %scan3A_36, %mul3A_40 : i32
        %get3A_42 = arith.index_cast %mul3A_41 : i32 to index
        %get3A_43 = tpu.vector_load %arg8[%get3A_42] {strides = array<i32>} : memref<2000xf32, #tpu.memory_space<vmem>>, vector<16xf32>,
        %mul3A_44 = arith.constant 16 : i32
        %mul3A_45 = arith.muli %scan3A_36, %mul3A_44 : i32
        %get3A_46 = arith.index_cast %mul3A_45 : i32 to index
        %get3A_47 = tpu.vector_load %arg9[%get3A_46] {strides = array<i32>} : memref<2000xi32, #tpu.memory_space<vmem>>, vector<16xi32>,
        %swap3A = arith.constant 0 : index
        %swap3A_48 = tpu.vector_load %arg10[%swap3A] {strides = array<i32>} : memref<16xi32, #tpu.memory_space<vmem>>, vector<16xi32>,
        tpu.vector_store %arg10[%swap3A], %get3A_47 {strides = array<i32>} : memref<16xi32, #tpu.memory_space<vmem>>, vector<16xi32>,
        "tpu.region"() ({
          %run_scoped3A = tpu.sem_alloc : memref<!tpu.dma_semaphore, #tpu.memory_space<semaphore_mem>>
          %dma_start3A = arith.constant 0 : i32
          %dma_start3A_1359 = arith.constant 0 : i32
          %dma_start3A_1360 = tpu.memref_slice %arg2[%dma_start3A, %dma_start3A_1359] : memref<10000x128xf32, #tpu.memory_space<hbm>> -> memref<10000x128xf32, #tpu.memory_space<hbm>>
          tpu.enqueue_indirect_dma source(%dma_start3A_1360 : memref<10000x128xf32, #tpu.memory_space<hbm>>) target(%arg11 : memref<16x128xf32, #tpu.memory_space<vmem>>) offsets(%get3A_39 : vector<16xi32>) semaphore(%run_scoped3A : memref<!tpu.dma_semaphore, #tpu.memory_space<semaphore_mem>>)
          %dma_wait3A = arith.constant 0 : i32
          %dma_wait3A_1361 = arith.constant 0 : i32
          %dma_wait3A_1362 = tpu.memref_slice %arg2[%dma_wait3A, %dma_wait3A_1361] : memref<10000x128xf32, #tpu.memory_space<hbm>> -> memref<10000x128xf32, #tpu.memory_space<hbm>>
          tpu.wait_indirect_dma semaphore(%run_scoped3A : memref<!tpu.dma_semaphore, #tpu.memory_space<semaphore_mem>>) src(%dma_wait3A_1362 : memref<10000x128xf32, #tpu.memory_space<hbm>>) dst(%arg11 : memref<16x128xf32, #tpu.memory_space<vmem>>)
          tpu.yield
        }) : () -> ()
        %slice3A = vector.extract_strided_slice %get3A_43 {offsets = [0], sizes = [1], strides = [1]} : vector<16xf32> to vector<1xf32>
        %squeeze3A = vector.extract %slice3A[0] : f32 from vector<1xf32>
        %get3A_49 = arith.constant 0 : i32
        %get3A_50 = arith.index_cast %get3A_49 : i32 to index
        %get3A_51 = arith.constant 0 : index
        %get3A_52 = tpu.vector_load %arg11[%get3A_50, %get3A_51] {strides = array<i32>} : memref<16x128xf32, #tpu.memory_space<vmem>>, vector<16xf32>,
        %mul3A_53 = vector.broadcast %squeeze3A : f32 to vector<16xf32>
        %mul3A_54 = arith.mulf %get3A_52, %mul3A_53 : vector<16xf32>
        %swap3A_55 = arith.constant 0 : i32
        %swap3A_56 = arith.index_cast %swap3A_55 : i32 to index
        %swap3A_57 = arith.constant 0 : index
        %swap3A_58 = tpu.vector_load %arg11[%swap3A_56, %swap3A_57] {strides = array<i32>} : memref<16x128xf32, #tpu.memory_space<vmem>>, vector<16xf32>,
        tpu.vector_store %arg11[%swap3A_56, %swap3A_57], %mul3A_54 {strides = array<i32>} : memref<16x128xf32, #tpu.memory_space<vmem>>, vector<16xf32>,
        %get3A_59 = arith.constant 0 : i32
        %get3A_60 = arith.index_cast %get3A_59 : i32 to index
        %get3A_61 = arith.constant 16 : index
        %get3A_62 = tpu.vector_load %arg11[%get3A_60, %get3A_61] {strides = array<i32>} : memref<16x128xf32, #tpu.memory_space<vmem>>, vector<16xf32>,
        %mul3A_63 = vector.broadcast %squeeze3A : f32 to vector<16xf32>
        %mul3A_64 = arith.mulf %get3A_62, %mul3A_63 : vector<16xf32>
        %swap3A_65 = arith.constant 0 : i32
        %swap3A_66 = arith.index_cast %swap3A_65 : i32 to index
        %swap3A_67 = arith.constant 16 : index
        %swap3A_68 = tpu.vector_load %arg11[%swap3A_66, %swap3A_67] {strides = array<i32>} : memref<16x128xf32, #tpu.memory_space<vmem>>, vector<16xf32>,
        tpu.vector_store %arg11[%swap3A_66, %swap3A_67], %mul3A_64 {strides = array<i32>} : memref<16x128xf32, #tpu.memory_space<vmem>>, vector<16xf32>,
        %get3A_69 = arith.constant 0 : i32
        %get3A_70 = arith.index_cast %get3A_69 : i32 to index
        %get3A_71 = arith.constant 32 : index
        %get3A_72 = tpu.vector_load %arg11[%get3A_70, %get3A_71] {strides = array<i32>} : memref<16x128xf32, #tpu.memory_space<vmem>>, vector<16xf32>,
        %mul3A_73 = vector.broadcast %squeeze3A : f32 to vector<16xf32>
        %mul3A_74 = arith.mulf %get3A_72, %mul3A_73 : vector<16xf32>
        %swap3A_75 = arith.constant 0 : i32
        %swap3A_76 = arith.index_cast %swap3A_75 : i32 to index
        %swap3A_77 = arith.constant 32 : index
        %swap3A_78 = tpu.vector_load %arg11[%swap3A_76, %swap3A_77] {strides = array<i32>} : memref<16x128xf32, #tpu.memory_space<vmem>>, vector<16xf32>,
        tpu.vector_store %arg11[%swap3A_76, %swap3A_77], %mul3A_74 {strides = array<i32>} : memref<16x128xf32, #tpu.memory_space<vmem>>, vector<16xf32>,
        %get3A_79 = arith.constant 0 : i32
        %get3A_80 = arith.index_cast %get3A_79 : i32 to index
        %get3A_81 = arith.constant 48 : index
        %get3A_82 = tpu.vector_load %arg11[%get3A_80, %get3A_81] {strides = array<i32>} : memref<16x128xf32, #tpu.memory_space<vmem>>, vector<16xf32>,
        %mul3A_83 = vector.broadcast %squeeze3A : f32 to vector<16xf32>
        %mul3A_84 = arith.mulf %get3A_82, %mul3A_83 : vector<16xf32>
        %swap3A_85 = arith.constant 0 : i32
        %swap3A_86 = arith.index_cast %swap3A_85 : i32 to index
        %swap3A_87 = arith.constant 48 : index
        %swap3A_88 = tpu.vector_load %arg11[%swap3A_86, %swap3A_87] {strides = array<i32>} : memref<16x128xf32, #tpu.memory_space<vmem>>, vector<16xf32>,
        tpu.vector_store %arg11[%swap3A_86, %swap3A_87], %mul3A_84 {strides = array<i32>} : memref<16x128xf32, #tpu.memory_space<vmem>>, vector<16xf32>,
        %get3A_89 = arith.constant 0 : i32
        %get3A_90 = arith.index_cast %get3A_89 : i32 to index
        %get3A_91 = arith.constant 64 : index
        %get3A_92 = tpu.vector_load %arg11[%get3A_90, %get3A_91] {strides = array<i32>} : memref<16x128xf32, #tpu.memory_space<vmem>>, vector<16xf32>,
        %mul3A_93 = vector.broadcast %squeeze3A : f32 to vector<16xf32>
        %mul3A_94 = arith.mulf %get3A_92, %mul3A_93 : vector<16xf32>
        %swap3A_95 = arith.constant 0 : i32
        %swap3A_96 = arith.index_cast %swap3A_95 : i32 to index
        %swap3A_97 = arith.constant 64 : index
        %swap3A_98 = tpu.vector_load %arg11[%swap3A_96, %swap3A_97] {strides = array<i32>} : memref<16x128xf32, #tpu.memory_space<vmem>>, vector<16xf32>,
        tpu.vector_store %arg11[%swap3A_96, %swap3A_97], %mul3A_94 {strides = array<i32>} : memref<16x128xf32, #tpu.memory_space<vmem>>, vector<16xf32>,
        %get3A_99 = arith.constant 0 : i32
        %get3A_100 = arith.index_cast %get3A_99 : i32 to index
        %get3A_101 = arith.constant 80 : index
        %get3A_102 = tpu.vector_load %arg11[%get3A_100, %get3A_101] {strides = array<i32>} : memref<16x128xf32, #tpu.memory_space<vmem>>, vector<16xf32>,
        %mul3A_103 = vector.broadcast %squeeze3A : f32 to vector<16xf32>
        %mul3A_104 = arith.mulf %get3A_102, %mul3A_103 : vector<16xf32>
        %swap3A_105 = arith.constant 0 : i32
        %swap3A_106 = arith.index_cast %swap3A_105 : i32 to index
        %swap3A_107 = arith.constant 80 : index
        %swap3A_108 = tpu.vector_load %arg11[%swap3A_106, %swap3A_107] {strides = array<i32>} : memref<16x128xf32, #tpu.memory_space<vmem>>, vector<16xf32>,
        tpu.vector_store %arg11[%swap3A_106, %swap3A_107], %mul3A_104 {strides = array<i32>} : memref<16x128xf32, #tpu.memory_space<vmem>>, vector<16xf32>,
        %get3A_109 = arith.constant 0 : i32
        %get3A_110 = arith.index_cast %get3A_109 : i32 to index
        %get3A_111 = arith.constant 96 : index
        %get3A_112 = tpu.vector_load %arg11[%get3A_110, %get3A_111] {strides = array<i32>} : memref<16x128xf32, #tpu.memory_space<vmem>>, vector<16xf32>,
        %mul3A_113 = vector.broadcast %squeeze3A : f32 to vector<16xf32>
        %mul3A_114 = arith.mulf %get3A_112, %mul3A_113 : vector<16xf32>
        %swap3A_115 = arith.constant 0 : i32
        %swap3A_116 = arith.index_cast %swap3A_115 : i32 to index
        %swap3A_117 = arith.constant 96 : index
        %swap3A_118 = tpu.vector_load %arg11[%swap3A_116, %swap3A_117] {strides = array<i32>} : memref<16x128xf32, #tpu.memory_space<vmem>>, vector<16xf32>,
        tpu.vector_store %arg11[%swap3A_116, %swap3A_117], %mul3A_114 {strides = array<i32>} : memref<16x128xf32, #tpu.memory_space<vmem>>, vector<16xf32>,
        %get3A_119 = arith.constant 0 : i32
        %get3A_120 = arith.index_cast %get3A_119 : i32 to index
        %get3A_121 = arith.constant 112 : index
        %get3A_122 = tpu.vector_load %arg11[%get3A_120, %get3A_121] {strides = array<i32>} : memref<16x128xf32, #tpu.memory_space<vmem>>, vector<16xf32>,
        %mul3A_123 = vector.broadcast %squeeze3A : f32 to vector<16xf32>
        %mul3A_124 = arith.mulf %get3A_122, %mul3A_123 : vector<16xf32>
        %swap3A_125 = arith.constant 0 : i32
        %swap3A_126 = arith.index_cast %swap3A_125 : i32 to index
        %swap3A_127 = arith.constant 112 : index
        %swap3A_128 = tpu.vector_load %arg11[%swap3A_126, %swap3A_127] {strides = array<i32>} : memref<16x128xf32, #tpu.memory_space<vmem>>, vector<16xf32>,
        tpu.vector_store %arg11[%swap3A_126, %swap3A_127], %mul3A_124 {strides = array<i32>} : memref<16x128xf32, #tpu.memory_space<vmem>>, vector<16xf32>,
        %slice3A_129 = vector.extract_strided_slice %get3A_43 {offsets = [1], sizes = [1], strides = [1]} : vector<16xf32> to vector<1xf32>
        %squeeze3A_130 = vector.extract %slice3A_129[0] : f32 from vector<1xf32>
        %get3A_131 = arith.constant 1 : i32
        %get3A_132 = arith.index_cast %get3A_131 : i32 to index
        %get3A_133 = arith.constant 0 : index
        %get3A_134 = tpu.vector_load %arg11[%get3A_132, %get3A_133] {strides = array<i32>} : memref<16x128xf32, #tpu.memory_space<vmem>>, vector<16xf32>,
        %mul3A_135 = vector.broadcast %squeeze3A_130 : f32 to vector<16xf32>
        %mul3A_136 = arith.mulf %get3A_134, %mul3A_135 : vector<16xf32>
        %swap3A_137 = arith.constant 1 : i32
        %swap3A_138 = arith.index_cast %swap3A_137 : i32 to index
        %swap3A_139 = arith.constant 0 : index
        %swap3A_140 = tpu.vector_load %arg11[%swap3A_138, %swap3A_139] {strides = array<i32>} : memref<16x128xf32, #tpu.memory_space<vmem>>, vector<16xf32>,
        tpu.vector_store %arg11[%swap3A_138, %swap3A_139], %mul3A_136 {strides = array<i32>} : memref<16x128xf32, #tpu.memory_space<vmem>>, vector<16xf32>,
        %get3A_141 = arith.constant 1 : i32
        %get3A_142 = arith.index_cast %get3A_141 : i32 to index
        %get3A_143 = arith.constant 16 : index
        %get3A_144 = tpu.vector_load %arg11[%get3A_142, %get3A_143] {strides = array<i32>} : memref<16x128xf32, #tpu.memory_space<vmem>>, vector<16xf32>,
        %mul3A_145 = vector.broadcast %squeeze3A_130 : f32 to vector<16xf32>
        %mul3A_146 = arith.mulf %get3A_144, %mul3A_145 : vector<16xf32>
        %swap3A_147 = arith.constant 1 : i32
        %swap3A_148 = arith.index_cast %swap3A_147 : i32 to index
        %swap3A_149 = arith.constant 16 : index
        %swap3A_150 = tpu.vector_load %arg11[%swap3A_148, %swap3A_149] {strides = array<i32>} : memref<16x128xf32, #tpu.memory_space<vmem>>, vector<16xf32>,
        tpu.vector_store %arg11[%swap3A_148, %swap3A_149], %mul3A_146 {strides = array<i32>} : memref<16x128xf32, #tpu.memory_space<vmem>>, vector<16xf32>,
        %get3A_151 = arith.constant 1 : i32
        %get3A_152 = arith.index_cast %get3A_151 : i32 to index
        %get3A_153 = arith.constant 32 : index
        %get3A_154 = tpu.vector_load %arg11[%get3A_152, %get3A_153] {strides = array<i32>} : memref<16x128xf32, #tpu.memory_space<vmem>>, vector<16xf32>,
        %mul3A_155 = vector.broadcast %squeeze3A_130 : f32 to vector<16xf32>
        %mul3A_156 = arith.mulf %get3A_154, %mul3A_155 : vector<16xf32>
        %swap3A_157 = arith.constant 1 : i32
        %swap3A_158 = arith.index_cast %swap3A_157 : i32 to index
        %swap3A_159 = arith.constant 32 : index
        %swap3A_160 = tpu.vector_load %arg11[%swap3A_158, %swap3A_159] {strides = array<i32>} : memref<16x128xf32, #tpu.memory_space<vmem>>, vector<16xf32>,
        tpu.vector_store %arg11[%swap3A_158, %swap3A_159], %mul3A_156 {strides = array<i32>} : memref<16x128xf32, #tpu.memory_space<vmem>>, vector<16xf32>,
        %get3A_161 = arith.constant 1 : i32
        %get3A_162 = arith.index_cast %get3A_161 : i32 to index
        %get3A_163 = arith.constant 48 : index
        %get3A_164 = tpu.vector_load %arg11[%get3A_162, %get3A_163] {strides = array<i32>} : memref<16x128xf32, #tpu.memory_space<vmem>>, vector<16xf32>,
        %mul3A_165 = vector.broadcast %squeeze3A_130 : f32 to vector<16xf32>
        %mul3A_166 = arith.mulf %get3A_164, %mul3A_165 : vector<16xf32>
        %swap3A_167 = arith.constant 1 : i32
        %swap3A_168 = arith.index_cast %swap3A_167 : i32 to index
        %swap3A_169 = arith.constant 48 : index
        %swap3A_170 = tpu.vector_load %arg11[%swap3A_168, %swap3A_169] {strides = array<i32>} : memref<16x128xf32, #tpu.memory_space<vmem>>, vector<16xf32>,
        tpu.vector_store %arg11[%swap3A_168, %swap3A_169], %mul3A_166 {strides = array<i32>} : memref<16x128xf32, #tpu.memory_space<vmem>>, vector<16xf32>,
        %get3A_171 = arith.constant 1 : i32
        %get3A_172 = arith.index_cast %get3A_171 : i32 to index
        %get3A_173 = arith.constant 64 : index
        %get3A_174 = tpu.vector_load %arg11[%get3A_172, %get3A_173] {strides = array<i32>} : memref<16x128xf32, #tpu.memory_space<vmem>>, vector<16xf32>,
        %mul3A_175 = vector.broadcast %squeeze3A_130 : f32 to vector<16xf32>
        %mul3A_176 = arith.mulf %get3A_174, %mul3A_175 : vector<16xf32>
        %swap3A_177 = arith.constant 1 : i32
        %swap3A_178 = arith.index_cast %swap3A_177 : i32 to index
        %swap3A_179 = arith.constant 64 : index
        %swap3A_180 = tpu.vector_load %arg11[%swap3A_178, %swap3A_179] {strides = array<i32>} : memref<16x128xf32, #tpu.memory_space<vmem>>, vector<16xf32>,
        tpu.vector_store %arg11[%swap3A_178, %swap3A_179], %mul3A_176 {strides = array<i32>} : memref<16x128xf32, #tpu.memory_space<vmem>>, vector<16xf32>,
        %get3A_181 = arith.constant 1 : i32
        %get3A_182 = arith.index_cast %get3A_181 : i32 to index
        %get3A_183 = arith.constant 80 : index
        %get3A_184 = tpu.vector_load %arg11[%get3A_182, %get3A_183] {strides = array<i32>} : memref<16x128xf32, #tpu.memory_space<vmem>>, vector<16xf32>,
        %mul3A_185 = vector.broadcast %squeeze3A_130 : f32 to vector<16xf32>
        %mul3A_186 = arith.mulf %get3A_184, %mul3A_185 : vector<16xf32>
        %swap3A_187 = arith.constant 1 : i32
        %swap3A_188 = arith.index_cast %swap3A_187 : i32 to index
        %swap3A_189 = arith.constant 80 : index
        %swap3A_190 = tpu.vector_load %arg11[%swap3A_188, %swap3A_189] {strides = array<i32>} : memref<16x128xf32, #tpu.memory_space<vmem>>, vector<16xf32>,
        tpu.vector_store %arg11[%swap3A_188, %swap3A_189], %mul3A_186 {strides = array<i32>} : memref<16x128xf32, #tpu.memory_space<vmem>>, vector<16xf32>,
        %get3A_191 = arith.constant 1 : i32
        %get3A_192 = arith.index_cast %get3A_191 : i32 to index
        %get3A_193 = arith.constant 96 : index
        %get3A_194 = tpu.vector_load %arg11[%get3A_192, %get3A_193] {strides = array<i32>} : memref<16x128xf32, #tpu.memory_space<vmem>>, vector<16xf32>,
        %mul3A_195 = vector.broadcast %squeeze3A_130 : f32 to vector<16xf32>
        %mul3A_196 = arith.mulf %get3A_194, %mul3A_195 : vector<16xf32>
        %swap3A_197 = arith.constant 1 : i32
        %swap3A_198 = arith.index_cast %swap3A_197 : i32 to index
        %swap3A_199 = arith.constant 96 : index
        %swap3A_200 = tpu.vector_load %arg11[%swap3A_198, %swap3A_199] {strides = array<i32>} : memref<16x128xf32, #tpu.memory_space<vmem>>, vector<16xf32>,
        tpu.vector_store %arg11[%swap3A_198, %swap3A_199], %mul3A_196 {strides = array<i32>} : memref<16x128xf32, #tpu.memory_space<vmem>>, vector<16xf32>,
        %get3A_201 = arith.constant 1 : i32
        %get3A_202 = arith.index_cast %get3A_201 : i32 to index
        %get3A_203 = arith.constant 112 : index
        %get3A_204 = tpu.vector_load %arg11[%get3A_202, %get3A_203] {strides = array<i32>} : memref<16x128xf32, #tpu.memory_space<vmem>>, vector<16xf32>,
        %mul3A_205 = vector.broadcast %squeeze3A_130 : f32 to vector<16xf32>
        %mul3A_206 = arith.mulf %get3A_204, %mul3A_205 : vector<16xf32>
        %swap3A_207 = arith.constant 1 : i32
        %swap3A_208 = arith.index_cast %swap3A_207 : i32 to index
        %swap3A_209 = arith.constant 112 : index
        %swap3A_210 = tpu.vector_load %arg11[%swap3A_208, %swap3A_209] {strides = array<i32>} : memref<16x128xf32, #tpu.memory_space<vmem>>, vector<16xf32>,
        tpu.vector_store %arg11[%swap3A_208, %swap3A_209], %mul3A_206 {strides = array<i32>} : memref<16x128xf32, #tpu.memory_space<vmem>>, vector<16xf32>,
        %slice3A_211 = vector.extract_strided_slice %get3A_43 {offsets = [2], sizes = [1], strides = [1]} : vector<16xf32> to vector<1xf32>
        %squeeze3A_212 = vector.extract %slice3A_211[0] : f32 from vector<1xf32>
        %get3A_213 = arith.constant 2 : i32
        %get3A_214 = arith.index_cast %get3A_213 : i32 to index
        %get3A_215 = arith.constant 0 : index
        %get3A_216 = tpu.vector_load %arg11[%get3A_214, %get3A_215] {strides = array<i32>} : memref<16x128xf32, #tpu.memory_space<vmem>>, vector<16xf32>,
        %mul3A_217 = vector.broadcast %squeeze3A_212 : f32 to vector<16xf32>
        %mul3A_218 = arith.mulf %get3A_216, %mul3A_217 : vector<16xf32>
        %swap3A_219 = arith.constant 2 : i32
        %swap3A_220 = arith.index_cast %swap3A_219 : i32 to index
        %swap3A_221 = arith.constant 0 : index
        %swap3A_222 = tpu.vector_load %arg11[%swap3A_220, %swap3A_221] {strides = array<i32>} : memref<16x128xf32, #tpu.memory_space<vmem>>, vector<16xf32>,
        tpu.vector_store %arg11[%swap3A_220, %swap3A_221], %mul3A_218 {strides = array<i32>} : memref<16x128xf32, #tpu.memory_space<vmem>>, vector<16xf32>,
        %get3A_223 = arith.constant 2 : i32
        %get3A_224 = arith.index_cast %get3A_223 : i32 to index
        %get3A_225 = arith.constant 16 : index
        %get3A_226 = tpu.vector_load %arg11[%get3A_224, %get3A_225] {strides = array<i32>} : memref<16x128xf32, #tpu.memory_space<vmem>>, vector<16xf32>,
        %mul3A_227 = vector.broadcast %squeeze3A_212 : f32 to vector<16xf32>
        %mul3A_228 = arith.mulf %get3A_226, %mul3A_227 : vector<16xf32>
        %swap3A_229 = arith.constant 2 : i32
        %swap3A_230 = arith.index_cast %swap3A_229 : i32 to index
        %swap3A_231 = arith.constant 16 : index
        %swap3A_232 = tpu.vector_load %arg11[%swap3A_230, %swap3A_231] {strides = array<i32>} : memref<16x128xf32, #tpu.memory_space<vmem>>, vector<16xf32>,
        tpu.vector_store %arg11[%swap3A_230, %swap3A_231], %mul3A_228 {strides = array<i32>} : memref<16x128xf32, #tpu.memory_space<vmem>>, vector<16xf32>,
        %get3A_233 = arith.constant 2 : i32
        %get3A_234 = arith.index_cast %get3A_233 : i32 to index
        %get3A_235 = arith.constant 32 : index
        %get3A_236 = tpu.vector_load %arg11[%get3A_234, %get3A_235] {strides = array<i32>} : memref<16x128xf32, #tpu.memory_space<vmem>>, vector<16xf32>,
        %mul3A_237 = vector.broadcast %squeeze3A_212 : f32 to vector<16xf32>
        %mul3A_238 = arith.mulf %get3A_236, %mul3A_237 : vector<16xf32>
        %swap3A_239 = arith.constant 2 : i32
        %swap3A_240 = arith.index_cast %swap3A_239 : i32 to index
        %swap3A_241 = arith.constant 32 : index
        %swap3A_242 = tpu.vector_load %arg11[%swap3A_240, %swap3A_241] {strides = array<i32>} : memref<16x128xf32, #tpu.memory_space<vmem>>, vector<16xf32>,
        tpu.vector_store %arg11[%swap3A_240, %swap3A_241], %mul3A_238 {strides = array<i32>} : memref<16x128xf32, #tpu.memory_space<vmem>>, vector<16xf32>,
        %get3A_243 = arith.constant 2 : i32
        %get3A_244 = arith.index_cast %get3A_243 : i32 to index
        %get3A_245 = arith.constant 48 : index
        %get3A_246 = tpu.vector_load %arg11[%get3A_244, %get3A_245] {strides = array<i32>} : memref<16x128xf32, #tpu.memory_space<vmem>>, vector<16xf32>,
        %mul3A_247 = vector.broadcast %squeeze3A_212 : f32 to vector<16xf32>
        %mul3A_248 = arith.mulf %get3A_246, %mul3A_247 : vector<16xf32>
        %swap3A_249 = arith.constant 2 : i32
        %swap3A_250 = arith.index_cast %swap3A_249 : i32 to index
        %swap3A_251 = arith.constant 48 : index
        %swap3A_252 = tpu.vector_load %arg11[%swap3A_250, %swap3A_251] {strides = array<i32>} : memref<16x128xf32, #tpu.memory_space<vmem>>, vector<16xf32>,
        tpu.vector_store %arg11[%swap3A_250, %swap3A_251], %mul3A_248 {strides = array<i32>} : memref<16x128xf32, #tpu.memory_space<vmem>>, vector<16xf32>,
        %get3A_253 = arith.constant 2 : i32
        %get3A_254 = arith.index_cast %get3A_253 : i32 to index
        %get3A_255 = arith.constant 64 : index
        %get3A_256 = tpu.vector_load %arg11[%get3A_254, %get3A_255] {strides = array<i32>} : memref<16x128xf32, #tpu.memory_space<vmem>>, vector<16xf32>,
        %mul3A_257 = vector.broadcast %squeeze3A_212 : f32 to vector<16xf32>
        %mul3A_258 = arith.mulf %get3A_256, %mul3A_257 : vector<16xf32>
        %swap3A_259 = arith.constant 2 : i32
        %swap3A_260 = arith.index_cast %swap3A_259 : i32 to index
        %swap3A_261 = arith.constant 64 : index
        %swap3A_262 = tpu.vector_load %arg11[%swap3A_260, %swap3A_261] {strides = array<i32>} : memref<16x128xf32, #tpu.memory_space<vmem>>, vector<16xf32>,
        tpu.vector_store %arg11[%swap3A_260, %swap3A_261], %mul3A_258 {strides = array<i32>} : memref<16x128xf32, #tpu.memory_space<vmem>>, vector<16xf32>,
        %get3A_263 = arith.constant 2 : i32
        %get3A_264 = arith.index_cast %get3A_263 : i32 to index
        %get3A_265 = arith.constant 80 : index
        %get3A_266 = tpu.vector_load %arg11[%get3A_264, %get3A_265] {strides = array<i32>} : memref<16x128xf32, #tpu.memory_space<vmem>>, vector<16xf32>,
        %mul3A_267 = vector.broadcast %squeeze3A_212 : f32 to vector<16xf32>
        %mul3A_268 = arith.mulf %get3A_266, %mul3A_267 : vector<16xf32>
        %swap3A_269 = arith.constant 2 : i32
        %swap3A_270 = arith.index_cast %swap3A_269 : i32 to index
        %swap3A_271 = arith.constant 80 : index
        %swap3A_272 = tpu.vector_load %arg11[%swap3A_270, %swap3A_271] {strides = array<i32>} : memref<16x128xf32, #tpu.memory_space<vmem>>, vector<16xf32>,
        tpu.vector_store %arg11[%swap3A_270, %swap3A_271], %mul3A_268 {strides = array<i32>} : memref<16x128xf32, #tpu.memory_space<vmem>>, vector<16xf32>,
        %get3A_273 = arith.constant 2 : i32
        %get3A_274 = arith.index_cast %get3A_273 : i32 to index
        %get3A_275 = arith.constant 96 : index
        %get3A_276 = tpu.vector_load %arg11[%get3A_274, %get3A_275] {strides = array<i32>} : memref<16x128xf32, #tpu.memory_space<vmem>>, vector<16xf32>,
        %mul3A_277 = vector.broadcast %squeeze3A_212 : f32 to vector<16xf32>
        %mul3A_278 = arith.mulf %get3A_276, %mul3A_277 : vector<16xf32>
        %swap3A_279 = arith.constant 2 : i32
        %swap3A_280 = arith.index_cast %swap3A_279 : i32 to index
        %swap3A_281 = arith.constant 96 : index
        %swap3A_282 = tpu.vector_load %arg11[%swap3A_280, %swap3A_281] {strides = array<i32>} : memref<16x128xf32, #tpu.memory_space<vmem>>, vector<16xf32>,
        tpu.vector_store %arg11[%swap3A_280, %swap3A_281], %mul3A_278 {strides = array<i32>} : memref<16x128xf32, #tpu.memory_space<vmem>>, vector<16xf32>,
        %get3A_283 = arith.constant 2 : i32
        %get3A_284 = arith.index_cast %get3A_283 : i32 to index
        %get3A_285 = arith.constant 112 : index
        %get3A_286 = tpu.vector_load %arg11[%get3A_284, %get3A_285] {strides = array<i32>} : memref<16x128xf32, #tpu.memory_space<vmem>>, vector<16xf32>,
        %mul3A_287 = vector.broadcast %squeeze3A_212 : f32 to vector<16xf32>
        %mul3A_288 = arith.mulf %get3A_286, %mul3A_287 : vector<16xf32>
        %swap3A_289 = arith.constant 2 : i32
        %swap3A_290 = arith.index_cast %swap3A_289 : i32 to index
        %swap3A_291 = arith.constant 112 : index
        %swap3A_292 = tpu.vector_load %arg11[%swap3A_290, %swap3A_291] {strides = array<i32>} : memref<16x128xf32, #tpu.memory_space<vmem>>, vector<16xf32>,
        tpu.vector_store %arg11[%swap3A_290, %swap3A_291], %mul3A_288 {strides = array<i32>} : memref<16x128xf32, #tpu.memory_space<vmem>>, vector<16xf32>,
        %slice3A_293 = vector.extract_strided_slice %get3A_43 {offsets = [3], sizes = [1], strides = [1]} : vector<16xf32> to vector<1xf32>
        %squeeze3A_294 = vector.extract %slice3A_293[0] : f32 from vector<1xf32>
        %get3A_295 = arith.constant 3 : i32
        %get3A_296 = arith.index_cast %get3A_295 : i32 to index
        %get3A_297 = arith.constant 0 : index
        %get3A_298 = tpu.vector_load %arg11[%get3A_296, %get3A_297] {strides = array<i32>} : memref<16x128xf32, #tpu.memory_space<vmem>>, vector<16xf32>,
        %mul3A_299 = vector.broadcast %squeeze3A_294 : f32 to vector<16xf32>
        %mul3A_300 = arith.mulf %get3A_298, %mul3A_299 : vector<16xf32>
        %swap3A_301 = arith.constant 3 : i32
        %swap3A_302 = arith.index_cast %swap3A_301 : i32 to index
        %swap3A_303 = arith.constant 0 : index
        %swap3A_304 = tpu.vector_load %arg11[%swap3A_302, %swap3A_303] {strides = array<i32>} : memref<16x128xf32, #tpu.memory_space<vmem>>, vector<16xf32>,
        tpu.vector_store %arg11[%swap3A_302, %swap3A_303], %mul3A_300 {strides = array<i32>} : memref<16x128xf32, #tpu.memory_space<vmem>>, vector<16xf32>,
        %get3A_305 = arith.constant 3 : i32
        %get3A_306 = arith.index_cast %get3A_305 : i32 to index
        %get3A_307 = arith.constant 16 : index
        %get3A_308 = tpu.vector_load %arg11[%get3A_306, %get3A_307] {strides = array<i32>} : memref<16x128xf32, #tpu.memory_space<vmem>>, vector<16xf32>,
        %mul3A_309 = vector.broadcast %squeeze3A_294 : f32 to vector<16xf32>
        %mul3A_310 = arith.mulf %get3A_308, %mul3A_309 : vector<16xf32>
        %swap3A_311 = arith.constant 3 : i32
        %swap3A_312 = arith.index_cast %swap3A_311 : i32 to index
        %swap3A_313 = arith.constant 16 : index
        %swap3A_314 = tpu.vector_load %arg11[%swap3A_312, %swap3A_313] {strides = array<i32>} : memref<16x128xf32, #tpu.memory_space<vmem>>, vector<16xf32>,
        tpu.vector_store %arg11[%swap3A_312, %swap3A_313], %mul3A_310 {strides = array<i32>} : memref<16x128xf32, #tpu.memory_space<vmem>>, vector<16xf32>,
        %get3A_315 = arith.constant 3 : i32
        %get3A_316 = arith.index_cast %get3A_315 : i32 to index
        %get3A_317 = arith.constant 32 : index
        %get3A_318 = tpu.vector_load %arg11[%get3A_316, %get3A_317] {strides = array<i32>} : memref<16x128xf32, #tpu.memory_space<vmem>>, vector<16xf32>,
        %mul3A_319 = vector.broadcast %squeeze3A_294 : f32 to vector<16xf32>
        %mul3A_320 = arith.mulf %get3A_318, %mul3A_319 : vector<16xf32>
        %swap3A_321 = arith.constant 3 : i32
        %swap3A_322 = arith.index_cast %swap3A_321 : i32 to index
        %swap3A_323 = arith.constant 32 : index
        %swap3A_324 = tpu.vector_load %arg11[%swap3A_322, %swap3A_323] {strides = array<i32>} : memref<16x128xf32, #tpu.memory_space<vmem>>, vector<16xf32>,
        tpu.vector_store %arg11[%swap3A_322, %swap3A_323], %mul3A_320 {strides = array<i32>} : memref<16x128xf32, #tpu.memory_space<vmem>>, vector<16xf32>,
        %get3A_325 = arith.constant 3 : i32
        %get3A_326 = arith.index_cast %get3A_325 : i32 to index
        %get3A_327 = arith.constant 48 : index
        %get3A_328 = tpu.vector_load %arg11[%get3A_326, %get3A_327] {strides = array<i32>} : memref<16x128xf32, #tpu.memory_space<vmem>>, vector<16xf32>,
        %mul3A_329 = vector.broadcast %squeeze3A_294 : f32 to vector<16xf32>
        %mul3A_330 = arith.mulf %get3A_328, %mul3A_329 : vector<16xf32>
        %swap3A_331 = arith.constant 3 : i32
        %swap3A_332 = arith.index_cast %swap3A_331 : i32 to index
        %swap3A_333 = arith.constant 48 : index
        %swap3A_334 = tpu.vector_load %arg11[%swap3A_332, %swap3A_333] {strides = array<i32>} : memref<16x128xf32, #tpu.memory_space<vmem>>, vector<16xf32>,
        tpu.vector_store %arg11[%swap3A_332, %swap3A_333], %mul3A_330 {strides = array<i32>} : memref<16x128xf32, #tpu.memory_space<vmem>>, vector<16xf32>,
        %get3A_335 = arith.constant 3 : i32
        %get3A_336 = arith.index_cast %get3A_335 : i32 to index
        %get3A_337 = arith.constant 64 : index
        %get3A_338 = tpu.vector_load %arg11[%get3A_336, %get3A_337] {strides = array<i32>} : memref<16x128xf32, #tpu.memory_space<vmem>>, vector<16xf32>,
        %mul3A_339 = vector.broadcast %squeeze3A_294 : f32 to vector<16xf32>
        %mul3A_340 = arith.mulf %get3A_338, %mul3A_339 : vector<16xf32>
        %swap3A_341 = arith.constant 3 : i32
        %swap3A_342 = arith.index_cast %swap3A_341 : i32 to index
        %swap3A_343 = arith.constant 64 : index
        %swap3A_344 = tpu.vector_load %arg11[%swap3A_342, %swap3A_343] {strides = array<i32>} : memref<16x128xf32, #tpu.memory_space<vmem>>, vector<16xf32>,
        tpu.vector_store %arg11[%swap3A_342, %swap3A_343], %mul3A_340 {strides = array<i32>} : memref<16x128xf32, #tpu.memory_space<vmem>>, vector<16xf32>,
        %get3A_345 = arith.constant 3 : i32
        %get3A_346 = arith.index_cast %get3A_345 : i32 to index
        %get3A_347 = arith.constant 80 : index
        %get3A_348 = tpu.vector_load %arg11[%get3A_346, %get3A_347] {strides = array<i32>} : memref<16x128xf32, #tpu.memory_space<vmem>>, vector<16xf32>,
        %mul3A_349 = vector.broadcast %squeeze3A_294 : f32 to vector<16xf32>
        %mul3A_350 = arith.mulf %get3A_348, %mul3A_349 : vector<16xf32>
        %swap3A_351 = arith.constant 3 : i32
        %swap3A_352 = arith.index_cast %swap3A_351 : i32 to index
        %swap3A_353 = arith.constant 80 : index
        %swap3A_354 = tpu.vector_load %arg11[%swap3A_352, %swap3A_353] {strides = array<i32>} : memref<16x128xf32, #tpu.memory_space<vmem>>, vector<16xf32>,
        tpu.vector_store %arg11[%swap3A_352, %swap3A_353], %mul3A_350 {strides = array<i32>} : memref<16x128xf32, #tpu.memory_space<vmem>>, vector<16xf32>,
        %get3A_355 = arith.constant 3 : i32
        %get3A_356 = arith.index_cast %get3A_355 : i32 to index
        %get3A_357 = arith.constant 96 : index
        %get3A_358 = tpu.vector_load %arg11[%get3A_356, %get3A_357] {strides = array<i32>} : memref<16x128xf32, #tpu.memory_space<vmem>>, vector<16xf32>,
        %mul3A_359 = vector.broadcast %squeeze3A_294 : f32 to vector<16xf32>
        %mul3A_360 = arith.mulf %get3A_358, %mul3A_359 : vector<16xf32>
        %swap3A_361 = arith.constant 3 : i32
        %swap3A_362 = arith.index_cast %swap3A_361 : i32 to index
        %swap3A_363 = arith.constant 96 : index
        %swap3A_364 = tpu.vector_load %arg11[%swap3A_362, %swap3A_363] {strides = array<i32>} : memref<16x128xf32, #tpu.memory_space<vmem>>, vector<16xf32>,
        tpu.vector_store %arg11[%swap3A_362, %swap3A_363], %mul3A_360 {strides = array<i32>} : memref<16x128xf32, #tpu.memory_space<vmem>>, vector<16xf32>,
        %get3A_365 = arith.constant 3 : i32
        %get3A_366 = arith.index_cast %get3A_365 : i32 to index
        %get3A_367 = arith.constant 112 : index
        %get3A_368 = tpu.vector_load %arg11[%get3A_366, %get3A_367] {strides = array<i32>} : memref<16x128xf32, #tpu.memory_space<vmem>>, vector<16xf32>,
        %mul3A_369 = vector.broadcast %squeeze3A_294 : f32 to vector<16xf32>
        %mul3A_370 = arith.mulf %get3A_368, %mul3A_369 : vector<16xf32>
        %swap3A_371 = arith.constant 3 : i32
        %swap3A_372 = arith.index_cast %swap3A_371 : i32 to index
        %swap3A_373 = arith.constant 112 : index
        %swap3A_374 = tpu.vector_load %arg11[%swap3A_372, %swap3A_373] {strides = array<i32>} : memref<16x128xf32, #tpu.memory_space<vmem>>, vector<16xf32>,
        tpu.vector_store %arg11[%swap3A_372, %swap3A_373], %mul3A_370 {strides = array<i32>} : memref<16x128xf32, #tpu.memory_space<vmem>>, vector<16xf32>,
        %slice3A_375 = vector.extract_strided_slice %get3A_43 {offsets = [4], sizes = [1], strides = [1]} : vector<16xf32> to vector<1xf32>
        %squeeze3A_376 = vector.extract %slice3A_375[0] : f32 from vector<1xf32>
        %get3A_377 = arith.constant 4 : i32
        %get3A_378 = arith.index_cast %get3A_377 : i32 to index
        %get3A_379 = arith.constant 0 : index
        %get3A_380 = tpu.vector_load %arg11[%get3A_378, %get3A_379] {strides = array<i32>} : memref<16x128xf32, #tpu.memory_space<vmem>>, vector<16xf32>,
        %mul3A_381 = vector.broadcast %squeeze3A_376 : f32 to vector<16xf32>
        %mul3A_382 = arith.mulf %get3A_380, %mul3A_381 : vector<16xf32>
        %swap3A_383 = arith.constant 4 : i32
        %swap3A_384 = arith.index_cast %swap3A_383 : i32 to index
        %swap3A_385 = arith.constant 0 : index
        %swap3A_386 = tpu.vector_load %arg11[%swap3A_384, %swap3A_385] {strides = array<i32>} : memref<16x128xf32, #tpu.memory_space<vmem>>, vector<16xf32>,
        tpu.vector_store %arg11[%swap3A_384, %swap3A_385], %mul3A_382 {strides = array<i32>} : memref<16x128xf32, #tpu.memory_space<vmem>>, vector<16xf32>,
        %get3A_387 = arith.constant 4 : i32
        %get3A_388 = arith.index_cast %get3A_387 : i32 to index
        %get3A_389 = arith.constant 16 : index
        %get3A_390 = tpu.vector_load %arg11[%get3A_388, %get3A_389] {strides = array<i32>} : memref<16x128xf32, #tpu.memory_space<vmem>>, vector<16xf32>,
        %mul3A_391 = vector.broadcast %squeeze3A_376 : f32 to vector<16xf32>
        %mul3A_392 = arith.mulf %get3A_390, %mul3A_391 : vector<16xf32>
        %swap3A_393 = arith.constant 4 : i32
        %swap3A_394 = arith.index_cast %swap3A_393 : i32 to index
        %swap3A_395 = arith.constant 16 : index
        %swap3A_396 = tpu.vector_load %arg11[%swap3A_394, %swap3A_395] {strides = array<i32>} : memref<16x128xf32, #tpu.memory_space<vmem>>, vector<16xf32>,
        tpu.vector_store %arg11[%swap3A_394, %swap3A_395], %mul3A_392 {strides = array<i32>} : memref<16x128xf32, #tpu.memory_space<vmem>>, vector<16xf32>,
        %get3A_397 = arith.constant 4 : i32
        %get3A_398 = arith.index_cast %get3A_397 : i32 to index
        %get3A_399 = arith.constant 32 : index
        %get3A_400 = tpu.vector_load %arg11[%get3A_398, %get3A_399] {strides = array<i32>} : memref<16x128xf32, #tpu.memory_space<vmem>>, vector<16xf32>,
        %mul3A_401 = vector.broadcast %squeeze3A_376 : f32 to vector<16xf32>
        %mul3A_402 = arith.mulf %get3A_400, %mul3A_401 : vector<16xf32>
        %swap3A_403 = arith.constant 4 : i32
        %swap3A_404 = arith.index_cast %swap3A_403 : i32 to index
        %swap3A_405 = arith.constant 32 : index
        %swap3A_406 = tpu.vector_load %arg11[%swap3A_404, %swap3A_405] {strides = array<i32>} : memref<16x128xf32, #tpu.memory_space<vmem>>, vector<16xf32>,
        tpu.vector_store %arg11[%swap3A_404, %swap3A_405], %mul3A_402 {strides = array<i32>} : memref<16x128xf32, #tpu.memory_space<vmem>>, vector<16xf32>,
        %get3A_407 = arith.constant 4 : i32
        %get3A_408 = arith.index_cast %get3A_407 : i32 to index
        %get3A_409 = arith.constant 48 : index
        %get3A_410 = tpu.vector_load %arg11[%get3A_408, %get3A_409] {strides = array<i32>} : memref<16x128xf32, #tpu.memory_space<vmem>>, vector<16xf32>,
        %mul3A_411 = vector.broadcast %squeeze3A_376 : f32 to vector<16xf32>
        %mul3A_412 = arith.mulf %get3A_410, %mul3A_411 : vector<16xf32>
        %swap3A_413 = arith.constant 4 : i32
        %swap3A_414 = arith.index_cast %swap3A_413 : i32 to index
        %swap3A_415 = arith.constant 48 : index
        %swap3A_416 = tpu.vector_load %arg11[%swap3A_414, %swap3A_415] {strides = array<i32>} : memref<16x128xf32, #tpu.memory_space<vmem>>, vector<16xf32>,
        tpu.vector_store %arg11[%swap3A_414, %swap3A_415], %mul3A_412 {strides = array<i32>} : memref<16x128xf32, #tpu.memory_space<vmem>>, vector<16xf32>,
        %get3A_417 = arith.constant 4 : i32
        %get3A_418 = arith.index_cast %get3A_417 : i32 to index
        %get3A_419 = arith.constant 64 : index
        %get3A_420 = tpu.vector_load %arg11[%get3A_418, %get3A_419] {strides = array<i32>} : memref<16x128xf32, #tpu.memory_space<vmem>>, vector<16xf32>,
        %mul3A_421 = vector.broadcast %squeeze3A_376 : f32 to vector<16xf32>
        %mul3A_422 = arith.mulf %get3A_420, %mul3A_421 : vector<16xf32>
        %swap3A_423 = arith.constant 4 : i32
        %swap3A_424 = arith.index_cast %swap3A_423 : i32 to index
        %swap3A_425 = arith.constant 64 : index
        %swap3A_426 = tpu.vector_load %arg11[%swap3A_424, %swap3A_425] {strides = array<i32>} : memref<16x128xf32, #tpu.memory_space<vmem>>, vector<16xf32>,
        tpu.vector_store %arg11[%swap3A_424, %swap3A_425], %mul3A_422 {strides = array<i32>} : memref<16x128xf32, #tpu.memory_space<vmem>>, vector<16xf32>,
        %get3A_427 = arith.constant 4 : i32
        %get3A_428 = arith.index_cast %get3A_427 : i32 to index
        %get3A_429 = arith.constant 80 : index
        %get3A_430 = tpu.vector_load %arg11[%get3A_428, %get3A_429] {strides = array<i32>} : memref<16x128xf32, #tpu.memory_space<vmem>>, vector<16xf32>,
        %mul3A_431 = vector.broadcast %squeeze3A_376 : f32 to vector<16xf32>
        %mul3A_432 = arith.mulf %get3A_430, %mul3A_431 : vector<16xf32>
        %swap3A_433 = arith.constant 4 : i32
        %swap3A_434 = arith.index_cast %swap3A_433 : i32 to index
        %swap3A_435 = arith.constant 80 : index
        %swap3A_436 = tpu.vector_load %arg11[%swap3A_434, %swap3A_435] {strides = array<i32>} : memref<16x128xf32, #tpu.memory_space<vmem>>, vector<16xf32>,
        tpu.vector_store %arg11[%swap3A_434, %swap3A_435], %mul3A_432 {strides = array<i32>} : memref<16x128xf32, #tpu.memory_space<vmem>>, vector<16xf32>,
        %get3A_437 = arith.constant 4 : i32
        %get3A_438 = arith.index_cast %get3A_437 : i32 to index
        %get3A_439 = arith.constant 96 : index
        %get3A_440 = tpu.vector_load %arg11[%get3A_438, %get3A_439] {strides = array<i32>} : memref<16x128xf32, #tpu.memory_space<vmem>>, vector<16xf32>,
        %mul3A_441 = vector.broadcast %squeeze3A_376 : f32 to vector<16xf32>
        %mul3A_442 = arith.mulf %get3A_440, %mul3A_441 : vector<16xf32>
        %swap3A_443 = arith.constant 4 : i32
        %swap3A_444 = arith.index_cast %swap3A_443 : i32 to index
        %swap3A_445 = arith.constant 96 : index
        %swap3A_446 = tpu.vector_load %arg11[%swap3A_444, %swap3A_445] {strides = array<i32>} : memref<16x128xf32, #tpu.memory_space<vmem>>, vector<16xf32>,
        tpu.vector_store %arg11[%swap3A_444, %swap3A_445], %mul3A_442 {strides = array<i32>} : memref<16x128xf32, #tpu.memory_space<vmem>>, vector<16xf32>,
        %get3A_447 = arith.constant 4 : i32
        %get3A_448 = arith.index_cast %get3A_447 : i32 to index
        %get3A_449 = arith.constant 112 : index
        %get3A_450 = tpu.vector_load %arg11[%get3A_448, %get3A_449] {strides = array<i32>} : memref<16x128xf32, #tpu.memory_space<vmem>>, vector<16xf32>,
        %mul3A_451 = vector.broadcast %squeeze3A_376 : f32 to vector<16xf32>
        %mul3A_452 = arith.mulf %get3A_450, %mul3A_451 : vector<16xf32>
        %swap3A_453 = arith.constant 4 : i32
        %swap3A_454 = arith.index_cast %swap3A_453 : i32 to index
        %swap3A_455 = arith.constant 112 : index
        %swap3A_456 = tpu.vector_load %arg11[%swap3A_454, %swap3A_455] {strides = array<i32>} : memref<16x128xf32, #tpu.memory_space<vmem>>, vector<16xf32>,
        tpu.vector_store %arg11[%swap3A_454, %swap3A_455], %mul3A_452 {strides = array<i32>} : memref<16x128xf32, #tpu.memory_space<vmem>>, vector<16xf32>,
        %slice3A_457 = vector.extract_strided_slice %get3A_43 {offsets = [5], sizes = [1], strides = [1]} : vector<16xf32> to vector<1xf32>
        %squeeze3A_458 = vector.extract %slice3A_457[0] : f32 from vector<1xf32>
        %get3A_459 = arith.constant 5 : i32
        %get3A_460 = arith.index_cast %get3A_459 : i32 to index
        %get3A_461 = arith.constant 0 : index
        %get3A_462 = tpu.vector_load %arg11[%get3A_460, %get3A_461] {strides = array<i32>} : memref<16x128xf32, #tpu.memory_space<vmem>>, vector<16xf32>,
        %mul3A_463 = vector.broadcast %squeeze3A_458 : f32 to vector<16xf32>
        %mul3A_464 = arith.mulf %get3A_462, %mul3A_463 : vector<16xf32>
        %swap3A_465 = arith.constant 5 : i32
        %swap3A_466 = arith.index_cast %swap3A_465 : i32 to index
        %swap3A_467 = arith.constant 0 : index
        %swap3A_468 = tpu.vector_load %arg11[%swap3A_466, %swap3A_467] {strides = array<i32>} : memref<16x128xf32, #tpu.memory_space<vmem>>, vector<16xf32>,
        tpu.vector_store %arg11[%swap3A_466, %swap3A_467], %mul3A_464 {strides = array<i32>} : memref<16x128xf32, #tpu.memory_space<vmem>>, vector<16xf32>,
        %get3A_469 = arith.constant 5 : i32
        %get3A_470 = arith.index_cast %get3A_469 : i32 to index
        %get3A_471 = arith.constant 16 : index
        %get3A_472 = tpu.vector_load %arg11[%get3A_470, %get3A_471] {strides = array<i32>} : memref<16x128xf32, #tpu.memory_space<vmem>>, vector<16xf32>,
        %mul3A_473 = vector.broadcast %squeeze3A_458 : f32 to vector<16xf32>
        %mul3A_474 = arith.mulf %get3A_472, %mul3A_473 : vector<16xf32>
        %swap3A_475 = arith.constant 5 : i32
        %swap3A_476 = arith.index_cast %swap3A_475 : i32 to index
        %swap3A_477 = arith.constant 16 : index
        %swap3A_478 = tpu.vector_load %arg11[%swap3A_476, %swap3A_477] {strides = array<i32>} : memref<16x128xf32, #tpu.memory_space<vmem>>, vector<16xf32>,
        tpu.vector_store %arg11[%swap3A_476, %swap3A_477], %mul3A_474 {strides = array<i32>} : memref<16x128xf32, #tpu.memory_space<vmem>>, vector<16xf32>,
        %get3A_479 = arith.constant 5 : i32
        %get3A_480 = arith.index_cast %get3A_479 : i32 to index
        %get3A_481 = arith.constant 32 : index
        %get3A_482 = tpu.vector_load %arg11[%get3A_480, %get3A_481] {strides = array<i32>} : memref<16x128xf32, #tpu.memory_space<vmem>>, vector<16xf32>,
        %mul3A_483 = vector.broadcast %squeeze3A_458 : f32 to vector<16xf32>
        %mul3A_484 = arith.mulf %get3A_482, %mul3A_483 : vector<16xf32>
        %swap3A_485 = arith.constant 5 : i32
        %swap3A_486 = arith.index_cast %swap3A_485 : i32 to index
        %swap3A_487 = arith.constant 32 : index
        %swap3A_488 = tpu.vector_load %arg11[%swap3A_486, %swap3A_487] {strides = array<i32>} : memref<16x128xf32, #tpu.memory_space<vmem>>, vector<16xf32>,
        tpu.vector_store %arg11[%swap3A_486, %swap3A_487], %mul3A_484 {strides = array<i32>} : memref<16x128xf32, #tpu.memory_space<vmem>>, vector<16xf32>,
        %get3A_489 = arith.constant 5 : i32
        %get3A_490 = arith.index_cast %get3A_489 : i32 to index
        %get3A_491 = arith.constant 48 : index
        %get3A_492 = tpu.vector_load %arg11[%get3A_490, %get3A_491] {strides = array<i32>} : memref<16x128xf32, #tpu.memory_space<vmem>>, vector<16xf32>,
        %mul3A_493 = vector.broadcast %squeeze3A_458 : f32 to vector<16xf32>
        %mul3A_494 = arith.mulf %get3A_492, %mul3A_493 : vector<16xf32>
        %swap3A_495 = arith.constant 5 : i32
        %swap3A_496 = arith.index_cast %swap3A_495 : i32 to index
        %swap3A_497 = arith.constant 48 : index
        %swap3A_498 = tpu.vector_load %arg11[%swap3A_496, %swap3A_497] {strides = array<i32>} : memref<16x128xf32, #tpu.memory_space<vmem>>, vector<16xf32>,
        tpu.vector_store %arg11[%swap3A_496, %swap3A_497], %mul3A_494 {strides = array<i32>} : memref<16x128xf32, #tpu.memory_space<vmem>>, vector<16xf32>,
        %get3A_499 = arith.constant 5 : i32
        %get3A_500 = arith.index_cast %get3A_499 : i32 to index
        %get3A_501 = arith.constant 64 : index
        %get3A_502 = tpu.vector_load %arg11[%get3A_500, %get3A_501] {strides = array<i32>} : memref<16x128xf32, #tpu.memory_space<vmem>>, vector<16xf32>,
        %mul3A_503 = vector.broadcast %squeeze3A_458 : f32 to vector<16xf32>
        %mul3A_504 = arith.mulf %get3A_502, %mul3A_503 : vector<16xf32>
        %swap3A_505 = arith.constant 5 : i32
        %swap3A_506 = arith.index_cast %swap3A_505 : i32 to index
        %swap3A_507 = arith.constant 64 : index
        %swap3A_508 = tpu.vector_load %arg11[%swap3A_506, %swap3A_507] {strides = array<i32>} : memref<16x128xf32, #tpu.memory_space<vmem>>, vector<16xf32>,
        tpu.vector_store %arg11[%swap3A_506, %swap3A_507], %mul3A_504 {strides = array<i32>} : memref<16x128xf32, #tpu.memory_space<vmem>>, vector<16xf32>,
        %get3A_509 = arith.constant 5 : i32
        %get3A_510 = arith.index_cast %get3A_509 : i32 to index
        %get3A_511 = arith.constant 80 : index
        %get3A_512 = tpu.vector_load %arg11[%get3A_510, %get3A_511] {strides = array<i32>} : memref<16x128xf32, #tpu.memory_space<vmem>>, vector<16xf32>,
        %mul3A_513 = vector.broadcast %squeeze3A_458 : f32 to vector<16xf32>
        %mul3A_514 = arith.mulf %get3A_512, %mul3A_513 : vector<16xf32>
        %swap3A_515 = arith.constant 5 : i32
        %swap3A_516 = arith.index_cast %swap3A_515 : i32 to index
        %swap3A_517 = arith.constant 80 : index
        %swap3A_518 = tpu.vector_load %arg11[%swap3A_516, %swap3A_517] {strides = array<i32>} : memref<16x128xf32, #tpu.memory_space<vmem>>, vector<16xf32>,
        tpu.vector_store %arg11[%swap3A_516, %swap3A_517], %mul3A_514 {strides = array<i32>} : memref<16x128xf32, #tpu.memory_space<vmem>>, vector<16xf32>,
        %get3A_519 = arith.constant 5 : i32
        %get3A_520 = arith.index_cast %get3A_519 : i32 to index
        %get3A_521 = arith.constant 96 : index
        %get3A_522 = tpu.vector_load %arg11[%get3A_520, %get3A_521] {strides = array<i32>} : memref<16x128xf32, #tpu.memory_space<vmem>>, vector<16xf32>,
        %mul3A_523 = vector.broadcast %squeeze3A_458 : f32 to vector<16xf32>
        %mul3A_524 = arith.mulf %get3A_522, %mul3A_523 : vector<16xf32>
        %swap3A_525 = arith.constant 5 : i32
        %swap3A_526 = arith.index_cast %swap3A_525 : i32 to index
        %swap3A_527 = arith.constant 96 : index
        %swap3A_528 = tpu.vector_load %arg11[%swap3A_526, %swap3A_527] {strides = array<i32>} : memref<16x128xf32, #tpu.memory_space<vmem>>, vector<16xf32>,
        tpu.vector_store %arg11[%swap3A_526, %swap3A_527], %mul3A_524 {strides = array<i32>} : memref<16x128xf32, #tpu.memory_space<vmem>>, vector<16xf32>,
        %get3A_529 = arith.constant 5 : i32
        %get3A_530 = arith.index_cast %get3A_529 : i32 to index
        %get3A_531 = arith.constant 112 : index
        %get3A_532 = tpu.vector_load %arg11[%get3A_530, %get3A_531] {strides = array<i32>} : memref<16x128xf32, #tpu.memory_space<vmem>>, vector<16xf32>,
        %mul3A_533 = vector.broadcast %squeeze3A_458 : f32 to vector<16xf32>
        %mul3A_534 = arith.mulf %get3A_532, %mul3A_533 : vector<16xf32>
        %swap3A_535 = arith.constant 5 : i32
        %swap3A_536 = arith.index_cast %swap3A_535 : i32 to index
        %swap3A_537 = arith.constant 112 : index
        %swap3A_538 = tpu.vector_load %arg11[%swap3A_536, %swap3A_537] {strides = array<i32>} : memref<16x128xf32, #tpu.memory_space<vmem>>, vector<16xf32>,
        tpu.vector_store %arg11[%swap3A_536, %swap3A_537], %mul3A_534 {strides = array<i32>} : memref<16x128xf32, #tpu.memory_space<vmem>>, vector<16xf32>,
        %slice3A_539 = vector.extract_strided_slice %get3A_43 {offsets = [6], sizes = [1], strides = [1]} : vector<16xf32> to vector<1xf32>
        %squeeze3A_540 = vector.extract %slice3A_539[0] : f32 from vector<1xf32>
        %get3A_541 = arith.constant 6 : i32
        %get3A_542 = arith.index_cast %get3A_541 : i32 to index
        %get3A_543 = arith.constant 0 : index
        %get3A_544 = tpu.vector_load %arg11[%get3A_542, %get3A_543] {strides = array<i32>} : memref<16x128xf32, #tpu.memory_space<vmem>>, vector<16xf32>,
        %mul3A_545 = vector.broadcast %squeeze3A_540 : f32 to vector<16xf32>
        %mul3A_546 = arith.mulf %get3A_544, %mul3A_545 : vector<16xf32>
        %swap3A_547 = arith.constant 6 : i32
        %swap3A_548 = arith.index_cast %swap3A_547 : i32 to index
        %swap3A_549 = arith.constant 0 : index
        %swap3A_550 = tpu.vector_load %arg11[%swap3A_548, %swap3A_549] {strides = array<i32>} : memref<16x128xf32, #tpu.memory_space<vmem>>, vector<16xf32>,
        tpu.vector_store %arg11[%swap3A_548, %swap3A_549], %mul3A_546 {strides = array<i32>} : memref<16x128xf32, #tpu.memory_space<vmem>>, vector<16xf32>,
        %get3A_551 = arith.constant 6 : i32
        %get3A_552 = arith.index_cast %get3A_551 : i32 to index
        %get3A_553 = arith.constant 16 : index
        %get3A_554 = tpu.vector_load %arg11[%get3A_552, %get3A_553] {strides = array<i32>} : memref<16x128xf32, #tpu.memory_space<vmem>>, vector<16xf32>,
        %mul3A_555 = vector.broadcast %squeeze3A_540 : f32 to vector<16xf32>
        %mul3A_556 = arith.mulf %get3A_554, %mul3A_555 : vector<16xf32>
        %swap3A_557 = arith.constant 6 : i32
        %swap3A_558 = arith.index_cast %swap3A_557 : i32 to index
        %swap3A_559 = arith.constant 16 : index
        %swap3A_560 = tpu.vector_load %arg11[%swap3A_558, %swap3A_559] {strides = array<i32>} : memref<16x128xf32, #tpu.memory_space<vmem>>, vector<16xf32>,
        tpu.vector_store %arg11[%swap3A_558, %swap3A_559], %mul3A_556 {strides = array<i32>} : memref<16x128xf32, #tpu.memory_space<vmem>>, vector<16xf32>,
        %get3A_561 = arith.constant 6 : i32
        %get3A_562 = arith.index_cast %get3A_561 : i32 to index
        %get3A_563 = arith.constant 32 : index
        %get3A_564 = tpu.vector_load %arg11[%get3A_562, %get3A_563] {strides = array<i32>} : memref<16x128xf32, #tpu.memory_space<vmem>>, vector<16xf32>,
        %mul3A_565 = vector.broadcast %squeeze3A_540 : f32 to vector<16xf32>
        %mul3A_566 = arith.mulf %get3A_564, %mul3A_565 : vector<16xf32>
        %swap3A_567 = arith.constant 6 : i32
        %swap3A_568 = arith.index_cast %swap3A_567 : i32 to index
        %swap3A_569 = arith.constant 32 : index
        %swap3A_570 = tpu.vector_load %arg11[%swap3A_568, %swap3A_569] {strides = array<i32>} : memref<16x128xf32, #tpu.memory_space<vmem>>, vector<16xf32>,
        tpu.vector_store %arg11[%swap3A_568, %swap3A_569], %mul3A_566 {strides = array<i32>} : memref<16x128xf32, #tpu.memory_space<vmem>>, vector<16xf32>,
        %get3A_571 = arith.constant 6 : i32
        %get3A_572 = arith.index_cast %get3A_571 : i32 to index
        %get3A_573 = arith.constant 48 : index
        %get3A_574 = tpu.vector_load %arg11[%get3A_572, %get3A_573] {strides = array<i32>} : memref<16x128xf32, #tpu.memory_space<vmem>>, vector<16xf32>,
        %mul3A_575 = vector.broadcast %squeeze3A_540 : f32 to vector<16xf32>
        %mul3A_576 = arith.mulf %get3A_574, %mul3A_575 : vector<16xf32>
        %swap3A_577 = arith.constant 6 : i32
        %swap3A_578 = arith.index_cast %swap3A_577 : i32 to index
        %swap3A_579 = arith.constant 48 : index
        %swap3A_580 = tpu.vector_load %arg11[%swap3A_578, %swap3A_579] {strides = array<i32>} : memref<16x128xf32, #tpu.memory_space<vmem>>, vector<16xf32>,
        tpu.vector_store %arg11[%swap3A_578, %swap3A_579], %mul3A_576 {strides = array<i32>} : memref<16x128xf32, #tpu.memory_space<vmem>>, vector<16xf32>,
        %get3A_581 = arith.constant 6 : i32
        %get3A_582 = arith.index_cast %get3A_581 : i32 to index
        %get3A_583 = arith.constant 64 : index
        %get3A_584 = tpu.vector_load %arg11[%get3A_582, %get3A_583] {strides = array<i32>} : memref<16x128xf32, #tpu.memory_space<vmem>>, vector<16xf32>,
        %mul3A_585 = vector.broadcast %squeeze3A_540 : f32 to vector<16xf32>
        %mul3A_586 = arith.mulf %get3A_584, %mul3A_585 : vector<16xf32>
        %swap3A_587 = arith.constant 6 : i32
        %swap3A_588 = arith.index_cast %swap3A_587 : i32 to index
        %swap3A_589 = arith.constant 64 : index
        %swap3A_590 = tpu.vector_load %arg11[%swap3A_588, %swap3A_589] {strides = array<i32>} : memref<16x128xf32, #tpu.memory_space<vmem>>, vector<16xf32>,
        tpu.vector_store %arg11[%swap3A_588, %swap3A_589], %mul3A_586 {strides = array<i32>} : memref<16x128xf32, #tpu.memory_space<vmem>>, vector<16xf32>,
        %get3A_591 = arith.constant 6 : i32
        %get3A_592 = arith.index_cast %get3A_591 : i32 to index
        %get3A_593 = arith.constant 80 : index
        %get3A_594 = tpu.vector_load %arg11[%get3A_592, %get3A_593] {strides = array<i32>} : memref<16x128xf32, #tpu.memory_space<vmem>>, vector<16xf32>,
        %mul3A_595 = vector.broadcast %squeeze3A_540 : f32 to vector<16xf32>
        %mul3A_596 = arith.mulf %get3A_594, %mul3A_595 : vector<16xf32>
        %swap3A_597 = arith.constant 6 : i32
        %swap3A_598 = arith.index_cast %swap3A_597 : i32 to index
        %swap3A_599 = arith.constant 80 : index
        %swap3A_600 = tpu.vector_load %arg11[%swap3A_598, %swap3A_599] {strides = array<i32>} : memref<16x128xf32, #tpu.memory_space<vmem>>, vector<16xf32>,
        tpu.vector_store %arg11[%swap3A_598, %swap3A_599], %mul3A_596 {strides = array<i32>} : memref<16x128xf32, #tpu.memory_space<vmem>>, vector<16xf32>,
        %get3A_601 = arith.constant 6 : i32
        %get3A_602 = arith.index_cast %get3A_601 : i32 to index
        %get3A_603 = arith.constant 96 : index
        %get3A_604 = tpu.vector_load %arg11[%get3A_602, %get3A_603] {strides = array<i32>} : memref<16x128xf32, #tpu.memory_space<vmem>>, vector<16xf32>,
        %mul3A_605 = vector.broadcast %squeeze3A_540 : f32 to vector<16xf32>
        %mul3A_606 = arith.mulf %get3A_604, %mul3A_605 : vector<16xf32>
        %swap3A_607 = arith.constant 6 : i32
        %swap3A_608 = arith.index_cast %swap3A_607 : i32 to index
        %swap3A_609 = arith.constant 96 : index
        %swap3A_610 = tpu.vector_load %arg11[%swap3A_608, %swap3A_609] {strides = array<i32>} : memref<16x128xf32, #tpu.memory_space<vmem>>, vector<16xf32>,
        tpu.vector_store %arg11[%swap3A_608, %swap3A_609], %mul3A_606 {strides = array<i32>} : memref<16x128xf32, #tpu.memory_space<vmem>>, vector<16xf32>,
        %get3A_611 = arith.constant 6 : i32
        %get3A_612 = arith.index_cast %get3A_611 : i32 to index
        %get3A_613 = arith.constant 112 : index
        %get3A_614 = tpu.vector_load %arg11[%get3A_612, %get3A_613] {strides = array<i32>} : memref<16x128xf32, #tpu.memory_space<vmem>>, vector<16xf32>,
        %mul3A_615 = vector.broadcast %squeeze3A_540 : f32 to vector<16xf32>
        %mul3A_616 = arith.mulf %get3A_614, %mul3A_615 : vector<16xf32>
        %swap3A_617 = arith.constant 6 : i32
        %swap3A_618 = arith.index_cast %swap3A_617 : i32 to index
        %swap3A_619 = arith.constant 112 : index
        %swap3A_620 = tpu.vector_load %arg11[%swap3A_618, %swap3A_619] {strides = array<i32>} : memref<16x128xf32, #tpu.memory_space<vmem>>, vector<16xf32>,
        tpu.vector_store %arg11[%swap3A_618, %swap3A_619], %mul3A_616 {strides = array<i32>} : memref<16x128xf32, #tpu.memory_space<vmem>>, vector<16xf32>,
        %slice3A_621 = vector.extract_strided_slice %get3A_43 {offsets = [7], sizes = [1], strides = [1]} : vector<16xf32> to vector<1xf32>
        %squeeze3A_622 = vector.extract %slice3A_621[0] : f32 from vector<1xf32>
        %get3A_623 = arith.constant 7 : i32
        %get3A_624 = arith.index_cast %get3A_623 : i32 to index
        %get3A_625 = arith.constant 0 : index
        %get3A_626 = tpu.vector_load %arg11[%get3A_624, %get3A_625] {strides = array<i32>} : memref<16x128xf32, #tpu.memory_space<vmem>>, vector<16xf32>,
        %mul3A_627 = vector.broadcast %squeeze3A_622 : f32 to vector<16xf32>
        %mul3A_628 = arith.mulf %get3A_626, %mul3A_627 : vector<16xf32>
        %swap3A_629 = arith.constant 7 : i32
        %swap3A_630 = arith.index_cast %swap3A_629 : i32 to index
        %swap3A_631 = arith.constant 0 : index
        %swap3A_632 = tpu.vector_load %arg11[%swap3A_630, %swap3A_631] {strides = array<i32>} : memref<16x128xf32, #tpu.memory_space<vmem>>, vector<16xf32>,
        tpu.vector_store %arg11[%swap3A_630, %swap3A_631], %mul3A_628 {strides = array<i32>} : memref<16x128xf32, #tpu.memory_space<vmem>>, vector<16xf32>,
        %get3A_633 = arith.constant 7 : i32
        %get3A_634 = arith.index_cast %get3A_633 : i32 to index
        %get3A_635 = arith.constant 16 : index
        %get3A_636 = tpu.vector_load %arg11[%get3A_634, %get3A_635] {strides = array<i32>} : memref<16x128xf32, #tpu.memory_space<vmem>>, vector<16xf32>,
        %mul3A_637 = vector.broadcast %squeeze3A_622 : f32 to vector<16xf32>
        %mul3A_638 = arith.mulf %get3A_636, %mul3A_637 : vector<16xf32>
        %swap3A_639 = arith.constant 7 : i32
        %swap3A_640 = arith.index_cast %swap3A_639 : i32 to index
        %swap3A_641 = arith.constant 16 : index
        %swap3A_642 = tpu.vector_load %arg11[%swap3A_640, %swap3A_641] {strides = array<i32>} : memref<16x128xf32, #tpu.memory_space<vmem>>, vector<16xf32>,
        tpu.vector_store %arg11[%swap3A_640, %swap3A_641], %mul3A_638 {strides = array<i32>} : memref<16x128xf32, #tpu.memory_space<vmem>>, vector<16xf32>,
        %get3A_643 = arith.constant 7 : i32
        %get3A_644 = arith.index_cast %get3A_643 : i32 to index
        %get3A_645 = arith.constant 32 : index
        %get3A_646 = tpu.vector_load %arg11[%get3A_644, %get3A_645] {strides = array<i32>} : memref<16x128xf32, #tpu.memory_space<vmem>>, vector<16xf32>,
        %mul3A_647 = vector.broadcast %squeeze3A_622 : f32 to vector<16xf32>
        %mul3A_648 = arith.mulf %get3A_646, %mul3A_647 : vector<16xf32>
        %swap3A_649 = arith.constant 7 : i32
        %swap3A_650 = arith.index_cast %swap3A_649 : i32 to index
        %swap3A_651 = arith.constant 32 : index
        %swap3A_652 = tpu.vector_load %arg11[%swap3A_650, %swap3A_651] {strides = array<i32>} : memref<16x128xf32, #tpu.memory_space<vmem>>, vector<16xf32>,
        tpu.vector_store %arg11[%swap3A_650, %swap3A_651], %mul3A_648 {strides = array<i32>} : memref<16x128xf32, #tpu.memory_space<vmem>>, vector<16xf32>,
        %get3A_653 = arith.constant 7 : i32
        %get3A_654 = arith.index_cast %get3A_653 : i32 to index
        %get3A_655 = arith.constant 48 : index
        %get3A_656 = tpu.vector_load %arg11[%get3A_654, %get3A_655] {strides = array<i32>} : memref<16x128xf32, #tpu.memory_space<vmem>>, vector<16xf32>,
        %mul3A_657 = vector.broadcast %squeeze3A_622 : f32 to vector<16xf32>
        %mul3A_658 = arith.mulf %get3A_656, %mul3A_657 : vector<16xf32>
        %swap3A_659 = arith.constant 7 : i32
        %swap3A_660 = arith.index_cast %swap3A_659 : i32 to index
        %swap3A_661 = arith.constant 48 : index
        %swap3A_662 = tpu.vector_load %arg11[%swap3A_660, %swap3A_661] {strides = array<i32>} : memref<16x128xf32, #tpu.memory_space<vmem>>, vector<16xf32>,
        tpu.vector_store %arg11[%swap3A_660, %swap3A_661], %mul3A_658 {strides = array<i32>} : memref<16x128xf32, #tpu.memory_space<vmem>>, vector<16xf32>,
        %get3A_663 = arith.constant 7 : i32
        %get3A_664 = arith.index_cast %get3A_663 : i32 to index
        %get3A_665 = arith.constant 64 : index
        %get3A_666 = tpu.vector_load %arg11[%get3A_664, %get3A_665] {strides = array<i32>} : memref<16x128xf32, #tpu.memory_space<vmem>>, vector<16xf32>,
        %mul3A_667 = vector.broadcast %squeeze3A_622 : f32 to vector<16xf32>
        %mul3A_668 = arith.mulf %get3A_666, %mul3A_667 : vector<16xf32>
        %swap3A_669 = arith.constant 7 : i32
        %swap3A_670 = arith.index_cast %swap3A_669 : i32 to index
        %swap3A_671 = arith.constant 64 : index
        %swap3A_672 = tpu.vector_load %arg11[%swap3A_670, %swap3A_671] {strides = array<i32>} : memref<16x128xf32, #tpu.memory_space<vmem>>, vector<16xf32>,
        tpu.vector_store %arg11[%swap3A_670, %swap3A_671], %mul3A_668 {strides = array<i32>} : memref<16x128xf32, #tpu.memory_space<vmem>>, vector<16xf32>,
        %get3A_673 = arith.constant 7 : i32
        %get3A_674 = arith.index_cast %get3A_673 : i32 to index
        %get3A_675 = arith.constant 80 : index
        %get3A_676 = tpu.vector_load %arg11[%get3A_674, %get3A_675] {strides = array<i32>} : memref<16x128xf32, #tpu.memory_space<vmem>>, vector<16xf32>,
        %mul3A_677 = vector.broadcast %squeeze3A_622 : f32 to vector<16xf32>
        %mul3A_678 = arith.mulf %get3A_676, %mul3A_677 : vector<16xf32>
        %swap3A_679 = arith.constant 7 : i32
        %swap3A_680 = arith.index_cast %swap3A_679 : i32 to index
        %swap3A_681 = arith.constant 80 : index
        %swap3A_682 = tpu.vector_load %arg11[%swap3A_680, %swap3A_681] {strides = array<i32>} : memref<16x128xf32, #tpu.memory_space<vmem>>, vector<16xf32>,
        tpu.vector_store %arg11[%swap3A_680, %swap3A_681], %mul3A_678 {strides = array<i32>} : memref<16x128xf32, #tpu.memory_space<vmem>>, vector<16xf32>,
        %get3A_683 = arith.constant 7 : i32
        %get3A_684 = arith.index_cast %get3A_683 : i32 to index
        %get3A_685 = arith.constant 96 : index
        %get3A_686 = tpu.vector_load %arg11[%get3A_684, %get3A_685] {strides = array<i32>} : memref<16x128xf32, #tpu.memory_space<vmem>>, vector<16xf32>,
        %mul3A_687 = vector.broadcast %squeeze3A_622 : f32 to vector<16xf32>
        %mul3A_688 = arith.mulf %get3A_686, %mul3A_687 : vector<16xf32>
        %swap3A_689 = arith.constant 7 : i32
        %swap3A_690 = arith.index_cast %swap3A_689 : i32 to index
        %swap3A_691 = arith.constant 96 : index
        %swap3A_692 = tpu.vector_load %arg11[%swap3A_690, %swap3A_691] {strides = array<i32>} : memref<16x128xf32, #tpu.memory_space<vmem>>, vector<16xf32>,
        tpu.vector_store %arg11[%swap3A_690, %swap3A_691], %mul3A_688 {strides = array<i32>} : memref<16x128xf32, #tpu.memory_space<vmem>>, vector<16xf32>,
        %get3A_693 = arith.constant 7 : i32
        %get3A_694 = arith.index_cast %get3A_693 : i32 to index
        %get3A_695 = arith.constant 112 : index
        %get3A_696 = tpu.vector_load %arg11[%get3A_694, %get3A_695] {strides = array<i32>} : memref<16x128xf32, #tpu.memory_space<vmem>>, vector<16xf32>,
        %mul3A_697 = vector.broadcast %squeeze3A_622 : f32 to vector<16xf32>
        %mul3A_698 = arith.mulf %get3A_696, %mul3A_697 : vector<16xf32>
        %swap3A_699 = arith.constant 7 : i32
        %swap3A_700 = arith.index_cast %swap3A_699 : i32 to index
        %swap3A_701 = arith.constant 112 : index
        %swap3A_702 = tpu.vector_load %arg11[%swap3A_700, %swap3A_701] {strides = array<i32>} : memref<16x128xf32, #tpu.memory_space<vmem>>, vector<16xf32>,
        tpu.vector_store %arg11[%swap3A_700, %swap3A_701], %mul3A_698 {strides = array<i32>} : memref<16x128xf32, #tpu.memory_space<vmem>>, vector<16xf32>,
        %slice3A_703 = vector.extract_strided_slice %get3A_43 {offsets = [8], sizes = [1], strides = [1]} : vector<16xf32> to vector<1xf32>
        %squeeze3A_704 = vector.extract %slice3A_703[0] : f32 from vector<1xf32>
        %get3A_705 = arith.constant 8 : i32
        %get3A_706 = arith.index_cast %get3A_705 : i32 to index
        %get3A_707 = arith.constant 0 : index
        %get3A_708 = tpu.vector_load %arg11[%get3A_706, %get3A_707] {strides = array<i32>} : memref<16x128xf32, #tpu.memory_space<vmem>>, vector<16xf32>,
        %mul3A_709 = vector.broadcast %squeeze3A_704 : f32 to vector<16xf32>
        %mul3A_710 = arith.mulf %get3A_708, %mul3A_709 : vector<16xf32>
        %swap3A_711 = arith.constant 8 : i32
        %swap3A_712 = arith.index_cast %swap3A_711 : i32 to index
        %swap3A_713 = arith.constant 0 : index
        %swap3A_714 = tpu.vector_load %arg11[%swap3A_712, %swap3A_713] {strides = array<i32>} : memref<16x128xf32, #tpu.memory_space<vmem>>, vector<16xf32>,
        tpu.vector_store %arg11[%swap3A_712, %swap3A_713], %mul3A_710 {strides = array<i32>} : memref<16x128xf32, #tpu.memory_space<vmem>>, vector<16xf32>,
        %get3A_715 = arith.constant 8 : i32
        %get3A_716 = arith.index_cast %get3A_715 : i32 to index
        %get3A_717 = arith.constant 16 : index
        %get3A_718 = tpu.vector_load %arg11[%get3A_716, %get3A_717] {strides = array<i32>} : memref<16x128xf32, #tpu.memory_space<vmem>>, vector<16xf32>,
        %mul3A_719 = vector.broadcast %squeeze3A_704 : f32 to vector<16xf32>
        %mul3A_720 = arith.mulf %get3A_718, %mul3A_719 : vector<16xf32>
        %swap3A_721 = arith.constant 8 : i32
        %swap3A_722 = arith.index_cast %swap3A_721 : i32 to index
        %swap3A_723 = arith.constant 16 : index
        %swap3A_724 = tpu.vector_load %arg11[%swap3A_722, %swap3A_723] {strides = array<i32>} : memref<16x128xf32, #tpu.memory_space<vmem>>, vector<16xf32>,
        tpu.vector_store %arg11[%swap3A_722, %swap3A_723], %mul3A_720 {strides = array<i32>} : memref<16x128xf32, #tpu.memory_space<vmem>>, vector<16xf32>,
        %get3A_725 = arith.constant 8 : i32
        %get3A_726 = arith.index_cast %get3A_725 : i32 to index
        %get3A_727 = arith.constant 32 : index
        %get3A_728 = tpu.vector_load %arg11[%get3A_726, %get3A_727] {strides = array<i32>} : memref<16x128xf32, #tpu.memory_space<vmem>>, vector<16xf32>,
        %mul3A_729 = vector.broadcast %squeeze3A_704 : f32 to vector<16xf32>
        %mul3A_730 = arith.mulf %get3A_728, %mul3A_729 : vector<16xf32>
        %swap3A_731 = arith.constant 8 : i32
        %swap3A_732 = arith.index_cast %swap3A_731 : i32 to index
        %swap3A_733 = arith.constant 32 : index
        %swap3A_734 = tpu.vector_load %arg11[%swap3A_732, %swap3A_733] {strides = array<i32>} : memref<16x128xf32, #tpu.memory_space<vmem>>, vector<16xf32>,
        tpu.vector_store %arg11[%swap3A_732, %swap3A_733], %mul3A_730 {strides = array<i32>} : memref<16x128xf32, #tpu.memory_space<vmem>>, vector<16xf32>,
        %get3A_735 = arith.constant 8 : i32
        %get3A_736 = arith.index_cast %get3A_735 : i32 to index
        %get3A_737 = arith.constant 48 : index
        %get3A_738 = tpu.vector_load %arg11[%get3A_736, %get3A_737] {strides = array<i32>} : memref<16x128xf32, #tpu.memory_space<vmem>>, vector<16xf32>,
        %mul3A_739 = vector.broadcast %squeeze3A_704 : f32 to vector<16xf32>
        %mul3A_740 = arith.mulf %get3A_738, %mul3A_739 : vector<16xf32>
        %swap3A_741 = arith.constant 8 : i32
        %swap3A_742 = arith.index_cast %swap3A_741 : i32 to index
        %swap3A_743 = arith.constant 48 : index
        %swap3A_744 = tpu.vector_load %arg11[%swap3A_742, %swap3A_743] {strides = array<i32>} : memref<16x128xf32, #tpu.memory_space<vmem>>, vector<16xf32>,
        tpu.vector_store %arg11[%swap3A_742, %swap3A_743], %mul3A_740 {strides = array<i32>} : memref<16x128xf32, #tpu.memory_space<vmem>>, vector<16xf32>,
        %get3A_745 = arith.constant 8 : i32
        %get3A_746 = arith.index_cast %get3A_745 : i32 to index
        %get3A_747 = arith.constant 64 : index
        %get3A_748 = tpu.vector_load %arg11[%get3A_746, %get3A_747] {strides = array<i32>} : memref<16x128xf32, #tpu.memory_space<vmem>>, vector<16xf32>,
        %mul3A_749 = vector.broadcast %squeeze3A_704 : f32 to vector<16xf32>
        %mul3A_750 = arith.mulf %get3A_748, %mul3A_749 : vector<16xf32>
        %swap3A_751 = arith.constant 8 : i32
        %swap3A_752 = arith.index_cast %swap3A_751 : i32 to index
        %swap3A_753 = arith.constant 64 : index
        %swap3A_754 = tpu.vector_load %arg11[%swap3A_752, %swap3A_753] {strides = array<i32>} : memref<16x128xf32, #tpu.memory_space<vmem>>, vector<16xf32>,
        tpu.vector_store %arg11[%swap3A_752, %swap3A_753], %mul3A_750 {strides = array<i32>} : memref<16x128xf32, #tpu.memory_space<vmem>>, vector<16xf32>,
        %get3A_755 = arith.constant 8 : i32
        %get3A_756 = arith.index_cast %get3A_755 : i32 to index
        %get3A_757 = arith.constant 80 : index
        %get3A_758 = tpu.vector_load %arg11[%get3A_756, %get3A_757] {strides = array<i32>} : memref<16x128xf32, #tpu.memory_space<vmem>>, vector<16xf32>,
        %mul3A_759 = vector.broadcast %squeeze3A_704 : f32 to vector<16xf32>
        %mul3A_760 = arith.mulf %get3A_758, %mul3A_759 : vector<16xf32>
        %swap3A_761 = arith.constant 8 : i32
        %swap3A_762 = arith.index_cast %swap3A_761 : i32 to index
        %swap3A_763 = arith.constant 80 : index
        %swap3A_764 = tpu.vector_load %arg11[%swap3A_762, %swap3A_763] {strides = array<i32>} : memref<16x128xf32, #tpu.memory_space<vmem>>, vector<16xf32>,
        tpu.vector_store %arg11[%swap3A_762, %swap3A_763], %mul3A_760 {strides = array<i32>} : memref<16x128xf32, #tpu.memory_space<vmem>>, vector<16xf32>,
        %get3A_765 = arith.constant 8 : i32
        %get3A_766 = arith.index_cast %get3A_765 : i32 to index
        %get3A_767 = arith.constant 96 : index
        %get3A_768 = tpu.vector_load %arg11[%get3A_766, %get3A_767] {strides = array<i32>} : memref<16x128xf32, #tpu.memory_space<vmem>>, vector<16xf32>,
        %mul3A_769 = vector.broadcast %squeeze3A_704 : f32 to vector<16xf32>
        %mul3A_770 = arith.mulf %get3A_768, %mul3A_769 : vector<16xf32>
        %swap3A_771 = arith.constant 8 : i32
        %swap3A_772 = arith.index_cast %swap3A_771 : i32 to index
        %swap3A_773 = arith.constant 96 : index
        %swap3A_774 = tpu.vector_load %arg11[%swap3A_772, %swap3A_773] {strides = array<i32>} : memref<16x128xf32, #tpu.memory_space<vmem>>, vector<16xf32>,
        tpu.vector_store %arg11[%swap3A_772, %swap3A_773], %mul3A_770 {strides = array<i32>} : memref<16x128xf32, #tpu.memory_space<vmem>>, vector<16xf32>,
        %get3A_775 = arith.constant 8 : i32
        %get3A_776 = arith.index_cast %get3A_775 : i32 to index
        %get3A_777 = arith.constant 112 : index
        %get3A_778 = tpu.vector_load %arg11[%get3A_776, %get3A_777] {strides = array<i32>} : memref<16x128xf32, #tpu.memory_space<vmem>>, vector<16xf32>,
        %mul3A_779 = vector.broadcast %squeeze3A_704 : f32 to vector<16xf32>
        %mul3A_780 = arith.mulf %get3A_778, %mul3A_779 : vector<16xf32>
        %swap3A_781 = arith.constant 8 : i32
        %swap3A_782 = arith.index_cast %swap3A_781 : i32 to index
        %swap3A_783 = arith.constant 112 : index
        %swap3A_784 = tpu.vector_load %arg11[%swap3A_782, %swap3A_783] {strides = array<i32>} : memref<16x128xf32, #tpu.memory_space<vmem>>, vector<16xf32>,
        tpu.vector_store %arg11[%swap3A_782, %swap3A_783], %mul3A_780 {strides = array<i32>} : memref<16x128xf32, #tpu.memory_space<vmem>>, vector<16xf32>,
        %slice3A_785 = vector.extract_strided_slice %get3A_43 {offsets = [9], sizes = [1], strides = [1]} : vector<16xf32> to vector<1xf32>
        %squeeze3A_786 = vector.extract %slice3A_785[0] : f32 from vector<1xf32>
        %get3A_787 = arith.constant 9 : i32
        %get3A_788 = arith.index_cast %get3A_787 : i32 to index
        %get3A_789 = arith.constant 0 : index
        %get3A_790 = tpu.vector_load %arg11[%get3A_788, %get3A_789] {strides = array<i32>} : memref<16x128xf32, #tpu.memory_space<vmem>>, vector<16xf32>,
        %mul3A_791 = vector.broadcast %squeeze3A_786 : f32 to vector<16xf32>
        %mul3A_792 = arith.mulf %get3A_790, %mul3A_791 : vector<16xf32>
        %swap3A_793 = arith.constant 9 : i32
        %swap3A_794 = arith.index_cast %swap3A_793 : i32 to index
        %swap3A_795 = arith.constant 0 : index
        %swap3A_796 = tpu.vector_load %arg11[%swap3A_794, %swap3A_795] {strides = array<i32>} : memref<16x128xf32, #tpu.memory_space<vmem>>, vector<16xf32>,
        tpu.vector_store %arg11[%swap3A_794, %swap3A_795], %mul3A_792 {strides = array<i32>} : memref<16x128xf32, #tpu.memory_space<vmem>>, vector<16xf32>,
        %get3A_797 = arith.constant 9 : i32
        %get3A_798 = arith.index_cast %get3A_797 : i32 to index
        %get3A_799 = arith.constant 16 : index
        %get3A_800 = tpu.vector_load %arg11[%get3A_798, %get3A_799] {strides = array<i32>} : memref<16x128xf32, #tpu.memory_space<vmem>>, vector<16xf32>,
        %mul3A_801 = vector.broadcast %squeeze3A_786 : f32 to vector<16xf32>
        %mul3A_802 = arith.mulf %get3A_800, %mul3A_801 : vector<16xf32>
        %swap3A_803 = arith.constant 9 : i32
        %swap3A_804 = arith.index_cast %swap3A_803 : i32 to index
        %swap3A_805 = arith.constant 16 : index
        %swap3A_806 = tpu.vector_load %arg11[%swap3A_804, %swap3A_805] {strides = array<i32>} : memref<16x128xf32, #tpu.memory_space<vmem>>, vector<16xf32>,
        tpu.vector_store %arg11[%swap3A_804, %swap3A_805], %mul3A_802 {strides = array<i32>} : memref<16x128xf32, #tpu.memory_space<vmem>>, vector<16xf32>,
        %get3A_807 = arith.constant 9 : i32
        %get3A_808 = arith.index_cast %get3A_807 : i32 to index
        %get3A_809 = arith.constant 32 : index
        %get3A_810 = tpu.vector_load %arg11[%get3A_808, %get3A_809] {strides = array<i32>} : memref<16x128xf32, #tpu.memory_space<vmem>>, vector<16xf32>,
        %mul3A_811 = vector.broadcast %squeeze3A_786 : f32 to vector<16xf32>
        %mul3A_812 = arith.mulf %get3A_810, %mul3A_811 : vector<16xf32>
        %swap3A_813 = arith.constant 9 : i32
        %swap3A_814 = arith.index_cast %swap3A_813 : i32 to index
        %swap3A_815 = arith.constant 32 : index
        %swap3A_816 = tpu.vector_load %arg11[%swap3A_814, %swap3A_815] {strides = array<i32>} : memref<16x128xf32, #tpu.memory_space<vmem>>, vector<16xf32>,
        tpu.vector_store %arg11[%swap3A_814, %swap3A_815], %mul3A_812 {strides = array<i32>} : memref<16x128xf32, #tpu.memory_space<vmem>>, vector<16xf32>,
        %get3A_817 = arith.constant 9 : i32
        %get3A_818 = arith.index_cast %get3A_817 : i32 to index
        %get3A_819 = arith.constant 48 : index
        %get3A_820 = tpu.vector_load %arg11[%get3A_818, %get3A_819] {strides = array<i32>} : memref<16x128xf32, #tpu.memory_space<vmem>>, vector<16xf32>,
        %mul3A_821 = vector.broadcast %squeeze3A_786 : f32 to vector<16xf32>
        %mul3A_822 = arith.mulf %get3A_820, %mul3A_821 : vector<16xf32>
        %swap3A_823 = arith.constant 9 : i32
        %swap3A_824 = arith.index_cast %swap3A_823 : i32 to index
        %swap3A_825 = arith.constant 48 : index
        %swap3A_826 = tpu.vector_load %arg11[%swap3A_824, %swap3A_825] {strides = array<i32>} : memref<16x128xf32, #tpu.memory_space<vmem>>, vector<16xf32>,
        tpu.vector_store %arg11[%swap3A_824, %swap3A_825], %mul3A_822 {strides = array<i32>} : memref<16x128xf32, #tpu.memory_space<vmem>>, vector<16xf32>,
        %get3A_827 = arith.constant 9 : i32
        %get3A_828 = arith.index_cast %get3A_827 : i32 to index
        %get3A_829 = arith.constant 64 : index
        %get3A_830 = tpu.vector_load %arg11[%get3A_828, %get3A_829] {strides = array<i32>} : memref<16x128xf32, #tpu.memory_space<vmem>>, vector<16xf32>,
        %mul3A_831 = vector.broadcast %squeeze3A_786 : f32 to vector<16xf32>
        %mul3A_832 = arith.mulf %get3A_830, %mul3A_831 : vector<16xf32>
        %swap3A_833 = arith.constant 9 : i32
        %swap3A_834 = arith.index_cast %swap3A_833 : i32 to index
        %swap3A_835 = arith.constant 64 : index
        %swap3A_836 = tpu.vector_load %arg11[%swap3A_834, %swap3A_835] {strides = array<i32>} : memref<16x128xf32, #tpu.memory_space<vmem>>, vector<16xf32>,
        tpu.vector_store %arg11[%swap3A_834, %swap3A_835], %mul3A_832 {strides = array<i32>} : memref<16x128xf32, #tpu.memory_space<vmem>>, vector<16xf32>,
        %get3A_837 = arith.constant 9 : i32
        %get3A_838 = arith.index_cast %get3A_837 : i32 to index
        %get3A_839 = arith.constant 80 : index
        %get3A_840 = tpu.vector_load %arg11[%get3A_838, %get3A_839] {strides = array<i32>} : memref<16x128xf32, #tpu.memory_space<vmem>>, vector<16xf32>,
        %mul3A_841 = vector.broadcast %squeeze3A_786 : f32 to vector<16xf32>
        %mul3A_842 = arith.mulf %get3A_840, %mul3A_841 : vector<16xf32>
        %swap3A_843 = arith.constant 9 : i32
        %swap3A_844 = arith.index_cast %swap3A_843 : i32 to index
        %swap3A_845 = arith.constant 80 : index
        %swap3A_846 = tpu.vector_load %arg11[%swap3A_844, %swap3A_845] {strides = array<i32>} : memref<16x128xf32, #tpu.memory_space<vmem>>, vector<16xf32>,
        tpu.vector_store %arg11[%swap3A_844, %swap3A_845], %mul3A_842 {strides = array<i32>} : memref<16x128xf32, #tpu.memory_space<vmem>>, vector<16xf32>,
        %get3A_847 = arith.constant 9 : i32
        %get3A_848 = arith.index_cast %get3A_847 : i32 to index
        %get3A_849 = arith.constant 96 : index
        %get3A_850 = tpu.vector_load %arg11[%get3A_848, %get3A_849] {strides = array<i32>} : memref<16x128xf32, #tpu.memory_space<vmem>>, vector<16xf32>,
        %mul3A_851 = vector.broadcast %squeeze3A_786 : f32 to vector<16xf32>
        %mul3A_852 = arith.mulf %get3A_850, %mul3A_851 : vector<16xf32>
        %swap3A_853 = arith.constant 9 : i32
        %swap3A_854 = arith.index_cast %swap3A_853 : i32 to index
        %swap3A_855 = arith.constant 96 : index
        %swap3A_856 = tpu.vector_load %arg11[%swap3A_854, %swap3A_855] {strides = array<i32>} : memref<16x128xf32, #tpu.memory_space<vmem>>, vector<16xf32>,
        tpu.vector_store %arg11[%swap3A_854, %swap3A_855], %mul3A_852 {strides = array<i32>} : memref<16x128xf32, #tpu.memory_space<vmem>>, vector<16xf32>,
        %get3A_857 = arith.constant 9 : i32
        %get3A_858 = arith.index_cast %get3A_857 : i32 to index
        %get3A_859 = arith.constant 112 : index
        %get3A_860 = tpu.vector_load %arg11[%get3A_858, %get3A_859] {strides = array<i32>} : memref<16x128xf32, #tpu.memory_space<vmem>>, vector<16xf32>,
        %mul3A_861 = vector.broadcast %squeeze3A_786 : f32 to vector<16xf32>
        %mul3A_862 = arith.mulf %get3A_860, %mul3A_861 : vector<16xf32>
        %swap3A_863 = arith.constant 9 : i32
        %swap3A_864 = arith.index_cast %swap3A_863 : i32 to index
        %swap3A_865 = arith.constant 112 : index
        %swap3A_866 = tpu.vector_load %arg11[%swap3A_864, %swap3A_865] {strides = array<i32>} : memref<16x128xf32, #tpu.memory_space<vmem>>, vector<16xf32>,
        tpu.vector_store %arg11[%swap3A_864, %swap3A_865], %mul3A_862 {strides = array<i32>} : memref<16x128xf32, #tpu.memory_space<vmem>>, vector<16xf32>,
        %slice3A_867 = vector.extract_strided_slice %get3A_43 {offsets = [10], sizes = [1], strides = [1]} : vector<16xf32> to vector<1xf32>
        %squeeze3A_868 = vector.extract %slice3A_867[0] : f32 from vector<1xf32>
        %get3A_869 = arith.constant 10 : i32
        %get3A_870 = arith.index_cast %get3A_869 : i32 to index
        %get3A_871 = arith.constant 0 : index
        %get3A_872 = tpu.vector_load %arg11[%get3A_870, %get3A_871] {strides = array<i32>} : memref<16x128xf32, #tpu.memory_space<vmem>>, vector<16xf32>,
        %mul3A_873 = vector.broadcast %squeeze3A_868 : f32 to vector<16xf32>
        %mul3A_874 = arith.mulf %get3A_872, %mul3A_873 : vector<16xf32>
        %swap3A_875 = arith.constant 10 : i32
        %swap3A_876 = arith.index_cast %swap3A_875 : i32 to index
        %swap3A_877 = arith.constant 0 : index
        %swap3A_878 = tpu.vector_load %arg11[%swap3A_876, %swap3A_877] {strides = array<i32>} : memref<16x128xf32, #tpu.memory_space<vmem>>, vector<16xf32>,
        tpu.vector_store %arg11[%swap3A_876, %swap3A_877], %mul3A_874 {strides = array<i32>} : memref<16x128xf32, #tpu.memory_space<vmem>>, vector<16xf32>,
        %get3A_879 = arith.constant 10 : i32
        %get3A_880 = arith.index_cast %get3A_879 : i32 to index
        %get3A_881 = arith.constant 16 : index
        %get3A_882 = tpu.vector_load %arg11[%get3A_880, %get3A_881] {strides = array<i32>} : memref<16x128xf32, #tpu.memory_space<vmem>>, vector<16xf32>,
        %mul3A_883 = vector.broadcast %squeeze3A_868 : f32 to vector<16xf32>
        %mul3A_884 = arith.mulf %get3A_882, %mul3A_883 : vector<16xf32>
        %swap3A_885 = arith.constant 10 : i32
        %swap3A_886 = arith.index_cast %swap3A_885 : i32 to index
        %swap3A_887 = arith.constant 16 : index
        %swap3A_888 = tpu.vector_load %arg11[%swap3A_886, %swap3A_887] {strides = array<i32>} : memref<16x128xf32, #tpu.memory_space<vmem>>, vector<16xf32>,
        tpu.vector_store %arg11[%swap3A_886, %swap3A_887], %mul3A_884 {strides = array<i32>} : memref<16x128xf32, #tpu.memory_space<vmem>>, vector<16xf32>,
        %get3A_889 = arith.constant 10 : i32
        %get3A_890 = arith.index_cast %get3A_889 : i32 to index
        %get3A_891 = arith.constant 32 : index
        %get3A_892 = tpu.vector_load %arg11[%get3A_890, %get3A_891] {strides = array<i32>} : memref<16x128xf32, #tpu.memory_space<vmem>>, vector<16xf32>,
        %mul3A_893 = vector.broadcast %squeeze3A_868 : f32 to vector<16xf32>
        %mul3A_894 = arith.mulf %get3A_892, %mul3A_893 : vector<16xf32>
        %swap3A_895 = arith.constant 10 : i32
        %swap3A_896 = arith.index_cast %swap3A_895 : i32 to index
        %swap3A_897 = arith.constant 32 : index
        %swap3A_898 = tpu.vector_load %arg11[%swap3A_896, %swap3A_897] {strides = array<i32>} : memref<16x128xf32, #tpu.memory_space<vmem>>, vector<16xf32>,
        tpu.vector_store %arg11[%swap3A_896, %swap3A_897], %mul3A_894 {strides = array<i32>} : memref<16x128xf32, #tpu.memory_space<vmem>>, vector<16xf32>,
        %get3A_899 = arith.constant 10 : i32
        %get3A_900 = arith.index_cast %get3A_899 : i32 to index
        %get3A_901 = arith.constant 48 : index
        %get3A_902 = tpu.vector_load %arg11[%get3A_900, %get3A_901] {strides = array<i32>} : memref<16x128xf32, #tpu.memory_space<vmem>>, vector<16xf32>,
        %mul3A_903 = vector.broadcast %squeeze3A_868 : f32 to vector<16xf32>
        %mul3A_904 = arith.mulf %get3A_902, %mul3A_903 : vector<16xf32>
        %swap3A_905 = arith.constant 10 : i32
        %swap3A_906 = arith.index_cast %swap3A_905 : i32 to index
        %swap3A_907 = arith.constant 48 : index
        %swap3A_908 = tpu.vector_load %arg11[%swap3A_906, %swap3A_907] {strides = array<i32>} : memref<16x128xf32, #tpu.memory_space<vmem>>, vector<16xf32>,
        tpu.vector_store %arg11[%swap3A_906, %swap3A_907], %mul3A_904 {strides = array<i32>} : memref<16x128xf32, #tpu.memory_space<vmem>>, vector<16xf32>,
        %get3A_909 = arith.constant 10 : i32
        %get3A_910 = arith.index_cast %get3A_909 : i32 to index
        %get3A_911 = arith.constant 64 : index
        %get3A_912 = tpu.vector_load %arg11[%get3A_910, %get3A_911] {strides = array<i32>} : memref<16x128xf32, #tpu.memory_space<vmem>>, vector<16xf32>,
        %mul3A_913 = vector.broadcast %squeeze3A_868 : f32 to vector<16xf32>
        %mul3A_914 = arith.mulf %get3A_912, %mul3A_913 : vector<16xf32>
        %swap3A_915 = arith.constant 10 : i32
        %swap3A_916 = arith.index_cast %swap3A_915 : i32 to index
        %swap3A_917 = arith.constant 64 : index
        %swap3A_918 = tpu.vector_load %arg11[%swap3A_916, %swap3A_917] {strides = array<i32>} : memref<16x128xf32, #tpu.memory_space<vmem>>, vector<16xf32>,
        tpu.vector_store %arg11[%swap3A_916, %swap3A_917], %mul3A_914 {strides = array<i32>} : memref<16x128xf32, #tpu.memory_space<vmem>>, vector<16xf32>,
        %get3A_919 = arith.constant 10 : i32
        %get3A_920 = arith.index_cast %get3A_919 : i32 to index
        %get3A_921 = arith.constant 80 : index
        %get3A_922 = tpu.vector_load %arg11[%get3A_920, %get3A_921] {strides = array<i32>} : memref<16x128xf32, #tpu.memory_space<vmem>>, vector<16xf32>,
        %mul3A_923 = vector.broadcast %squeeze3A_868 : f32 to vector<16xf32>
        %mul3A_924 = arith.mulf %get3A_922, %mul3A_923 : vector<16xf32>
        %swap3A_925 = arith.constant 10 : i32
        %swap3A_926 = arith.index_cast %swap3A_925 : i32 to index
        %swap3A_927 = arith.constant 80 : index
        %swap3A_928 = tpu.vector_load %arg11[%swap3A_926, %swap3A_927] {strides = array<i32>} : memref<16x128xf32, #tpu.memory_space<vmem>>, vector<16xf32>,
        tpu.vector_store %arg11[%swap3A_926, %swap3A_927], %mul3A_924 {strides = array<i32>} : memref<16x128xf32, #tpu.memory_space<vmem>>, vector<16xf32>,
        %get3A_929 = arith.constant 10 : i32
        %get3A_930 = arith.index_cast %get3A_929 : i32 to index
        %get3A_931 = arith.constant 96 : index
        %get3A_932 = tpu.vector_load %arg11[%get3A_930, %get3A_931] {strides = array<i32>} : memref<16x128xf32, #tpu.memory_space<vmem>>, vector<16xf32>,
        %mul3A_933 = vector.broadcast %squeeze3A_868 : f32 to vector<16xf32>
        %mul3A_934 = arith.mulf %get3A_932, %mul3A_933 : vector<16xf32>
        %swap3A_935 = arith.constant 10 : i32
        %swap3A_936 = arith.index_cast %swap3A_935 : i32 to index
        %swap3A_937 = arith.constant 96 : index
        %swap3A_938 = tpu.vector_load %arg11[%swap3A_936, %swap3A_937] {strides = array<i32>} : memref<16x128xf32, #tpu.memory_space<vmem>>, vector<16xf32>,
        tpu.vector_store %arg11[%swap3A_936, %swap3A_937], %mul3A_934 {strides = array<i32>} : memref<16x128xf32, #tpu.memory_space<vmem>>, vector<16xf32>,
        %get3A_939 = arith.constant 10 : i32
        %get3A_940 = arith.index_cast %get3A_939 : i32 to index
        %get3A_941 = arith.constant 112 : index
        %get3A_942 = tpu.vector_load %arg11[%get3A_940, %get3A_941] {strides = array<i32>} : memref<16x128xf32, #tpu.memory_space<vmem>>, vector<16xf32>,
        %mul3A_943 = vector.broadcast %squeeze3A_868 : f32 to vector<16xf32>
        %mul3A_944 = arith.mulf %get3A_942, %mul3A_943 : vector<16xf32>
        %swap3A_945 = arith.constant 10 : i32
        %swap3A_946 = arith.index_cast %swap3A_945 : i32 to index
        %swap3A_947 = arith.constant 112 : index
        %swap3A_948 = tpu.vector_load %arg11[%swap3A_946, %swap3A_947] {strides = array<i32>} : memref<16x128xf32, #tpu.memory_space<vmem>>, vector<16xf32>,
        tpu.vector_store %arg11[%swap3A_946, %swap3A_947], %mul3A_944 {strides = array<i32>} : memref<16x128xf32, #tpu.memory_space<vmem>>, vector<16xf32>,
        %slice3A_949 = vector.extract_strided_slice %get3A_43 {offsets = [11], sizes = [1], strides = [1]} : vector<16xf32> to vector<1xf32>
        %squeeze3A_950 = vector.extract %slice3A_949[0] : f32 from vector<1xf32>
        %get3A_951 = arith.constant 11 : i32
        %get3A_952 = arith.index_cast %get3A_951 : i32 to index
        %get3A_953 = arith.constant 0 : index
        %get3A_954 = tpu.vector_load %arg11[%get3A_952, %get3A_953] {strides = array<i32>} : memref<16x128xf32, #tpu.memory_space<vmem>>, vector<16xf32>,
        %mul3A_955 = vector.broadcast %squeeze3A_950 : f32 to vector<16xf32>
        %mul3A_956 = arith.mulf %get3A_954, %mul3A_955 : vector<16xf32>
        %swap3A_957 = arith.constant 11 : i32
        %swap3A_958 = arith.index_cast %swap3A_957 : i32 to index
        %swap3A_959 = arith.constant 0 : index
        %swap3A_960 = tpu.vector_load %arg11[%swap3A_958, %swap3A_959] {strides = array<i32>} : memref<16x128xf32, #tpu.memory_space<vmem>>, vector<16xf32>,
        tpu.vector_store %arg11[%swap3A_958, %swap3A_959], %mul3A_956 {strides = array<i32>} : memref<16x128xf32, #tpu.memory_space<vmem>>, vector<16xf32>,
        %get3A_961 = arith.constant 11 : i32
        %get3A_962 = arith.index_cast %get3A_961 : i32 to index
        %get3A_963 = arith.constant 16 : index
        %get3A_964 = tpu.vector_load %arg11[%get3A_962, %get3A_963] {strides = array<i32>} : memref<16x128xf32, #tpu.memory_space<vmem>>, vector<16xf32>,
        %mul3A_965 = vector.broadcast %squeeze3A_950 : f32 to vector<16xf32>
        %mul3A_966 = arith.mulf %get3A_964, %mul3A_965 : vector<16xf32>
        %swap3A_967 = arith.constant 11 : i32
        %swap3A_968 = arith.index_cast %swap3A_967 : i32 to index
        %swap3A_969 = arith.constant 16 : index
        %swap3A_970 = tpu.vector_load %arg11[%swap3A_968, %swap3A_969] {strides = array<i32>} : memref<16x128xf32, #tpu.memory_space<vmem>>, vector<16xf32>,
        tpu.vector_store %arg11[%swap3A_968, %swap3A_969], %mul3A_966 {strides = array<i32>} : memref<16x128xf32, #tpu.memory_space<vmem>>, vector<16xf32>,
        %get3A_971 = arith.constant 11 : i32
        %get3A_972 = arith.index_cast %get3A_971 : i32 to index
        %get3A_973 = arith.constant 32 : index
        %get3A_974 = tpu.vector_load %arg11[%get3A_972, %get3A_973] {strides = array<i32>} : memref<16x128xf32, #tpu.memory_space<vmem>>, vector<16xf32>,
        %mul3A_975 = vector.broadcast %squeeze3A_950 : f32 to vector<16xf32>
        %mul3A_976 = arith.mulf %get3A_974, %mul3A_975 : vector<16xf32>
        %swap3A_977 = arith.constant 11 : i32
        %swap3A_978 = arith.index_cast %swap3A_977 : i32 to index
        %swap3A_979 = arith.constant 32 : index
        %swap3A_980 = tpu.vector_load %arg11[%swap3A_978, %swap3A_979] {strides = array<i32>} : memref<16x128xf32, #tpu.memory_space<vmem>>, vector<16xf32>,
        tpu.vector_store %arg11[%swap3A_978, %swap3A_979], %mul3A_976 {strides = array<i32>} : memref<16x128xf32, #tpu.memory_space<vmem>>, vector<16xf32>,
        %get3A_981 = arith.constant 11 : i32
        %get3A_982 = arith.index_cast %get3A_981 : i32 to index
        %get3A_983 = arith.constant 48 : index
        %get3A_984 = tpu.vector_load %arg11[%get3A_982, %get3A_983] {strides = array<i32>} : memref<16x128xf32, #tpu.memory_space<vmem>>, vector<16xf32>,
        %mul3A_985 = vector.broadcast %squeeze3A_950 : f32 to vector<16xf32>
        %mul3A_986 = arith.mulf %get3A_984, %mul3A_985 : vector<16xf32>
        %swap3A_987 = arith.constant 11 : i32
        %swap3A_988 = arith.index_cast %swap3A_987 : i32 to index
        %swap3A_989 = arith.constant 48 : index
        %swap3A_990 = tpu.vector_load %arg11[%swap3A_988, %swap3A_989] {strides = array<i32>} : memref<16x128xf32, #tpu.memory_space<vmem>>, vector<16xf32>,
        tpu.vector_store %arg11[%swap3A_988, %swap3A_989], %mul3A_986 {strides = array<i32>} : memref<16x128xf32, #tpu.memory_space<vmem>>, vector<16xf32>,
        %get3A_991 = arith.constant 11 : i32
        %get3A_992 = arith.index_cast %get3A_991 : i32 to index
        %get3A_993 = arith.constant 64 : index
        %get3A_994 = tpu.vector_load %arg11[%get3A_992, %get3A_993] {strides = array<i32>} : memref<16x128xf32, #tpu.memory_space<vmem>>, vector<16xf32>,
        %mul3A_995 = vector.broadcast %squeeze3A_950 : f32 to vector<16xf32>
        %mul3A_996 = arith.mulf %get3A_994, %mul3A_995 : vector<16xf32>
        %swap3A_997 = arith.constant 11 : i32
        %swap3A_998 = arith.index_cast %swap3A_997 : i32 to index
        %swap3A_999 = arith.constant 64 : index
        %swap3A_1000 = tpu.vector_load %arg11[%swap3A_998, %swap3A_999] {strides = array<i32>} : memref<16x128xf32, #tpu.memory_space<vmem>>, vector<16xf32>,
        tpu.vector_store %arg11[%swap3A_998, %swap3A_999], %mul3A_996 {strides = array<i32>} : memref<16x128xf32, #tpu.memory_space<vmem>>, vector<16xf32>,
        %get3A_1001 = arith.constant 11 : i32
        %get3A_1002 = arith.index_cast %get3A_1001 : i32 to index
        %get3A_1003 = arith.constant 80 : index
        %get3A_1004 = tpu.vector_load %arg11[%get3A_1002, %get3A_1003] {strides = array<i32>} : memref<16x128xf32, #tpu.memory_space<vmem>>, vector<16xf32>,
        %mul3A_1005 = vector.broadcast %squeeze3A_950 : f32 to vector<16xf32>
        %mul3A_1006 = arith.mulf %get3A_1004, %mul3A_1005 : vector<16xf32>
        %swap3A_1007 = arith.constant 11 : i32
        %swap3A_1008 = arith.index_cast %swap3A_1007 : i32 to index
        %swap3A_1009 = arith.constant 80 : index
        %swap3A_1010 = tpu.vector_load %arg11[%swap3A_1008, %swap3A_1009] {strides = array<i32>} : memref<16x128xf32, #tpu.memory_space<vmem>>, vector<16xf32>,
        tpu.vector_store %arg11[%swap3A_1008, %swap3A_1009], %mul3A_1006 {strides = array<i32>} : memref<16x128xf32, #tpu.memory_space<vmem>>, vector<16xf32>,
        %get3A_1011 = arith.constant 11 : i32
        %get3A_1012 = arith.index_cast %get3A_1011 : i32 to index
        %get3A_1013 = arith.constant 96 : index
        %get3A_1014 = tpu.vector_load %arg11[%get3A_1012, %get3A_1013] {strides = array<i32>} : memref<16x128xf32, #tpu.memory_space<vmem>>, vector<16xf32>,
        %mul3A_1015 = vector.broadcast %squeeze3A_950 : f32 to vector<16xf32>
        %mul3A_1016 = arith.mulf %get3A_1014, %mul3A_1015 : vector<16xf32>
        %swap3A_1017 = arith.constant 11 : i32
        %swap3A_1018 = arith.index_cast %swap3A_1017 : i32 to index
        %swap3A_1019 = arith.constant 96 : index
        %swap3A_1020 = tpu.vector_load %arg11[%swap3A_1018, %swap3A_1019] {strides = array<i32>} : memref<16x128xf32, #tpu.memory_space<vmem>>, vector<16xf32>,
        tpu.vector_store %arg11[%swap3A_1018, %swap3A_1019], %mul3A_1016 {strides = array<i32>} : memref<16x128xf32, #tpu.memory_space<vmem>>, vector<16xf32>,
        %get3A_1021 = arith.constant 11 : i32
        %get3A_1022 = arith.index_cast %get3A_1021 : i32 to index
        %get3A_1023 = arith.constant 112 : index
        %get3A_1024 = tpu.vector_load %arg11[%get3A_1022, %get3A_1023] {strides = array<i32>} : memref<16x128xf32, #tpu.memory_space<vmem>>, vector<16xf32>,
        %mul3A_1025 = vector.broadcast %squeeze3A_950 : f32 to vector<16xf32>
        %mul3A_1026 = arith.mulf %get3A_1024, %mul3A_1025 : vector<16xf32>
        %swap3A_1027 = arith.constant 11 : i32
        %swap3A_1028 = arith.index_cast %swap3A_1027 : i32 to index
        %swap3A_1029 = arith.constant 112 : index
        %swap3A_1030 = tpu.vector_load %arg11[%swap3A_1028, %swap3A_1029] {strides = array<i32>} : memref<16x128xf32, #tpu.memory_space<vmem>>, vector<16xf32>,
        tpu.vector_store %arg11[%swap3A_1028, %swap3A_1029], %mul3A_1026 {strides = array<i32>} : memref<16x128xf32, #tpu.memory_space<vmem>>, vector<16xf32>,
        %slice3A_1031 = vector.extract_strided_slice %get3A_43 {offsets = [12], sizes = [1], strides = [1]} : vector<16xf32> to vector<1xf32>
        %squeeze3A_1032 = vector.extract %slice3A_1031[0] : f32 from vector<1xf32>
        %get3A_1033 = arith.constant 12 : i32
        %get3A_1034 = arith.index_cast %get3A_1033 : i32 to index
        %get3A_1035 = arith.constant 0 : index
        %get3A_1036 = tpu.vector_load %arg11[%get3A_1034, %get3A_1035] {strides = array<i32>} : memref<16x128xf32, #tpu.memory_space<vmem>>, vector<16xf32>,
        %mul3A_1037 = vector.broadcast %squeeze3A_1032 : f32 to vector<16xf32>
        %mul3A_1038 = arith.mulf %get3A_1036, %mul3A_1037 : vector<16xf32>
        %swap3A_1039 = arith.constant 12 : i32
        %swap3A_1040 = arith.index_cast %swap3A_1039 : i32 to index
        %swap3A_1041 = arith.constant 0 : index
        %swap3A_1042 = tpu.vector_load %arg11[%swap3A_1040, %swap3A_1041] {strides = array<i32>} : memref<16x128xf32, #tpu.memory_space<vmem>>, vector<16xf32>,
        tpu.vector_store %arg11[%swap3A_1040, %swap3A_1041], %mul3A_1038 {strides = array<i32>} : memref<16x128xf32, #tpu.memory_space<vmem>>, vector<16xf32>,
        %get3A_1043 = arith.constant 12 : i32
        %get3A_1044 = arith.index_cast %get3A_1043 : i32 to index
        %get3A_1045 = arith.constant 16 : index
        %get3A_1046 = tpu.vector_load %arg11[%get3A_1044, %get3A_1045] {strides = array<i32>} : memref<16x128xf32, #tpu.memory_space<vmem>>, vector<16xf32>,
        %mul3A_1047 = vector.broadcast %squeeze3A_1032 : f32 to vector<16xf32>
        %mul3A_1048 = arith.mulf %get3A_1046, %mul3A_1047 : vector<16xf32>
        %swap3A_1049 = arith.constant 12 : i32
        %swap3A_1050 = arith.index_cast %swap3A_1049 : i32 to index
        %swap3A_1051 = arith.constant 16 : index
        %swap3A_1052 = tpu.vector_load %arg11[%swap3A_1050, %swap3A_1051] {strides = array<i32>} : memref<16x128xf32, #tpu.memory_space<vmem>>, vector<16xf32>,
        tpu.vector_store %arg11[%swap3A_1050, %swap3A_1051], %mul3A_1048 {strides = array<i32>} : memref<16x128xf32, #tpu.memory_space<vmem>>, vector<16xf32>,
        %get3A_1053 = arith.constant 12 : i32
        %get3A_1054 = arith.index_cast %get3A_1053 : i32 to index
        %get3A_1055 = arith.constant 32 : index
        %get3A_1056 = tpu.vector_load %arg11[%get3A_1054, %get3A_1055] {strides = array<i32>} : memref<16x128xf32, #tpu.memory_space<vmem>>, vector<16xf32>,
        %mul3A_1057 = vector.broadcast %squeeze3A_1032 : f32 to vector<16xf32>
        %mul3A_1058 = arith.mulf %get3A_1056, %mul3A_1057 : vector<16xf32>
        %swap3A_1059 = arith.constant 12 : i32
        %swap3A_1060 = arith.index_cast %swap3A_1059 : i32 to index
        %swap3A_1061 = arith.constant 32 : index
        %swap3A_1062 = tpu.vector_load %arg11[%swap3A_1060, %swap3A_1061] {strides = array<i32>} : memref<16x128xf32, #tpu.memory_space<vmem>>, vector<16xf32>,
        tpu.vector_store %arg11[%swap3A_1060, %swap3A_1061], %mul3A_1058 {strides = array<i32>} : memref<16x128xf32, #tpu.memory_space<vmem>>, vector<16xf32>,
        %get3A_1063 = arith.constant 12 : i32
        %get3A_1064 = arith.index_cast %get3A_1063 : i32 to index
        %get3A_1065 = arith.constant 48 : index
        %get3A_1066 = tpu.vector_load %arg11[%get3A_1064, %get3A_1065] {strides = array<i32>} : memref<16x128xf32, #tpu.memory_space<vmem>>, vector<16xf32>,
        %mul3A_1067 = vector.broadcast %squeeze3A_1032 : f32 to vector<16xf32>
        %mul3A_1068 = arith.mulf %get3A_1066, %mul3A_1067 : vector<16xf32>
        %swap3A_1069 = arith.constant 12 : i32
        %swap3A_1070 = arith.index_cast %swap3A_1069 : i32 to index
        %swap3A_1071 = arith.constant 48 : index
        %swap3A_1072 = tpu.vector_load %arg11[%swap3A_1070, %swap3A_1071] {strides = array<i32>} : memref<16x128xf32, #tpu.memory_space<vmem>>, vector<16xf32>,
        tpu.vector_store %arg11[%swap3A_1070, %swap3A_1071], %mul3A_1068 {strides = array<i32>} : memref<16x128xf32, #tpu.memory_space<vmem>>, vector<16xf32>,
        %get3A_1073 = arith.constant 12 : i32
        %get3A_1074 = arith.index_cast %get3A_1073 : i32 to index
        %get3A_1075 = arith.constant 64 : index
        %get3A_1076 = tpu.vector_load %arg11[%get3A_1074, %get3A_1075] {strides = array<i32>} : memref<16x128xf32, #tpu.memory_space<vmem>>, vector<16xf32>,
        %mul3A_1077 = vector.broadcast %squeeze3A_1032 : f32 to vector<16xf32>
        %mul3A_1078 = arith.mulf %get3A_1076, %mul3A_1077 : vector<16xf32>
        %swap3A_1079 = arith.constant 12 : i32
        %swap3A_1080 = arith.index_cast %swap3A_1079 : i32 to index
        %swap3A_1081 = arith.constant 64 : index
        %swap3A_1082 = tpu.vector_load %arg11[%swap3A_1080, %swap3A_1081] {strides = array<i32>} : memref<16x128xf32, #tpu.memory_space<vmem>>, vector<16xf32>,
        tpu.vector_store %arg11[%swap3A_1080, %swap3A_1081], %mul3A_1078 {strides = array<i32>} : memref<16x128xf32, #tpu.memory_space<vmem>>, vector<16xf32>,
        %get3A_1083 = arith.constant 12 : i32
        %get3A_1084 = arith.index_cast %get3A_1083 : i32 to index
        %get3A_1085 = arith.constant 80 : index
        %get3A_1086 = tpu.vector_load %arg11[%get3A_1084, %get3A_1085] {strides = array<i32>} : memref<16x128xf32, #tpu.memory_space<vmem>>, vector<16xf32>,
        %mul3A_1087 = vector.broadcast %squeeze3A_1032 : f32 to vector<16xf32>
        %mul3A_1088 = arith.mulf %get3A_1086, %mul3A_1087 : vector<16xf32>
        %swap3A_1089 = arith.constant 12 : i32
        %swap3A_1090 = arith.index_cast %swap3A_1089 : i32 to index
        %swap3A_1091 = arith.constant 80 : index
        %swap3A_1092 = tpu.vector_load %arg11[%swap3A_1090, %swap3A_1091] {strides = array<i32>} : memref<16x128xf32, #tpu.memory_space<vmem>>, vector<16xf32>,
        tpu.vector_store %arg11[%swap3A_1090, %swap3A_1091], %mul3A_1088 {strides = array<i32>} : memref<16x128xf32, #tpu.memory_space<vmem>>, vector<16xf32>,
        %get3A_1093 = arith.constant 12 : i32
        %get3A_1094 = arith.index_cast %get3A_1093 : i32 to index
        %get3A_1095 = arith.constant 96 : index
        %get3A_1096 = tpu.vector_load %arg11[%get3A_1094, %get3A_1095] {strides = array<i32>} : memref<16x128xf32, #tpu.memory_space<vmem>>, vector<16xf32>,
        %mul3A_1097 = vector.broadcast %squeeze3A_1032 : f32 to vector<16xf32>
        %mul3A_1098 = arith.mulf %get3A_1096, %mul3A_1097 : vector<16xf32>
        %swap3A_1099 = arith.constant 12 : i32
        %swap3A_1100 = arith.index_cast %swap3A_1099 : i32 to index
        %swap3A_1101 = arith.constant 96 : index
        %swap3A_1102 = tpu.vector_load %arg11[%swap3A_1100, %swap3A_1101] {strides = array<i32>} : memref<16x128xf32, #tpu.memory_space<vmem>>, vector<16xf32>,
        tpu.vector_store %arg11[%swap3A_1100, %swap3A_1101], %mul3A_1098 {strides = array<i32>} : memref<16x128xf32, #tpu.memory_space<vmem>>, vector<16xf32>,
        %get3A_1103 = arith.constant 12 : i32
        %get3A_1104 = arith.index_cast %get3A_1103 : i32 to index
        %get3A_1105 = arith.constant 112 : index
        %get3A_1106 = tpu.vector_load %arg11[%get3A_1104, %get3A_1105] {strides = array<i32>} : memref<16x128xf32, #tpu.memory_space<vmem>>, vector<16xf32>,
        %mul3A_1107 = vector.broadcast %squeeze3A_1032 : f32 to vector<16xf32>
        %mul3A_1108 = arith.mulf %get3A_1106, %mul3A_1107 : vector<16xf32>
        %swap3A_1109 = arith.constant 12 : i32
        %swap3A_1110 = arith.index_cast %swap3A_1109 : i32 to index
        %swap3A_1111 = arith.constant 112 : index
        %swap3A_1112 = tpu.vector_load %arg11[%swap3A_1110, %swap3A_1111] {strides = array<i32>} : memref<16x128xf32, #tpu.memory_space<vmem>>, vector<16xf32>,
        tpu.vector_store %arg11[%swap3A_1110, %swap3A_1111], %mul3A_1108 {strides = array<i32>} : memref<16x128xf32, #tpu.memory_space<vmem>>, vector<16xf32>,
        %slice3A_1113 = vector.extract_strided_slice %get3A_43 {offsets = [13], sizes = [1], strides = [1]} : vector<16xf32> to vector<1xf32>
        %squeeze3A_1114 = vector.extract %slice3A_1113[0] : f32 from vector<1xf32>
        %get3A_1115 = arith.constant 13 : i32
        %get3A_1116 = arith.index_cast %get3A_1115 : i32 to index
        %get3A_1117 = arith.constant 0 : index
        %get3A_1118 = tpu.vector_load %arg11[%get3A_1116, %get3A_1117] {strides = array<i32>} : memref<16x128xf32, #tpu.memory_space<vmem>>, vector<16xf32>,
        %mul3A_1119 = vector.broadcast %squeeze3A_1114 : f32 to vector<16xf32>
        %mul3A_1120 = arith.mulf %get3A_1118, %mul3A_1119 : vector<16xf32>
        %swap3A_1121 = arith.constant 13 : i32
        %swap3A_1122 = arith.index_cast %swap3A_1121 : i32 to index
        %swap3A_1123 = arith.constant 0 : index
        %swap3A_1124 = tpu.vector_load %arg11[%swap3A_1122, %swap3A_1123] {strides = array<i32>} : memref<16x128xf32, #tpu.memory_space<vmem>>, vector<16xf32>,
        tpu.vector_store %arg11[%swap3A_1122, %swap3A_1123], %mul3A_1120 {strides = array<i32>} : memref<16x128xf32, #tpu.memory_space<vmem>>, vector<16xf32>,
        %get3A_1125 = arith.constant 13 : i32
        %get3A_1126 = arith.index_cast %get3A_1125 : i32 to index
        %get3A_1127 = arith.constant 16 : index
        %get3A_1128 = tpu.vector_load %arg11[%get3A_1126, %get3A_1127] {strides = array<i32>} : memref<16x128xf32, #tpu.memory_space<vmem>>, vector<16xf32>,
        %mul3A_1129 = vector.broadcast %squeeze3A_1114 : f32 to vector<16xf32>
        %mul3A_1130 = arith.mulf %get3A_1128, %mul3A_1129 : vector<16xf32>
        %swap3A_1131 = arith.constant 13 : i32
        %swap3A_1132 = arith.index_cast %swap3A_1131 : i32 to index
        %swap3A_1133 = arith.constant 16 : index
        %swap3A_1134 = tpu.vector_load %arg11[%swap3A_1132, %swap3A_1133] {strides = array<i32>} : memref<16x128xf32, #tpu.memory_space<vmem>>, vector<16xf32>,
        tpu.vector_store %arg11[%swap3A_1132, %swap3A_1133], %mul3A_1130 {strides = array<i32>} : memref<16x128xf32, #tpu.memory_space<vmem>>, vector<16xf32>,
        %get3A_1135 = arith.constant 13 : i32
        %get3A_1136 = arith.index_cast %get3A_1135 : i32 to index
        %get3A_1137 = arith.constant 32 : index
        %get3A_1138 = tpu.vector_load %arg11[%get3A_1136, %get3A_1137] {strides = array<i32>} : memref<16x128xf32, #tpu.memory_space<vmem>>, vector<16xf32>,
        %mul3A_1139 = vector.broadcast %squeeze3A_1114 : f32 to vector<16xf32>
        %mul3A_1140 = arith.mulf %get3A_1138, %mul3A_1139 : vector<16xf32>
        %swap3A_1141 = arith.constant 13 : i32
        %swap3A_1142 = arith.index_cast %swap3A_1141 : i32 to index
        %swap3A_1143 = arith.constant 32 : index
        %swap3A_1144 = tpu.vector_load %arg11[%swap3A_1142, %swap3A_1143] {strides = array<i32>} : memref<16x128xf32, #tpu.memory_space<vmem>>, vector<16xf32>,
        tpu.vector_store %arg11[%swap3A_1142, %swap3A_1143], %mul3A_1140 {strides = array<i32>} : memref<16x128xf32, #tpu.memory_space<vmem>>, vector<16xf32>,
        %get3A_1145 = arith.constant 13 : i32
        %get3A_1146 = arith.index_cast %get3A_1145 : i32 to index
        %get3A_1147 = arith.constant 48 : index
        %get3A_1148 = tpu.vector_load %arg11[%get3A_1146, %get3A_1147] {strides = array<i32>} : memref<16x128xf32, #tpu.memory_space<vmem>>, vector<16xf32>,
        %mul3A_1149 = vector.broadcast %squeeze3A_1114 : f32 to vector<16xf32>
        %mul3A_1150 = arith.mulf %get3A_1148, %mul3A_1149 : vector<16xf32>
        %swap3A_1151 = arith.constant 13 : i32
        %swap3A_1152 = arith.index_cast %swap3A_1151 : i32 to index
        %swap3A_1153 = arith.constant 48 : index
        %swap3A_1154 = tpu.vector_load %arg11[%swap3A_1152, %swap3A_1153] {strides = array<i32>} : memref<16x128xf32, #tpu.memory_space<vmem>>, vector<16xf32>,
        tpu.vector_store %arg11[%swap3A_1152, %swap3A_1153], %mul3A_1150 {strides = array<i32>} : memref<16x128xf32, #tpu.memory_space<vmem>>, vector<16xf32>,
        %get3A_1155 = arith.constant 13 : i32
        %get3A_1156 = arith.index_cast %get3A_1155 : i32 to index
        %get3A_1157 = arith.constant 64 : index
        %get3A_1158 = tpu.vector_load %arg11[%get3A_1156, %get3A_1157] {strides = array<i32>} : memref<16x128xf32, #tpu.memory_space<vmem>>, vector<16xf32>,
        %mul3A_1159 = vector.broadcast %squeeze3A_1114 : f32 to vector<16xf32>
        %mul3A_1160 = arith.mulf %get3A_1158, %mul3A_1159 : vector<16xf32>
        %swap3A_1161 = arith.constant 13 : i32
        %swap3A_1162 = arith.index_cast %swap3A_1161 : i32 to index
        %swap3A_1163 = arith.constant 64 : index
        %swap3A_1164 = tpu.vector_load %arg11[%swap3A_1162, %swap3A_1163] {strides = array<i32>} : memref<16x128xf32, #tpu.memory_space<vmem>>, vector<16xf32>,
        tpu.vector_store %arg11[%swap3A_1162, %swap3A_1163], %mul3A_1160 {strides = array<i32>} : memref<16x128xf32, #tpu.memory_space<vmem>>, vector<16xf32>,
        %get3A_1165 = arith.constant 13 : i32
        %get3A_1166 = arith.index_cast %get3A_1165 : i32 to index
        %get3A_1167 = arith.constant 80 : index
        %get3A_1168 = tpu.vector_load %arg11[%get3A_1166, %get3A_1167] {strides = array<i32>} : memref<16x128xf32, #tpu.memory_space<vmem>>, vector<16xf32>,
        %mul3A_1169 = vector.broadcast %squeeze3A_1114 : f32 to vector<16xf32>
        %mul3A_1170 = arith.mulf %get3A_1168, %mul3A_1169 : vector<16xf32>
        %swap3A_1171 = arith.constant 13 : i32
        %swap3A_1172 = arith.index_cast %swap3A_1171 : i32 to index
        %swap3A_1173 = arith.constant 80 : index
        %swap3A_1174 = tpu.vector_load %arg11[%swap3A_1172, %swap3A_1173] {strides = array<i32>} : memref<16x128xf32, #tpu.memory_space<vmem>>, vector<16xf32>,
        tpu.vector_store %arg11[%swap3A_1172, %swap3A_1173], %mul3A_1170 {strides = array<i32>} : memref<16x128xf32, #tpu.memory_space<vmem>>, vector<16xf32>,
        %get3A_1175 = arith.constant 13 : i32
        %get3A_1176 = arith.index_cast %get3A_1175 : i32 to index
        %get3A_1177 = arith.constant 96 : index
        %get3A_1178 = tpu.vector_load %arg11[%get3A_1176, %get3A_1177] {strides = array<i32>} : memref<16x128xf32, #tpu.memory_space<vmem>>, vector<16xf32>,
        %mul3A_1179 = vector.broadcast %squeeze3A_1114 : f32 to vector<16xf32>
        %mul3A_1180 = arith.mulf %get3A_1178, %mul3A_1179 : vector<16xf32>
        %swap3A_1181 = arith.constant 13 : i32
        %swap3A_1182 = arith.index_cast %swap3A_1181 : i32 to index
        %swap3A_1183 = arith.constant 96 : index
        %swap3A_1184 = tpu.vector_load %arg11[%swap3A_1182, %swap3A_1183] {strides = array<i32>} : memref<16x128xf32, #tpu.memory_space<vmem>>, vector<16xf32>,
        tpu.vector_store %arg11[%swap3A_1182, %swap3A_1183], %mul3A_1180 {strides = array<i32>} : memref<16x128xf32, #tpu.memory_space<vmem>>, vector<16xf32>,
        %get3A_1185 = arith.constant 13 : i32
        %get3A_1186 = arith.index_cast %get3A_1185 : i32 to index
        %get3A_1187 = arith.constant 112 : index
        %get3A_1188 = tpu.vector_load %arg11[%get3A_1186, %get3A_1187] {strides = array<i32>} : memref<16x128xf32, #tpu.memory_space<vmem>>, vector<16xf32>,
        %mul3A_1189 = vector.broadcast %squeeze3A_1114 : f32 to vector<16xf32>
        %mul3A_1190 = arith.mulf %get3A_1188, %mul3A_1189 : vector<16xf32>
        %swap3A_1191 = arith.constant 13 : i32
        %swap3A_1192 = arith.index_cast %swap3A_1191 : i32 to index
        %swap3A_1193 = arith.constant 112 : index
        %swap3A_1194 = tpu.vector_load %arg11[%swap3A_1192, %swap3A_1193] {strides = array<i32>} : memref<16x128xf32, #tpu.memory_space<vmem>>, vector<16xf32>,
        tpu.vector_store %arg11[%swap3A_1192, %swap3A_1193], %mul3A_1190 {strides = array<i32>} : memref<16x128xf32, #tpu.memory_space<vmem>>, vector<16xf32>,
        %slice3A_1195 = vector.extract_strided_slice %get3A_43 {offsets = [14], sizes = [1], strides = [1]} : vector<16xf32> to vector<1xf32>
        %squeeze3A_1196 = vector.extract %slice3A_1195[0] : f32 from vector<1xf32>
        %get3A_1197 = arith.constant 14 : i32
        %get3A_1198 = arith.index_cast %get3A_1197 : i32 to index
        %get3A_1199 = arith.constant 0 : index
        %get3A_1200 = tpu.vector_load %arg11[%get3A_1198, %get3A_1199] {strides = array<i32>} : memref<16x128xf32, #tpu.memory_space<vmem>>, vector<16xf32>,
        %mul3A_1201 = vector.broadcast %squeeze3A_1196 : f32 to vector<16xf32>
        %mul3A_1202 = arith.mulf %get3A_1200, %mul3A_1201 : vector<16xf32>
        %swap3A_1203 = arith.constant 14 : i32
        %swap3A_1204 = arith.index_cast %swap3A_1203 : i32 to index
        %swap3A_1205 = arith.constant 0 : index
        %swap3A_1206 = tpu.vector_load %arg11[%swap3A_1204, %swap3A_1205] {strides = array<i32>} : memref<16x128xf32, #tpu.memory_space<vmem>>, vector<16xf32>,
        tpu.vector_store %arg11[%swap3A_1204, %swap3A_1205], %mul3A_1202 {strides = array<i32>} : memref<16x128xf32, #tpu.memory_space<vmem>>, vector<16xf32>,
        %get3A_1207 = arith.constant 14 : i32
        %get3A_1208 = arith.index_cast %get3A_1207 : i32 to index
        %get3A_1209 = arith.constant 16 : index
        %get3A_1210 = tpu.vector_load %arg11[%get3A_1208, %get3A_1209] {strides = array<i32>} : memref<16x128xf32, #tpu.memory_space<vmem>>, vector<16xf32>,
        %mul3A_1211 = vector.broadcast %squeeze3A_1196 : f32 to vector<16xf32>
        %mul3A_1212 = arith.mulf %get3A_1210, %mul3A_1211 : vector<16xf32>
        %swap3A_1213 = arith.constant 14 : i32
        %swap3A_1214 = arith.index_cast %swap3A_1213 : i32 to index
        %swap3A_1215 = arith.constant 16 : index
        %swap3A_1216 = tpu.vector_load %arg11[%swap3A_1214, %swap3A_1215] {strides = array<i32>} : memref<16x128xf32, #tpu.memory_space<vmem>>, vector<16xf32>,
        tpu.vector_store %arg11[%swap3A_1214, %swap3A_1215], %mul3A_1212 {strides = array<i32>} : memref<16x128xf32, #tpu.memory_space<vmem>>, vector<16xf32>,
        %get3A_1217 = arith.constant 14 : i32
        %get3A_1218 = arith.index_cast %get3A_1217 : i32 to index
        %get3A_1219 = arith.constant 32 : index
        %get3A_1220 = tpu.vector_load %arg11[%get3A_1218, %get3A_1219] {strides = array<i32>} : memref<16x128xf32, #tpu.memory_space<vmem>>, vector<16xf32>,
        %mul3A_1221 = vector.broadcast %squeeze3A_1196 : f32 to vector<16xf32>
        %mul3A_1222 = arith.mulf %get3A_1220, %mul3A_1221 : vector<16xf32>
        %swap3A_1223 = arith.constant 14 : i32
        %swap3A_1224 = arith.index_cast %swap3A_1223 : i32 to index
        %swap3A_1225 = arith.constant 32 : index
        %swap3A_1226 = tpu.vector_load %arg11[%swap3A_1224, %swap3A_1225] {strides = array<i32>} : memref<16x128xf32, #tpu.memory_space<vmem>>, vector<16xf32>,
        tpu.vector_store %arg11[%swap3A_1224, %swap3A_1225], %mul3A_1222 {strides = array<i32>} : memref<16x128xf32, #tpu.memory_space<vmem>>, vector<16xf32>,
        %get3A_1227 = arith.constant 14 : i32
        %get3A_1228 = arith.index_cast %get3A_1227 : i32 to index
        %get3A_1229 = arith.constant 48 : index
        %get3A_1230 = tpu.vector_load %arg11[%get3A_1228, %get3A_1229] {strides = array<i32>} : memref<16x128xf32, #tpu.memory_space<vmem>>, vector<16xf32>,
        %mul3A_1231 = vector.broadcast %squeeze3A_1196 : f32 to vector<16xf32>
        %mul3A_1232 = arith.mulf %get3A_1230, %mul3A_1231 : vector<16xf32>
        %swap3A_1233 = arith.constant 14 : i32
        %swap3A_1234 = arith.index_cast %swap3A_1233 : i32 to index
        %swap3A_1235 = arith.constant 48 : index
        %swap3A_1236 = tpu.vector_load %arg11[%swap3A_1234, %swap3A_1235] {strides = array<i32>} : memref<16x128xf32, #tpu.memory_space<vmem>>, vector<16xf32>,
        tpu.vector_store %arg11[%swap3A_1234, %swap3A_1235], %mul3A_1232 {strides = array<i32>} : memref<16x128xf32, #tpu.memory_space<vmem>>, vector<16xf32>,
        %get3A_1237 = arith.constant 14 : i32
        %get3A_1238 = arith.index_cast %get3A_1237 : i32 to index
        %get3A_1239 = arith.constant 64 : index
        %get3A_1240 = tpu.vector_load %arg11[%get3A_1238, %get3A_1239] {strides = array<i32>} : memref<16x128xf32, #tpu.memory_space<vmem>>, vector<16xf32>,
        %mul3A_1241 = vector.broadcast %squeeze3A_1196 : f32 to vector<16xf32>
        %mul3A_1242 = arith.mulf %get3A_1240, %mul3A_1241 : vector<16xf32>
        %swap3A_1243 = arith.constant 14 : i32
        %swap3A_1244 = arith.index_cast %swap3A_1243 : i32 to index
        %swap3A_1245 = arith.constant 64 : index
        %swap3A_1246 = tpu.vector_load %arg11[%swap3A_1244, %swap3A_1245] {strides = array<i32>} : memref<16x128xf32, #tpu.memory_space<vmem>>, vector<16xf32>,
        tpu.vector_store %arg11[%swap3A_1244, %swap3A_1245], %mul3A_1242 {strides = array<i32>} : memref<16x128xf32, #tpu.memory_space<vmem>>, vector<16xf32>,
        %get3A_1247 = arith.constant 14 : i32
        %get3A_1248 = arith.index_cast %get3A_1247 : i32 to index
        %get3A_1249 = arith.constant 80 : index
        %get3A_1250 = tpu.vector_load %arg11[%get3A_1248, %get3A_1249] {strides = array<i32>} : memref<16x128xf32, #tpu.memory_space<vmem>>, vector<16xf32>,
        %mul3A_1251 = vector.broadcast %squeeze3A_1196 : f32 to vector<16xf32>
        %mul3A_1252 = arith.mulf %get3A_1250, %mul3A_1251 : vector<16xf32>
        %swap3A_1253 = arith.constant 14 : i32
        %swap3A_1254 = arith.index_cast %swap3A_1253 : i32 to index
        %swap3A_1255 = arith.constant 80 : index
        %swap3A_1256 = tpu.vector_load %arg11[%swap3A_1254, %swap3A_1255] {strides = array<i32>} : memref<16x128xf32, #tpu.memory_space<vmem>>, vector<16xf32>,
        tpu.vector_store %arg11[%swap3A_1254, %swap3A_1255], %mul3A_1252 {strides = array<i32>} : memref<16x128xf32, #tpu.memory_space<vmem>>, vector<16xf32>,
        %get3A_1257 = arith.constant 14 : i32
        %get3A_1258 = arith.index_cast %get3A_1257 : i32 to index
        %get3A_1259 = arith.constant 96 : index
        %get3A_1260 = tpu.vector_load %arg11[%get3A_1258, %get3A_1259] {strides = array<i32>} : memref<16x128xf32, #tpu.memory_space<vmem>>, vector<16xf32>,
        %mul3A_1261 = vector.broadcast %squeeze3A_1196 : f32 to vector<16xf32>
        %mul3A_1262 = arith.mulf %get3A_1260, %mul3A_1261 : vector<16xf32>
        %swap3A_1263 = arith.constant 14 : i32
        %swap3A_1264 = arith.index_cast %swap3A_1263 : i32 to index
        %swap3A_1265 = arith.constant 96 : index
        %swap3A_1266 = tpu.vector_load %arg11[%swap3A_1264, %swap3A_1265] {strides = array<i32>} : memref<16x128xf32, #tpu.memory_space<vmem>>, vector<16xf32>,
        tpu.vector_store %arg11[%swap3A_1264, %swap3A_1265], %mul3A_1262 {strides = array<i32>} : memref<16x128xf32, #tpu.memory_space<vmem>>, vector<16xf32>,
        %get3A_1267 = arith.constant 14 : i32
        %get3A_1268 = arith.index_cast %get3A_1267 : i32 to index
        %get3A_1269 = arith.constant 112 : index
        %get3A_1270 = tpu.vector_load %arg11[%get3A_1268, %get3A_1269] {strides = array<i32>} : memref<16x128xf32, #tpu.memory_space<vmem>>, vector<16xf32>,
        %mul3A_1271 = vector.broadcast %squeeze3A_1196 : f32 to vector<16xf32>
        %mul3A_1272 = arith.mulf %get3A_1270, %mul3A_1271 : vector<16xf32>
        %swap3A_1273 = arith.constant 14 : i32
        %swap3A_1274 = arith.index_cast %swap3A_1273 : i32 to index
        %swap3A_1275 = arith.constant 112 : index
        %swap3A_1276 = tpu.vector_load %arg11[%swap3A_1274, %swap3A_1275] {strides = array<i32>} : memref<16x128xf32, #tpu.memory_space<vmem>>, vector<16xf32>,
        tpu.vector_store %arg11[%swap3A_1274, %swap3A_1275], %mul3A_1272 {strides = array<i32>} : memref<16x128xf32, #tpu.memory_space<vmem>>, vector<16xf32>,
        %slice3A_1277 = vector.extract_strided_slice %get3A_43 {offsets = [15], sizes = [1], strides = [1]} : vector<16xf32> to vector<1xf32>
        %squeeze3A_1278 = vector.extract %slice3A_1277[0] : f32 from vector<1xf32>
        %get3A_1279 = arith.constant 15 : i32
        %get3A_1280 = arith.index_cast %get3A_1279 : i32 to index
        %get3A_1281 = arith.constant 0 : index
        %get3A_1282 = tpu.vector_load %arg11[%get3A_1280, %get3A_1281] {strides = array<i32>} : memref<16x128xf32, #tpu.memory_space<vmem>>, vector<16xf32>,
        %mul3A_1283 = vector.broadcast %squeeze3A_1278 : f32 to vector<16xf32>
        %mul3A_1284 = arith.mulf %get3A_1282, %mul3A_1283 : vector<16xf32>
        %swap3A_1285 = arith.constant 15 : i32
        %swap3A_1286 = arith.index_cast %swap3A_1285 : i32 to index
        %swap3A_1287 = arith.constant 0 : index
        %swap3A_1288 = tpu.vector_load %arg11[%swap3A_1286, %swap3A_1287] {strides = array<i32>} : memref<16x128xf32, #tpu.memory_space<vmem>>, vector<16xf32>,
        tpu.vector_store %arg11[%swap3A_1286, %swap3A_1287], %mul3A_1284 {strides = array<i32>} : memref<16x128xf32, #tpu.memory_space<vmem>>, vector<16xf32>,
        %get3A_1289 = arith.constant 15 : i32
        %get3A_1290 = arith.index_cast %get3A_1289 : i32 to index
        %get3A_1291 = arith.constant 16 : index
        %get3A_1292 = tpu.vector_load %arg11[%get3A_1290, %get3A_1291] {strides = array<i32>} : memref<16x128xf32, #tpu.memory_space<vmem>>, vector<16xf32>,
        %mul3A_1293 = vector.broadcast %squeeze3A_1278 : f32 to vector<16xf32>
        %mul3A_1294 = arith.mulf %get3A_1292, %mul3A_1293 : vector<16xf32>
        %swap3A_1295 = arith.constant 15 : i32
        %swap3A_1296 = arith.index_cast %swap3A_1295 : i32 to index
        %swap3A_1297 = arith.constant 16 : index
        %swap3A_1298 = tpu.vector_load %arg11[%swap3A_1296, %swap3A_1297] {strides = array<i32>} : memref<16x128xf32, #tpu.memory_space<vmem>>, vector<16xf32>,
        tpu.vector_store %arg11[%swap3A_1296, %swap3A_1297], %mul3A_1294 {strides = array<i32>} : memref<16x128xf32, #tpu.memory_space<vmem>>, vector<16xf32>,
        %get3A_1299 = arith.constant 15 : i32
        %get3A_1300 = arith.index_cast %get3A_1299 : i32 to index
        %get3A_1301 = arith.constant 32 : index
        %get3A_1302 = tpu.vector_load %arg11[%get3A_1300, %get3A_1301] {strides = array<i32>} : memref<16x128xf32, #tpu.memory_space<vmem>>, vector<16xf32>,
        %mul3A_1303 = vector.broadcast %squeeze3A_1278 : f32 to vector<16xf32>
        %mul3A_1304 = arith.mulf %get3A_1302, %mul3A_1303 : vector<16xf32>
        %swap3A_1305 = arith.constant 15 : i32
        %swap3A_1306 = arith.index_cast %swap3A_1305 : i32 to index
        %swap3A_1307 = arith.constant 32 : index
        %swap3A_1308 = tpu.vector_load %arg11[%swap3A_1306, %swap3A_1307] {strides = array<i32>} : memref<16x128xf32, #tpu.memory_space<vmem>>, vector<16xf32>,
        tpu.vector_store %arg11[%swap3A_1306, %swap3A_1307], %mul3A_1304 {strides = array<i32>} : memref<16x128xf32, #tpu.memory_space<vmem>>, vector<16xf32>,
        %get3A_1309 = arith.constant 15 : i32
        %get3A_1310 = arith.index_cast %get3A_1309 : i32 to index
        %get3A_1311 = arith.constant 48 : index
        %get3A_1312 = tpu.vector_load %arg11[%get3A_1310, %get3A_1311] {strides = array<i32>} : memref<16x128xf32, #tpu.memory_space<vmem>>, vector<16xf32>,
        %mul3A_1313 = vector.broadcast %squeeze3A_1278 : f32 to vector<16xf32>
        %mul3A_1314 = arith.mulf %get3A_1312, %mul3A_1313 : vector<16xf32>
        %swap3A_1315 = arith.constant 15 : i32
        %swap3A_1316 = arith.index_cast %swap3A_1315 : i32 to index
        %swap3A_1317 = arith.constant 48 : index
        %swap3A_1318 = tpu.vector_load %arg11[%swap3A_1316, %swap3A_1317] {strides = array<i32>} : memref<16x128xf32, #tpu.memory_space<vmem>>, vector<16xf32>,
        tpu.vector_store %arg11[%swap3A_1316, %swap3A_1317], %mul3A_1314 {strides = array<i32>} : memref<16x128xf32, #tpu.memory_space<vmem>>, vector<16xf32>,
        %get3A_1319 = arith.constant 15 : i32
        %get3A_1320 = arith.index_cast %get3A_1319 : i32 to index
        %get3A_1321 = arith.constant 64 : index
        %get3A_1322 = tpu.vector_load %arg11[%get3A_1320, %get3A_1321] {strides = array<i32>} : memref<16x128xf32, #tpu.memory_space<vmem>>, vector<16xf32>,
        %mul3A_1323 = vector.broadcast %squeeze3A_1278 : f32 to vector<16xf32>
        %mul3A_1324 = arith.mulf %get3A_1322, %mul3A_1323 : vector<16xf32>
        %swap3A_1325 = arith.constant 15 : i32
        %swap3A_1326 = arith.index_cast %swap3A_1325 : i32 to index
        %swap3A_1327 = arith.constant 64 : index
        %swap3A_1328 = tpu.vector_load %arg11[%swap3A_1326, %swap3A_1327] {strides = array<i32>} : memref<16x128xf32, #tpu.memory_space<vmem>>, vector<16xf32>,
        tpu.vector_store %arg11[%swap3A_1326, %swap3A_1327], %mul3A_1324 {strides = array<i32>} : memref<16x128xf32, #tpu.memory_space<vmem>>, vector<16xf32>,
        %get3A_1329 = arith.constant 15 : i32
        %get3A_1330 = arith.index_cast %get3A_1329 : i32 to index
        %get3A_1331 = arith.constant 80 : index
        %get3A_1332 = tpu.vector_load %arg11[%get3A_1330, %get3A_1331] {strides = array<i32>} : memref<16x128xf32, #tpu.memory_space<vmem>>, vector<16xf32>,
        %mul3A_1333 = vector.broadcast %squeeze3A_1278 : f32 to vector<16xf32>
        %mul3A_1334 = arith.mulf %get3A_1332, %mul3A_1333 : vector<16xf32>
        %swap3A_1335 = arith.constant 15 : i32
        %swap3A_1336 = arith.index_cast %swap3A_1335 : i32 to index
        %swap3A_1337 = arith.constant 80 : index
        %swap3A_1338 = tpu.vector_load %arg11[%swap3A_1336, %swap3A_1337] {strides = array<i32>} : memref<16x128xf32, #tpu.memory_space<vmem>>, vector<16xf32>,
        tpu.vector_store %arg11[%swap3A_1336, %swap3A_1337], %mul3A_1334 {strides = array<i32>} : memref<16x128xf32, #tpu.memory_space<vmem>>, vector<16xf32>,
        %get3A_1339 = arith.constant 15 : i32
        %get3A_1340 = arith.index_cast %get3A_1339 : i32 to index
        %get3A_1341 = arith.constant 96 : index
        %get3A_1342 = tpu.vector_load %arg11[%get3A_1340, %get3A_1341] {strides = array<i32>} : memref<16x128xf32, #tpu.memory_space<vmem>>, vector<16xf32>,
        %mul3A_1343 = vector.broadcast %squeeze3A_1278 : f32 to vector<16xf32>
        %mul3A_1344 = arith.mulf %get3A_1342, %mul3A_1343 : vector<16xf32>
        %swap3A_1345 = arith.constant 15 : i32
        %swap3A_1346 = arith.index_cast %swap3A_1345 : i32 to index
        %swap3A_1347 = arith.constant 96 : index
        %swap3A_1348 = tpu.vector_load %arg11[%swap3A_1346, %swap3A_1347] {strides = array<i32>} : memref<16x128xf32, #tpu.memory_space<vmem>>, vector<16xf32>,
        tpu.vector_store %arg11[%swap3A_1346, %swap3A_1347], %mul3A_1344 {strides = array<i32>} : memref<16x128xf32, #tpu.memory_space<vmem>>, vector<16xf32>,
        %get3A_1349 = arith.constant 15 : i32
        %get3A_1350 = arith.index_cast %get3A_1349 : i32 to index
        %get3A_1351 = arith.constant 112 : index
        %get3A_1352 = tpu.vector_load %arg11[%get3A_1350, %get3A_1351] {strides = array<i32>} : memref<16x128xf32, #tpu.memory_space<vmem>>, vector<16xf32>,
        %mul3A_1353 = vector.broadcast %squeeze3A_1278 : f32 to vector<16xf32>
        %mul3A_1354 = arith.mulf %get3A_1352, %mul3A_1353 : vector<16xf32>
        %swap3A_1355 = arith.constant 15 : i32
        %swap3A_1356 = arith.index_cast %swap3A_1355 : i32 to index
        %swap3A_1357 = arith.constant 112 : index
        %swap3A_1358 = tpu.vector_load %arg11[%swap3A_1356, %swap3A_1357] {strides = array<i32>} : memref<16x128xf32, #tpu.memory_space<vmem>>, vector<16xf32>,
        tpu.vector_store %arg11[%swap3A_1356, %swap3A_1357], %mul3A_1354 {strides = array<i32>} : memref<16x128xf32, #tpu.memory_space<vmem>>, vector<16xf32>,
        "tpu.region"() ({
          %run_scoped3A = tpu.sem_alloc : memref<!tpu.dma_semaphore, #tpu.memory_space<semaphore_mem>>
          %dma_start3A = arith.constant 0 : i32
          %dma_start3A_1359 = arith.constant 0 : i32
          %dma_start3A_1360 = tpu.memref_slice %arg13[%dma_start3A, %dma_start3A_1359] : memref<10240x128xf32, #tpu.memory_space<vmem_shared>> -> memref<10240x128xf32, #tpu.memory_space<vmem_shared>>
          tpu.enqueue_indirect_dma source(%arg11 : memref<16x128xf32, #tpu.memory_space<vmem>>) target(%dma_start3A_1360 : memref<10240x128xf32, #tpu.memory_space<vmem_shared>>) offsets(%arg10 : memref<16xi32, #tpu.memory_space<vmem>>) semaphore(%run_scoped3A : memref<!tpu.dma_semaphore, #tpu.memory_space<semaphore_mem>>) {add = true}
          %dma_wait3A = arith.constant 0 : i32
          %dma_wait3A_1361 = arith.constant 0 : i32
          %dma_wait3A_1362 = tpu.memref_slice %arg13[%dma_wait3A, %dma_wait3A_1361] : memref<10240x128xf32, #tpu.memory_space<vmem_shared>> -> memref<10240x128xf32, #tpu.memory_space<vmem_shared>>
          tpu.wait_indirect_dma semaphore(%run_scoped3A : memref<!tpu.dma_semaphore, #tpu.memory_space<semaphore_mem>>) src(%arg11 : memref<16x128xf32, #tpu.memory_space<vmem>>) dst(%dma_wait3A_1362 : memref<10240x128xf32, #tpu.memory_space<vmem_shared>>)
          tpu.yield
        }) : () -> ()
      }
      %scan3A_35 = arith.constant 125 : i32
    }
    %scan3A_20 = arith.constant 5 : i32
    %barrier3A_21 = arith.constant 0 : index
    tpu.barrier barrier_id(%barrier3A_21)
    %mul3A_22 = arith.constant 640 : i32
    %mul3A_23 = arith.muli %arg1, %mul3A_22 : i32
    %mul3A_24 = arith.constant 640 : i32
    %mul3A_25 = arith.muli %arg1, %mul3A_24 : i32
    "tpu.region"() ({
      %run_scoped3A = tpu.sem_alloc : memref<!tpu.dma_semaphore, #tpu.memory_space<semaphore_mem>>
      %dma_start3A = arith.constant 0 : i32
      %dma_start3A_26 = tpu.memref_slice %arg6[%arg0, %mul3A_25, %dma_start3A] : memref<2x10240x128xf32, #tpu.memory_space<hbm>> -> memref<1x640x128xf32, #tpu.memory_space<hbm>>
      %dma_start3A_27 = tpu.memref_squeeze %dma_start3A_26 : memref<1x640x128xf32, #tpu.memory_space<hbm>> -> memref<640x128xf32, #tpu.memory_space<hbm>>
      %dma_start3A_28 = arith.constant 0 : i32
      %dma_start3A_29 = tpu.memref_slice %arg13[%mul3A_23, %dma_start3A_28] : memref<10240x128xf32, #tpu.memory_space<vmem_shared>> -> memref<640x128xf32, #tpu.memory_space<vmem_shared>>
      tpu.enqueue_dma source(%dma_start3A_29 : memref<640x128xf32, #tpu.memory_space<vmem_shared>>) target(%dma_start3A_27 : memref<640x128xf32, #tpu.memory_space<hbm>>) target_semaphore(%run_scoped3A : memref<!tpu.dma_semaphore, #tpu.memory_space<semaphore_mem>>)
      %dma_wait3A = arith.constant 0 : i32
      %dma_wait3A_30 = tpu.memref_slice %arg6[%arg0, %mul3A_25, %dma_wait3A] : memref<2x10240x128xf32, #tpu.memory_space<hbm>> -> memref<1x640x128xf32, #tpu.memory_space<hbm>>
      %dma_wait3A_31 = tpu.memref_squeeze %dma_wait3A_30 : memref<1x640x128xf32, #tpu.memory_space<hbm>> -> memref<640x128xf32, #tpu.memory_space<hbm>>
      %dma_wait3A_32 = arith.constant 0 : i32
      %dma_wait3A_33 = tpu.memref_slice %arg13[%mul3A_23, %dma_wait3A_32] : memref<10240x128xf32, #tpu.memory_space<vmem_shared>> -> memref<640x128xf32, #tpu.memory_space<vmem_shared>>
      tpu.wait_dma2 semaphore(%run_scoped3A : memref<!tpu.dma_semaphore, #tpu.memory_space<semaphore_mem>>) src(%dma_wait3A_33 : memref<640x128xf32, #tpu.memory_space<vmem_shared>>) dst(%dma_wait3A_31 : memref<640x128xf32, #tpu.memory_space<hbm>>)
      tpu.yield
    }) : () -> ()
    return
  }
}

module attributes {stable_mosaic.version = 14 : i64} {
  func.func @_tc_degrees_body(%arg0: memref<32x10000xf32, #tpu.memory_space<vmem>>, %arg1: memref<32x10000xf32, #tpu.memory_space<vmem>>, %arg2: memref<10000x128xf32, #tpu.memory_space<vmem>>, %arg3: memref<10000xf32, #tpu.memory_space<vmem>>, %arg4: memref<10000xf32, #tpu.memory_space<vmem>>, %arg5: memref<10000x128xf32, #tpu.memory_space<vmem>>) attributes {dimension_semantics = [], scalar_prefetch = 0 : i64, scratch_operands = 0 : i64, tpu.core_type = #tpu.core_type<tc>} {
    %get3A = arith.constant 0 : index
    %get3A_0 = arith.constant 0 : index
    %get3A_1 = vector.load %arg0[%get3A, %get3A_0] : memref<32x10000xf32, #tpu.memory_space<vmem>>, vector<32x10000xf32>
    %reduce_sum3A = arith.constant dense<0.000000e+00> : vector<10000xf32>
    %reduce_sum3A_2 = vector.multi_reduction <add>, %get3A_1, %reduce_sum3A [0] : vector<32x10000xf32> to vector<10000xf32>
    %max3A = arith.constant 1.000000e+00 : f32
    %max3A_3 = vector.broadcast %max3A : f32 to vector<10000xf32>
    %max3A_4 = arith.maximumf %reduce_sum3A_2, %max3A_3 : vector<10000xf32>
    %rsqrt3A = math.rsqrt %max3A_4 : vector<10000xf32>
    %get3A_5 = arith.constant 0 : index
    %get3A_6 = arith.constant 0 : index
    %get3A_7 = vector.load %arg1[%get3A_5, %get3A_6] : memref<32x10000xf32, #tpu.memory_space<vmem>>, vector<32x10000xf32>
    %reduce_sum3A_8 = arith.constant dense<0.000000e+00> : vector<10000xf32>
    %reduce_sum3A_9 = vector.multi_reduction <add>, %get3A_7, %reduce_sum3A_8 [0] : vector<32x10000xf32> to vector<10000xf32>
    %max3A_10 = arith.constant 1.000000e+00 : f32
    %max3A_11 = vector.broadcast %max3A_10 : f32 to vector<10000xf32>
    %max3A_12 = arith.maximumf %reduce_sum3A_9, %max3A_11 : vector<10000xf32>
    %rsqrt3A_13 = math.rsqrt %max3A_12 : vector<10000xf32>
    %swap3A = arith.constant 0 : index
    %swap3A_14 = vector.load %arg3[%swap3A] : memref<10000xf32, #tpu.memory_space<vmem>>, vector<10000xf32>
    tpu.vector_store %arg3[%swap3A], %rsqrt3A {strides = array<i32>} : memref<10000xf32, #tpu.memory_space<vmem>>, vector<10000xf32>,
    %swap3A_15 = arith.constant 0 : index
    %swap3A_16 = vector.load %arg4[%swap3A_15] : memref<10000xf32, #tpu.memory_space<vmem>>, vector<10000xf32>
    tpu.vector_store %arg4[%swap3A_15], %rsqrt3A_13 {strides = array<i32>} : memref<10000xf32, #tpu.memory_space<vmem>>, vector<10000xf32>,
    %get3A_17 = arith.constant 0 : index
    %get3A_18 = arith.constant 0 : index
    %get3A_19 = vector.load %arg2[%get3A_17, %get3A_18] : memref<10000x128xf32, #tpu.memory_space<vmem>>, vector<10000x128xf32>
    %broadcast_in_dim3A = vector.shape_cast %rsqrt3A : vector<10000xf32> to vector<10000x1xf32>
    %mul3A = vector.broadcast %broadcast_in_dim3A : vector<10000x1xf32> to vector<10000x128xf32>
    %mul3A_20 = arith.mulf %get3A_19, %mul3A : vector<10000x128xf32>
    %swap3A_21 = arith.constant 0 : index
    %swap3A_22 = arith.constant 0 : index
    %swap3A_23 = vector.load %arg5[%swap3A_21, %swap3A_22] : memref<10000x128xf32, #tpu.memory_space<vmem>>, vector<10000x128xf32>
    tpu.vector_store %arg5[%swap3A_21, %swap3A_22], %mul3A_20 {strides = array<i32>} : memref<10000x128xf32, #tpu.memory_space<vmem>>, vector<10000x128xf32>,
    return
  }
}

module attributes {stable_mosaic.version = 14 : i64} {
  func.func @_tc_layer_body(%arg0: memref<2x10240x128xf32, #tpu.memory_space<vmem>>, %arg1: memref<128x128xf32, #tpu.memory_space<vmem>>, %arg2: memref<128xf32, #tpu.memory_space<vmem>>, %arg3: memref<10000xf32, #tpu.memory_space<vmem>>, %arg4: memref<10000xf32, #tpu.memory_space<vmem>>, %arg5: memref<10000x128xf32, #tpu.memory_space<vmem>>, %arg6: memref<10000x128xf32, #tpu.memory_space<vmem>>) attributes {dimension_semantics = [], scalar_prefetch = 0 : i64, scratch_operands = 0 : i64, tpu.core_type = #tpu.core_type<tc>} {
    %get3A = arith.constant 0 : index
    %get3A_0 = arith.constant 0 : index
    %get3A_1 = arith.constant 0 : index
    %get3A_2 = vector.load %arg0[%get3A, %get3A_0, %get3A_1] : memref<2x10240x128xf32, #tpu.memory_space<vmem>>, vector<1x10000x128xf32>
    %get3A_3 = vector.shape_cast %get3A_2 : vector<1x10000x128xf32> to vector<10000x128xf32>
    %get3A_4 = arith.constant 1 : index
    %get3A_5 = arith.constant 0 : index
    %get3A_6 = arith.constant 0 : index
    %get3A_7 = vector.load %arg0[%get3A_4, %get3A_5, %get3A_6] : memref<2x10240x128xf32, #tpu.memory_space<vmem>>, vector<1x10000x128xf32>
    %get3A_8 = vector.shape_cast %get3A_7 : vector<1x10000x128xf32> to vector<10000x128xf32>
    %add3A = arith.addf %get3A_3, %get3A_8 : vector<10000x128xf32>
    %get3A_9 = arith.constant 0 : index
    %get3A_10 = vector.load %arg4[%get3A_9] : memref<10000xf32, #tpu.memory_space<vmem>>, vector<10000xf32>
    %broadcast_in_dim3A = vector.shape_cast %get3A_10 : vector<10000xf32> to vector<10000x1xf32>
    %mul3A = vector.broadcast %broadcast_in_dim3A : vector<10000x1xf32> to vector<10000x128xf32>
    %mul3A_11 = arith.mulf %add3A, %mul3A : vector<10000x128xf32>
    %get3A_12 = arith.constant 0 : index
    %get3A_13 = arith.constant 0 : index
    %get3A_14 = vector.load %arg1[%get3A_12, %get3A_13] : memref<128x128xf32, #tpu.memory_space<vmem>>, vector<128x128xf32>
    %dot_general3A = arith.constant dense<0.000000e+00> : vector<10000x128xf32>
    %dot_general3A_15 = tpu.matmul %mul3A_11, %get3A_14, %dot_general3A {dimension_numbers = #tpu.dot_dimension_numbers<[1], [0], [0], [1], [0, 0, 1, 1], [], []>, transpose_lhs_hint = false} : vector<10000x128xf32>, vector<128x128xf32>, vector<10000x128xf32> -> vector<10000x128xf32>
    %get3A_16 = arith.constant 0 : index
    %get3A_17 = vector.load %arg2[%get3A_16] : memref<128xf32, #tpu.memory_space<vmem>>, vector<128xf32>
    %broadcast_in_dim3A_18 = vector.shape_cast %get3A_17 : vector<128xf32> to vector<1x128xf32>
    %add3A_19 = vector.broadcast %broadcast_in_dim3A_18 : vector<1x128xf32> to vector<10000x128xf32>
    %add3A_20 = arith.addf %dot_general3A_15, %add3A_19 : vector<10000x128xf32>
    %swap3A = arith.constant 0 : index
    %swap3A_21 = arith.constant 0 : index
    %swap3A_22 = vector.load %arg5[%swap3A, %swap3A_21] : memref<10000x128xf32, #tpu.memory_space<vmem>>, vector<10000x128xf32>
    tpu.vector_store %arg5[%swap3A, %swap3A_21], %add3A_20 {strides = array<i32>} : memref<10000x128xf32, #tpu.memory_space<vmem>>, vector<10000x128xf32>,
    %get3A_23 = arith.constant 0 : index
    %get3A_24 = vector.load %arg3[%get3A_23] : memref<10000xf32, #tpu.memory_space<vmem>>, vector<10000xf32>
    %broadcast_in_dim3A_25 = vector.shape_cast %get3A_24 : vector<10000xf32> to vector<10000x1xf32>
    %mul3A_26 = vector.broadcast %broadcast_in_dim3A_25 : vector<10000x1xf32> to vector<10000x128xf32>
    %mul3A_27 = arith.mulf %add3A_20, %mul3A_26 : vector<10000x128xf32>
    %swap3A_28 = arith.constant 0 : index
    %swap3A_29 = arith.constant 0 : index
    %swap3A_30 = vector.load %arg6[%swap3A_28, %swap3A_29] : memref<10000x128xf32, #tpu.memory_space<vmem>>, vector<10000x128xf32>
    tpu.vector_store %arg6[%swap3A_28, %swap3A_29], %mul3A_27 {strides = array<i32>} : memref<10000x128xf32, #tpu.memory_space<vmem>>, vector<10000x128xf32>,
    return
  }
}

module attributes {stable_mosaic.version = 14 : i64} {
  func.func @_tc_epilogue_body(%arg0: memref<2x10240x128xf32, #tpu.memory_space<vmem>>, %arg1: memref<10000x128xf32, #tpu.memory_space<vmem>>, %arg2: memref<10000x128xf32, #tpu.memory_space<vmem>>, %arg3: memref<128x128xf32, #tpu.memory_space<vmem>>, %arg4: memref<128xf32, #tpu.memory_space<vmem>>, %arg5: memref<10000xf32, #tpu.memory_space<vmem>>, %arg6: memref<2x6xf32, #tpu.memory_space<smem>>, %arg7: memref<2xf32, #tpu.memory_space<smem>>, %arg8: memref<2x2x2500x128xf32, #tpu.memory_space<vmem>>) attributes {dimension_semantics = [], scalar_prefetch = 0 : i64, scratch_operands = 0 : i64, tpu.core_type = #tpu.core_type<tc>} {
    %get3A = arith.constant 0 : index
    %get3A_0 = arith.constant 0 : index
    %get3A_1 = arith.constant 0 : index
    %get3A_2 = vector.load %arg0[%get3A, %get3A_0, %get3A_1] : memref<2x10240x128xf32, #tpu.memory_space<vmem>>, vector<1x10000x128xf32>
    %get3A_3 = vector.shape_cast %get3A_2 : vector<1x10000x128xf32> to vector<10000x128xf32>
    %get3A_4 = arith.constant 1 : index
    %get3A_5 = arith.constant 0 : index
    %get3A_6 = arith.constant 0 : index
    %get3A_7 = vector.load %arg0[%get3A_4, %get3A_5, %get3A_6] : memref<2x10240x128xf32, #tpu.memory_space<vmem>>, vector<1x10000x128xf32>
    %get3A_8 = vector.shape_cast %get3A_7 : vector<1x10000x128xf32> to vector<10000x128xf32>
    %add3A = arith.addf %get3A_3, %get3A_8 : vector<10000x128xf32>
    %get3A_9 = arith.constant 0 : index
    %get3A_10 = vector.load %arg5[%get3A_9] : memref<10000xf32, #tpu.memory_space<vmem>>, vector<10000xf32>
    %broadcast_in_dim3A = vector.shape_cast %get3A_10 : vector<10000xf32> to vector<10000x1xf32>
    %mul3A = vector.broadcast %broadcast_in_dim3A : vector<10000x1xf32> to vector<10000x128xf32>
    %mul3A_11 = arith.mulf %add3A, %mul3A : vector<10000x128xf32>
    %get3A_12 = arith.constant 0 : index
    %get3A_13 = arith.constant 0 : index
    %get3A_14 = vector.load %arg3[%get3A_12, %get3A_13] : memref<128x128xf32, #tpu.memory_space<vmem>>, vector<128x128xf32>
    %dot_general3A = arith.constant dense<0.000000e+00> : vector<10000x128xf32>
    %dot_general3A_15 = tpu.matmul %mul3A_11, %get3A_14, %dot_general3A {dimension_numbers = #tpu.dot_dimension_numbers<[1], [0], [0], [1], [0, 0, 1, 1], [], []>, transpose_lhs_hint = false} : vector<10000x128xf32>, vector<128x128xf32>, vector<10000x128xf32> -> vector<10000x128xf32>
    %get3A_16 = arith.constant 0 : index
    %get3A_17 = vector.load %arg4[%get3A_16] : memref<128xf32, #tpu.memory_space<vmem>>, vector<128xf32>
    %broadcast_in_dim3A_18 = vector.shape_cast %get3A_17 : vector<128xf32> to vector<1x128xf32>
    %add3A_19 = vector.broadcast %broadcast_in_dim3A_18 : vector<1x128xf32> to vector<10000x128xf32>
    %add3A_20 = arith.addf %dot_general3A_15, %add3A_19 : vector<10000x128xf32>
    %get3A_21 = arith.constant 0 : index
    %get3A_22 = arith.constant 0 : index
    %get3A_23 = vector.load %arg1[%get3A_21, %get3A_22] : memref<10000x128xf32, #tpu.memory_space<vmem>>, vector<10000x128xf32>
    %get3A_24 = arith.constant 0 : index
    %get3A_25 = arith.constant 0 : index
    %get3A_26 = vector.load %arg2[%get3A_24, %get3A_25] : memref<10000x128xf32, #tpu.memory_space<vmem>>, vector<10000x128xf32>
    %slice3A = vector.extract_strided_slice %get3A_23 {offsets = [0, 0], sizes = [2500, 128], strides = [1, 1]} : vector<10000x128xf32> to vector<2500x128xf32>
    %slice3A_27 = vector.extract_strided_slice %get3A_23 {offsets = [2500, 0], sizes = [2500, 128], strides = [1, 1]} : vector<10000x128xf32> to vector<2500x128xf32>
    %slice3A_28 = vector.extract_strided_slice %get3A_23 {offsets = [5000, 0], sizes = [2500, 128], strides = [1, 1]} : vector<10000x128xf32> to vector<2500x128xf32>
    %slice3A_29 = vector.extract_strided_slice %get3A_23 {offsets = [7500, 0], sizes = [2500, 128], strides = [1, 1]} : vector<10000x128xf32> to vector<2500x128xf32>
    %slice3A_30 = vector.extract_strided_slice %get3A_26 {offsets = [0, 0], sizes = [2500, 128], strides = [1, 1]} : vector<10000x128xf32> to vector<2500x128xf32>
    %slice3A_31 = vector.extract_strided_slice %get3A_26 {offsets = [2500, 0], sizes = [2500, 128], strides = [1, 1]} : vector<10000x128xf32> to vector<2500x128xf32>
    %slice3A_32 = vector.extract_strided_slice %get3A_26 {offsets = [5000, 0], sizes = [2500, 128], strides = [1, 1]} : vector<10000x128xf32> to vector<2500x128xf32>
    %slice3A_33 = vector.extract_strided_slice %get3A_26 {offsets = [7500, 0], sizes = [2500, 128], strides = [1, 1]} : vector<10000x128xf32> to vector<2500x128xf32>
    %slice3A_34 = vector.extract_strided_slice %add3A_20 {offsets = [0, 0], sizes = [2500, 128], strides = [1, 1]} : vector<10000x128xf32> to vector<2500x128xf32>
    %slice3A_35 = vector.extract_strided_slice %add3A_20 {offsets = [2500, 0], sizes = [2500, 128], strides = [1, 1]} : vector<10000x128xf32> to vector<2500x128xf32>
    %slice3A_36 = vector.extract_strided_slice %add3A_20 {offsets = [5000, 0], sizes = [2500, 128], strides = [1, 1]} : vector<10000x128xf32> to vector<2500x128xf32>
    %slice3A_37 = vector.extract_strided_slice %add3A_20 {offsets = [7500, 0], sizes = [2500, 128], strides = [1, 1]} : vector<10000x128xf32> to vector<2500x128xf32>
    %get3A_38 = arith.constant 0 : index
    %get3A_39 = memref.load %arg7[%get3A_38] : memref<2xf32, #tpu.memory_space<smem>>
    %broadcast_in_dim3A_40 = vector.broadcast %get3A_39 : f32 to vector<2500x128xf32>
    %get3A_41 = arith.constant 0 : index
    %get3A_42 = arith.constant 0 : index
    %get3A_43 = memref.load %arg6[%get3A_41, %get3A_42] : memref<2x6xf32, #tpu.memory_space<smem>>
    %mul3A_44 = vector.broadcast %get3A_43 : f32 to vector<2500x128xf32>
    %mul3A_45 = arith.mulf %mul3A_44, %slice3A : vector<2500x128xf32>
    %add3A_46 = arith.addf %broadcast_in_dim3A_40, %mul3A_45 : vector<2500x128xf32>
    %get3A_47 = arith.constant 0 : index
    %get3A_48 = arith.constant 1 : index
    %get3A_49 = memref.load %arg6[%get3A_47, %get3A_48] : memref<2x6xf32, #tpu.memory_space<smem>>
    %mul3A_50 = vector.broadcast %get3A_49 : f32 to vector<2500x128xf32>
    %mul3A_51 = arith.mulf %mul3A_50, %slice3A_27 : vector<2500x128xf32>
    %add3A_52 = arith.addf %add3A_46, %mul3A_51 : vector<2500x128xf32>
    %get3A_53 = arith.constant 0 : index
    %get3A_54 = arith.constant 2 : index
    %get3A_55 = memref.load %arg6[%get3A_53, %get3A_54] : memref<2x6xf32, #tpu.memory_space<smem>>
    %mul3A_56 = vector.broadcast %get3A_55 : f32 to vector<2500x128xf32>
    %mul3A_57 = arith.mulf %mul3A_56, %slice3A_28 : vector<2500x128xf32>
    %add3A_58 = arith.addf %add3A_52, %mul3A_57 : vector<2500x128xf32>
    %get3A_59 = arith.constant 0 : index
    %get3A_60 = arith.constant 3 : index
    %get3A_61 = memref.load %arg6[%get3A_59, %get3A_60] : memref<2x6xf32, #tpu.memory_space<smem>>
    %mul3A_62 = vector.broadcast %get3A_61 : f32 to vector<2500x128xf32>
    %mul3A_63 = arith.mulf %mul3A_62, %slice3A_29 : vector<2500x128xf32>
    %add3A_64 = arith.addf %add3A_58, %mul3A_63 : vector<2500x128xf32>
    %get3A_65 = arith.constant 0 : index
    %get3A_66 = arith.constant 4 : index
    %get3A_67 = memref.load %arg6[%get3A_65, %get3A_66] : memref<2x6xf32, #tpu.memory_space<smem>>
    %mul3A_68 = vector.broadcast %get3A_67 : f32 to vector<2500x128xf32>
    %mul3A_69 = arith.mulf %mul3A_68, %slice3A_30 : vector<2500x128xf32>
    %add3A_70 = arith.addf %add3A_64, %mul3A_69 : vector<2500x128xf32>
    %get3A_71 = arith.constant 0 : index
    %get3A_72 = arith.constant 5 : index
    %get3A_73 = memref.load %arg6[%get3A_71, %get3A_72] : memref<2x6xf32, #tpu.memory_space<smem>>
    %mul3A_74 = vector.broadcast %get3A_73 : f32 to vector<2500x128xf32>
    %mul3A_75 = arith.mulf %mul3A_74, %slice3A_31 : vector<2500x128xf32>
    %add3A_76 = arith.addf %add3A_70, %mul3A_75 : vector<2500x128xf32>
    %swap3A = arith.constant 0 : index
    %swap3A_77 = arith.constant 0 : index
    %swap3A_78 = arith.constant 0 : index
    %swap3A_79 = arith.constant 0 : index
    %swap3A_80 = vector.load %arg8[%swap3A, %swap3A_77, %swap3A_78, %swap3A_79] : memref<2x2x2500x128xf32, #tpu.memory_space<vmem>>, vector<1x1x2500x128xf32>
    %swap3A_81 = vector.shape_cast %swap3A_80 : vector<1x1x2500x128xf32> to vector<2500x128xf32>
    %swap3A_82 = vector.shape_cast %add3A_76 : vector<2500x128xf32> to vector<1x1x2500x128xf32>
    tpu.vector_store %arg8[%swap3A, %swap3A_77, %swap3A_78, %swap3A_79], %swap3A_82 {strides = array<i32>} : memref<2x2x2500x128xf32, #tpu.memory_space<vmem>>, vector<1x1x2500x128xf32>,
    %get3A_83 = arith.constant 1 : index
    %get3A_84 = memref.load %arg7[%get3A_83] : memref<2xf32, #tpu.memory_space<smem>>
    %broadcast_in_dim3A_85 = vector.broadcast %get3A_84 : f32 to vector<2500x128xf32>
    %get3A_86 = arith.constant 1 : index
    %get3A_87 = arith.constant 0 : index
    %get3A_88 = memref.load %arg6[%get3A_86, %get3A_87] : memref<2x6xf32, #tpu.memory_space<smem>>
    %mul3A_89 = vector.broadcast %get3A_88 : f32 to vector<2500x128xf32>
    %mul3A_90 = arith.mulf %mul3A_89, %slice3A : vector<2500x128xf32>
    %add3A_91 = arith.addf %broadcast_in_dim3A_85, %mul3A_90 : vector<2500x128xf32>
    %get3A_92 = arith.constant 1 : index
    %get3A_93 = arith.constant 1 : index
    %get3A_94 = memref.load %arg6[%get3A_92, %get3A_93] : memref<2x6xf32, #tpu.memory_space<smem>>
    %mul3A_95 = vector.broadcast %get3A_94 : f32 to vector<2500x128xf32>
    %mul3A_96 = arith.mulf %mul3A_95, %slice3A_27 : vector<2500x128xf32>
    %add3A_97 = arith.addf %add3A_91, %mul3A_96 : vector<2500x128xf32>
    %get3A_98 = arith.constant 1 : index
    %get3A_99 = arith.constant 2 : index
    %get3A_100 = memref.load %arg6[%get3A_98, %get3A_99] : memref<2x6xf32, #tpu.memory_space<smem>>
    %mul3A_101 = vector.broadcast %get3A_100 : f32 to vector<2500x128xf32>
    %mul3A_102 = arith.mulf %mul3A_101, %slice3A_28 : vector<2500x128xf32>
    %add3A_103 = arith.addf %add3A_97, %mul3A_102 : vector<2500x128xf32>
    %get3A_104 = arith.constant 1 : index
    %get3A_105 = arith.constant 3 : index
    %get3A_106 = memref.load %arg6[%get3A_104, %get3A_105] : memref<2x6xf32, #tpu.memory_space<smem>>
    %mul3A_107 = vector.broadcast %get3A_106 : f32 to vector<2500x128xf32>
    %mul3A_108 = arith.mulf %mul3A_107, %slice3A_29 : vector<2500x128xf32>
    %add3A_109 = arith.addf %add3A_103, %mul3A_108 : vector<2500x128xf32>
    %get3A_110 = arith.constant 1 : index
    %get3A_111 = arith.constant 4 : index
    %get3A_112 = memref.load %arg6[%get3A_110, %get3A_111] : memref<2x6xf32, #tpu.memory_space<smem>>
    %mul3A_113 = vector.broadcast %get3A_112 : f32 to vector<2500x128xf32>
    %mul3A_114 = arith.mulf %mul3A_113, %slice3A_30 : vector<2500x128xf32>
    %add3A_115 = arith.addf %add3A_109, %mul3A_114 : vector<2500x128xf32>
    %get3A_116 = arith.constant 1 : index
    %get3A_117 = arith.constant 5 : index
    %get3A_118 = memref.load %arg6[%get3A_116, %get3A_117] : memref<2x6xf32, #tpu.memory_space<smem>>
    %mul3A_119 = vector.broadcast %get3A_118 : f32 to vector<2500x128xf32>
    %mul3A_120 = arith.mulf %mul3A_119, %slice3A_31 : vector<2500x128xf32>
    %add3A_121 = arith.addf %add3A_115, %mul3A_120 : vector<2500x128xf32>
    %swap3A_122 = arith.constant 0 : index
    %swap3A_123 = arith.constant 1 : index
    %swap3A_124 = arith.constant 0 : index
    %swap3A_125 = arith.constant 0 : index
    %swap3A_126 = vector.load %arg8[%swap3A_122, %swap3A_123, %swap3A_124, %swap3A_125] : memref<2x2x2500x128xf32, #tpu.memory_space<vmem>>, vector<1x1x2500x128xf32>
    %swap3A_127 = vector.shape_cast %swap3A_126 : vector<1x1x2500x128xf32> to vector<2500x128xf32>
    %swap3A_128 = vector.shape_cast %add3A_121 : vector<2500x128xf32> to vector<1x1x2500x128xf32>
    tpu.vector_store %arg8[%swap3A_122, %swap3A_123, %swap3A_124, %swap3A_125], %swap3A_128 {strides = array<i32>} : memref<2x2x2500x128xf32, #tpu.memory_space<vmem>>, vector<1x1x2500x128xf32>,
    %get3A_129 = arith.constant 0 : index
    %get3A_130 = memref.load %arg7[%get3A_129] : memref<2xf32, #tpu.memory_space<smem>>
    %broadcast_in_dim3A_131 = vector.broadcast %get3A_130 : f32 to vector<2500x128xf32>
    %get3A_132 = arith.constant 0 : index
    %get3A_133 = arith.constant 0 : index
    %get3A_134 = memref.load %arg6[%get3A_132, %get3A_133] : memref<2x6xf32, #tpu.memory_space<smem>>
    %mul3A_135 = vector.broadcast %get3A_134 : f32 to vector<2500x128xf32>
    %mul3A_136 = arith.mulf %mul3A_135, %slice3A_32 : vector<2500x128xf32>
    %add3A_137 = arith.addf %broadcast_in_dim3A_131, %mul3A_136 : vector<2500x128xf32>
    %get3A_138 = arith.constant 0 : index
    %get3A_139 = arith.constant 1 : index
    %get3A_140 = memref.load %arg6[%get3A_138, %get3A_139] : memref<2x6xf32, #tpu.memory_space<smem>>
    %mul3A_141 = vector.broadcast %get3A_140 : f32 to vector<2500x128xf32>
    %mul3A_142 = arith.mulf %mul3A_141, %slice3A_33 : vector<2500x128xf32>
    %add3A_143 = arith.addf %add3A_137, %mul3A_142 : vector<2500x128xf32>
    %get3A_144 = arith.constant 0 : index
    %get3A_145 = arith.constant 2 : index
    %get3A_146 = memref.load %arg6[%get3A_144, %get3A_145] : memref<2x6xf32, #tpu.memory_space<smem>>
    %mul3A_147 = vector.broadcast %get3A_146 : f32 to vector<2500x128xf32>
    %mul3A_148 = arith.mulf %mul3A_147, %slice3A_34 : vector<2500x128xf32>
    %add3A_149 = arith.addf %add3A_143, %mul3A_148 : vector<2500x128xf32>
    %get3A_150 = arith.constant 0 : index
    %get3A_151 = arith.constant 3 : index
    %get3A_152 = memref.load %arg6[%get3A_150, %get3A_151] : memref<2x6xf32, #tpu.memory_space<smem>>
    %mul3A_153 = vector.broadcast %get3A_152 : f32 to vector<2500x128xf32>
    %mul3A_154 = arith.mulf %mul3A_153, %slice3A_35 : vector<2500x128xf32>
    %add3A_155 = arith.addf %add3A_149, %mul3A_154 : vector<2500x128xf32>
    %get3A_156 = arith.constant 0 : index
    %get3A_157 = arith.constant 4 : index
    %get3A_158 = memref.load %arg6[%get3A_156, %get3A_157] : memref<2x6xf32, #tpu.memory_space<smem>>
    %mul3A_159 = vector.broadcast %get3A_158 : f32 to vector<2500x128xf32>
    %mul3A_160 = arith.mulf %mul3A_159, %slice3A_36 : vector<2500x128xf32>
    %add3A_161 = arith.addf %add3A_155, %mul3A_160 : vector<2500x128xf32>
    %get3A_162 = arith.constant 0 : index
    %get3A_163 = arith.constant 5 : index
    %get3A_164 = memref.load %arg6[%get3A_162, %get3A_163] : memref<2x6xf32, #tpu.memory_space<smem>>
    %mul3A_165 = vector.broadcast %get3A_164 : f32 to vector<2500x128xf32>
    %mul3A_166 = arith.mulf %mul3A_165, %slice3A_37 : vector<2500x128xf32>
    %add3A_167 = arith.addf %add3A_161, %mul3A_166 : vector<2500x128xf32>
    %swap3A_168 = arith.constant 1 : index
    %swap3A_169 = arith.constant 0 : index
    %swap3A_170 = arith.constant 0 : index
    %swap3A_171 = arith.constant 0 : index
    %swap3A_172 = vector.load %arg8[%swap3A_168, %swap3A_169, %swap3A_170, %swap3A_171] : memref<2x2x2500x128xf32, #tpu.memory_space<vmem>>, vector<1x1x2500x128xf32>
    %swap3A_173 = vector.shape_cast %swap3A_172 : vector<1x1x2500x128xf32> to vector<2500x128xf32>
    %swap3A_174 = vector.shape_cast %add3A_167 : vector<2500x128xf32> to vector<1x1x2500x128xf32>
    tpu.vector_store %arg8[%swap3A_168, %swap3A_169, %swap3A_170, %swap3A_171], %swap3A_174 {strides = array<i32>} : memref<2x2x2500x128xf32, #tpu.memory_space<vmem>>, vector<1x1x2500x128xf32>,
    %get3A_175 = arith.constant 1 : index
    %get3A_176 = memref.load %arg7[%get3A_175] : memref<2xf32, #tpu.memory_space<smem>>
    %broadcast_in_dim3A_177 = vector.broadcast %get3A_176 : f32 to vector<2500x128xf32>
    %get3A_178 = arith.constant 1 : index
    %get3A_179 = arith.constant 0 : index
    %get3A_180 = memref.load %arg6[%get3A_178, %get3A_179] : memref<2x6xf32, #tpu.memory_space<smem>>
    %mul3A_181 = vector.broadcast %get3A_180 : f32 to vector<2500x128xf32>
    %mul3A_182 = arith.mulf %mul3A_181, %slice3A_32 : vector<2500x128xf32>
    %add3A_183 = arith.addf %broadcast_in_dim3A_177, %mul3A_182 : vector<2500x128xf32>
    %get3A_184 = arith.constant 1 : index
    %get3A_185 = arith.constant 1 : index
    %get3A_186 = memref.load %arg6[%get3A_184, %get3A_185] : memref<2x6xf32, #tpu.memory_space<smem>>
    %mul3A_187 = vector.broadcast %get3A_186 : f32 to vector<2500x128xf32>
    %mul3A_188 = arith.mulf %mul3A_187, %slice3A_33 : vector<2500x128xf32>
    %add3A_189 = arith.addf %add3A_183, %mul3A_188 : vector<2500x128xf32>
    %get3A_190 = arith.constant 1 : index
    %get3A_191 = arith.constant 2 : index
    %get3A_192 = memref.load %arg6[%get3A_190, %get3A_191] : memref<2x6xf32, #tpu.memory_space<smem>>
    %mul3A_193 = vector.broadcast %get3A_192 : f32 to vector<2500x128xf32>
    %mul3A_194 = arith.mulf %mul3A_193, %slice3A_34 : vector<2500x128xf32>
    %add3A_195 = arith.addf %add3A_189, %mul3A_194 : vector<2500x128xf32>
    %get3A_196 = arith.constant 1 : index
    %get3A_197 = arith.constant 3 : index
    %get3A_198 = memref.load %arg6[%get3A_196, %get3A_197] : memref<2x6xf32, #tpu.memory_space<smem>>
    %mul3A_199 = vector.broadcast %get3A_198 : f32 to vector<2500x128xf32>
    %mul3A_200 = arith.mulf %mul3A_199, %slice3A_35 : vector<2500x128xf32>
    %add3A_201 = arith.addf %add3A_195, %mul3A_200 : vector<2500x128xf32>
    %get3A_202 = arith.constant 1 : index
    %get3A_203 = arith.constant 4 : index
    %get3A_204 = memref.load %arg6[%get3A_202, %get3A_203] : memref<2x6xf32, #tpu.memory_space<smem>>
    %mul3A_205 = vector.broadcast %get3A_204 : f32 to vector<2500x128xf32>
    %mul3A_206 = arith.mulf %mul3A_205, %slice3A_36 : vector<2500x128xf32>
    %add3A_207 = arith.addf %add3A_201, %mul3A_206 : vector<2500x128xf32>
    %get3A_208 = arith.constant 1 : index
    %get3A_209 = arith.constant 5 : index
    %get3A_210 = memref.load %arg6[%get3A_208, %get3A_209] : memref<2x6xf32, #tpu.memory_space<smem>>
    %mul3A_211 = vector.broadcast %get3A_210 : f32 to vector<2500x128xf32>
    %mul3A_212 = arith.mulf %mul3A_211, %slice3A_37 : vector<2500x128xf32>
    %add3A_213 = arith.addf %add3A_207, %mul3A_212 : vector<2500x128xf32>
    %swap3A_214 = arith.constant 1 : index
    %swap3A_215 = arith.constant 1 : index
    %swap3A_216 = arith.constant 0 : index
    %swap3A_217 = arith.constant 0 : index
    %swap3A_218 = vector.load %arg8[%swap3A_214, %swap3A_215, %swap3A_216, %swap3A_217] : memref<2x2x2500x128xf32, #tpu.memory_space<vmem>>, vector<1x1x2500x128xf32>
    %swap3A_219 = vector.shape_cast %swap3A_218 : vector<1x1x2500x128xf32> to vector<2500x128xf32>
    %swap3A_220 = vector.shape_cast %add3A_213 : vector<2500x128xf32> to vector<1x1x2500x128xf32>
    tpu.vector_store %arg8[%swap3A_214, %swap3A_215, %swap3A_216, %swap3A_217], %swap3A_220 {strides = array<i32>} : memref<2x2x2500x128xf32, #tpu.memory_space<vmem>>, vector<1x1x2500x128xf32>,
    return
  }
}

</mosaic_0001>

<sc_bundles>
// kernel: kernel.11.cloned.1.call-start
scs
__scs_entry_jumppad:
0x0: {  	(pc) =	sbr.rel $0x88, $3  }
0x1: {  	(tag) =	ssettag $0x0;
	lr =	simm.s32 $0x1  }
0x2: {  	[smem:$0x3F9A] =	sst lr;
	_ =	strace $0xD0000000  }
0x3: {  	_ = 	snop  }
0x4: {  	_ = 	snop  }
0x5: {  	_ = 	snop  }
0x6: {  	_ = 	snop  }
0x7: {  	_ = 	snop  }
__scs_overlays_trampoline_lowered:
0x8: {  	[smem:$0x3FA9] =	sst s0  }
0x9: {  	[smem:$0x3FAA] =	sst s1  }
0xa: {  	[smem:$0x3FAB] =	sst s2  }
0xb: {  	[smem:$0x3FAC] =	sst s3  }
0xc: {  	[smem:$0x3FAD] =	sst s4  }
0xd: {  	[smem:$0x3FAE] =	sst s5  }
0xe: {  	[smem:$0x3FAF] =	sst s6  }
0xf: {  	[smem:$0x3FB0] =	sst s7  }
0x10: {  	[smem:$0x3FB1] =	sst s8  }
0x11: {  	[smem:$0x3FB2] =	sst s9;
	s0 =	simm.s32 @!p0 $0x0  }
0x12: {  	s1 =	sld [smem:$0x3F98];
	s0 =	simm.s32 @p0 $0x1  }
0x13: {  	[smem:$0x3FB3] =	sst s0;
	s0 =	simm.s32 @!p1 $0x0  }
0x14: {  	s2 =	sld [smem:$0x3F97];
	s0 =	simm.s32 @p1 $0x1  }
0x15: {  	[smem:$0x3FB4] =	sst s0;
	s0 =	simm.s32 @!p2 $0x0  }
0x16: {  	s3 =	sld [smem:$0x3FDB];
	s0 =	simm.s32 @p2 $0x1  }
0x17: {  	s4 =	simm.s32 $0x1BF5;
	[smem:$0x3FB6] =	sst s0  }
0x18: {  	s0 =	sld [smem:$0x3F99];
	_ =	swait.ge [sflag:s4], $0x0  }
0x19: {  	s7 =	sld [smem:$0x3F9A]  }
0x1a: {  	s8 =	sadd.s32 $0xFFFFE003, lr  }
0x1b: {  	s9 =	sadd.s32 $0xFFFFFEF7, lr;
	s5 =	simm.s32 $0xFFFFFFFF;
	p2 =	slt.u32 s8, $0xFFFFF086  }
0x1c: {  	p1 =	slt.u32 s9, $0xF7A;
	s5 =	simm.s32 @!p2 $0x0  }
0x1d: {  	s5 =	simm.s32 @p1 $0x1;
	p0 =	seq.s32 s7, s2  }
0x1e: {  	s7 =	smul.u32 @!p0 $0xF7A, s2;
	p2 =	seq.s32 @!p0 s5, $0x0  }
0x1f: {  	s9 =	smul.u32 $0xF7A, s1;
	s8 =	simm.s32 @!p0 $0x1BF5;
	p2 =	por !p2, p0  }
0x20: {  	[sflag:s8] =	ssyncset.s32 @!p0 $0xFFFFF086;
	s6 =	sadd.s32 @!p0 s3, s7;
	s7 =	simm.s32 @!p0 $0x108  }
0x21: {  	s3 =	sadd.s32 s3, s9;
	s6 =	sadd.s32 @!p0 $0x88, s6;
	s7 =	simm.s32 @p2 $0x1082  }
0x22: {  	[simem:s7], [sflag:s8] =	dma.local @!p0 [hbm:s6], $0xF7A  }
0x23: {  	s9 =	sor.u32 $0xD0000000, s2;
	s6 =	simm.s32 $0x108;
	_ =	swait.ge @!p0 [sflag:s8], $0x0  }
0x24: {  	s3 =	sadd.s32 $0x88, s3;
	s6 =	simm.s32 @!p1 $0x1082;
	[sflag:s4] =	ssyncset.s32 $0xFFFFF086  }
0x25: {  	[simem:s6], [sflag:s4] =	dma.local [hbm:s3], $0xF7A  }
0x26: {  	[smem:$0x3F9A] =	sst s1;
	(tag) =	ssettag s2;
	_ =	strace s9  }
0x27: {  	s1 =	sld [smem:$0x3FAA]  }
0x28: {  	s2 =	sld [smem:$0x3FAB]  }
0x29: {  	s4 =	sld [smem:$0x3FAD]  }
0x2a: {  	p0 =	seq.s32 s5, $0x0;
	s5 =	sld [smem:$0x3FAE]  }
0x2b: {  	s6 =	sld [smem:$0x3FAF]  }
0x2c: {  	s7 =	sld [smem:$0x3FB0]  }
0x2d: {  	s3 =	simm.s32 $0x108;
	s8 =	sld [smem:$0x3FB1]  }
0x2e: {  	s3 =	simm.s32 @!p0 $0x1082;
	s9 =	sld [smem:$0x3FB2]  }
0x2f: {  	lr =	sadd.s32 s0, s3;
	s0 =	sld [smem:$0x3FA9]  }
0x30: {  	s3 =	sld [smem:$0x3FAC]  }
0x31: {  	[smem:$0x3FB5] =	sst s10  }
0x32: {  	s10 =	sld [smem:$0x3FB3];
	_ =	sdelay $0x3  }
0x33: {  	p0 =	seq.s32 s10, $0x1;
	s10 =	sld [smem:$0x3FB5];
	_ =	sdelay $0x3  }
0x34: {  	[smem:$0x3FB5] =	sst s10  }
0x35: {  	s10 =	sld [smem:$0x3FB4];
	_ =	sdelay $0x3  }
0x36: {  	p1 =	seq.s32 s10, $0x1;
	s10 =	sld [smem:$0x3FB5];
	_ =	sdelay $0x3  }
0x37: {  	[smem:$0x3FB5] =	sst s10  }
0x38: {  	s10 =	sld [smem:$0x3FB6]  }
0x39: {  	_ = 	snop;
	(pc) =	sbr.ind lr, $3  }
0x3a: {  	_ = 	snop  }
0x3b: {  	_ = 	snop  }
0x3c: {  	p2 =	seq.s32 s10, $0x1;
	s10 =	sld [smem:$0x3FB5]  }
0x3d: {  	_ =	shalt  }
0x3e: {  	_ =	shalt  }
0x3f: {  	_ =	shalt  }
0x40: {  	_ =	shalt  }
0x41: {  	_ =	shalt  }
0x42: {  	_ =	shalt  }
0x43: {  	_ =	shalt  }
0x44: {  	_ =	shalt  }
0x45: {  	_ =	shalt  }
0x46: {  	_ =	shalt  }
0x47: {  	_ =	shalt  }
0x48: {  	_ =	shalt  }
0x49: {  	_ =	shalt  }
0x4a: {  	_ =	shalt  }
0x4b: {  	_ =	shalt  }
0x4c: {  	_ =	shalt  }
0x4d: {  	_ =	shalt  }
0x4e: {  	_ =	shalt  }
0x4f: {  	_ =	shalt  }
0x50: {  	_ =	shalt  }
0x51: {  	_ =	shalt  }
0x52: {  	_ =	shalt  }
0x53: {  	_ =	shalt  }
0x54: {  	_ =	shalt  }
0x55: {  	_ =	shalt  }
0x56: {  	_ =	shalt  }
0x57: {  	_ =	shalt  }
0x58: {  	_ =	shalt  }
0x59: {  	_ =	shalt  }
0x5a: {  	_ =	shalt  }
0x5b: {  	_ =	shalt  }
0x5c: {  	_ =	shalt  }
0x5d: {  	_ =	shalt  }
0x5e: {  	_ =	shalt  }
0x5f: {  	_ =	shalt  }
0x60: {  	_ =	shalt  }
0x61: {  	_ =	shalt  }
0x62: {  	_ =	shalt  }
0x63: {  	_ =	shalt  }
0x64: {  	_ =	shalt  }
0x65: {  	_ =	shalt  }
0x66: {  	_ =	shalt  }
0x67: {  	_ =	shalt  }
0x68: {  	_ =	shalt  }
0x69: {  	_ =	shalt  }
0x6a: {  	_ =	shalt  }
0x6b: {  	_ =	shalt  }
0x6c: {  	_ =	shalt  }
0x6d: {  	_ =	shalt  }
0x6e: {  	_ =	shalt  }
0x6f: {  	_ =	shalt  }
0x70: {  	_ =	shalt  }
0x71: {  	_ =	shalt  }
0x72: {  	_ =	shalt  }
0x73: {  	_ =	shalt  }
0x74: {  	_ =	shalt  }
0x75: {  	_ =	shalt  }
0x76: {  	_ =	shalt  }
0x77: {  	_ =	shalt  }
0x78: {  	_ =	shalt  }
0x79: {  	_ =	shalt  }
0x7a: {  	_ =	shalt  }
0x7b: {  	_ =	shalt  }
0x7c: {  	_ =	shalt  }
0x7d: {  	_ =	shalt  }
0x7e: {  	_ =	shalt  }
0x7f: {  	_ =	shalt  }
0x80: {  	_ =	shalt  }
0x81: {  	_ =	shalt  }
0x82: {  	_ =	shalt  }
0x83: {  	_ =	shalt  }
0x84: {  	_ =	shalt  }
0x85: {  	_ =	shalt  }
0x86: {  	_ =	shalt  }
0x87: {  	_ =	shalt  }
.Lfunc_end0:
.L_simem_size_0:
called_computation.1_lowered:
.L_overlay_start_0:
0x88: {  	s2 =	sld [smem:$0x3FD9]  }
0x89: {  	s3 =	sld [smem:$0x3FFE];
	_ =	sdelay $0x1  }
0x8a: {  	s1 =	srdreg.scid  }
0x8b: {  	s0 =	sand.u32 $0x1, s1  }
0x8c: {  	s17 =	sshll.u32 s0, $0xA;
	s2 =	sadd.s32 s3, s2  }
0x8d: {  	s2 =	sadd.s32 s2, s17  }
0x8e: {  	[smem:$0x3FC1] =	sst s2  }
0x8f: {  	_ = 	snop  }
0x90: {  	s2 =	sld [smem:$0x3FC7]  }
0x91: {  	s18 =	sld [smem:$0x3FD0];
	(tm) =	ssettm $0x1  }
0x92: {  	s4 =	sld [smem:$0x3FFB];
	_ =	sdelay $0x3  }
0x93: {  	_ =	strace s4  }
0x94: {  	s4 =	sld [smem:$0x3FFC];
	_ =	sdelay $0x3  }
0x95: {  	_ =	strace s4  }
0x96: {  	s4 =	sld [smem:$0x3FFD];
	_ =	sdelay $0x3  }
0x97: {  	_ =	strace s4  }
0x98: {  	_ =	strace $0x8FFFFFFF  }
0x99: {  	s19 =	sld [smem:$0x3FDB];
	_ =	sdelay $0x1  }
0x9a: {  	s5 =	simm.s32 $_scs_section_size  }
0x9b: {  	s6 =	simm.s32 $_size__tile_overlayer_lowered;
	s7 =	simm.s32 $_tile_overlayer_lowered  }
0x9c: {  	s22 =	simm.s32 $0x1BFF;
	s21 =	sshll.u32 s7, $0x1;
	s4 =	sadd.s32 s5, s19  }
0x9d: {  	s8 =	simm.s32 $0x0;
	s20 =	sshll.u32 s6, $0x1;
	s6 =	sadd.s32 s21, s4  }
0x9e: {  	[timem:s8], [sflag:s22] =	dma.local [hbm:s6], s20  }
0x9f: {  	_ =	swait.ge [sflag:s22], s20  }
0xa0: {  	s5 =	ssub.s32 $0x0, s20;
	[sflag:s22] =	ssyncset.done $0x0  }
0xa1: {  	[sflag:s22] =	ssyncadd.s32 s5;
	_ =	sdelay $0x1  }
0xa2: {  	s23 =	simm.s32 $0x1B8B  }
0xa3: {  	_ =	swait.ge [sflag:s23], $0x1  }
0xa4: {  	[sflag:s23] =	ssyncset.done $0x0  }
0xa5: {  	s25 =	simm.s32 $0x1B8E;
	s24 =	sld [smem:$0x3FFE];
	[sflag:s23] =	ssyncadd.s32 $0xFFFFFFFF  }
0xa6: {  	s26 =	simm.s32 $execute0_lowered;
	[smem:$0x3FD2] =	sst s25  }
0xa7: {  	s6 =	sshll.u32 s26, $0x1;
	_ =	strace $0x80000049;
	[dreg:$0x1] =	wrdreg $0xFFFFFFFF  }
0xa8: {  	s28 =	simm.s32 $_size_execute0_lowered;
	s4 =	sadd.s32 s4, s6;
	[dreg:$0x0] =	wrdreg $0x0  }
0xa9: {  	s6 =	sshll.u32 s28, $0x1;
	[dreg:$0x2] =	wrdreg s4  }
0xaa: {  	[dreg:$0x3] =	wrdreg s6  }
0xab: {  	[dreg:$0x4] =	wrdreg $0xC0  }
0xac: {  	_ =	task [dreg:s8], $0x5FFFF  }
0xad: {  	[dreg:$0x1] =	wrdreg $0xFFFFFFFF  }
0xae: {  	[dreg:$0x0] =	wrdreg $0x60  }
0xaf: {  	[dreg:$0x2] =	wrdreg s18  }
0xb0: {  	[dreg:$0x3] =	wrdreg s24  }
0xb1: {  	[dreg:$0x4] =	wrdreg s2  }
0xb2: {  	[dreg:$0x5] =	wrdreg $0x30800  }
0xb3: {  	[dreg:$0x6] =	wrdreg $0x9  }
0xb4: {  	_ =	task.clear_ibuf [dreg:s8], $0x7FFFF;
	_ =	strace $0x90000049  }
0xb5: {  	s29 =	simm.s32 $0x9;
	_ =	strace $0x8000004B  }
0xb6: {  	_ =	swait.ge [sflag:s29], $0x1  }
0xb7: {  	[sflag:s29] =	ssyncadd.s32 $0xFFFFFFFF  }
0xb8: {  	_ =	strace $0x9000004B  }
0xb9: {  	_ =	sfence  }
0xba: {  	s30 =	sld [smem:$0x0];
	_ =	sdelay $0x2  }
0xbb: {  	s31 =	sshll.u32 s1, $0xD;
	s1 =	sshrl.u32 s1, $0x2  }
0xbc: {  	s3 =	sand.u32 $0x4000, s31;
	s1 =	sadd.s32 s1, s30  }
0xbd: {  	s0 =	sor.u32 s3, s0;
	s1 =	sshll.u32 s1, $0x11  }
0xbe: {  	s0 =	sor.u32 s1, s0  }
0xbf: {  	s0 =	sadd.s32 $0x8F2B, s0  }
0xc0: {  	[sflag:s0] =	ssyncadd.remote.s32 $0x1  }
0xc1: {  	_ =	sfence.sel $0xFFFF  }
0xc2: {  	[dreg:$0x0] =	wrdreg $0xFFFFFFFF;
	(pc) =	sbr.abs _section_cstart, $3  }
0xc3: {  	[dreg:$0x1] =	wrdreg $0xFFFFFFFF  }
0xc4: {  	_ =	task.clear_ibuf [dreg:s8], $0x2FFFF;
	_ =	strace $0x9FFFFFFF  }
0xc5: {  	(tm) =	ssettm $0x7FFFFFFF  }
tec
execute0_lowered:
.L_overlay_start_1:
0x0: {  	(tag) =	ssettag $0x1  }
0x1: {  	s0 =	rddreg [dreg:$0x0]  }
0x2: {  	s1 =	rddreg [dreg:$0x1]  }
0x3: {  	s3 =	rddreg [dreg:$0x2]  }
0x4: {  	s2 =	srdreg.scid;
	s4 =	rddreg [dreg:$0x3]  }
0x5: {  	s11 =	stileid.u32;
	s5 =	simm.s32 $0x0;
	s12 =	simm.s32 $0x1880  }
0x6: {  	s13 =	simm.s32 $0x10;
	s14 =	simm.s32 $0x1800;
	s7 =	smul.u32 $0x14000, s11  }
0x7: {  	s2 =	sand.u32 $0x1, s2;
	[smem:$0x7FF] =	sst s5;
	s10 =	smul.u32 $0x50000, s11  }
0x8: {  	s6 =	smul.u32 $0x140000, s2;
	s9 =	ssub.s32 $0x2, s2;
	s2 =	sshll.u32 s2, $0x4  }
0x9: {  	_ =	strace $0x8000004A;
	s15 =	sshrl.u32 s9, $0x1;
	s2 =	sor.u32 s11, s2  }
0xa: {  	s17 =	sshrl.u32 s10, $0x2;
	s10 =	simm.s32 $0x800;
	s11 =	simm.s32 $0x1000  }
0xb: {  	s8 =	sadd.s32 s7, s6;
	s6 =	sadd.s32 $0xC200, s1;
	s16 =	ssub.s32 s9, s15  }
0xc: {  	s7 =	sadd.s32 $0x2400, s1;
	s9 =	sadd.s32 s17, s4;
	s18 =	smax.u32 s16, $0x1  }
0xd: {  	s15 =	simm.s32 $0x0;
	s19 =	sadd.s32 $0x1000, s9;
	[dreg:$0x6] =	wrdreg s18  }
0xe: {  	s8 =	sshrl.u32 s8, $0x3;
	s20 =	sadd.s32 $0x2000, s9;
	[dreg:$0x7] =	wrdreg s19  }
0xf: {  	s21 =	sadd.s32 $0x3000, s9;
	s22 =	sadd.s32 $0x4000, s9;
	[dreg:$0x8] =	wrdreg s20  }
0x10: {  	s23 =	sadd.s32 $0x5000, s9;
	s24 =	sadd.s32 $0x6000, s9;
	[dreg:$0x9] =	wrdreg s21  }
0x11: {  	s25 =	sadd.s32 $0x7000, s9;
	s26 =	sadd.s32 $0x8000, s9;
	[dreg:$0xa] =	wrdreg s22  }
0x12: {  	s28 =	sadd.s32 $0x10000, s9;
	s29 =	sadd.s32 $0x11000, s9;
	[dreg:$0xb] =	wrdreg s23  }
0x13: {  	s30 =	sadd.s32 $0x12000, s9;
	s31 =	sadd.s32 $0x13000, s9;
	[dreg:$0xc] =	wrdreg s24  }
0x14: {  	s1 =	sadd.s32 s8, s1;
	s8 =	smul.u32 $0x2710, s2;
	[dreg:$0xd] =	wrdreg s25  }
0x15: {  	[dreg:$0xe] =	wrdreg s26;
	s20 =	sadd.s32 $0x9000, s9;
	s21 =	sadd.s32 $0xA000, s9  }
0x16: {  	s22 =	sadd.s32 $0xB000, s9;
	s23 =	sadd.s32 $0xC000, s9;
	s24 =	sadd.s32 $0xD000, s9  }
0x17: {  	s25 =	sadd.s32 $0xE000, s9;
	s26 =	sadd.s32 $0xF000, s9;
	s1 =	sadd.s32 $0x16000, s1  }
0x18: {  	v0 =	vimm.f32 $0.0e+00;
	vm0 =	vmmov $0xffff;
	s2 =	simm.s32 $0x1;
	[dreg:$0x5] =	wrdreg s1;
	s1 =	simm.s32 $0x2080  }
.LBB2_1:
0x19: {  	s16 =	simm.s32 $0x0;
	s17 =	simm.s32 $0x200  }
.LBB2_2:
0x1a: {  	p0 =	sne.s32 s17, $0x3E00;
	[tilespmem:s16+$0x20F0] =	vst v0  }
0x1b: {  	[tilespmem:s16+$0x2080] =	vst v0  }
0x1c: {  	[tilespmem:s16+$0x2090] =	vst v0  }
.Ltmp0:
0x1d: {  	[tilespmem:s16+$0x20A0] =	vst v0;
	(pc) =	sbr.rel @p0 .LBB2_2-.Ltmp0, $4  }
0x1e: {  	[tilespmem:s16+$0x20B0] =	vst v0  }
0x1f: {  	[tilespmem:s16+$0x20C0] =	vst v0  }
0x20: {  	[tilespmem:s16+$0x20D0] =	vst v0  }
0x21: {  	[tilespmem:s16+$0x20E0] =	vst v0;
	s16 =	sshra.s32 s17, $0x2;
	s17 =	sadd.s32 $0x200, s17  }
0x22: {  	[tilespmem:s16+$0x20F0] =	vst v0  }
0x23: {  	[tilespmem:s16+$0x2080] =	vst v0  }
0x24: {  	[tilespmem:s16+$0x2090] =	vst v0  }
0x25: {  	[tilespmem:s16+$0x20A0] =	vst v0  }
0x26: {  	[tilespmem:s16+$0x20B0] =	vst v0  }
0x27: {  	[tilespmem:s16+$0x20C0] =	vst v0  }
0x28: {  	[tilespmem:s16+$0x20D0] =	vst v0  }
0x29: {  	[tilespmem:s16+$0x20E0] =	vst v0  }
0x2a: {  	[spmem:s9] =	stream.linear.scatter [tilespmem:s1], [sflag:$0x1], $0x1000, $0x38;
	[tilespmem:$0x17080] =	vst v63  }
0x2b: {  	_ =	swait.ge [sflag:s2], $0x1000  }
0x2c: {  	[sflag:s2] =	ssyncset.done $0x0  }
0x2d: {  	s18 =	rddreg [dreg:$0x7];
	[sflag:s2] =	ssyncadd.s32 $0xFFFFF000  }
0x2e: {  	[spmem:s18] =	stream.linear.scatter [tilespmem:s1], [sflag:$0x1], $0x1000, $0x38;
	[tilespmem:$0x17080] =	vst v63  }
0x2f: {  	_ =	swait.ge [sflag:s2], $0x1000  }
0x30: {  	[sflag:s2] =	ssyncset.done $0x0  }
0x31: {  	s19 =	rddreg [dreg:$0x8];
	[sflag:s2] =	ssyncadd.s32 $0xFFFFF000  }
0x32: {  	[spmem:s19] =	stream.linear.scatter [tilespmem:s1], [sflag:$0x1], $0x1000, $0x38;
	[tilespmem:$0x17080] =	vst v63  }
0x33: {  	_ =	swait.ge [sflag:s2], $0x1000  }
0x34: {  	[sflag:s2] =	ssyncset.done $0x0  }
0x35: {  	s17 =	rddreg [dreg:$0x9];
	[sflag:s2] =	ssyncadd.s32 $0xFFFFF000  }
0x36: {  	[spmem:s17] =	stream.linear.scatter [tilespmem:s1], [sflag:$0x1], $0x1000, $0x38;
	[tilespmem:$0x17080] =	vst v63  }
0x37: {  	_ =	swait.ge [sflag:s2], $0x1000  }
0x38: {  	[sflag:s2] =	ssyncset.done $0x0  }
0x39: {  	s18 =	rddreg [dreg:$0xa];
	[sflag:s2] =	ssyncadd.s32 $0xFFFFF000  }
0x3a: {  	[spmem:s18] =	stream.linear.scatter [tilespmem:s1], [sflag:$0x1], $0x1000, $0x38;
	[tilespmem:$0x17080] =	vst v63  }
0x3b: {  	_ =	swait.ge [sflag:s2], $0x1000  }
0x3c: {  	[sflag:s2] =	ssyncset.done $0x0  }
0x3d: {  	s19 =	rddreg [dreg:$0xb];
	[sflag:s2] =	ssyncadd.s32 $0xFFFFF000  }
0x3e: {  	[spmem:s19] =	stream.linear.scatter [tilespmem:s1], [sflag:$0x1], $0x1000, $0x38;
	[tilespmem:$0x17080] =	vst v63  }
0x3f: {  	_ =	swait.ge [sflag:s2], $0x1000  }
0x40: {  	[sflag:s2] =	ssyncset.done $0x0  }
0x41: {  	s17 =	rddreg [dreg:$0xc];
	[sflag:s2] =	ssyncadd.s32 $0xFFFFF000  }
0x42: {  	[spmem:s17] =	stream.linear.scatter [tilespmem:s1], [sflag:$0x1], $0x1000, $0x38;
	[tilespmem:$0x17080] =	vst v63  }
0x43: {  	_ =	swait.ge [sflag:s2], $0x1000  }
0x44: {  	[sflag:s2] =	ssyncset.done $0x0  }
0x45: {  	s18 =	rddreg [dreg:$0xd];
	[sflag:s2] =	ssyncadd.s32 $0xFFFFF000  }
0x46: {  	[spmem:s18] =	stream.linear.scatter [tilespmem:s1], [sflag:$0x1], $0x1000, $0x38;
	[tilespmem:$0x17080] =	vst v63  }
0x47: {  	_ =	swait.ge [sflag:s2], $0x1000  }
0x48: {  	[sflag:s2] =	ssyncset.done $0x0  }
0x49: {  	s19 =	rddreg [dreg:$0xe];
	[sflag:s2] =	ssyncadd.s32 $0xFFFFF000  }
0x4a: {  	[spmem:s19] =	stream.linear.scatter [tilespmem:s1], [sflag:$0x1], $0x1000, $0x38;
	[tilespmem:$0x17080] =	vst v63  }
0x4b: {  	_ =	swait.ge [sflag:s2], $0x1000  }
0x4c: {  	[sflag:s2] =	ssyncset.done $0x0  }
0x4d: {  	[sflag:s2] =	ssyncadd.s32 $0xFFFFF000  }
0x4e: {  	[spmem:s20] =	stream.linear.scatter [tilespmem:s1], [sflag:$0x1], $0x1000, $0x38;
	[tilespmem:$0x17080] =	vst v63  }
0x4f: {  	_ =	swait.ge [sflag:s2], $0x1000  }
0x50: {  	[sflag:s2] =	ssyncset.done $0x0  }
0x51: {  	[sflag:s2] =	ssyncadd.s32 $0xFFFFF000  }
0x52: {  	[spmem:s21] =	stream.linear.scatter [tilespmem:s1], [sflag:$0x1], $0x1000, $0x38;
	[tilespmem:$0x17080] =	vst v63  }
0x53: {  	_ =	swait.ge [sflag:s2], $0x1000  }
0x54: {  	[sflag:s2] =	ssyncset.done $0x0  }
0x55: {  	[sflag:s2] =	ssyncadd.s32 $0xFFFFF000  }
0x56: {  	[spmem:s22] =	stream.linear.scatter [tilespmem:s1], [sflag:$0x1], $0x1000, $0x38;
	[tilespmem:$0x17080] =	vst v63  }
0x57: {  	_ =	swait.ge [sflag:s2], $0x1000  }
0x58: {  	[sflag:s2] =	ssyncset.done $0x0  }
0x59: {  	[sflag:s2] =	ssyncadd.s32 $0xFFFFF000  }
0x5a: {  	[spmem:s23] =	stream.linear.scatter [tilespmem:s1], [sflag:$0x1], $0x1000, $0x38;
	[tilespmem:$0x17080] =	vst v63  }
0x5b: {  	_ =	swait.ge [sflag:s2], $0x1000  }
0x5c: {  	[sflag:s2] =	ssyncset.done $0x0  }
0x5d: {  	[sflag:s2] =	ssyncadd.s32 $0xFFFFF000  }
0x5e: {  	[spmem:s24] =	stream.linear.scatter [tilespmem:s1], [sflag:$0x1], $0x1000, $0x38;
	[tilespmem:$0x17080] =	vst v63  }
0x5f: {  	_ =	swait.ge [sflag:s2], $0x1000  }
0x60: {  	[sflag:s2] =	ssyncset.done $0x0  }
0x61: {  	[sflag:s2] =	ssyncadd.s32 $0xFFFFF000  }
0x62: {  	[spmem:s25] =	stream.linear.scatter [tilespmem:s1], [sflag:$0x1], $0x1000, $0x38;
	[tilespmem:$0x17080] =	vst v63  }
0x63: {  	_ =	swait.ge [sflag:s2], $0x1000  }
0x64: {  	[sflag:s2] =	ssyncset.done $0x0  }
0x65: {  	[sflag:s2] =	ssyncadd.s32 $0xFFFFF000  }
0x66: {  	[spmem:s26] =	stream.linear.scatter [tilespmem:s1], [sflag:$0x1], $0x1000, $0x38;
	[tilespmem:$0x17080] =	vst v63  }
0x67: {  	_ =	swait.ge [sflag:s2], $0x1000  }
0x68: {  	[sflag:s2] =	ssyncset.done $0x0  }
0x69: {  	[sflag:s2] =	ssyncadd.s32 $0xFFFFF000  }
0x6a: {  	[spmem:s28] =	stream.linear.scatter [tilespmem:s1], [sflag:$0x1], $0x1000, $0x38;
	[tilespmem:$0x17080] =	vst v63  }
0x6b: {  	_ =	swait.ge [sflag:s2], $0x1000  }
0x6c: {  	[sflag:s2] =	ssyncset.done $0x0  }
0x6d: {  	[sflag:s2] =	ssyncadd.s32 $0xFFFFF000  }
0x6e: {  	[spmem:s29] =	stream.linear.scatter [tilespmem:s1], [sflag:$0x1], $0x1000, $0x38;
	[tilespmem:$0x17080] =	vst v63  }
0x6f: {  	_ =	swait.ge [sflag:s2], $0x1000  }
0x70: {  	[sflag:s2] =	ssyncset.done $0x0  }
0x71: {  	[sflag:s2] =	ssyncadd.s32 $0xFFFFF000  }
0x72: {  	[spmem:s30] =	stream.linear.scatter [tilespmem:s1], [sflag:$0x1], $0x1000, $0x38;
	[tilespmem:$0x17080] =	vst v63  }
0x73: {  	_ =	swait.ge [sflag:s2], $0x1000  }
0x74: {  	[sflag:s2] =	ssyncset.done $0x0  }
0x75: {  	[sflag:s2] =	ssyncadd.s32 $0xFFFFF000  }
0x76: {  	[spmem:s31] =	stream.linear.scatter [tilespmem:s1], [sflag:$0x1], $0x1000, $0x38;
	[tilespmem:$0x17080] =	vst v63  }
0x77: {  	_ =	swait.ge [sflag:s2], $0x1000  }
0x78: {  	[sflag:s2] =	ssyncset.done $0x0  }
0x79: {  	[sflag:s2] =	ssyncadd.s32 $0xFFFFF000  }
0x7a: {  	s16 =	simm.s32 $0x0;
	s17 =	simm.s32 $0x0;
	[bflag:$0x0] =	sbarrier.arrive $0xFFFF  }
.LBB2_4:
0x7b: {  	s18 =	smul.u32 $0x7D0, s17;
	_ =	sdelay $0x1  }
0x7c: {  	s18 =	sadd.s32 s8, s18  }
0x7d: {  	s18 =	sshrl.u32 s18, $0x3  }
0x7e: {  	s19 =	sadd.s32 s6, s18  }
0x7f: {  	[tilespmem:s16], [sflag:$0x1] =	stream.linear.gather [hbm4b:s19+s16], $0x7D0, $0x38;
	[tilespmem:$0x17080] =	vst v63  }
0x80: {  	_ =	swait.ge [sflag:s2], $0x7D0  }
0x81: {  	[sflag:s2] =	ssyncset.done $0x0  }
0x82: {  	s19 =	sadd.s32 s3, s18;
	[sflag:s2] =	ssyncadd.s32 $0xFFFFF830  }
0x83: {  	[tilespmem:s10], [sflag:$0x1] =	stream.linear.gather [hbm4b:s19+s16], $0x7D0, $0x38;
	[tilespmem:$0x17080] =	vst v63  }
0x84: {  	_ =	swait.ge [sflag:s2], $0x7D0  }
0x85: {  	[sflag:s2] =	ssyncset.done $0x0  }
0x86: {  	s18 =	sadd.s32 s7, s18;
	[sflag:s2] =	ssyncadd.s32 $0xFFFFF830  }
0x87: {  	[tilespmem:s11], [sflag:$0x1] =	stream.linear.gather [hbm4b:s18+s16], $0x7D0, $0x38;
	[tilespmem:$0x17080] =	vst v63  }
0x88: {  	_ =	swait.ge [sflag:s2], $0x7D0  }
0x89: {  	[sflag:s2] =	ssyncset.done $0x0  }
0x8a: {  	s18 =	simm.s32 $0x0;
	[sflag:s2] =	ssyncadd.s32 $0xFFFFF830  }
.LBB2_5:
0x8b: {  	s19 =	sshra.s32 s18, $0x2  }
0x8c: {  	v2 =	vld [tilespmem:s19+$0x0];
	_ =	sdelay $0x1  }
0x8d: {  	v3 =	vld [tilespmem:s19+$0x1000];
	_ =	sdelay $0x4  }
0x8e: {  	v1 =	vld [tilespmem:s19+$0x800];
	[tilespmem:$0x1800] =	vst v3  }
0x8f: {  	[tilespmem:s12], [sflag:$0x1] =	stream.indirect_vreg.gather [hbm4b:s0+s5], $0x80, v2, vm0, $0xb8;
	[tilespmem:$0x17080] =	vst v63  }
0x90: {  	_ =	swait.ge [sflag:s2], $0x800  }
0x91: {  	[sflag:s2] =	ssyncset.done $0x0  }
0x92: {  	[sflag:s2] =	ssyncadd.s32 $0xFFFFF800  }
0x93: {  	v2 =	vld [tilespmem:$0x1880]  }
0x94: {  	v3 =	vld [tilespmem:$0x1890]  }
0x95: {  	v4 =	vld [tilespmem:$0x18A0]  }
0x96: {  	v5 =	vbroadcast v1, $0x0;
	v6 =	vld [tilespmem:$0x18B0]  }
0x97: {  	v7 =	vld [tilespmem:$0x18C0]  }
0x98: {  	v8 =	vld [tilespmem:$0x18D0];
	v2 =	vmul.f32 v2, v5  }
0x99: {  	v9 =	vld [tilespmem:$0x18E0];
	v3 =	vmul.f32 v3, v5  }
0x9a: {  	v34 =	vld [tilespmem:$0x18F0];
	[tilespmem:$0x1880] =	vst v2;
	v2 =	vmul.f32 v4, v5  }
0x9b: {  	v35 =	vld [tilespmem:$0x1900];
	[tilespmem:$0x1890] =	vst v3;
	v3 =	vmul.f32 v6, v5  }
0x9c: {  	v36 =	vld [tilespmem:$0x1910];
	[tilespmem:$0x18A0] =	vst v2;
	v2 =	vmul.f32 v7, v5  }
0x9d: {  	v37 =	vld [tilespmem:$0x1920];
	[tilespmem:$0x18B0] =	vst v3;
	v3 =	vmul.f32 v8, v5  }
0x9e: {  	v38 =	vbroadcast v1, $0x1;
	v10 =	vld [tilespmem:$0x1930];
	[tilespmem:$0x18C0] =	vst v2;
	v2 =	vmul.f32 v9, v5  }
0x9f: {  	v39 =	vld [tilespmem:$0x1940];
	[tilespmem:$0x18D0] =	vst v3;
	v3 =	vmul.f32 v34, v5  }
0xa0: {  	v40 =	vld [tilespmem:$0x1950];
	[tilespmem:$0x18E0] =	vst v2;
	v2 =	vmul.f32 v35, v38  }
0xa1: {  	v41 =	vld [tilespmem:$0x1960];
	[tilespmem:$0x18F0] =	vst v3;
	v3 =	vmul.f32 v36, v38  }
0xa2: {  	v42 =	vld [tilespmem:$0x1970];
	[tilespmem:$0x1900] =	vst v2;
	v2 =	vmul.f32 v37, v38  }
0xa3: {  	v43 =	vld [tilespmem:$0x1980];
	[tilespmem:$0x1910] =	vst v3;
	v3 =	vmul.f32 v10, v38  }
0xa4: {  	v44 =	vld [tilespmem:$0x1990];
	[tilespmem:$0x1920] =	vst v2;
	v2 =	vmul.f32 v39, v38  }
0xa5: {  	v45 =	vld [tilespmem:$0x19A0];
	[tilespmem:$0x1930] =	vst v3;
	v3 =	vmul.f32 v40, v38  }
0xa6: {  	v46 =	vbroadcast v1, $0x2;
	v47 =	vld [tilespmem:$0x19B0];
	[tilespmem:$0x1940] =	vst v2;
	v2 =	vmul.f32 v41, v38  }
0xa7: {  	v48 =	vld [tilespmem:$0x19C0];
	[tilespmem:$0x1950] =	vst v3;
	v3 =	vmul.f32 v42, v38  }
0xa8: {  	v49 =	vld [tilespmem:$0x19D0];
	[tilespmem:$0x1960] =	vst v2;
	v2 =	vmul.f32 v43, v46  }
0xa9: {  	v50 =	vld [tilespmem:$0x19E0];
	[tilespmem:$0x1970] =	vst v3;
	v3 =	vmul.f32 v44, v46  }
0xaa: {  	v51 =	vld [tilespmem:$0x19F0];
	[tilespmem:$0x1980] =	vst v2;
	v2 =	vmul.f32 v45, v46  }
0xab: {  	v52 =	vld [tilespmem:$0x1A00];
	[tilespmem:$0x1990] =	vst v3;
	v3 =	vmul.f32 v47, v46  }
0xac: {  	v53 =	vld [tilespmem:$0x1A10];
	[tilespmem:$0x19A0] =	vst v2;
	v2 =	vmul.f32 v48, v46  }
0xad: {  	v54 =	vld [tilespmem:$0x1A20];
	[tilespmem:$0x19B0] =	vst v3;
	v3 =	vmul.f32 v49, v46  }
0xae: {  	v55 =	vbroadcast v1, $0x3;
	v56 =	vld [tilespmem:$0x1A30];
	[tilespmem:$0x19C0] =	vst v2;
	v2 =	vmul.f32 v50, v46  }
0xaf: {  	v57 =	vld [tilespmem:$0x1A40];
	[tilespmem:$0x19D0] =	vst v3;
	v3 =	vmul.f32 v51, v46  }
0xb0: {  	v58 =	vld [tilespmem:$0x1A50];
	[tilespmem:$0x19E0] =	vst v2;
	v2 =	vmul.f32 v52, v55  }
0xb1: {  	v59 =	vld [tilespmem:$0x1A60];
	[tilespmem:$0x19F0] =	vst v3;
	v3 =	vmul.f32 v53, v55  }
0xb2: {  	v60 =	vld [tilespmem:$0x1A70];
	[tilespmem:$0x1A00] =	vst v2;
	v2 =	vmul.f32 v54, v55  }
0xb3: {  	v61 =	vld [tilespmem:$0x1A80];
	[tilespmem:$0x1A10] =	vst v3;
	v3 =	vmul.f32 v56, v55  }
0xb4: {  	v62 =	vld [tilespmem:$0x1A90];
	[tilespmem:$0x1A20] =	vst v2;
	v2 =	vmul.f32 v57, v55  }
0xb5: {  	v63 =	vld [tilespmem:$0x1AA0];
	[tilespmem:$0x1A30] =	vst v3;
	v3 =	vmul.f32 v58, v55  }
0xb6: {  	v12 =	vbroadcast v1, $0x4;
	v13 =	vld [tilespmem:$0x1AB0];
	[tilespmem:$0x1A40] =	vst v2;
	v2 =	vmul.f32 v59, v55  }
0xb7: {  	v14 =	vld [tilespmem:$0x1AC0];
	[tilespmem:$0x1A50] =	vst v3;
	v3 =	vmul.f32 v60, v55  }
0xb8: {  	v15 =	vld [tilespmem:$0x1AD0];
	[tilespmem:$0x1A60] =	vst v2;
	v2 =	vmul.f32 v61, v12  }
0xb9: {  	v16 =	vld [tilespmem:$0x1AE0];
	[tilespmem:$0x1A70] =	vst v3;
	v3 =	vmul.f32 v62, v12  }
0xba: {  	v17 =	vld [tilespmem:$0x1AF0];
	[tilespmem:$0x1A80] =	vst v2;
	v2 =	vmul.f32 v63, v12  }
0xbb: {  	v18 =	vld [tilespmem:$0x1B00];
	[tilespmem:$0x1A90] =	vst v3;
	v3 =	vmul.f32 v13, v12  }
0xbc: {  	v19 =	vld [tilespmem:$0x1B10];
	[tilespmem:$0x1AA0] =	vst v2;
	v2 =	vmul.f32 v14, v12  }
0xbd: {  	v20 =	vld [tilespmem:$0x1B20];
	[tilespmem:$0x1AB0] =	vst v3;
	v3 =	vmul.f32 v15, v12  }
0xbe: {  	v21 =	vbroadcast v1, $0x5;
	v22 =	vld [tilespmem:$0x1B30];
	[tilespmem:$0x1AC0] =	vst v2;
	v2 =	vmul.f32 v16, v12  }
0xbf: {  	v23 =	vld [tilespmem:$0x1B40];
	[tilespmem:$0x1AD0] =	vst v3;
	v3 =	vmul.f32 v17, v12  }
0xc0: {  	v24 =	vld [tilespmem:$0x1B50];
	[tilespmem:$0x1AE0] =	vst v2;
	v2 =	vmul.f32 v18, v21  }
0xc1: {  	v25 =	vld [tilespmem:$0x1B60];
	[tilespmem:$0x1AF0] =	vst v3;
	v3 =	vmul.f32 v19, v21  }
0xc2: {  	v26 =	vld [tilespmem:$0x1B70];
	[tilespmem:$0x1B00] =	vst v2;
	v2 =	vmul.f32 v20, v21  }
0xc3: {  	v27 =	vld [tilespmem:$0x1B80];
	[tilespmem:$0x1B10] =	vst v3;
	v3 =	vmul.f32 v22, v21  }
0xc4: {  	v28 =	vld [tilespmem:$0x1B90];
	[tilespmem:$0x1B20] =	vst v2;
	v2 =	vmul.f32 v23, v21  }
0xc5: {  	v29 =	vld [tilespmem:$0x1BA0];
	[tilespmem:$0x1B30] =	vst v3;
	v3 =	vmul.f32 v24, v21  }
0xc6: {  	v30 =	vbroadcast v1, $0x6;
	v31 =	vld [tilespmem:$0x1BB0];
	[tilespmem:$0x1B40] =	vst v2;
	v2 =	vmul.f32 v25, v21  }
0xc7: {  	v32 =	vld [tilespmem:$0x1BC0];
	[tilespmem:$0x1B50] =	vst v3;
	v3 =	vmul.f32 v26, v21  }
0xc8: {  	v33 =	vld [tilespmem:$0x1BD0];
	[tilespmem:$0x1B60] =	vst v2;
	v2 =	vmul.f32 v27, v30  }
0xc9: {  	v34 =	vld [tilespmem:$0x1BE0];
	[tilespmem:$0x1B70] =	vst v3;
	v3 =	vmul.f32 v28, v30  }
0xca: {  	v35 =	vld [tilespmem:$0x1BF0];
	[tilespmem:$0x1B80] =	vst v2;
	v2 =	vmul.f32 v29, v30  }
0xcb: {  	v36 =	vld [tilespmem:$0x1C00];
	[tilespmem:$0x1B90] =	vst v3;
	v3 =	vmul.f32 v31, v30  }
0xcc: {  	v37 =	vld [tilespmem:$0x1C10];
	[tilespmem:$0x1BA0] =	vst v2;
	v2 =	vmul.f32 v32, v30  }
0xcd: {  	v38 =	vld [tilespmem:$0x1C20];
	[tilespmem:$0x1BB0] =	vst v3;
	v3 =	vmul.f32 v33, v30  }
0xce: {  	v39 =	vbroadcast v1, $0x7;
	v40 =	vld [tilespmem:$0x1C30];
	[tilespmem:$0x1BC0] =	vst v2;
	v2 =	vmul.f32 v34, v30  }
0xcf: {  	v41 =	vld [tilespmem:$0x1C40];
	[tilespmem:$0x1BD0] =	vst v3;
	v3 =	vmul.f32 v35, v30  }
0xd0: {  	v42 =	vld [tilespmem:$0x1C50];
	[tilespmem:$0x1BE0] =	vst v2;
	v2 =	vmul.f32 v36, v39  }
0xd1: {  	v43 =	vld [tilespmem:$0x1C60];
	[tilespmem:$0x1BF0] =	vst v3;
	v3 =	vmul.f32 v37, v39  }
0xd2: {  	v44 =	vld [tilespmem:$0x1C70];
	[tilespmem:$0x1C00] =	vst v2;
	v2 =	vmul.f32 v38, v39  }
0xd3: {  	v45 =	vld [tilespmem:$0x1C80];
	[tilespmem:$0x1C10] =	vst v3;
	v3 =	vmul.f32 v40, v39  }
0xd4: {  	v46 =	vld [tilespmem:$0x1C90];
	[tilespmem:$0x1C20] =	vst v2;
	v2 =	vmul.f32 v41, v39  }
0xd5: {  	v47 =	vld [tilespmem:$0x1CA0];
	[tilespmem:$0x1C30] =	vst v3;
	v3 =	vmul.f32 v42, v39  }
0xd6: {  	v48 =	vbroadcast v1, $0x8;
	v49 =	vld [tilespmem:$0x1CB0];
	[tilespmem:$0x1C40] =	vst v2;
	v2 =	vmul.f32 v43, v39  }
0xd7: {  	v50 =	vld [tilespmem:$0x1CC0];
	[tilespmem:$0x1C50] =	vst v3;
	v3 =	vmul.f32 v44, v39  }
0xd8: {  	v51 =	vld [tilespmem:$0x1CD0];
	[tilespmem:$0x1C60] =	vst v2;
	v2 =	vmul.f32 v45, v48  }
0xd9: {  	v52 =	vld [tilespmem:$0x1CE0];
	[tilespmem:$0x1C70] =	vst v3;
	v3 =	vmul.f32 v46, v48  }
0xda: {  	v53 =	vld [tilespmem:$0x1CF0];
	[tilespmem:$0x1C80] =	vst v2;
	v2 =	vmul.f32 v47, v48  }
0xdb: {  	v54 =	vld [tilespmem:$0x1D00];
	[tilespmem:$0x1C90] =	vst v3;
	v3 =	vmul.f32 v49, v48  }
0xdc: {  	v55 =	vld [tilespmem:$0x1D10];
	[tilespmem:$0x1CA0] =	vst v2;
	v2 =	vmul.f32 v50, v48  }
0xdd: {  	v56 =	vld [tilespmem:$0x1D20];
	[tilespmem:$0x1CB0] =	vst v3;
	v3 =	vmul.f32 v51, v48  }
0xde: {  	v57 =	vbroadcast v1, $0x9;
	v58 =	vld [tilespmem:$0x1D30];
	[tilespmem:$0x1CC0] =	vst v2;
	v2 =	vmul.f32 v52, v48  }
0xdf: {  	v59 =	vld [tilespmem:$0x1D40];
	[tilespmem:$0x1CD0] =	vst v3;
	v3 =	vmul.f32 v53, v48  }
0xe0: {  	v60 =	vld [tilespmem:$0x1D50];
	[tilespmem:$0x1CE0] =	vst v2;
	v2 =	vmul.f32 v54, v57  }
0xe1: {  	v61 =	vld [tilespmem:$0x1D60];
	[tilespmem:$0x1CF0] =	vst v3;
	v3 =	vmul.f32 v55, v57  }
0xe2: {  	v62 =	vld [tilespmem:$0x1D70];
	[tilespmem:$0x1D00] =	vst v2;
	v2 =	vmul.f32 v56, v57  }
0xe3: {  	v63 =	vld [tilespmem:$0x1D80];
	[tilespmem:$0x1D10] =	vst v3;
	v3 =	vmul.f32 v58, v57  }
0xe4: {  	v12 =	vld [tilespmem:$0x1D90];
	[tilespmem:$0x1D20] =	vst v2;
	v2 =	vmul.f32 v59, v57  }
0xe5: {  	v13 =	vld [tilespmem:$0x1DA0];
	[tilespmem:$0x1D30] =	vst v3;
	v3 =	vmul.f32 v60, v57  }
0xe6: {  	v14 =	vbroadcast v1, $0xA;
	v15 =	vld [tilespmem:$0x1DB0];
	[tilespmem:$0x1D40] =	vst v2;
	v2 =	vmul.f32 v61, v57  }
0xe7: {  	v16 =	vld [tilespmem:$0x1DC0];
	[tilespmem:$0x1D50] =	vst v3;
	v3 =	vmul.f32 v62, v57  }
0xe8: {  	v17 =	vld [tilespmem:$0x1DD0];
	[tilespmem:$0x1D60] =	vst v2;
	v2 =	vmul.f32 v63, v14  }
0xe9: {  	v18 =	vld [tilespmem:$0x1DE0];
	[tilespmem:$0x1D70] =	vst v3;
	v3 =	vmul.f32 v12, v14  }
0xea: {  	v19 =	vld [tilespmem:$0x1DF0];
	[tilespmem:$0x1D80] =	vst v2;
	v2 =	vmul.f32 v13, v14  }
0xeb: {  	v20 =	vld [tilespmem:$0x1E00];
	[tilespmem:$0x1D90] =	vst v3;
	v3 =	vmul.f32 v15, v14  }
0xec: {  	v21 =	vld [tilespmem:$0x1E10];
	[tilespmem:$0x1DA0] =	vst v2;
	v2 =	vmul.f32 v16, v14  }
0xed: {  	v22 =	vld [tilespmem:$0x1E20];
	[tilespmem:$0x1DB0] =	vst v3;
	v3 =	vmul.f32 v17, v14  }
0xee: {  	v23 =	vbroadcast v1, $0xB;
	v24 =	vld [tilespmem:$0x1E30];
	[tilespmem:$0x1DC0] =	vst v2;
	v2 =	vmul.f32 v18, v14  }
0xef: {  	v25 =	vld [tilespmem:$0x1E40];
	[tilespmem:$0x1DD0] =	vst v3;
	v3 =	vmul.f32 v19, v14  }
0xf0: {  	v26 =	vld [tilespmem:$0x1E50];
	[tilespmem:$0x1DE0] =	vst v2;
	v2 =	vmul.f32 v20, v23  }
0xf1: {  	v27 =	vld [tilespmem:$0x1E60];
	[tilespmem:$0x1DF0] =	vst v3;
	v3 =	vmul.f32 v21, v23  }
0xf2: {  	v28 =	vld [tilespmem:$0x1E70];
	[tilespmem:$0x1E00] =	vst v2;
	v2 =	vmul.f32 v22, v23  }
0xf3: {  	v29 =	vld [tilespmem:$0x1E80];
	[tilespmem:$0x1E10] =	vst v3;
	v3 =	vmul.f32 v24, v23  }
0xf4: {  	v30 =	vld [tilespmem:$0x1E90];
	[tilespmem:$0x1E20] =	vst v2;
	v2 =	vmul.f32 v25, v23  }
0xf5: {  	v31 =	vld [tilespmem:$0x1EA0];
	[tilespmem:$0x1E30] =	vst v3;
	v3 =	vmul.f32 v26, v23  }
0xf6: {  	v32 =	vbroadcast v1, $0xC;
	v33 =	vld [tilespmem:$0x1EB0];
	[tilespmem:$0x1E40] =	vst v2;
	v2 =	vmul.f32 v27, v23  }
0xf7: {  	v34 =	vld [tilespmem:$0x1EC0];
	[tilespmem:$0x1E50] =	vst v3;
	v3 =	vmul.f32 v28, v23  }
0xf8: {  	v35 =	vld [tilespmem:$0x1ED0];
	[tilespmem:$0x1E60] =	vst v2;
	v2 =	vmul.f32 v29, v32  }
0xf9: {  	v36 =	vld [tilespmem:$0x1EE0];
	[tilespmem:$0x1E70] =	vst v3;
	v3 =	vmul.f32 v30, v32  }
0xfa: {  	v37 =	vld [tilespmem:$0x1EF0];
	[tilespmem:$0x1E80] =	vst v2;
	v2 =	vmul.f32 v31, v32  }
0xfb: {  	v38 =	vld [tilespmem:$0x1F00];
	[tilespmem:$0x1E90] =	vst v3;
	v3 =	vmul.f32 v33, v32  }
0xfc: {  	v39 =	vld [tilespmem:$0x1F10];
	[tilespmem:$0x1EA0] =	vst v2;
	v2 =	vmul.f32 v34, v32  }
0xfd: {  	v40 =	vld [tilespmem:$0x1F20];
	[tilespmem:$0x1EB0] =	vst v3;
	v3 =	vmul.f32 v35, v32  }
0xfe: {  	v41 =	vbroadcast v1, $0xD;
	v42 =	vld [tilespmem:$0x1F30];
	[tilespmem:$0x1EC0] =	vst v2;
	v2 =	vmul.f32 v36, v32  }
0xff: {  	v43 =	vld [tilespmem:$0x1F40];
	[tilespmem:$0x1ED0] =	vst v3;
	v3 =	vmul.f32 v37, v32  }
0x100: {  	v44 =	vld [tilespmem:$0x1F50];
	[tilespmem:$0x1EE0] =	vst v2;
	v2 =	vmul.f32 v38, v41  }
0x101: {  	v45 =	vld [tilespmem:$0x1F60];
	[tilespmem:$0x1EF0] =	vst v3;
	v3 =	vmul.f32 v39, v41  }
0x102: {  	v46 =	vld [tilespmem:$0x1F70];
	[tilespmem:$0x1F00] =	vst v2;
	v2 =	vmul.f32 v40, v41  }
0x103: {  	v47 =	vld [tilespmem:$0x1F80];
	[tilespmem:$0x1F10] =	vst v3;
	v3 =	vmul.f32 v42, v41  }
0x104: {  	v48 =	vld [tilespmem:$0x1F90];
	[tilespmem:$0x1F20] =	vst v2;
	v2 =	vmul.f32 v43, v41  }
0x105: {  	v49 =	vld [tilespmem:$0x1FA0];
	[tilespmem:$0x1F30] =	vst v3;
	v3 =	vmul.f32 v44, v41  }
0x106: {  	v50 =	vbroadcast v1, $0xE;
	v51 =	vld [tilespmem:$0x1FB0];
	[tilespmem:$0x1F40] =	vst v2;
	v2 =	vmul.f32 v45, v41  }
0x107: {  	v52 =	vld [tilespmem:$0x1FC0];
	[tilespmem:$0x1F50] =	vst v3;
	v3 =	vmul.f32 v46, v41  }
0x108: {  	v53 =	vld [tilespmem:$0x1FD0];
	[tilespmem:$0x1F60] =	vst v2;
	v2 =	vmul.f32 v47, v50  }
0x109: {  	v54 =	vld [tilespmem:$0x1FE0];
	[tilespmem:$0x1F70] =	vst v3;
	v3 =	vmul.f32 v48, v50  }
0x10a: {  	v55 =	vld [tilespmem:$0x1FF0];
	[tilespmem:$0x1F80] =	vst v2;
	v2 =	vmul.f32 v49, v50  }
0x10b: {  	v56 =	vld [tilespmem:$0x2000];
	[tilespmem:$0x1F90] =	vst v3;
	v3 =	vmul.f32 v51, v50  }
0x10c: {  	v57 =	vld [tilespmem:$0x2010];
	[tilespmem:$0x1FA0] =	vst v2;
	v2 =	vmul.f32 v52, v50  }
0x10d: {  	v58 =	vld [tilespmem:$0x2020];
	[tilespmem:$0x1FB0] =	vst v3;
	v3 =	vmul.f32 v53, v50  }
0x10e: {  	v1 =	vbroadcast v1, $0xF;
	v59 =	vld [tilespmem:$0x2030];
	[tilespmem:$0x1FC0] =	vst v2;
	v2 =	vmul.f32 v54, v50  }
0x10f: {  	v60 =	vld [tilespmem:$0x2040];
	[tilespmem:$0x1FD0] =	vst v3;
	v3 =	vmul.f32 v55, v50  }
0x110: {  	v61 =	vld [tilespmem:$0x2050];
	[tilespmem:$0x1FE0] =	vst v2;
	v2 =	vmul.f32 v56, v1  }
0x111: {  	v62 =	vld [tilespmem:$0x2060];
	[tilespmem:$0x1FF0] =	vst v3;
	v3 =	vmul.f32 v57, v1  }
0x112: {  	v63 =	vld [tilespmem:$0x2070];
	[tilespmem:$0x2000] =	vst v2;
	v2 =	vmul.f32 v58, v1  }
0x113: {  	[tilespmem:$0x2010] =	vst v3;
	v3 =	vmul.f32 v59, v1  }
0x114: {  	[tilespmem:$0x2020] =	vst v2;
	v2 =	vmul.f32 v60, v1  }
0x115: {  	[tilespmem:$0x2030] =	vst v3;
	v3 =	vmul.f32 v61, v1  }
0x116: {  	[tilespmem:$0x2040] =	vst v2;
	v2 =	vmul.f32 v62, v1  }
0x117: {  	[tilespmem:$0x2050] =	vst v3;
	v1 =	vmul.f32 v63, v1  }
0x118: {  	p0 =	sne.s32 s18, $0x1F00;
	[tilespmem:$0x2060] =	vst v2  }
.Ltmp1:
0x119: {  	[tilespmem:$0x2070] =	vst v1;
	(pc) =	sbr.rel @p0 .LBB2_5-.Ltmp1, $4  }
0x11a: {  	[spmem:s4] =	stream.indirect.scatter.add.f32 [tilespmem:s12], [sflag:$0x1], $0x80, s14, s13, $0xb8;
	[tilespmem:$0x17080] =	vst v63  }
0x11b: {  	_ =	swait.ge [sflag:s2], $0x800  }
0x11c: {  	[sflag:s2] =	ssyncset.done $0x0  }
0x11d: {  	s18 =	sadd.s32 $0x40, s18;
	[sflag:s2] =	ssyncadd.s32 $0xFFFFF800  }
0x11e: {  	s17 =	sadd.s32 $0x1, s17  }
0x11f: {  	p0 =	sne.s32 s17, $0x5  }
.Ltmp2:
0x120: {  	_ = 	snop;
	(pc) =	sbr.rel @p0 .LBB2_4-.Ltmp2, $1  }
0x121: {  	_ =	sdelay $0x3  }
0x122: {  	s16 =	stileid.u32  }
0x123: {  	[bflag:$0x0] =	sbarrier.arrive $0xFFFF;
	s16 =	sshll.u32 s16, $0x6  }
0x124: {  	s17 =	sshrl.u32 s9, $0x3;
	s18 =	rddreg [dreg:$0x5];
	s16 =	sor.u32 $0x1C01, s16  }
0x125: {  	[hbm:s18], [sflag:s16] =	dma.local [spmem:s17], $0x2800  }
0x126: {  	_ =	swait.ge [sflag:s2], $0x2800  }
0x127: {  	s15 =	sadd.s32 $0x1, s15;
	s19 =	rddreg [dreg:$0x6]  }
0x128: {  	p0 =	sne.s32 s15, s19  }
.Ltmp3:
0x129: {  	_ = 	snop;
	(pc) =	sbr.rel @p0 .LBB2_1-.Ltmp3, $3  }
0x12a: {  	_ =	sdelay $0x1  }
0x12b: {  	[sflag:s2] =	ssyncset.done $0x0  }
0x12c: {  	[sflag:s2] =	ssyncadd.s32 $0xFFFFD800  }
0x12d: {  	_ =	sfence.sel $0x180000  }
0x12e: {  	[bflag:$0x0] =	sbarrier.arrive $0xFFFF  }
0x12f: {  	_ =	strace $0x9000004A  }
0x130: {  	s0 =	stileid.u32;
	[bflag:$0x2] =	sbarrier.arrive $0xFFFF  }
0x131: {  	p0 =	sne.s32 s0, $0x0;
	s0 =	rddreg [dreg:$0x4]  }
0x132: {  	s0 =	sadd.s32 @!p0 $0x100000, s0  }
0x133: {  	[sflag:s0] =	ssyncadd.tile.s32 @!p0 $0x1;
	_ =	shalt  }
.Lfunc_end2:
_tile_overlayer_lowered:
.L_overlay_start_2:
0x134: {  	(tag) =	ssettag $0x2  }
0x135: {  	s0 =	rddreg [dreg:$0x0];
	s2 =	stileid.u32  }
0x136: {  	s1 =	rddreg [dreg:$0x1];
	p0 =	sne.s32 s2, $0x0  }
0x137: {  	s3 =	rddreg [dreg:$0x2];
	[bflag:$0x3] =	sbarrier.arrive $0xFFFF;
	s2 =	simm.s32 @!p0 $0x1C01  }
0x138: {  	[timem:s3], [sflag:s2] =	dma.local @!p0 [hbm:s0], s1  }
0x139: {  	s0 =	simm.s32 @!p0 $0x1  }
0x13a: {  	_ =	swait.ge @!p0 [sflag:s0], s1  }
0x13b: {  	s1 =	ssub.s32 @!p0 $0x0, s1;
	[sflag:s0] =	ssyncset.done @!p0 $0x0  }
0x13c: {  	[sflag:s0] =	ssyncadd.s32 @!p0 s1  }
0x13d: {  	[bflag:$0x3] =	sbarrier.arrive $0xFFFF  }
0x13e: {  	_ =	shalt  }

// kernel: kernel.14.cloned.1.call-start
scs
__scs_entry_jumppad:
0x0: {  	(pc) =	sbr.rel $0x88, $3  }
0x1: {  	(tag) =	ssettag $0x0;
	lr =	simm.s32 $0x1  }
0x2: {  	[smem:$0x3F9A] =	sst lr;
	_ =	strace $0xD0000000  }
0x3: {  	_ = 	snop  }
0x4: {  	_ = 	snop  }
0x5: {  	_ = 	snop  }
0x6: {  	_ = 	snop  }
0x7: {  	_ = 	snop  }
__scs_overlays_trampoline_lowered:
0x8: {  	[smem:$0x3FA9] =	sst s0  }
0x9: {  	[smem:$0x3FAA] =	sst s1  }
0xa: {  	[smem:$0x3FAB] =	sst s2  }
0xb: {  	[smem:$0x3FAC] =	sst s3  }
0xc: {  	[smem:$0x3FAD] =	sst s4  }
0xd: {  	[smem:$0x3FAE] =	sst s5  }
0xe: {  	[smem:$0x3FAF] =	sst s6  }
0xf: {  	[smem:$0x3FB0] =	sst s7  }
0x10: {  	[smem:$0x3FB1] =	sst s8  }
0x11: {  	[smem:$0x3FB2] =	sst s9;
	s0 =	simm.s32 @!p0 $0x0  }
0x12: {  	s1 =	sld [smem:$0x3F98];
	s0 =	simm.s32 @p0 $0x1  }
0x13: {  	[smem:$0x3FB3] =	sst s0;
	s0 =	simm.s32 @!p1 $0x0  }
0x14: {  	s2 =	sld [smem:$0x3F97];
	s0 =	simm.s32 @p1 $0x1  }
0x15: {  	[smem:$0x3FB4] =	sst s0;
	s0 =	simm.s32 @!p2 $0x0  }
0x16: {  	s3 =	sld [smem:$0x3FDB];
	s0 =	simm.s32 @p2 $0x1  }
0x17: {  	s4 =	simm.s32 $0x1BF5;
	[smem:$0x3FB6] =	sst s0  }
0x18: {  	s0 =	sld [smem:$0x3F99];
	_ =	swait.ge [sflag:s4], $0x0  }
0x19: {  	s7 =	sld [smem:$0x3F9A]  }
0x1a: {  	s8 =	sadd.s32 $0xFFFFE003, lr  }
0x1b: {  	s9 =	sadd.s32 $0xFFFFFEF7, lr;
	s5 =	simm.s32 $0xFFFFFFFF;
	p2 =	slt.u32 s8, $0xFFFFF086  }
0x1c: {  	p1 =	slt.u32 s9, $0xF7A;
	s5 =	simm.s32 @!p2 $0x0  }
0x1d: {  	s5 =	simm.s32 @p1 $0x1;
	p0 =	seq.s32 s7, s2  }
0x1e: {  	s7 =	smul.u32 @!p0 $0xF7A, s2;
	p2 =	seq.s32 @!p0 s5, $0x0  }
0x1f: {  	s9 =	smul.u32 $0xF7A, s1;
	s8 =	simm.s32 @!p0 $0x1BF5;
	p2 =	por !p2, p0  }
0x20: {  	[sflag:s8] =	ssyncset.s32 @!p0 $0xFFFFF086;
	s6 =	sadd.s32 @!p0 s3, s7;
	s7 =	simm.s32 @!p0 $0x108  }
0x21: {  	s3 =	sadd.s32 s3, s9;
	s6 =	sadd.s32 @!p0 $0x88, s6;
	s7 =	simm.s32 @p2 $0x1082  }
0x22: {  	[simem:s7], [sflag:s8] =	dma.local @!p0 [hbm:s6], $0xF7A  }
0x23: {  	s9 =	sor.u32 $0xD0000000, s2;
	s6 =	simm.s32 $0x108;
	_ =	swait.ge @!p0 [sflag:s8], $0x0  }
0x24: {  	s3 =	sadd.s32 $0x88, s3;
	s6 =	simm.s32 @!p1 $0x1082;
	[sflag:s4] =	ssyncset.s32 $0xFFFFF086  }
0x25: {  	[simem:s6], [sflag:s4] =	dma.local [hbm:s3], $0xF7A  }
0x26: {  	[smem:$0x3F9A] =	sst s1;
	(tag) =	ssettag s2;
	_ =	strace s9  }
0x27: {  	s1 =	sld [smem:$0x3FAA]  }
0x28: {  	s2 =	sld [smem:$0x3FAB]  }
0x29: {  	s4 =	sld [smem:$0x3FAD]  }
0x2a: {  	p0 =	seq.s32 s5, $0x0;
	s5 =	sld [smem:$0x3FAE]  }
0x2b: {  	s6 =	sld [smem:$0x3FAF]  }
0x2c: {  	s7 =	sld [smem:$0x3FB0]  }
0x2d: {  	s3 =	simm.s32 $0x108;
	s8 =	sld [smem:$0x3FB1]  }
0x2e: {  	s3 =	simm.s32 @!p0 $0x1082;
	s9 =	sld [smem:$0x3FB2]  }
0x2f: {  	lr =	sadd.s32 s0, s3;
	s0 =	sld [smem:$0x3FA9]  }
0x30: {  	s3 =	sld [smem:$0x3FAC]  }
0x31: {  	[smem:$0x3FB5] =	sst s10  }
0x32: {  	s10 =	sld [smem:$0x3FB3];
	_ =	sdelay $0x3  }
0x33: {  	p0 =	seq.s32 s10, $0x1;
	s10 =	sld [smem:$0x3FB5];
	_ =	sdelay $0x3  }
0x34: {  	[smem:$0x3FB5] =	sst s10  }
0x35: {  	s10 =	sld [smem:$0x3FB4];
	_ =	sdelay $0x3  }
0x36: {  	p1 =	seq.s32 s10, $0x1;
	s10 =	sld [smem:$0x3FB5];
	_ =	sdelay $0x3  }
0x37: {  	[smem:$0x3FB5] =	sst s10  }
0x38: {  	s10 =	sld [smem:$0x3FB6]  }
0x39: {  	_ = 	snop;
	(pc) =	sbr.ind lr, $3  }
0x3a: {  	_ = 	snop  }
0x3b: {  	_ = 	snop  }
0x3c: {  	p2 =	seq.s32 s10, $0x1;
	s10 =	sld [smem:$0x3FB5]  }
0x3d: {  	_ =	shalt  }
0x3e: {  	_ =	shalt  }
0x3f: {  	_ =	shalt  }
0x40: {  	_ =	shalt  }
0x41: {  	_ =	shalt  }
0x42: {  	_ =	shalt  }
0x43: {  	_ =	shalt  }
0x44: {  	_ =	shalt  }
0x45: {  	_ =	shalt  }
0x46: {  	_ =	shalt  }
0x47: {  	_ =	shalt  }
0x48: {  	_ =	shalt  }
0x49: {  	_ =	shalt  }
0x4a: {  	_ =	shalt  }
0x4b: {  	_ =	shalt  }
0x4c: {  	_ =	shalt  }
0x4d: {  	_ =	shalt  }
0x4e: {  	_ =	shalt  }
0x4f: {  	_ =	shalt  }
0x50: {  	_ =	shalt  }
0x51: {  	_ =	shalt  }
0x52: {  	_ =	shalt  }
0x53: {  	_ =	shalt  }
0x54: {  	_ =	shalt  }
0x55: {  	_ =	shalt  }
0x56: {  	_ =	shalt  }
0x57: {  	_ =	shalt  }
0x58: {  	_ =	shalt  }
0x59: {  	_ =	shalt  }
0x5a: {  	_ =	shalt  }
0x5b: {  	_ =	shalt  }
0x5c: {  	_ =	shalt  }
0x5d: {  	_ =	shalt  }
0x5e: {  	_ =	shalt  }
0x5f: {  	_ =	shalt  }
0x60: {  	_ =	shalt  }
0x61: {  	_ =	shalt  }
0x62: {  	_ =	shalt  }
0x63: {  	_ =	shalt  }
0x64: {  	_ =	shalt  }
0x65: {  	_ =	shalt  }
0x66: {  	_ =	shalt  }
0x67: {  	_ =	shalt  }
0x68: {  	_ =	shalt  }
0x69: {  	_ =	shalt  }
0x6a: {  	_ =	shalt  }
0x6b: {  	_ =	shalt  }
0x6c: {  	_ =	shalt  }
0x6d: {  	_ =	shalt  }
0x6e: {  	_ =	shalt  }
0x6f: {  	_ =	shalt  }
0x70: {  	_ =	shalt  }
0x71: {  	_ =	shalt  }
0x72: {  	_ =	shalt  }
0x73: {  	_ =	shalt  }
0x74: {  	_ =	shalt  }
0x75: {  	_ =	shalt  }
0x76: {  	_ =	shalt  }
0x77: {  	_ =	shalt  }
0x78: {  	_ =	shalt  }
0x79: {  	_ =	shalt  }
0x7a: {  	_ =	shalt  }
0x7b: {  	_ =	shalt  }
0x7c: {  	_ =	shalt  }
0x7d: {  	_ =	shalt  }
0x7e: {  	_ =	shalt  }
0x7f: {  	_ =	shalt  }
0x80: {  	_ =	shalt  }
0x81: {  	_ =	shalt  }
0x82: {  	_ =	shalt  }
0x83: {  	_ =	shalt  }
0x84: {  	_ =	shalt  }
0x85: {  	_ =	shalt  }
0x86: {  	_ =	shalt  }
0x87: {  	_ =	shalt  }
.Lfunc_end0:
.L_simem_size_0:
called_computation.2_lowered:
.L_overlay_start_0:
0x88: {  	s2 =	sld [smem:$0x3FD9]  }
0x89: {  	s3 =	sld [smem:$0x3FFE];
	_ =	sdelay $0x1  }
0x8a: {  	s1 =	srdreg.scid  }
0x8b: {  	s0 =	sand.u32 $0x1, s1  }
0x8c: {  	s17 =	sshll.u32 s0, $0xA;
	s2 =	sadd.s32 s3, s2  }
0x8d: {  	s2 =	sadd.s32 s2, s17  }
0x8e: {  	[smem:$0x3FC1] =	sst s2  }
0x8f: {  	_ = 	snop  }
0x90: {  	s2 =	sld [smem:$0x3FC7]  }
0x91: {  	s18 =	sld [smem:$0x3FD0];
	(tm) =	ssettm $0x1  }
0x92: {  	s4 =	sld [smem:$0x3FFB];
	_ =	sdelay $0x3  }
0x93: {  	_ =	strace s4  }
0x94: {  	s4 =	sld [smem:$0x3FFC];
	_ =	sdelay $0x3  }
0x95: {  	_ =	strace s4  }
0x96: {  	s4 =	sld [smem:$0x3FFD];
	_ =	sdelay $0x3  }
0x97: {  	_ =	strace s4  }
0x98: {  	_ =	strace $0x8FFFFFFF  }
0x99: {  	s19 =	sld [smem:$0x3FDB];
	_ =	sdelay $0x1  }
0x9a: {  	s5 =	simm.s32 $_scs_section_size  }
0x9b: {  	s6 =	simm.s32 $_size__tile_overlayer_lowered;
	s7 =	simm.s32 $_tile_overlayer_lowered  }
0x9c: {  	s22 =	simm.s32 $0x1BFF;
	s21 =	sshll.u32 s7, $0x1;
	s4 =	sadd.s32 s5, s19  }
0x9d: {  	s8 =	simm.s32 $0x0;
	s20 =	sshll.u32 s6, $0x1;
	s6 =	sadd.s32 s21, s4  }
0x9e: {  	[timem:s8], [sflag:s22] =	dma.local [hbm:s6], s20  }
0x9f: {  	_ =	swait.ge [sflag:s22], s20  }
0xa0: {  	s5 =	ssub.s32 $0x0, s20;
	[sflag:s22] =	ssyncset.done $0x0  }
0xa1: {  	[sflag:s22] =	ssyncadd.s32 s5;
	_ =	sdelay $0x1  }
0xa2: {  	s23 =	simm.s32 $0x1B8B  }
0xa3: {  	_ =	swait.ge [sflag:s23], $0x1  }
0xa4: {  	[sflag:s23] =	ssyncset.done $0x0  }
0xa5: {  	s25 =	simm.s32 $0x1B8E;
	s24 =	sld [smem:$0x3FFE];
	[sflag:s23] =	ssyncadd.s32 $0xFFFFFFFF  }
0xa6: {  	s26 =	simm.s32 $execute0_lowered;
	[smem:$0x3FD2] =	sst s25  }
0xa7: {  	s6 =	sshll.u32 s26, $0x1;
	_ =	strace $0x8000004C;
	[dreg:$0x1] =	wrdreg $0xFFFFFFFF  }
0xa8: {  	s28 =	simm.s32 $_size_execute0_lowered;
	s4 =	sadd.s32 s4, s6;
	[dreg:$0x0] =	wrdreg $0x0  }
0xa9: {  	s6 =	sshll.u32 s28, $0x1;
	[dreg:$0x2] =	wrdreg s4  }
0xaa: {  	[dreg:$0x3] =	wrdreg s6  }
0xab: {  	[dreg:$0x4] =	wrdreg $0xC0  }
0xac: {  	_ =	task [dreg:s8], $0x5FFFF  }
0xad: {  	[dreg:$0x1] =	wrdreg $0xFFFFFFFF  }
0xae: {  	[dreg:$0x0] =	wrdreg $0x60  }
0xaf: {  	[dreg:$0x2] =	wrdreg s18  }
0xb0: {  	[dreg:$0x3] =	wrdreg s24  }
0xb1: {  	[dreg:$0x4] =	wrdreg s2  }
0xb2: {  	[dreg:$0x5] =	wrdreg $0x30800  }
0xb3: {  	[dreg:$0x6] =	wrdreg $0x9  }
0xb4: {  	_ =	task.clear_ibuf [dreg:s8], $0x7FFFF;
	_ =	strace $0x9000004C  }
0xb5: {  	s29 =	simm.s32 $0x9;
	_ =	strace $0x8000004E  }
0xb6: {  	_ =	swait.ge [sflag:s29], $0x1  }
0xb7: {  	[sflag:s29] =	ssyncadd.s32 $0xFFFFFFFF  }
0xb8: {  	_ =	strace $0x9000004E  }
0xb9: {  	_ =	sfence  }
0xba: {  	s30 =	sld [smem:$0x0];
	_ =	sdelay $0x2  }
0xbb: {  	s31 =	sshll.u32 s1, $0xD;
	s1 =	sshrl.u32 s1, $0x2  }
0xbc: {  	s3 =	sand.u32 $0x4000, s31;
	s1 =	sadd.s32 s1, s30  }
0xbd: {  	s0 =	sor.u32 s3, s0;
	s1 =	sshll.u32 s1, $0x11  }
0xbe: {  	s0 =	sor.u32 s1, s0  }
0xbf: {  	s0 =	sadd.s32 $0x8F2B, s0  }
0xc0: {  	[sflag:s0] =	ssyncadd.remote.s32 $0x1  }
0xc1: {  	_ =	sfence.sel $0xFFFF  }
0xc2: {  	[dreg:$0x0] =	wrdreg $0xFFFFFFFF;
	(pc) =	sbr.abs _section_cstart, $3  }
0xc3: {  	[dreg:$0x1] =	wrdreg $0xFFFFFFFF  }
0xc4: {  	_ =	task.clear_ibuf [dreg:s8], $0x2FFFF;
	_ =	strace $0x9FFFFFFF  }
0xc5: {  	(tm) =	ssettm $0x7FFFFFFF  }
tec
execute0_lowered:
.L_overlay_start_1:
0x0: {  	(tag) =	ssettag $0x1  }
0x1: {  	s0 =	rddreg [dreg:$0x0]  }
0x2: {  	s1 =	rddreg [dreg:$0x1]  }
0x3: {  	s3 =	rddreg [dreg:$0x2]  }
0x4: {  	s2 =	srdreg.scid;
	s4 =	rddreg [dreg:$0x3]  }
0x5: {  	s11 =	stileid.u32;
	s5 =	simm.s32 $0x0;
	s12 =	simm.s32 $0x1880  }
0x6: {  	s13 =	simm.s32 $0x10;
	s14 =	simm.s32 $0x1800;
	s7 =	smul.u32 $0x14000, s11  }
0x7: {  	s2 =	sand.u32 $0x1, s2;
	[smem:$0x7FF] =	sst s5;
	s10 =	smul.u32 $0x50000, s11  }
0x8: {  	s6 =	smul.u32 $0x140000, s2;
	s9 =	ssub.s32 $0x2, s2;
	s2 =	sshll.u32 s2, $0x4  }
0x9: {  	_ =	strace $0x8000004D;
	s15 =	sshrl.u32 s9, $0x1;
	s2 =	sor.u32 s11, s2  }
0xa: {  	s17 =	sshrl.u32 s10, $0x2;
	s10 =	simm.s32 $0x800;
	s11 =	simm.s32 $0x1000  }
0xb: {  	s8 =	sadd.s32 s7, s6;
	s6 =	sadd.s32 $0xC200, s1;
	s16 =	ssub.s32 s9, s15  }
0xc: {  	s7 =	sadd.s32 $0x2400, s1;
	s9 =	sadd.s32 s17, s4;
	s18 =	smax.u32 s16, $0x1  }
0xd: {  	s15 =	simm.s32 $0x0;
	s19 =	sadd.s32 $0x1000, s9;
	[dreg:$0x6] =	wrdreg s18  }
0xe: {  	s8 =	sshrl.u32 s8, $0x3;
	s20 =	sadd.s32 $0x2000, s9;
	[dreg:$0x7] =	wrdreg s19  }
0xf: {  	s21 =	sadd.s32 $0x3000, s9;
	s22 =	sadd.s32 $0x4000, s9;
	[dreg:$0x8] =	wrdreg s20  }
0x10: {  	s23 =	sadd.s32 $0x5000, s9;
	s24 =	sadd.s32 $0x6000, s9;
	[dreg:$0x9] =	wrdreg s21  }
0x11: {  	s25 =	sadd.s32 $0x7000, s9;
	s26 =	sadd.s32 $0x8000, s9;
	[dreg:$0xa] =	wrdreg s22  }
0x12: {  	s28 =	sadd.s32 $0x10000, s9;
	s29 =	sadd.s32 $0x11000, s9;
	[dreg:$0xb] =	wrdreg s23  }
0x13: {  	s30 =	sadd.s32 $0x12000, s9;
	s31 =	sadd.s32 $0x13000, s9;
	[dreg:$0xc] =	wrdreg s24  }
0x14: {  	s1 =	sadd.s32 s8, s1;
	s8 =	smul.u32 $0x2710, s2;
	[dreg:$0xd] =	wrdreg s25  }
0x15: {  	[dreg:$0xe] =	wrdreg s26;
	s20 =	sadd.s32 $0x9000, s9;
	s21 =	sadd.s32 $0xA000, s9  }
0x16: {  	s22 =	sadd.s32 $0xB000, s9;
	s23 =	sadd.s32 $0xC000, s9;
	s24 =	sadd.s32 $0xD000, s9  }
0x17: {  	s25 =	sadd.s32 $0xE000, s9;
	s26 =	sadd.s32 $0xF000, s9;
	s1 =	sadd.s32 $0x16000, s1  }
0x18: {  	v0 =	vimm.f32 $0.0e+00;
	vm0 =	vmmov $0xffff;
	s2 =	simm.s32 $0x1;
	[dreg:$0x5] =	wrdreg s1;
	s1 =	simm.s32 $0x2080  }
.LBB2_1:
0x19: {  	s16 =	simm.s32 $0x0;
	s17 =	simm.s32 $0x200  }
.LBB2_2:
0x1a: {  	p0 =	sne.s32 s17, $0x3E00;
	[tilespmem:s16+$0x20F0] =	vst v0  }
0x1b: {  	[tilespmem:s16+$0x2080] =	vst v0  }
0x1c: {  	[tilespmem:s16+$0x2090] =	vst v0  }
.Ltmp0:
0x1d: {  	[tilespmem:s16+$0x20A0] =	vst v0;
	(pc) =	sbr.rel @p0 .LBB2_2-.Ltmp0, $4  }
0x1e: {  	[tilespmem:s16+$0x20B0] =	vst v0  }
0x1f: {  	[tilespmem:s16+$0x20C0] =	vst v0  }
0x20: {  	[tilespmem:s16+$0x20D0] =	vst v0  }
0x21: {  	[tilespmem:s16+$0x20E0] =	vst v0;
	s16 =	sshra.s32 s17, $0x2;
	s17 =	sadd.s32 $0x200, s17  }
0x22: {  	[tilespmem:s16+$0x20F0] =	vst v0  }
0x23: {  	[tilespmem:s16+$0x2080] =	vst v0  }
0x24: {  	[tilespmem:s16+$0x2090] =	vst v0  }
0x25: {  	[tilespmem:s16+$0x20A0] =	vst v0  }
0x26: {  	[tilespmem:s16+$0x20B0] =	vst v0  }
0x27: {  	[tilespmem:s16+$0x20C0] =	vst v0  }
0x28: {  	[tilespmem:s16+$0x20D0] =	vst v0  }
0x29: {  	[tilespmem:s16+$0x20E0] =	vst v0  }
0x2a: {  	[spmem:s9] =	stream.linear.scatter [tilespmem:s1], [sflag:$0x1], $0x1000, $0x38;
	[tilespmem:$0x17080] =	vst v63  }
0x2b: {  	_ =	swait.ge [sflag:s2], $0x1000  }
0x2c: {  	[sflag:s2] =	ssyncset.done $0x0  }
0x2d: {  	s18 =	rddreg [dreg:$0x7];
	[sflag:s2] =	ssyncadd.s32 $0xFFFFF000  }
0x2e: {  	[spmem:s18] =	stream.linear.scatter [tilespmem:s1], [sflag:$0x1], $0x1000, $0x38;
	[tilespmem:$0x17080] =	vst v63  }
0x2f: {  	_ =	swait.ge [sflag:s2], $0x1000  }
0x30: {  	[sflag:s2] =	ssyncset.done $0x0  }
0x31: {  	s19 =	rddreg [dreg:$0x8];
	[sflag:s2] =	ssyncadd.s32 $0xFFFFF000  }
0x32: {  	[spmem:s19] =	stream.linear.scatter [tilespmem:s1], [sflag:$0x1], $0x1000, $0x38;
	[tilespmem:$0x17080] =	vst v63  }
0x33: {  	_ =	swait.ge [sflag:s2], $0x1000  }
0x34: {  	[sflag:s2] =	ssyncset.done $0x0  }
0x35: {  	s17 =	rddreg [dreg:$0x9];
	[sflag:s2] =	ssyncadd.s32 $0xFFFFF000  }
0x36: {  	[spmem:s17] =	stream.linear.scatter [tilespmem:s1], [sflag:$0x1], $0x1000, $0x38;
	[tilespmem:$0x17080] =	vst v63  }
0x37: {  	_ =	swait.ge [sflag:s2], $0x1000  }
0x38: {  	[sflag:s2] =	ssyncset.done $0x0  }
0x39: {  	s18 =	rddreg [dreg:$0xa];
	[sflag:s2] =	ssyncadd.s32 $0xFFFFF000  }
0x3a: {  	[spmem:s18] =	stream.linear.scatter [tilespmem:s1], [sflag:$0x1], $0x1000, $0x38;
	[tilespmem:$0x17080] =	vst v63  }
0x3b: {  	_ =	swait.ge [sflag:s2], $0x1000  }
0x3c: {  	[sflag:s2] =	ssyncset.done $0x0  }
0x3d: {  	s19 =	rddreg [dreg:$0xb];
	[sflag:s2] =	ssyncadd.s32 $0xFFFFF000  }
0x3e: {  	[spmem:s19] =	stream.linear.scatter [tilespmem:s1], [sflag:$0x1], $0x1000, $0x38;
	[tilespmem:$0x17080] =	vst v63  }
0x3f: {  	_ =	swait.ge [sflag:s2], $0x1000  }
0x40: {  	[sflag:s2] =	ssyncset.done $0x0  }
0x41: {  	s17 =	rddreg [dreg:$0xc];
	[sflag:s2] =	ssyncadd.s32 $0xFFFFF000  }
0x42: {  	[spmem:s17] =	stream.linear.scatter [tilespmem:s1], [sflag:$0x1], $0x1000, $0x38;
	[tilespmem:$0x17080] =	vst v63  }
0x43: {  	_ =	swait.ge [sflag:s2], $0x1000  }
0x44: {  	[sflag:s2] =	ssyncset.done $0x0  }
0x45: {  	s18 =	rddreg [dreg:$0xd];
	[sflag:s2] =	ssyncadd.s32 $0xFFFFF000  }
0x46: {  	[spmem:s18] =	stream.linear.scatter [tilespmem:s1], [sflag:$0x1], $0x1000, $0x38;
	[tilespmem:$0x17080] =	vst v63  }
0x47: {  	_ =	swait.ge [sflag:s2], $0x1000  }
0x48: {  	[sflag:s2] =	ssyncset.done $0x0  }
0x49: {  	s19 =	rddreg [dreg:$0xe];
	[sflag:s2] =	ssyncadd.s32 $0xFFFFF000  }
0x4a: {  	[spmem:s19] =	stream.linear.scatter [tilespmem:s1], [sflag:$0x1], $0x1000, $0x38;
	[tilespmem:$0x17080] =	vst v63  }
0x4b: {  	_ =	swait.ge [sflag:s2], $0x1000  }
0x4c: {  	[sflag:s2] =	ssyncset.done $0x0  }
0x4d: {  	[sflag:s2] =	ssyncadd.s32 $0xFFFFF000  }
0x4e: {  	[spmem:s20] =	stream.linear.scatter [tilespmem:s1], [sflag:$0x1], $0x1000, $0x38;
	[tilespmem:$0x17080] =	vst v63  }
0x4f: {  	_ =	swait.ge [sflag:s2], $0x1000  }
0x50: {  	[sflag:s2] =	ssyncset.done $0x0  }
0x51: {  	[sflag:s2] =	ssyncadd.s32 $0xFFFFF000  }
0x52: {  	[spmem:s21] =	stream.linear.scatter [tilespmem:s1], [sflag:$0x1], $0x1000, $0x38;
	[tilespmem:$0x17080] =	vst v63  }
0x53: {  	_ =	swait.ge [sflag:s2], $0x1000  }
0x54: {  	[sflag:s2] =	ssyncset.done $0x0  }
0x55: {  	[sflag:s2] =	ssyncadd.s32 $0xFFFFF000  }
0x56: {  	[spmem:s22] =	stream.linear.scatter [tilespmem:s1], [sflag:$0x1], $0x1000, $0x38;
	[tilespmem:$0x17080] =	vst v63  }
0x57: {  	_ =	swait.ge [sflag:s2], $0x1000  }
0x58: {  	[sflag:s2] =	ssyncset.done $0x0  }
0x59: {  	[sflag:s2] =	ssyncadd.s32 $0xFFFFF000  }
0x5a: {  	[spmem:s23] =	stream.linear.scatter [tilespmem:s1], [sflag:$0x1], $0x1000, $0x38;
	[tilespmem:$0x17080] =	vst v63  }
0x5b: {  	_ =	swait.ge [sflag:s2], $0x1000  }
0x5c: {  	[sflag:s2] =	ssyncset.done $0x0  }
0x5d: {  	[sflag:s2] =	ssyncadd.s32 $0xFFFFF000  }
0x5e: {  	[spmem:s24] =	stream.linear.scatter [tilespmem:s1], [sflag:$0x1], $0x1000, $0x38;
	[tilespmem:$0x17080] =	vst v63  }
0x5f: {  	_ =	swait.ge [sflag:s2], $0x1000  }
0x60: {  	[sflag:s2] =	ssyncset.done $0x0  }
0x61: {  	[sflag:s2] =	ssyncadd.s32 $0xFFFFF000  }
0x62: {  	[spmem:s25] =	stream.linear.scatter [tilespmem:s1], [sflag:$0x1], $0x1000, $0x38;
	[tilespmem:$0x17080] =	vst v63  }
0x63: {  	_ =	swait.ge [sflag:s2], $0x1000  }
0x64: {  	[sflag:s2] =	ssyncset.done $0x0  }
0x65: {  	[sflag:s2] =	ssyncadd.s32 $0xFFFFF000  }
0x66: {  	[spmem:s26] =	stream.linear.scatter [tilespmem:s1], [sflag:$0x1], $0x1000, $0x38;
	[tilespmem:$0x17080] =	vst v63  }
0x67: {  	_ =	swait.ge [sflag:s2], $0x1000  }
0x68: {  	[sflag:s2] =	ssyncset.done $0x0  }
0x69: {  	[sflag:s2] =	ssyncadd.s32 $0xFFFFF000  }
0x6a: {  	[spmem:s28] =	stream.linear.scatter [tilespmem:s1], [sflag:$0x1], $0x1000, $0x38;
	[tilespmem:$0x17080] =	vst v63  }
0x6b: {  	_ =	swait.ge [sflag:s2], $0x1000  }
0x6c: {  	[sflag:s2] =	ssyncset.done $0x0  }
0x6d: {  	[sflag:s2] =	ssyncadd.s32 $0xFFFFF000  }
0x6e: {  	[spmem:s29] =	stream.linear.scatter [tilespmem:s1], [sflag:$0x1], $0x1000, $0x38;
	[tilespmem:$0x17080] =	vst v63  }
0x6f: {  	_ =	swait.ge [sflag:s2], $0x1000  }
0x70: {  	[sflag:s2] =	ssyncset.done $0x0  }
0x71: {  	[sflag:s2] =	ssyncadd.s32 $0xFFFFF000  }
0x72: {  	[spmem:s30] =	stream.linear.scatter [tilespmem:s1], [sflag:$0x1], $0x1000, $0x38;
	[tilespmem:$0x17080] =	vst v63  }
0x73: {  	_ =	swait.ge [sflag:s2], $0x1000  }
0x74: {  	[sflag:s2] =	ssyncset.done $0x0  }
0x75: {  	[sflag:s2] =	ssyncadd.s32 $0xFFFFF000  }
0x76: {  	[spmem:s31] =	stream.linear.scatter [tilespmem:s1], [sflag:$0x1], $0x1000, $0x38;
	[tilespmem:$0x17080] =	vst v63  }
0x77: {  	_ =	swait.ge [sflag:s2], $0x1000  }
0x78: {  	[sflag:s2] =	ssyncset.done $0x0  }
0x79: {  	[sflag:s2] =	ssyncadd.s32 $0xFFFFF000  }
0x7a: {  	s16 =	simm.s32 $0x0;
	s17 =	simm.s32 $0x0;
	[bflag:$0x0] =	sbarrier.arrive $0xFFFF  }
.LBB2_4:
0x7b: {  	s18 =	smul.u32 $0x7D0, s17;
	_ =	sdelay $0x1  }
0x7c: {  	s18 =	sadd.s32 s8, s18  }
0x7d: {  	s18 =	sshrl.u32 s18, $0x3  }
0x7e: {  	s19 =	sadd.s32 s6, s18  }
0x7f: {  	[tilespmem:s16], [sflag:$0x1] =	stream.linear.gather [hbm4b:s19+s16], $0x7D0, $0x38;
	[tilespmem:$0x17080] =	vst v63  }
0x80: {  	_ =	swait.ge [sflag:s2], $0x7D0  }
0x81: {  	[sflag:s2] =	ssyncset.done $0x0  }
0x82: {  	s19 =	sadd.s32 s3, s18;
	[sflag:s2] =	ssyncadd.s32 $0xFFFFF830  }
0x83: {  	[tilespmem:s10], [sflag:$0x1] =	stream.linear.gather [hbm4b:s19+s16], $0x7D0, $0x38;
	[tilespmem:$0x17080] =	vst v63  }
0x84: {  	_ =	swait.ge [sflag:s2], $0x7D0  }
0x85: {  	[sflag:s2] =	ssyncset.done $0x0  }
0x86: {  	s18 =	sadd.s32 s7, s18;
	[sflag:s2] =	ssyncadd.s32 $0xFFFFF830  }
0x87: {  	[tilespmem:s11], [sflag:$0x1] =	stream.linear.gather [hbm4b:s18+s16], $0x7D0, $0x38;
	[tilespmem:$0x17080] =	vst v63  }
0x88: {  	_ =	swait.ge [sflag:s2], $0x7D0  }
0x89: {  	[sflag:s2] =	ssyncset.done $0x0  }
0x8a: {  	s18 =	simm.s32 $0x0;
	[sflag:s2] =	ssyncadd.s32 $0xFFFFF830  }
.LBB2_5:
0x8b: {  	s19 =	sshra.s32 s18, $0x2  }
0x8c: {  	v2 =	vld [tilespmem:s19+$0x0];
	_ =	sdelay $0x1  }
0x8d: {  	v3 =	vld [tilespmem:s19+$0x1000];
	_ =	sdelay $0x4  }
0x8e: {  	v1 =	vld [tilespmem:s19+$0x800];
	[tilespmem:$0x1800] =	vst v3  }
0x8f: {  	[tilespmem:s12], [sflag:$0x1] =	stream.indirect_vreg.gather [hbm4b:s0+s5], $0x80, v2, vm0, $0xb8;
	[tilespmem:$0x17080] =	vst v63  }
0x90: {  	_ =	swait.ge [sflag:s2], $0x800  }
0x91: {  	[sflag:s2] =	ssyncset.done $0x0  }
0x92: {  	[sflag:s2] =	ssyncadd.s32 $0xFFFFF800  }
0x93: {  	v2 =	vld [tilespmem:$0x1880]  }
0x94: {  	v3 =	vld [tilespmem:$0x1890]  }
0x95: {  	v4 =	vld [tilespmem:$0x18A0]  }
0x96: {  	v5 =	vbroadcast v1, $0x0;
	v6 =	vld [tilespmem:$0x18B0]  }
0x97: {  	v7 =	vld [tilespmem:$0x18C0]  }
0x98: {  	v8 =	vld [tilespmem:$0x18D0];
	v2 =	vmul.f32 v2, v5  }
0x99: {  	v9 =	vld [tilespmem:$0x18E0];
	v3 =	vmul.f32 v3, v5  }
0x9a: {  	v34 =	vld [tilespmem:$0x18F0];
	[tilespmem:$0x1880] =	vst v2;
	v2 =	vmul.f32 v4, v5  }
0x9b: {  	v35 =	vld [tilespmem:$0x1900];
	[tilespmem:$0x1890] =	vst v3;
	v3 =	vmul.f32 v6, v5  }
0x9c: {  	v36 =	vld [tilespmem:$0x1910];
	[tilespmem:$0x18A0] =	vst v2;
	v2 =	vmul.f32 v7, v5  }
0x9d: {  	v37 =	vld [tilespmem:$0x1920];
	[tilespmem:$0x18B0] =	vst v3;
	v3 =	vmul.f32 v8, v5  }
0x9e: {  	v38 =	vbroadcast v1, $0x1;
	v10 =	vld [tilespmem:$0x1930];
	[tilespmem:$0x18C0] =	vst v2;
	v2 =	vmul.f32 v9, v5  }
0x9f: {  	v39 =	vld [tilespmem:$0x1940];
	[tilespmem:$0x18D0] =	vst v3;
	v3 =	vmul.f32 v34, v5  }
0xa0: {  	v40 =	vld [tilespmem:$0x1950];
	[tilespmem:$0x18E0] =	vst v2;
	v2 =	vmul.f32 v35, v38  }
0xa1: {  	v41 =	vld [tilespmem:$0x1960];
	[tilespmem:$0x18F0] =	vst v3;
	v3 =	vmul.f32 v36, v38  }
0xa2: {  	v42 =	vld [tilespmem:$0x1970];
	[tilespmem:$0x1900] =	vst v2;
	v2 =	vmul.f32 v37, v38  }
0xa3: {  	v43 =	vld [tilespmem:$0x1980];
	[tilespmem:$0x1910] =	vst v3;
	v3 =	vmul.f32 v10, v38  }
0xa4: {  	v44 =	vld [tilespmem:$0x1990];
	[tilespmem:$0x1920] =	vst v2;
	v2 =	vmul.f32 v39, v38  }
0xa5: {  	v45 =	vld [tilespmem:$0x19A0];
	[tilespmem:$0x1930] =	vst v3;
	v3 =	vmul.f32 v40, v38  }
0xa6: {  	v46 =	vbroadcast v1, $0x2;
	v47 =	vld [tilespmem:$0x19B0];
	[tilespmem:$0x1940] =	vst v2;
	v2 =	vmul.f32 v41, v38  }
0xa7: {  	v48 =	vld [tilespmem:$0x19C0];
	[tilespmem:$0x1950] =	vst v3;
	v3 =	vmul.f32 v42, v38  }
0xa8: {  	v49 =	vld [tilespmem:$0x19D0];
	[tilespmem:$0x1960] =	vst v2;
	v2 =	vmul.f32 v43, v46  }
0xa9: {  	v50 =	vld [tilespmem:$0x19E0];
	[tilespmem:$0x1970] =	vst v3;
	v3 =	vmul.f32 v44, v46  }
0xaa: {  	v51 =	vld [tilespmem:$0x19F0];
	[tilespmem:$0x1980] =	vst v2;
	v2 =	vmul.f32 v45, v46  }
0xab: {  	v52 =	vld [tilespmem:$0x1A00];
	[tilespmem:$0x1990] =	vst v3;
	v3 =	vmul.f32 v47, v46  }
0xac: {  	v53 =	vld [tilespmem:$0x1A10];
	[tilespmem:$0x19A0] =	vst v2;
	v2 =	vmul.f32 v48, v46  }
0xad: {  	v54 =	vld [tilespmem:$0x1A20];
	[tilespmem:$0x19B0] =	vst v3;
	v3 =	vmul.f32 v49, v46  }
0xae: {  	v55 =	vbroadcast v1, $0x3;
	v56 =	vld [tilespmem:$0x1A30];
	[tilespmem:$0x19C0] =	vst v2;
	v2 =	vmul.f32 v50, v46  }
0xaf: {  	v57 =	vld [tilespmem:$0x1A40];
	[tilespmem:$0x19D0] =	vst v3;
	v3 =	vmul.f32 v51, v46  }
0xb0: {  	v58 =	vld [tilespmem:$0x1A50];
	[tilespmem:$0x19E0] =	vst v2;
	v2 =	vmul.f32 v52, v55  }
0xb1: {  	v59 =	vld [tilespmem:$0x1A60];
	[tilespmem:$0x19F0] =	vst v3;
	v3 =	vmul.f32 v53, v55  }
0xb2: {  	v60 =	vld [tilespmem:$0x1A70];
	[tilespmem:$0x1A00] =	vst v2;
	v2 =	vmul.f32 v54, v55  }
0xb3: {  	v61 =	vld [tilespmem:$0x1A80];
	[tilespmem:$0x1A10] =	vst v3;
	v3 =	vmul.f32 v56, v55  }
0xb4: {  	v62 =	vld [tilespmem:$0x1A90];
	[tilespmem:$0x1A20] =	vst v2;
	v2 =	vmul.f32 v57, v55  }
0xb5: {  	v63 =	vld [tilespmem:$0x1AA0];
	[tilespmem:$0x1A30] =	vst v3;
	v3 =	vmul.f32 v58, v55  }
0xb6: {  	v12 =	vbroadcast v1, $0x4;
	v13 =	vld [tilespmem:$0x1AB0];
	[tilespmem:$0x1A40] =	vst v2;
	v2 =	vmul.f32 v59, v55  }
0xb7: {  	v14 =	vld [tilespmem:$0x1AC0];
	[tilespmem:$0x1A50] =	vst v3;
	v3 =	vmul.f32 v60, v55  }
0xb8: {  	v15 =	vld [tilespmem:$0x1AD0];
	[tilespmem:$0x1A60] =	vst v2;
	v2 =	vmul.f32 v61, v12  }
0xb9: {  	v16 =	vld [tilespmem:$0x1AE0];
	[tilespmem:$0x1A70] =	vst v3;
	v3 =	vmul.f32 v62, v12  }
0xba: {  	v17 =	vld [tilespmem:$0x1AF0];
	[tilespmem:$0x1A80] =	vst v2;
	v2 =	vmul.f32 v63, v12  }
0xbb: {  	v18 =	vld [tilespmem:$0x1B00];
	[tilespmem:$0x1A90] =	vst v3;
	v3 =	vmul.f32 v13, v12  }
0xbc: {  	v19 =	vld [tilespmem:$0x1B10];
	[tilespmem:$0x1AA0] =	vst v2;
	v2 =	vmul.f32 v14, v12  }
0xbd: {  	v20 =	vld [tilespmem:$0x1B20];
	[tilespmem:$0x1AB0] =	vst v3;
	v3 =	vmul.f32 v15, v12  }
0xbe: {  	v21 =	vbroadcast v1, $0x5;
	v22 =	vld [tilespmem:$0x1B30];
	[tilespmem:$0x1AC0] =	vst v2;
	v2 =	vmul.f32 v16, v12  }
0xbf: {  	v23 =	vld [tilespmem:$0x1B40];
	[tilespmem:$0x1AD0] =	vst v3;
	v3 =	vmul.f32 v17, v12  }
0xc0: {  	v24 =	vld [tilespmem:$0x1B50];
	[tilespmem:$0x1AE0] =	vst v2;
	v2 =	vmul.f32 v18, v21  }
0xc1: {  	v25 =	vld [tilespmem:$0x1B60];
	[tilespmem:$0x1AF0] =	vst v3;
	v3 =	vmul.f32 v19, v21  }
0xc2: {  	v26 =	vld [tilespmem:$0x1B70];
	[tilespmem:$0x1B00] =	vst v2;
	v2 =	vmul.f32 v20, v21  }
0xc3: {  	v27 =	vld [tilespmem:$0x1B80];
	[tilespmem:$0x1B10] =	vst v3;
	v3 =	vmul.f32 v22, v21  }
0xc4: {  	v28 =	vld [tilespmem:$0x1B90];
	[tilespmem:$0x1B20] =	vst v2;
	v2 =	vmul.f32 v23, v21  }
0xc5: {  	v29 =	vld [tilespmem:$0x1BA0];
	[tilespmem:$0x1B30] =	vst v3;
	v3 =	vmul.f32 v24, v21  }
0xc6: {  	v30 =	vbroadcast v1, $0x6;
	v31 =	vld [tilespmem:$0x1BB0];
	[tilespmem:$0x1B40] =	vst v2;
	v2 =	vmul.f32 v25, v21  }
0xc7: {  	v32 =	vld [tilespmem:$0x1BC0];
	[tilespmem:$0x1B50] =	vst v3;
	v3 =	vmul.f32 v26, v21  }
0xc8: {  	v33 =	vld [tilespmem:$0x1BD0];
	[tilespmem:$0x1B60] =	vst v2;
	v2 =	vmul.f32 v27, v30  }
0xc9: {  	v34 =	vld [tilespmem:$0x1BE0];
	[tilespmem:$0x1B70] =	vst v3;
	v3 =	vmul.f32 v28, v30  }
0xca: {  	v35 =	vld [tilespmem:$0x1BF0];
	[tilespmem:$0x1B80] =	vst v2;
	v2 =	vmul.f32 v29, v30  }
0xcb: {  	v36 =	vld [tilespmem:$0x1C00];
	[tilespmem:$0x1B90] =	vst v3;
	v3 =	vmul.f32 v31, v30  }
0xcc: {  	v37 =	vld [tilespmem:$0x1C10];
	[tilespmem:$0x1BA0] =	vst v2;
	v2 =	vmul.f32 v32, v30  }
0xcd: {  	v38 =	vld [tilespmem:$0x1C20];
	[tilespmem:$0x1BB0] =	vst v3;
	v3 =	vmul.f32 v33, v30  }
0xce: {  	v39 =	vbroadcast v1, $0x7;
	v40 =	vld [tilespmem:$0x1C30];
	[tilespmem:$0x1BC0] =	vst v2;
	v2 =	vmul.f32 v34, v30  }
0xcf: {  	v41 =	vld [tilespmem:$0x1C40];
	[tilespmem:$0x1BD0] =	vst v3;
	v3 =	vmul.f32 v35, v30  }
0xd0: {  	v42 =	vld [tilespmem:$0x1C50];
	[tilespmem:$0x1BE0] =	vst v2;
	v2 =	vmul.f32 v36, v39  }
0xd1: {  	v43 =	vld [tilespmem:$0x1C60];
	[tilespmem:$0x1BF0] =	vst v3;
	v3 =	vmul.f32 v37, v39  }
0xd2: {  	v44 =	vld [tilespmem:$0x1C70];
	[tilespmem:$0x1C00] =	vst v2;
	v2 =	vmul.f32 v38, v39  }
0xd3: {  	v45 =	vld [tilespmem:$0x1C80];
	[tilespmem:$0x1C10] =	vst v3;
	v3 =	vmul.f32 v40, v39  }
0xd4: {  	v46 =	vld [tilespmem:$0x1C90];
	[tilespmem:$0x1C20] =	vst v2;
	v2 =	vmul.f32 v41, v39  }
0xd5: {  	v47 =	vld [tilespmem:$0x1CA0];
	[tilespmem:$0x1C30] =	vst v3;
	v3 =	vmul.f32 v42, v39  }
0xd6: {  	v48 =	vbroadcast v1, $0x8;
	v49 =	vld [tilespmem:$0x1CB0];
	[tilespmem:$0x1C40] =	vst v2;
	v2 =	vmul.f32 v43, v39  }
0xd7: {  	v50 =	vld [tilespmem:$0x1CC0];
	[tilespmem:$0x1C50] =	vst v3;
	v3 =	vmul.f32 v44, v39  }
0xd8: {  	v51 =	vld [tilespmem:$0x1CD0];
	[tilespmem:$0x1C60] =	vst v2;
	v2 =	vmul.f32 v45, v48  }
0xd9: {  	v52 =	vld [tilespmem:$0x1CE0];
	[tilespmem:$0x1C70] =	vst v3;
	v3 =	vmul.f32 v46, v48  }
0xda: {  	v53 =	vld [tilespmem:$0x1CF0];
	[tilespmem:$0x1C80] =	vst v2;
	v2 =	vmul.f32 v47, v48  }
0xdb: {  	v54 =	vld [tilespmem:$0x1D00];
	[tilespmem:$0x1C90] =	vst v3;
	v3 =	vmul.f32 v49, v48  }
0xdc: {  	v55 =	vld [tilespmem:$0x1D10];
	[tilespmem:$0x1CA0] =	vst v2;
	v2 =	vmul.f32 v50, v48  }
0xdd: {  	v56 =	vld [tilespmem:$0x1D20];
	[tilespmem:$0x1CB0] =	vst v3;
	v3 =	vmul.f32 v51, v48  }
0xde: {  	v57 =	vbroadcast v1, $0x9;
	v58 =	vld [tilespmem:$0x1D30];
	[tilespmem:$0x1CC0] =	vst v2;
	v2 =	vmul.f32 v52, v48  }
0xdf: {  	v59 =	vld [tilespmem:$0x1D40];
	[tilespmem:$0x1CD0] =	vst v3;
	v3 =	vmul.f32 v53, v48  }
0xe0: {  	v60 =	vld [tilespmem:$0x1D50];
	[tilespmem:$0x1CE0] =	vst v2;
	v2 =	vmul.f32 v54, v57  }
0xe1: {  	v61 =	vld [tilespmem:$0x1D60];
	[tilespmem:$0x1CF0] =	vst v3;
	v3 =	vmul.f32 v55, v57  }
0xe2: {  	v62 =	vld [tilespmem:$0x1D70];
	[tilespmem:$0x1D00] =	vst v2;
	v2 =	vmul.f32 v56, v57  }
0xe3: {  	v63 =	vld [tilespmem:$0x1D80];
	[tilespmem:$0x1D10] =	vst v3;
	v3 =	vmul.f32 v58, v57  }
0xe4: {  	v12 =	vld [tilespmem:$0x1D90];
	[tilespmem:$0x1D20] =	vst v2;
	v2 =	vmul.f32 v59, v57  }
0xe5: {  	v13 =	vld [tilespmem:$0x1DA0];
	[tilespmem:$0x1D30] =	vst v3;
	v3 =	vmul.f32 v60, v57  }
0xe6: {  	v14 =	vbroadcast v1, $0xA;
	v15 =	vld [tilespmem:$0x1DB0];
	[tilespmem:$0x1D40] =	vst v2;
	v2 =	vmul.f32 v61, v57  }
0xe7: {  	v16 =	vld [tilespmem:$0x1DC0];
	[tilespmem:$0x1D50] =	vst v3;
	v3 =	vmul.f32 v62, v57  }
0xe8: {  	v17 =	vld [tilespmem:$0x1DD0];
	[tilespmem:$0x1D60] =	vst v2;
	v2 =	vmul.f32 v63, v14  }
0xe9: {  	v18 =	vld [tilespmem:$0x1DE0];
	[tilespmem:$0x1D70] =	vst v3;
	v3 =	vmul.f32 v12, v14  }
0xea: {  	v19 =	vld [tilespmem:$0x1DF0];
	[tilespmem:$0x1D80] =	vst v2;
	v2 =	vmul.f32 v13, v14  }
0xeb: {  	v20 =	vld [tilespmem:$0x1E00];
	[tilespmem:$0x1D90] =	vst v3;
	v3 =	vmul.f32 v15, v14  }
0xec: {  	v21 =	vld [tilespmem:$0x1E10];
	[tilespmem:$0x1DA0] =	vst v2;
	v2 =	vmul.f32 v16, v14  }
0xed: {  	v22 =	vld [tilespmem:$0x1E20];
	[tilespmem:$0x1DB0] =	vst v3;
	v3 =	vmul.f32 v17, v14  }
0xee: {  	v23 =	vbroadcast v1, $0xB;
	v24 =	vld [tilespmem:$0x1E30];
	[tilespmem:$0x1DC0] =	vst v2;
	v2 =	vmul.f32 v18, v14  }
0xef: {  	v25 =	vld [tilespmem:$0x1E40];
	[tilespmem:$0x1DD0] =	vst v3;
	v3 =	vmul.f32 v19, v14  }
0xf0: {  	v26 =	vld [tilespmem:$0x1E50];
	[tilespmem:$0x1DE0] =	vst v2;
	v2 =	vmul.f32 v20, v23  }
0xf1: {  	v27 =	vld [tilespmem:$0x1E60];
	[tilespmem:$0x1DF0] =	vst v3;
	v3 =	vmul.f32 v21, v23  }
0xf2: {  	v28 =	vld [tilespmem:$0x1E70];
	[tilespmem:$0x1E00] =	vst v2;
	v2 =	vmul.f32 v22, v23  }
0xf3: {  	v29 =	vld [tilespmem:$0x1E80];
	[tilespmem:$0x1E10] =	vst v3;
	v3 =	vmul.f32 v24, v23  }
0xf4: {  	v30 =	vld [tilespmem:$0x1E90];
	[tilespmem:$0x1E20] =	vst v2;
	v2 =	vmul.f32 v25, v23  }
0xf5: {  	v31 =	vld [tilespmem:$0x1EA0];
	[tilespmem:$0x1E30] =	vst v3;
	v3 =	vmul.f32 v26, v23  }
0xf6: {  	v32 =	vbroadcast v1, $0xC;
	v33 =	vld [tilespmem:$0x1EB0];
	[tilespmem:$0x1E40] =	vst v2;
	v2 =	vmul.f32 v27, v23  }
0xf7: {  	v34 =	vld [tilespmem:$0x1EC0];
	[tilespmem:$0x1E50] =	vst v3;
	v3 =	vmul.f32 v28, v23  }
0xf8: {  	v35 =	vld [tilespmem:$0x1ED0];
	[tilespmem:$0x1E60] =	vst v2;
	v2 =	vmul.f32 v29, v32  }
0xf9: {  	v36 =	vld [tilespmem:$0x1EE0];
	[tilespmem:$0x1E70] =	vst v3;
	v3 =	vmul.f32 v30, v32  }
0xfa: {  	v37 =	vld [tilespmem:$0x1EF0];
	[tilespmem:$0x1E80] =	vst v2;
	v2 =	vmul.f32 v31, v32  }
0xfb: {  	v38 =	vld [tilespmem:$0x1F00];
	[tilespmem:$0x1E90] =	vst v3;
	v3 =	vmul.f32 v33, v32  }
0xfc: {  	v39 =	vld [tilespmem:$0x1F10];
	[tilespmem:$0x1EA0] =	vst v2;
	v2 =	vmul.f32 v34, v32  }
0xfd: {  	v40 =	vld [tilespmem:$0x1F20];
	[tilespmem:$0x1EB0] =	vst v3;
	v3 =	vmul.f32 v35, v32  }
0xfe: {  	v41 =	vbroadcast v1, $0xD;
	v42 =	vld [tilespmem:$0x1F30];
	[tilespmem:$0x1EC0] =	vst v2;
	v2 =	vmul.f32 v36, v32  }
0xff: {  	v43 =	vld [tilespmem:$0x1F40];
	[tilespmem:$0x1ED0] =	vst v3;
	v3 =	vmul.f32 v37, v32  }
0x100: {  	v44 =	vld [tilespmem:$0x1F50];
	[tilespmem:$0x1EE0] =	vst v2;
	v2 =	vmul.f32 v38, v41  }
0x101: {  	v45 =	vld [tilespmem:$0x1F60];
	[tilespmem:$0x1EF0] =	vst v3;
	v3 =	vmul.f32 v39, v41  }
0x102: {  	v46 =	vld [tilespmem:$0x1F70];
	[tilespmem:$0x1F00] =	vst v2;
	v2 =	vmul.f32 v40, v41  }
0x103: {  	v47 =	vld [tilespmem:$0x1F80];
	[tilespmem:$0x1F10] =	vst v3;
	v3 =	vmul.f32 v42, v41  }
0x104: {  	v48 =	vld [tilespmem:$0x1F90];
	[tilespmem:$0x1F20] =	vst v2;
	v2 =	vmul.f32 v43, v41  }
0x105: {  	v49 =	vld [tilespmem:$0x1FA0];
	[tilespmem:$0x1F30] =	vst v3;
	v3 =	vmul.f32 v44, v41  }
0x106: {  	v50 =	vbroadcast v1, $0xE;
	v51 =	vld [tilespmem:$0x1FB0];
	[tilespmem:$0x1F40] =	vst v2;
	v2 =	vmul.f32 v45, v41  }
0x107: {  	v52 =	vld [tilespmem:$0x1FC0];
	[tilespmem:$0x1F50] =	vst v3;
	v3 =	vmul.f32 v46, v41  }
0x108: {  	v53 =	vld [tilespmem:$0x1FD0];
	[tilespmem:$0x1F60] =	vst v2;
	v2 =	vmul.f32 v47, v50  }
0x109: {  	v54 =	vld [tilespmem:$0x1FE0];
	[tilespmem:$0x1F70] =	vst v3;
	v3 =	vmul.f32 v48, v50  }
0x10a: {  	v55 =	vld [tilespmem:$0x1FF0];
	[tilespmem:$0x1F80] =	vst v2;
	v2 =	vmul.f32 v49, v50  }
0x10b: {  	v56 =	vld [tilespmem:$0x2000];
	[tilespmem:$0x1F90] =	vst v3;
	v3 =	vmul.f32 v51, v50  }
0x10c: {  	v57 =	vld [tilespmem:$0x2010];
	[tilespmem:$0x1FA0] =	vst v2;
	v2 =	vmul.f32 v52, v50  }
0x10d: {  	v58 =	vld [tilespmem:$0x2020];
	[tilespmem:$0x1FB0] =	vst v3;
	v3 =	vmul.f32 v53, v50  }
0x10e: {  	v1 =	vbroadcast v1, $0xF;
	v59 =	vld [tilespmem:$0x2030];
	[tilespmem:$0x1FC0] =	vst v2;
	v2 =	vmul.f32 v54, v50  }
0x10f: {  	v60 =	vld [tilespmem:$0x2040];
	[tilespmem:$0x1FD0] =	vst v3;
	v3 =	vmul.f32 v55, v50  }
0x110: {  	v61 =	vld [tilespmem:$0x2050];
	[tilespmem:$0x1FE0] =	vst v2;
	v2 =	vmul.f32 v56, v1  }
0x111: {  	v62 =	vld [tilespmem:$0x2060];
	[tilespmem:$0x1FF0] =	vst v3;
	v3 =	vmul.f32 v57, v1  }
0x112: {  	v63 =	vld [tilespmem:$0x2070];
	[tilespmem:$0x2000] =	vst v2;
	v2 =	vmul.f32 v58, v1  }
0x113: {  	[tilespmem:$0x2010] =	vst v3;
	v3 =	vmul.f32 v59, v1  }
0x114: {  	[tilespmem:$0x2020] =	vst v2;
	v2 =	vmul.f32 v60, v1  }
0x115: {  	[tilespmem:$0x2030] =	vst v3;
	v3 =	vmul.f32 v61, v1  }
0x116: {  	[tilespmem:$0x2040] =	vst v2;
	v2 =	vmul.f32 v62, v1  }
0x117: {  	[tilespmem:$0x2050] =	vst v3;
	v1 =	vmul.f32 v63, v1  }
0x118: {  	p0 =	sne.s32 s18, $0x1F00;
	[tilespmem:$0x2060] =	vst v2  }
.Ltmp1:
0x119: {  	[tilespmem:$0x2070] =	vst v1;
	(pc) =	sbr.rel @p0 .LBB2_5-.Ltmp1, $4  }
0x11a: {  	[spmem:s4] =	stream.indirect.scatter.add.f32 [tilespmem:s12], [sflag:$0x1], $0x80, s14, s13, $0xb8;
	[tilespmem:$0x17080] =	vst v63  }
0x11b: {  	_ =	swait.ge [sflag:s2], $0x800  }
0x11c: {  	[sflag:s2] =	ssyncset.done $0x0  }
0x11d: {  	s18 =	sadd.s32 $0x40, s18;
	[sflag:s2] =	ssyncadd.s32 $0xFFFFF800  }
0x11e: {  	s17 =	sadd.s32 $0x1, s17  }
0x11f: {  	p0 =	sne.s32 s17, $0x5  }
.Ltmp2:
0x120: {  	_ = 	snop;
	(pc) =	sbr.rel @p0 .LBB2_4-.Ltmp2, $1  }
0x121: {  	_ =	sdelay $0x3  }
0x122: {  	s16 =	stileid.u32  }
0x123: {  	[bflag:$0x0] =	sbarrier.arrive $0xFFFF;
	s16 =	sshll.u32 s16, $0x6  }
0x124: {  	s17 =	sshrl.u32 s9, $0x3;
	s18 =	rddreg [dreg:$0x5];
	s16 =	sor.u32 $0x1C01, s16  }
0x125: {  	[hbm:s18], [sflag:s16] =	dma.local [spmem:s17], $0x2800  }
0x126: {  	_ =	swait.ge [sflag:s2], $0x2800  }
0x127: {  	s15 =	sadd.s32 $0x1, s15;
	s19 =	rddreg [dreg:$0x6]  }
0x128: {  	p0 =	sne.s32 s15, s19  }
.Ltmp3:
0x129: {  	_ = 	snop;
	(pc) =	sbr.rel @p0 .LBB2_1-.Ltmp3, $3  }
0x12a: {  	_ =	sdelay $0x1  }
0x12b: {  	[sflag:s2] =	ssyncset.done $0x0  }
0x12c: {  	[sflag:s2] =	ssyncadd.s32 $0xFFFFD800  }
0x12d: {  	_ =	sfence.sel $0x180000  }
0x12e: {  	[bflag:$0x0] =	sbarrier.arrive $0xFFFF  }
0x12f: {  	_ =	strace $0x9000004D  }
0x130: {  	s0 =	stileid.u32;
	[bflag:$0x2] =	sbarrier.arrive $0xFFFF  }
0x131: {  	p0 =	sne.s32 s0, $0x0;
	s0 =	rddreg [dreg:$0x4]  }
0x132: {  	s0 =	sadd.s32 @!p0 $0x100000, s0  }
0x133: {  	[sflag:s0] =	ssyncadd.tile.s32 @!p0 $0x1;
	_ =	shalt  }
.Lfunc_end2:
_tile_overlayer_lowered:
.L_overlay_start_2:
0x134: {  	(tag) =	ssettag $0x2  }
0x135: {  	s0 =	rddreg [dreg:$0x0];
	s2 =	stileid.u32  }
0x136: {  	s1 =	rddreg [dreg:$0x1];
	p0 =	sne.s32 s2, $0x0  }
0x137: {  	s3 =	rddreg [dreg:$0x2];
	[bflag:$0x3] =	sbarrier.arrive $0xFFFF;
	s2 =	simm.s32 @!p0 $0x1C01  }
0x138: {  	[timem:s3], [sflag:s2] =	dma.local @!p0 [hbm:s0], s1  }
0x139: {  	s0 =	simm.s32 @!p0 $0x1  }
0x13a: {  	_ =	swait.ge @!p0 [sflag:s0], s1  }
0x13b: {  	s1 =	ssub.s32 @!p0 $0x0, s1;
	[sflag:s0] =	ssyncset.done @!p0 $0x0  }
0x13c: {  	[sflag:s0] =	ssyncadd.s32 @!p0 s1  }
0x13d: {  	[bflag:$0x3] =	sbarrier.arrive $0xFFFF  }
0x13e: {  	_ =	shalt  }

// kernel: kernel.8.cloned.1.call-start
scs
__scs_entry_jumppad:
0x0: {  	(pc) =	sbr.rel $0x88, $3  }
0x1: {  	(tag) =	ssettag $0x0;
	lr =	simm.s32 $0x1  }
0x2: {  	[smem:$0x3F9A] =	sst lr;
	_ =	strace $0xD0000000  }
0x3: {  	_ = 	snop  }
0x4: {  	_ = 	snop  }
0x5: {  	_ = 	snop  }
0x6: {  	_ = 	snop  }
0x7: {  	_ = 	snop  }
__scs_overlays_trampoline_lowered:
0x8: {  	[smem:$0x3FA9] =	sst s0  }
0x9: {  	[smem:$0x3FAA] =	sst s1  }
0xa: {  	[smem:$0x3FAB] =	sst s2  }
0xb: {  	[smem:$0x3FAC] =	sst s3  }
0xc: {  	[smem:$0x3FAD] =	sst s4  }
0xd: {  	[smem:$0x3FAE] =	sst s5  }
0xe: {  	[smem:$0x3FAF] =	sst s6  }
0xf: {  	[smem:$0x3FB0] =	sst s7  }
0x10: {  	[smem:$0x3FB1] =	sst s8  }
0x11: {  	[smem:$0x3FB2] =	sst s9;
	s0 =	simm.s32 @!p0 $0x0  }
0x12: {  	s1 =	sld [smem:$0x3F98];
	s0 =	simm.s32 @p0 $0x1  }
0x13: {  	[smem:$0x3FB3] =	sst s0;
	s0 =	simm.s32 @!p1 $0x0  }
0x14: {  	s2 =	sld [smem:$0x3F97];
	s0 =	simm.s32 @p1 $0x1  }
0x15: {  	[smem:$0x3FB4] =	sst s0;
	s0 =	simm.s32 @!p2 $0x0  }
0x16: {  	s3 =	sld [smem:$0x3FDB];
	s0 =	simm.s32 @p2 $0x1  }
0x17: {  	s4 =	simm.s32 $0x1BF5;
	[smem:$0x3FB6] =	sst s0  }
0x18: {  	s0 =	sld [smem:$0x3F99];
	_ =	swait.ge [sflag:s4], $0x0  }
0x19: {  	s7 =	sld [smem:$0x3F9A]  }
0x1a: {  	s8 =	sadd.s32 $0xFFFFE003, lr  }
0x1b: {  	s9 =	sadd.s32 $0xFFFFFEF7, lr;
	s5 =	simm.s32 $0xFFFFFFFF;
	p2 =	slt.u32 s8, $0xFFFFF086  }
0x1c: {  	p1 =	slt.u32 s9, $0xF7A;
	s5 =	simm.s32 @!p2 $0x0  }
0x1d: {  	s5 =	simm.s32 @p1 $0x1;
	p0 =	seq.s32 s7, s2  }
0x1e: {  	s7 =	smul.u32 @!p0 $0xF7A, s2;
	p2 =	seq.s32 @!p0 s5, $0x0  }
0x1f: {  	s9 =	smul.u32 $0xF7A, s1;
	s8 =	simm.s32 @!p0 $0x1BF5;
	p2 =	por !p2, p0  }
0x20: {  	[sflag:s8] =	ssyncset.s32 @!p0 $0xFFFFF086;
	s6 =	sadd.s32 @!p0 s3, s7;
	s7 =	simm.s32 @!p0 $0x108  }
0x21: {  	s3 =	sadd.s32 s3, s9;
	s6 =	sadd.s32 @!p0 $0x88, s6;
	s7 =	simm.s32 @p2 $0x1082  }
0x22: {  	[simem:s7], [sflag:s8] =	dma.local @!p0 [hbm:s6], $0xF7A  }
0x23: {  	s9 =	sor.u32 $0xD0000000, s2;
	s6 =	simm.s32 $0x108;
	_ =	swait.ge @!p0 [sflag:s8], $0x0  }
0x24: {  	s3 =	sadd.s32 $0x88, s3;
	s6 =	simm.s32 @!p1 $0x1082;
	[sflag:s4] =	ssyncset.s32 $0xFFFFF086  }
0x25: {  	[simem:s6], [sflag:s4] =	dma.local [hbm:s3], $0xF7A  }
0x26: {  	[smem:$0x3F9A] =	sst s1;
	(tag) =	ssettag s2;
	_ =	strace s9  }
0x27: {  	s1 =	sld [smem:$0x3FAA]  }
0x28: {  	s2 =	sld [smem:$0x3FAB]  }
0x29: {  	s4 =	sld [smem:$0x3FAD]  }
0x2a: {  	p0 =	seq.s32 s5, $0x0;
	s5 =	sld [smem:$0x3FAE]  }
0x2b: {  	s6 =	sld [smem:$0x3FAF]  }
0x2c: {  	s7 =	sld [smem:$0x3FB0]  }
0x2d: {  	s3 =	simm.s32 $0x108;
	s8 =	sld [smem:$0x3FB1]  }
0x2e: {  	s3 =	simm.s32 @!p0 $0x1082;
	s9 =	sld [smem:$0x3FB2]  }
0x2f: {  	lr =	sadd.s32 s0, s3;
	s0 =	sld [smem:$0x3FA9]  }
0x30: {  	s3 =	sld [smem:$0x3FAC]  }
0x31: {  	[smem:$0x3FB5] =	sst s10  }
0x32: {  	s10 =	sld [smem:$0x3FB3];
	_ =	sdelay $0x3  }
0x33: {  	p0 =	seq.s32 s10, $0x1;
	s10 =	sld [smem:$0x3FB5];
	_ =	sdelay $0x3  }
0x34: {  	[smem:$0x3FB5] =	sst s10  }
0x35: {  	s10 =	sld [smem:$0x3FB4];
	_ =	sdelay $0x3  }
0x36: {  	p1 =	seq.s32 s10, $0x1;
	s10 =	sld [smem:$0x3FB5];
	_ =	sdelay $0x3  }
0x37: {  	[smem:$0x3FB5] =	sst s10  }
0x38: {  	s10 =	sld [smem:$0x3FB6]  }
0x39: {  	_ = 	snop;
	(pc) =	sbr.ind lr, $3  }
0x3a: {  	_ = 	snop  }
0x3b: {  	_ = 	snop  }
0x3c: {  	p2 =	seq.s32 s10, $0x1;
	s10 =	sld [smem:$0x3FB5]  }
0x3d: {  	_ =	shalt  }
0x3e: {  	_ =	shalt  }
0x3f: {  	_ =	shalt  }
0x40: {  	_ =	shalt  }
0x41: {  	_ =	shalt  }
0x42: {  	_ =	shalt  }
0x43: {  	_ =	shalt  }
0x44: {  	_ =	shalt  }
0x45: {  	_ =	shalt  }
0x46: {  	_ =	shalt  }
0x47: {  	_ =	shalt  }
0x48: {  	_ =	shalt  }
0x49: {  	_ =	shalt  }
0x4a: {  	_ =	shalt  }
0x4b: {  	_ =	shalt  }
0x4c: {  	_ =	shalt  }
0x4d: {  	_ =	shalt  }
0x4e: {  	_ =	shalt  }
0x4f: {  	_ =	shalt  }
0x50: {  	_ =	shalt  }
0x51: {  	_ =	shalt  }
0x52: {  	_ =	shalt  }
0x53: {  	_ =	shalt  }
0x54: {  	_ =	shalt  }
0x55: {  	_ =	shalt  }
0x56: {  	_ =	shalt  }
0x57: {  	_ =	shalt  }
0x58: {  	_ =	shalt  }
0x59: {  	_ =	shalt  }
0x5a: {  	_ =	shalt  }
0x5b: {  	_ =	shalt  }
0x5c: {  	_ =	shalt  }
0x5d: {  	_ =	shalt  }
0x5e: {  	_ =	shalt  }
0x5f: {  	_ =	shalt  }
0x60: {  	_ =	shalt  }
0x61: {  	_ =	shalt  }
0x62: {  	_ =	shalt  }
0x63: {  	_ =	shalt  }
0x64: {  	_ =	shalt  }
0x65: {  	_ =	shalt  }
0x66: {  	_ =	shalt  }
0x67: {  	_ =	shalt  }
0x68: {  	_ =	shalt  }
0x69: {  	_ =	shalt  }
0x6a: {  	_ =	shalt  }
0x6b: {  	_ =	shalt  }
0x6c: {  	_ =	shalt  }
0x6d: {  	_ =	shalt  }
0x6e: {  	_ =	shalt  }
0x6f: {  	_ =	shalt  }
0x70: {  	_ =	shalt  }
0x71: {  	_ =	shalt  }
0x72: {  	_ =	shalt  }
0x73: {  	_ =	shalt  }
0x74: {  	_ =	shalt  }
0x75: {  	_ =	shalt  }
0x76: {  	_ =	shalt  }
0x77: {  	_ =	shalt  }
0x78: {  	_ =	shalt  }
0x79: {  	_ =	shalt  }
0x7a: {  	_ =	shalt  }
0x7b: {  	_ =	shalt  }
0x7c: {  	_ =	shalt  }
0x7d: {  	_ =	shalt  }
0x7e: {  	_ =	shalt  }
0x7f: {  	_ =	shalt  }
0x80: {  	_ =	shalt  }
0x81: {  	_ =	shalt  }
0x82: {  	_ =	shalt  }
0x83: {  	_ =	shalt  }
0x84: {  	_ =	shalt  }
0x85: {  	_ =	shalt  }
0x86: {  	_ =	shalt  }
0x87: {  	_ =	shalt  }
.Lfunc_end0:
.L_simem_size_0:
called_computation_lowered:
.L_overlay_start_0:
0x88: {  	s2 =	sld [smem:$0x3FD9]  }
0x89: {  	s3 =	sld [smem:$0x3FFE];
	_ =	sdelay $0x1  }
0x8a: {  	s1 =	srdreg.scid  }
0x8b: {  	s0 =	sand.u32 $0x1, s1  }
0x8c: {  	s17 =	sshll.u32 s0, $0xA;
	s2 =	sadd.s32 s3, s2  }
0x8d: {  	s2 =	sadd.s32 s2, s17  }
0x8e: {  	[smem:$0x3FC1] =	sst s2  }
0x8f: {  	_ = 	snop  }
0x90: {  	s2 =	sld [smem:$0x3FD0];
	(tm) =	ssettm $0x1  }
0x91: {  	s18 =	sld [smem:$0x3FFB];
	_ =	sdelay $0x3  }
0x92: {  	_ =	strace s18  }
0x93: {  	s3 =	sld [smem:$0x3FFC];
	_ =	sdelay $0x3  }
0x94: {  	_ =	strace s3  }
0x95: {  	s3 =	sld [smem:$0x3FFD];
	_ =	sdelay $0x3  }
0x96: {  	_ =	strace s3  }
0x97: {  	_ =	strace $0x8FFFFFFF  }
0x98: {  	s19 =	sld [smem:$0x3FDB];
	_ =	sdelay $0x1  }
0x99: {  	s4 =	simm.s32 $_scs_section_size  }
0x9a: {  	s5 =	simm.s32 $_size__tile_overlayer_lowered;
	s6 =	simm.s32 $_tile_overlayer_lowered  }
0x9b: {  	s22 =	simm.s32 $0x1BFF;
	s21 =	sshll.u32 s6, $0x1;
	s3 =	sadd.s32 s4, s19  }
0x9c: {  	s7 =	simm.s32 $0x0;
	s20 =	sshll.u32 s5, $0x1;
	s5 =	sadd.s32 s21, s3  }
0x9d: {  	[timem:s7], [sflag:s22] =	dma.local [hbm:s5], s20  }
0x9e: {  	_ =	swait.ge [sflag:s22], s20  }
0x9f: {  	s4 =	ssub.s32 $0x0, s20;
	[sflag:s22] =	ssyncset.done $0x0  }
0xa0: {  	[sflag:s22] =	ssyncadd.s32 s4;
	_ =	sdelay $0x1  }
0xa1: {  	s23 =	simm.s32 $0x1B8B  }
0xa2: {  	_ =	swait.ge [sflag:s23], $0x1  }
0xa3: {  	[sflag:s23] =	ssyncset.done $0x0  }
0xa4: {  	s25 =	simm.s32 $0x1B8E;
	s24 =	sld [smem:$0x3FFE];
	[sflag:s23] =	ssyncadd.s32 $0xFFFFFFFF  }
0xa5: {  	s26 =	simm.s32 $execute0_lowered;
	[smem:$0x3FD2] =	sst s25  }
0xa6: {  	s5 =	sshll.u32 s26, $0x1;
	_ =	strace $0x80000046;
	[dreg:$0x1] =	wrdreg $0xFFFFFFFF  }
0xa7: {  	s28 =	simm.s32 $_size_execute0_lowered;
	s3 =	sadd.s32 s3, s5;
	[dreg:$0x0] =	wrdreg $0x0  }
0xa8: {  	s5 =	sshll.u32 s28, $0x1;
	[dreg:$0x2] =	wrdreg s3  }
0xa9: {  	[dreg:$0x3] =	wrdreg s5  }
0xaa: {  	[dreg:$0x4] =	wrdreg $0xC0  }
0xab: {  	_ =	task [dreg:s7], $0x5FFFF  }
0xac: {  	[dreg:$0x1] =	wrdreg $0xFFFFFFFF  }
0xad: {  	[dreg:$0x0] =	wrdreg $0x60  }
0xae: {  	[dreg:$0x2] =	wrdreg s24  }
0xaf: {  	[dreg:$0x3] =	wrdreg s2  }
0xb0: {  	[dreg:$0x4] =	wrdreg $0x9  }
0xb1: {  	_ =	task.clear_ibuf [dreg:s7], $0x5FFFF;
	_ =	strace $0x90000046  }
0xb2: {  	s29 =	simm.s32 $0x9;
	_ =	strace $0x80000048  }
0xb3: {  	_ =	swait.ge [sflag:s29], $0x1  }
0xb4: {  	[sflag:s29] =	ssyncadd.s32 $0xFFFFFFFF  }
0xb5: {  	_ =	strace $0x90000048  }
0xb6: {  	_ =	sfence  }
0xb7: {  	s30 =	sld [smem:$0x0];
	_ =	sdelay $0x2  }
0xb8: {  	s31 =	sshll.u32 s1, $0xD;
	s1 =	sshrl.u32 s1, $0x2  }
0xb9: {  	s3 =	sand.u32 $0x4000, s31;
	s1 =	sadd.s32 s1, s30  }
0xba: {  	s0 =	sor.u32 s3, s0;
	s1 =	sshll.u32 s1, $0x11  }
0xbb: {  	s0 =	sor.u32 s1, s0  }
0xbc: {  	s0 =	sadd.s32 $0x8F2B, s0  }
0xbd: {  	[sflag:s0] =	ssyncadd.remote.s32 $0x1  }
0xbe: {  	_ =	sfence.sel $0xFFFF  }
0xbf: {  	[dreg:$0x0] =	wrdreg $0xFFFFFFFF;
	(pc) =	sbr.abs _section_cstart, $3  }
0xc0: {  	[dreg:$0x1] =	wrdreg $0xFFFFFFFF  }
0xc1: {  	_ =	task.clear_ibuf [dreg:s7], $0x2FFFF;
	_ =	strace $0x9FFFFFFF  }
0xc2: {  	(tm) =	ssettm $0x7FFFFFFF  }
0xc3: {  	_ =	shalt  }
tec
execute0_lowered:
.L_overlay_start_1:
0x0: {  	(tag) =	ssettag $0x1  }
0x1: {  	s0 =	srdreg.scid;
	s4 =	rddreg [dreg:$0x0]  }
0x2: {  	s5 =	rddreg [dreg:$0x1];
	s2 =	simm.s32 $0x0;
	s3 =	sand.u32 $0x1, s0  }
0x3: {  	s9 =	simm.s32 $0x2780;
	s0 =	stileid.u32;
	s1 =	sshll.u32 s3, $0x4  }
0x4: {  	s10 =	simm.s32 $0x4F00;
	s11 =	simm.s32 $0x7680;
	s1 =	sor.u32 s0, s1  }
0x5: {  	[smem:$0x7FF] =	sst s2;
	s3 =	ssub.s32 $0x2, s3;
	s6 =	smul.u32 $0x4E2, s1  }
0x6: {  	s12 =	simm.s32 $0x0;
	s31 =	sshrl.u32 s3, $0x1;
	s1 =	rddreg [dreg:$0x2]  }
0x7: {  	_ =	strace $0x80000047;
	s8 =	ssub.s32 s3, s31;
	s7 =	sadd.s32 s6, s4  }
0x8: {  	s5 =	sadd.s32 s5, s6;
	s3 =	sadd.s32 $0xC200, s7;
	s4 =	sadd.s32 $0x2400, s7  }
0x9: {  	v0 =	vimm.f32 $0.0e+00;
	v1 =	vimm.f32 $1.000000000e+00;
	s6 =	sadd.s32 $0x16000, s7;
	s7 =	smax.u32 s8, $0x1;
	s8 =	simm.s32 $0x1  }
.LBB2_1:
0xa: {  	[tilespmem:s2], [sflag:$0x1] =	stream.linear.gather [hbm4b:s3+s2], $0x2710, $0x38;
	[tilespmem:$0x9E00] =	vst v63  }
0xb: {  	_ =	swait.ge [sflag:s8], $0x2710  }
0xc: {  	[sflag:s8] =	ssyncset.done $0x0  }
0xd: {  	[sflag:s8] =	ssyncadd.s32 $0xFFFFD8F0  }
0xe: {  	[tilespmem:s9], [sflag:$0x1] =	stream.linear.gather [hbm4b:s4+s2], $0x2710, $0x38;
	[tilespmem:$0x9E00] =	vst v63  }
0xf: {  	_ =	swait.ge [sflag:s8], $0x2710  }
0x10: {  	[sflag:s8] =	ssyncset.done $0x0  }
0x11: {  	s13 =	simm.s32 $0x40;
	s14 =	simm.s32 $0x0;
	[sflag:s8] =	ssyncadd.s32 $0xFFFFD8F0  }
.LBB2_2:
0x12: {  	p0 =	sne.s32 s13, $0x9C00;
	[tilespmem:s14+$0x4F00] =	vst v0;
	s14 =	smov.u32 s13;
	s13 =	sadd.s32 $0x40, s13  }
.Ltmp0:
0x13: {  	(pc) =	sbr.rel @p0 .LBB2_2-.Ltmp0, $2  }
0x14: {  	_ =	sdelay $0x2  }
0x15: {  	s14 =	sshra.s32 s14, $0x2  }
0x16: {  	[tilespmem:s14+$0x4F00] =	vst v0;
	s13 =	simm.s32 $0x40;
	s14 =	simm.s32 $0x0  }
.LBB2_4:
0x17: {  	p0 =	sne.s32 s13, $0x9C00;
	[tilespmem:s14+$0x7680] =	vst v0;
	s14 =	smov.u32 s13;
	s13 =	sadd.s32 $0x40, s13  }
.Ltmp1:
0x18: {  	(pc) =	sbr.rel @p0 .LBB2_4-.Ltmp1, $2  }
0x19: {  	_ =	sdelay $0x2  }
0x1a: {  	s14 =	sshra.s32 s14, $0x2  }
0x1b: {  	[tilespmem:s14+$0x7680] =	vst v0;
	s14 =	simm.s32 $0x0  }
0x1c: {  	s13 =	simm.s32 $0x40;
	v2 =	vld [tilespmem:s14+$0x0]  }
.LBB2_6:
0x1d: {  	p0 =	sne.s32 s13, $0x9C00;
	v3 =	vld [tilespmem:s14+$0x2780];
	_ =	sdelay $0x4  }
.Ltmp2:
0x1e: {  	(pc) =	sbr.rel @p0 .LBB2_6-.Ltmp2, $4  }
0x1f: {  	_ = 	snop  }
0x20: {  	[tilespmem:v2+s10+$0x0] =	vst.idx.add.f32.msk $0xffff, v1  }
0x21: {  	s14 =	sshra.s32 s13, $0x2;
	[tilespmem:v3+s11+$0x0] =	vst.idx.add.f32.msk $0xffff, v1  }
0x22: {  	s13 =	sadd.s32 $0x40, s13;
	v2 =	vld [tilespmem:s14+$0x0]  }
0x23: {  	_ = 	snop  }
0x24: {  	v3 =	vld [tilespmem:s14+$0x2780];
	_ =	sdelay $0x6  }
0x25: {  	[tilespmem:v2+s10+$0x0] =	vst.idx.add.f32.msk $0xffff, v1  }
0x26: {  	[tilespmem:v3+s11+$0x0] =	vst.idx.add.f32.msk $0xffff, v1  }
0x27: {  	[hbm4b:s5+s2] =	stream.linear.scatter [tilespmem:s10], [sflag:$0x1], $0x2710, $0x38;
	[tilespmem:$0x9E00] =	vst v63  }
0x28: {  	s12 =	sadd.s32 $0x1, s12;
	_ =	swait.ge [sflag:s8], $0x2710  }
0x29: {  	p0 =	sne.s32 s12, s7;
	[sflag:s8] =	ssyncset.done $0x0  }
.Ltmp3:
0x2a: {  	[sflag:s8] =	ssyncadd.s32 $0xFFFFD8F0;
	(pc) =	sbr.rel @p0 .LBB2_1-.Ltmp3, $4  }
0x2b: {  	[hbm4b:s6+s2] =	stream.linear.scatter [tilespmem:s11], [sflag:$0x1], $0x2710, $0x38;
	[tilespmem:$0x9E00] =	vst v63  }
0x2c: {  	_ =	swait.ge [sflag:s8], $0x2710  }
0x2d: {  	[sflag:s8] =	ssyncset.done $0x0  }
0x2e: {  	[sflag:s8] =	ssyncadd.s32 $0xFFFFD8F0  }
0x2f: {  	_ =	sfence.sel $0x180000  }
0x30: {  	[bflag:$0x0] =	sbarrier.arrive $0xFFFF  }
0x31: {  	p0 =	sne.s32 s0, $0x0;
	_ =	strace $0x90000047  }
0x32: {  	s0 =	sadd.s32 @!p0 $0x100000, s1;
	[bflag:$0x2] =	sbarrier.arrive $0xFFFF  }
0x33: {  	[sflag:s0] =	ssyncadd.tile.s32 @!p0 $0x1;
	_ =	shalt  }
.Lfunc_end2:
_tile_overlayer_lowered:
.L_overlay_start_2:
0x34: {  	(tag) =	ssettag $0x2  }
0x35: {  	s0 =	rddreg [dreg:$0x0];
	s2 =	stileid.u32  }
0x36: {  	s1 =	rddreg [dreg:$0x1];
	p0 =	sne.s32 s2, $0x0  }
0x37: {  	s3 =	rddreg [dreg:$0x2];
	[bflag:$0x3] =	sbarrier.arrive $0xFFFF;
	s2 =	simm.s32 @!p0 $0x1C01  }
0x38: {  	[timem:s3], [sflag:s2] =	dma.local @!p0 [hbm:s0], s1  }
0x39: {  	s0 =	simm.s32 @!p0 $0x1  }
0x3a: {  	_ =	swait.ge @!p0 [sflag:s0], s1  }
0x3b: {  	s1 =	ssub.s32 @!p0 $0x0, s1;
	[sflag:s0] =	ssyncset.done @!p0 $0x0  }
0x3c: {  	[sflag:s0] =	ssyncadd.s32 @!p0 s1  }
0x3d: {  	[bflag:$0x3] =	sbarrier.arrive $0xFFFF  }
0x3e: {  	_ =	shalt  }

</sc_bundles>
